<compile_context>
chip_gen: v7x
topology: tpu7x:2x2x1
jax: 0.10.2.dev20260603
libtpu: 0.0.44.dev20260713+nightly
codegen_flags: <defaults>
</compile_context>

<pallas_src>
import functools

import jax
import jax.numpy as jnp
from jax import lax
from jax.experimental import pallas as pl
from jax.experimental.pallas import tpu as pltpu
from jax.experimental.pallas import tpu_sc as plsc

N = 10000
E = 320000
D = 128
H = 16
C = 14

NC = 2
NS = 16
CHUNK = 128
TCH = E // CHUNK
N_PAD = 10240
G = N_PAD // 8
GN = N // 8
NBUF = 4


def _segment_sum_sc(table, src, dst, k0, k1, with_hist):
    w = 16
    rpt = N_PAD // NS
    left = TCH - NS * (k0 + k1)
    assert 0 <= left <= NS and k0 % NBUF == 0 and k1 % NBUF == 0

    mesh = plsc.VectorSubcoreMesh(core_axis_name="c", subcore_axis_name="s")

    out_type = [jax.ShapeDtypeStruct((NC, N_PAD, w), jnp.float32)]
    scratch = [
        pltpu.VMEM((k0, CHUNK), jnp.int32),
        pltpu.VMEM((k0, CHUNK), jnp.int32),
        pltpu.VMEM((1, CHUNK), jnp.int32),
        pltpu.VMEM((1, CHUNK), jnp.int32),
        [pltpu.VMEM((CHUNK, w), jnp.float32) for _ in range(NBUF)],
        pltpu.VMEM_SHARED((N_PAD, w), jnp.float32),
        [pltpu.SemaphoreType.DMA for _ in range(NBUF)],
    ]
    if with_hist:
        out_type.append(jax.ShapeDtypeStruct((NC, N_PAD, w), jnp.float32))
        scratch += [
            pltpu.VMEM((N_PAD,), jnp.float32),
            pltpu.VMEM_SHARED((NS, N_PAD), jnp.float32),
            pltpu.VMEM((NS, rpt), jnp.float32),
            pltpu.VMEM((rpt, w), jnp.float32),
        ]
    zeros = jnp.zeros((N_PAD, w), jnp.float32)

    @functools.partial(
        pl.kernel,
        mesh=mesh,
        compiler_params=pltpu.CompilerParams(
            use_tc_tiling_on_sc=False,
            needs_layout_passes=False,
        ),
        out_type=out_type,
        scratch_types=scratch,
    )
    def k(*refs):
        if with_hist:
            (table_hbm, src_hbm, dst_hbm, zeros_hbm, out_hbm,
             cnt_hbm, src_v, dst_v, srcx_v, dstx_v, rows_v, acc_s, sems,
             hist_v, stage_s, red_v, cbc_v) = refs
        else:
            (table_hbm, src_hbm, dst_hbm, zeros_hbm, out_hbm,
             src_v, dst_v, srcx_v, dstx_v, rows_v, acc_s, sems) = refs
        c = lax.axis_index("c")
        s = lax.axis_index("s")
        kw = jnp.where(c == 0, k0, k1)

        if with_hist:
            def zero_hist(i, _):
                for q in range(8):
                    hist_v[pl.ds(i * 128 + q * 16, 16)] = jnp.zeros(
                        (16,), jnp.float32)
                return 0

            lax.fori_loop(0, N_PAD // 128, zero_hist, 0)

        @pl.when(c == 0)
        def _():
            pltpu.sync_copy(src_hbm.at[pl.ds(s * k0, k0)],
                            src_v.at[pl.ds(0, k0)])
            pltpu.sync_copy(dst_hbm.at[pl.ds(s * k0, k0)],
                            dst_v.at[pl.ds(0, k0)])

        @pl.when(c == 1)
        def _():
            base = NS * k0 + s * k1
            pltpu.sync_copy(src_hbm.at[pl.ds(base, k1)],
                            src_v.at[pl.ds(0, k1)])
            pltpu.sync_copy(dst_hbm.at[pl.ds(base, k1)],
                            dst_v.at[pl.ds(0, k1)])

        pltpu.sync_copy(zeros_hbm.at[pl.ds(s * rpt, rpt)],
                        acc_s.at[pl.ds(s * rpt, rpt)])

        if with_hist:
            def hist_body(j, _):
                for q in range(CHUNK // 16):
                    idx = dst_v[j, pl.ds(q * 16, 16)]
                    plsc.addupdate_scatter(hist_v, [idx],
                                           jnp.ones((16,), jnp.float32))
                return 0

            lax.fori_loop(0, kw, hist_body, 0)

        plsc.subcore_barrier()

        ones16 = jnp.ones((16,), jnp.float32)

        @pl.when((c == 0) & (s < left))
        def _():
            lb = NS * (k0 + k1) + s
            pltpu.sync_copy(src_hbm.at[pl.ds(lb, 1)], srcx_v)
            pltpu.sync_copy(dst_hbm.at[pl.ds(lb, 1)], dstx_v)
            pltpu.async_copy(
                table_hbm.at[srcx_v.at[0]], rows_v[0], sems[0]).wait()
            pltpu.sync_copy(rows_v[0], acc_s.at[dstx_v.at[0]], add=True)
            if with_hist:
                for q in range(CHUNK // 16):
                    idx = dstx_v[0, pl.ds(q * 16, 16)]
                    plsc.addupdate_scatter(hist_v, [idx], ones16)

        for r in range(NBUF):
            pltpu.async_copy(table_hbm.at[src_v.at[r]], rows_v[r], sems[r])

        def body(i, _):
            for r in range(NBUF):
                j = i * NBUF + r
                pltpu.make_async_copy(
                    table_hbm.at[src_v.at[j]], rows_v[r], sems[r]).wait()
                pltpu.sync_copy(rows_v[r], acc_s.at[dst_v.at[j]], add=True)

                @pl.when(j + NBUF < kw)
                def _():
                    pltpu.async_copy(
                        table_hbm.at[src_v.at[j + NBUF]], rows_v[r], sems[r])
            return 0

        lax.fori_loop(0, kw // NBUF, body, 0)
        if with_hist:
            pltpu.sync_copy(hist_v, stage_s.at[s])
        plsc.subcore_barrier()

        pltpu.sync_copy(acc_s.at[pl.ds(s * rpt, rpt)],
                        out_hbm.at[c, pl.ds(s * rpt, rpt)])

        if with_hist:
            for r in range(NS):
                pltpu.sync_copy(stage_s.at[r, pl.ds(s * rpt, rpt)],
                                red_v.at[r])

            iota16 = lax.iota(jnp.int32, 16)

            def red_body(i, _):
                acc = red_v[0, pl.ds(i * 16, 16)]
                for r in range(1, NS):
                    acc = acc + red_v[r, pl.ds(i * 16, 16)]
                rows_idx = iota16 + i * 16
                for col in range(16):
                    plsc.store_scatter(
                        cbc_v, [rows_idx, jnp.full((16,), col, jnp.int32)],
                        acc)
                return 0

            lax.fori_loop(0, rpt // 16, red_body, 0)
            plsc.subcore_barrier()
            pltpu.sync_copy(cbc_v, cnt_hbm.at[c, pl.ds(s * rpt, rpt)])

    return k(table, src, dst, zeros)


def _proj0_tc(x_pack, wl0t, wr0t):

    def body(x_ref, wl_ref, wr_ref, t0_ref, z0_ref):
        wl = wl_ref[...]
        wr = wr_ref[...]
        for b in range(8):
            xb = x_ref[0:GN, 128 * b:128 * (b + 1)]
            t0_ref[0:GN, 16 * b:16 * (b + 1)] = jnp.dot(
                xb, wl, preferred_element_type=jnp.float32)
            z0_ref[0:GN, 16 * b:16 * (b + 1)] = jnp.dot(
                xb, wr, preferred_element_type=jnp.float32)

    return pl.pallas_call(
        body,
        out_shape=(
            jax.ShapeDtypeStruct((G, 128), jnp.float32),
            jax.ShapeDtypeStruct((G, 128), jnp.float32),
        ),
    )(x_pack, wl0t, wr0t)


def _mid_tc(p0, cb0, z0_pack, bl0_tile, wbd1_l, wbd1_r, bl1_tile):

    def body(p_ref, c_ref, z0_ref, bl0_ref, wl_ref, wr_ref, bl1_ref,
             t1_ref, z1_ref):
        ssum = p_ref[0] + p_ref[1]
        cnt = jnp.maximum(c_ref[0] + c_ref[1], 1.0)
        h = jnp.maximum(ssum * (1.0 / cnt) + bl0_ref[...] + z0_ref[...], 0.0)
        col = lax.broadcasted_iota(jnp.int32, (1, 128), 1)
        t1_ref[...] = jnp.dot(h, wl_ref[...],
                              preferred_element_type=jnp.float32
                              ) + jnp.where(col % 16 == C, 1.0, 0.0)
        z1_ref[...] = jnp.dot(h, wr_ref[...],
                              preferred_element_type=jnp.float32) + bl1_ref[...]

    return pl.pallas_call(
        body,
        out_shape=(
            jax.ShapeDtypeStruct((G, 128), jnp.float32),
            jax.ShapeDtypeStruct((G, 128), jnp.float32),
        ),
    )(p0, cb0, z0_pack, bl0_tile, wbd1_l, wbd1_r, bl1_tile)


def _final_tc(p1, z1_pack, mgrp, m14):

    def body(p_ref, z1_ref, m_ref, m14_ref, o_ref):
        ssum = p_ref[0] + p_ref[1]
        cntb = jnp.dot(ssum, m14_ref[...], preferred_element_type=jnp.float32)
        o = ssum * (1.0 / jnp.maximum(cntb, 1.0)) + z1_ref[...]
        col = lax.broadcasted_iota(jnp.int32, (1, 128), 1)
        e = jnp.where(col % 16 < C, jnp.exp(o), 0.0)
        gsum = jnp.dot(e, m_ref[...], preferred_element_type=jnp.float32)
        o_ref[...] = o - jnp.log(gsum)

    return pl.pallas_call(
        body,
        out_shape=jax.ShapeDtypeStruct((G, 128), jnp.float32),
    )(p1, z1_pack, mgrp, m14)


def kernel(x, edge_index_0, edge_index_1, Wl0, bl0, Wr0, Wl1, bl1, Wr1):
    src0 = edge_index_0[0].reshape(TCH, CHUNK)
    dst0 = edge_index_0[1].reshape(TCH, CHUNK)
    src1 = edge_index_1[0].reshape(TCH, CHUNK)
    dst1 = edge_index_1[1].reshape(TCH, CHUNK)

    eye8 = jnp.eye(8, dtype=jnp.float32)
    wl1t_pad = jnp.pad(Wl1.T, ((0, 0), (0, 16 - C)))
    wr1t_pad = jnp.pad(Wr1.T, ((0, 0), (0, 16 - C)))
    wbd1_l = jnp.kron(eye8, wl1t_pad)
    wbd1_r = jnp.kron(eye8, wr1t_pad)
    bl0_tile = jnp.tile(bl0, 8).reshape(1, 128)
    bl1_tile = jnp.tile(jnp.pad(bl1, (0, 16 - C)), 8).reshape(1, 128)
    lane = jnp.arange(128)
    same_grp = lane[:, None] // 16 == lane[None, :] // 16
    mgrp = same_grp.astype(jnp.float32)
    m14 = (same_grp & (lane[:, None] % 16 == C)).astype(jnp.float32)

    x_pack = x.reshape(GN, 1024)

    t0_pack, z0_pack = _proj0_tc(x_pack, Wl0.T, Wr0.T)
    p0, cb0 = _segment_sum_sc(t0_pack.reshape(N_PAD, H), src0, dst0,
                              80, 76, True)
    t1_pack, z1_pack = _mid_tc(p0.reshape(NC, G, 128),
                               cb0.reshape(NC, G, 128),
                               z0_pack, bl0_tile, wbd1_l, wbd1_r, bl1_tile)
    p1, = _segment_sum_sc(t1_pack.reshape(N_PAD, 16), src1, dst1,
                          80, 76, False)
    out = _final_tc(p1.reshape(NC, G, 128), z1_pack, mgrp, m14)
    return out.reshape(N_PAD, 16)[:N, :C]

# --- scband reference (transcript-rebuilt; emitter-appended) ---
"""Pipeline reference for scband-net-51539607823 (READ-ONLY COPY).

The authoritative reference and input builder live on the scoring server;
editing this copy changes nothing except your own understanding.
"""

import jax, jax.numpy as jnp
import numpy as np

N = 10000
E = 320000
D = 128
H = 16
C = 14


def sage_conv(x_src, x_dst, edge_index, Wl, bl, Wr):
    # PyG SAGEConv with mean aggregation on a bipartite pair (x_src, x_dst):
    # out = lin_l(mean_{j in N(i)} x_src[j]) + lin_r(x_dst[i])
    src = edge_index[0]
    dst = edge_index[1]
    msg = x_src[src]
    n_dst = x_dst.shape[0]
    agg_sum = jax.ops.segment_sum(msg, dst, num_segments=n_dst)
    cnt = jax.ops.segment_sum(jnp.ones((src.shape[0],), dtype=x_src.dtype), dst, num_segments=n_dst)
    agg = agg_sum / jnp.maximum(cnt, 1.0)[:, None]
    return agg @ Wl.T + bl + x_dst @ Wr.T


def setup_inputs(seed: int = 0) -> dict:
    key = jax.random.key(seed)
    ks = jax.random.split(key, 9)
    x = jax.random.normal(ks[0], (N, D), dtype=jnp.float32)
    edge_index_0 = jax.random.randint(ks[1], (2, E), 0, N, dtype=jnp.int32)
    edge_index_1 = jax.random.randint(ks[2], (2, E), 0, N, dtype=jnp.int32)
    # layer 0: SAGEConv(128 -> 16): lin_l (with bias), lin_r (no bias)
    Wl0 = jax.random.normal(ks[3], (H, D), dtype=jnp.float32) / np.sqrt(D)
    bl0 = jnp.zeros((H,), dtype=jnp.float32)
    Wr0 = jax.random.normal(ks[4], (H, D), dtype=jnp.float32) / np.sqrt(D)
    # layer 1: SAGEConv(16 -> 14)
    Wl1 = jax.random.normal(ks[5], (C, H), dtype=jnp.float32) / np.sqrt(H)
    bl1 = jnp.zeros((C,), dtype=jnp.float32)
    Wr1 = jax.random.normal(ks[6], (C, H), dtype=jnp.float32) / np.sqrt(H)
    return {
        'x': x,
        'edge_index_0': edge_index_0,
        'edge_index_1': edge_index_1,
        'Wl0': Wl0, 'bl0': bl0, 'Wr0': Wr0,
        'Wl1': Wl1, 'bl1': bl1, 'Wr1': Wr1,
    }


def reference(x, edge_index_0, edge_index_1, Wl0, bl0, Wr0, Wl1, bl1, Wr1):
    # adjs = [(edge_index_0, None, (N, N)), (edge_index_1, None, (N, N))]
    # Layer 0: x_target = x[:N] = x
    h = sage_conv(x, x, edge_index_0, Wl0, bl0, Wr0)
    h = jax.nn.relu(h)
    # dropout p=0.5 is identity in eval mode (training=False)
    # Layer 1
    out = sage_conv(h, h, edge_index_1, Wl1, bl1, Wr1)
    return jax.nn.log_softmax(out, axis=-1)

if __name__ == "__main__":
    import jax
    _d = setup_inputs()
    print(jax.jit(kernel)(*tuple(_d.values())))

</pallas_src>

<mosaic_0001>
#map = affine_map<(d0, d1) -> (0, 0)>
#map1 = affine_map<(d0, d1) -> (0, 0, 0)>
module attributes {stable_mosaic.version = 14 : i64} {
  func.func @k(%arg0: i32, %arg1: i32, %arg2: memref<10240x16xf32, #tpu.memory_space<hbm>>, %arg3: memref<2500x128xi32, #tpu.memory_space<hbm>>, %arg4: memref<2500x128xi32, #tpu.memory_space<hbm>>, %arg5: memref<10240x16xf32, #tpu.memory_space<hbm>>, %arg6: memref<2x10240x16xf32, #tpu.memory_space<hbm>>, %arg7: memref<2x10240x16xf32, #tpu.memory_space<hbm>>, %arg8: memref<80x128xi32, #tpu.memory_space<vmem>>, %arg9: memref<80x128xi32, #tpu.memory_space<vmem>>, %arg10: memref<1x128xi32, #tpu.memory_space<vmem>>, %arg11: memref<1x128xi32, #tpu.memory_space<vmem>>, %arg12: memref<128x16xf32, #tpu.memory_space<vmem>>, %arg13: memref<128x16xf32, #tpu.memory_space<vmem>>, %arg14: memref<128x16xf32, #tpu.memory_space<vmem>>, %arg15: memref<128x16xf32, #tpu.memory_space<vmem>>, %arg16: memref<10240x16xf32, #tpu.memory_space<vmem_shared>>, %arg17: memref<!tpu.dma_semaphore, #tpu.memory_space<semaphore_mem>>, %arg18: memref<!tpu.dma_semaphore, #tpu.memory_space<semaphore_mem>>, %arg19: memref<!tpu.dma_semaphore, #tpu.memory_space<semaphore_mem>>, %arg20: memref<!tpu.dma_semaphore, #tpu.memory_space<semaphore_mem>>, %arg21: memref<10240xf32, #tpu.memory_space<vmem>>, %arg22: memref<16x10240xf32, #tpu.memory_space<vmem_shared>>, %arg23: memref<16x640xf32, #tpu.memory_space<vmem>>, %arg24: memref<640x16xf32, #tpu.memory_space<vmem>>) attributes {dimension_semantics = [#tpu.dimension_semantics<core_parallel>, #tpu.dimension_semantics<subcore_parallel>], iteration_bounds = array<i64: 2, 16>, scalar_prefetch = 0 : i64, scratch_operands = 17 : i64, tpu.core_type = #tpu.core_type<sc_vector_subcore>, window_params = [{transform_indices = #map}, {transform_indices = #map}, {transform_indices = #map}, {transform_indices = #map}, {transform_indices = #map1}, {transform_indices = #map1}]} {
    %eq3A = arith.constant 0 : i32
    %eq3A_0 = arith.cmpi eq, %arg0, %eq3A : i32
    %jit3A = arith.constant 80 : i32
    %jit3A_1 = arith.constant 76 : i32
    %select_n3A = arith.select %eq3A_0, %jit3A, %jit3A_1 : i32
    %scan3A = arith.constant 0 : i32
    %scan3A_2 = arith.constant 0 : i32
    %scan3A_3 = arith.constant 80 : i32
    %scan3A_4 = arith.addi %scan3A_2, %scan3A_3 : i32
    %scan3A_5 = arith.constant 1 : i32
    %scan3A_6 = scf.for %scan3A_173 = %scan3A_2 to %scan3A_4 step %scan3A_5 iter_args(%scan3A_174 = %scan3A) -> (i32)  : i32 {
      %broadcast_in_dim3A_175 = arith.constant 0.000000e+00 : f32
      %broadcast_in_dim3A_176 = vector.broadcast %broadcast_in_dim3A_175 : f32 to vector<16xf32>
      %mul3A_177 = arith.constant 128 : i32
      %mul3A_178 = arith.muli %scan3A_173, %mul3A_177 : i32
      %add3A = arith.constant 0 : i32
      %add3A_179 = arith.addi %mul3A_178, %add3A : i32
      %swap3A = arith.index_cast %add3A_179 : i32 to index
      %swap3A_180 = tpu.vector_load %arg21[%swap3A] {strides = array<i32>} : memref<10240xf32, #tpu.memory_space<vmem>>, vector<16xf32>,
      tpu.vector_store %arg21[%swap3A], %broadcast_in_dim3A_176 {strides = array<i32>} : memref<10240xf32, #tpu.memory_space<vmem>>, vector<16xf32>,
      %broadcast_in_dim3A_181 = arith.constant 0.000000e+00 : f32
      %broadcast_in_dim3A_182 = vector.broadcast %broadcast_in_dim3A_181 : f32 to vector<16xf32>
      %mul3A_183 = arith.constant 128 : i32
      %mul3A_184 = arith.muli %scan3A_173, %mul3A_183 : i32
      %add3A_185 = arith.constant 16 : i32
      %add3A_186 = arith.addi %mul3A_184, %add3A_185 : i32
      %swap3A_187 = arith.index_cast %add3A_186 : i32 to index
      %swap3A_188 = tpu.vector_load %arg21[%swap3A_187] {strides = array<i32>} : memref<10240xf32, #tpu.memory_space<vmem>>, vector<16xf32>,
      tpu.vector_store %arg21[%swap3A_187], %broadcast_in_dim3A_182 {strides = array<i32>} : memref<10240xf32, #tpu.memory_space<vmem>>, vector<16xf32>,
      %broadcast_in_dim3A_189 = arith.constant 0.000000e+00 : f32
      %broadcast_in_dim3A_190 = vector.broadcast %broadcast_in_dim3A_189 : f32 to vector<16xf32>
      %mul3A_191 = arith.constant 128 : i32
      %mul3A_192 = arith.muli %scan3A_173, %mul3A_191 : i32
      %add3A_193 = arith.constant 32 : i32
      %add3A_194 = arith.addi %mul3A_192, %add3A_193 : i32
      %swap3A_195 = arith.index_cast %add3A_194 : i32 to index
      %swap3A_196 = tpu.vector_load %arg21[%swap3A_195] {strides = array<i32>} : memref<10240xf32, #tpu.memory_space<vmem>>, vector<16xf32>,
      tpu.vector_store %arg21[%swap3A_195], %broadcast_in_dim3A_190 {strides = array<i32>} : memref<10240xf32, #tpu.memory_space<vmem>>, vector<16xf32>,
      %broadcast_in_dim3A_197 = arith.constant 0.000000e+00 : f32
      %broadcast_in_dim3A_198 = vector.broadcast %broadcast_in_dim3A_197 : f32 to vector<16xf32>
      %mul3A_199 = arith.constant 128 : i32
      %mul3A_200 = arith.muli %scan3A_173, %mul3A_199 : i32
      %add3A_201 = arith.constant 48 : i32
      %add3A_202 = arith.addi %mul3A_200, %add3A_201 : i32
      %swap3A_203 = arith.index_cast %add3A_202 : i32 to index
      %swap3A_204 = tpu.vector_load %arg21[%swap3A_203] {strides = array<i32>} : memref<10240xf32, #tpu.memory_space<vmem>>, vector<16xf32>,
      tpu.vector_store %arg21[%swap3A_203], %broadcast_in_dim3A_198 {strides = array<i32>} : memref<10240xf32, #tpu.memory_space<vmem>>, vector<16xf32>,
      %broadcast_in_dim3A_205 = arith.constant 0.000000e+00 : f32
      %broadcast_in_dim3A_206 = vector.broadcast %broadcast_in_dim3A_205 : f32 to vector<16xf32>
      %mul3A_207 = arith.constant 128 : i32
      %mul3A_208 = arith.muli %scan3A_173, %mul3A_207 : i32
      %add3A_209 = arith.constant 64 : i32
      %add3A_210 = arith.addi %mul3A_208, %add3A_209 : i32
      %swap3A_211 = arith.index_cast %add3A_210 : i32 to index
      %swap3A_212 = tpu.vector_load %arg21[%swap3A_211] {strides = array<i32>} : memref<10240xf32, #tpu.memory_space<vmem>>, vector<16xf32>,
      tpu.vector_store %arg21[%swap3A_211], %broadcast_in_dim3A_206 {strides = array<i32>} : memref<10240xf32, #tpu.memory_space<vmem>>, vector<16xf32>,
      %broadcast_in_dim3A_213 = arith.constant 0.000000e+00 : f32
      %broadcast_in_dim3A_214 = vector.broadcast %broadcast_in_dim3A_213 : f32 to vector<16xf32>
      %mul3A_215 = arith.constant 128 : i32
      %mul3A_216 = arith.muli %scan3A_173, %mul3A_215 : i32
      %add3A_217 = arith.constant 80 : i32
      %add3A_218 = arith.addi %mul3A_216, %add3A_217 : i32
      %swap3A_219 = arith.index_cast %add3A_218 : i32 to index
      %swap3A_220 = tpu.vector_load %arg21[%swap3A_219] {strides = array<i32>} : memref<10240xf32, #tpu.memory_space<vmem>>, vector<16xf32>,
      tpu.vector_store %arg21[%swap3A_219], %broadcast_in_dim3A_214 {strides = array<i32>} : memref<10240xf32, #tpu.memory_space<vmem>>, vector<16xf32>,
      %broadcast_in_dim3A_221 = arith.constant 0.000000e+00 : f32
      %broadcast_in_dim3A_222 = vector.broadcast %broadcast_in_dim3A_221 : f32 to vector<16xf32>
      %mul3A_223 = arith.constant 128 : i32
      %mul3A_224 = arith.muli %scan3A_173, %mul3A_223 : i32
      %add3A_225 = arith.constant 96 : i32
      %add3A_226 = arith.addi %mul3A_224, %add3A_225 : i32
      %swap3A_227 = arith.index_cast %add3A_226 : i32 to index
      %swap3A_228 = tpu.vector_load %arg21[%swap3A_227] {strides = array<i32>} : memref<10240xf32, #tpu.memory_space<vmem>>, vector<16xf32>,
      tpu.vector_store %arg21[%swap3A_227], %broadcast_in_dim3A_222 {strides = array<i32>} : memref<10240xf32, #tpu.memory_space<vmem>>, vector<16xf32>,
      %broadcast_in_dim3A_229 = arith.constant 0.000000e+00 : f32
      %broadcast_in_dim3A_230 = vector.broadcast %broadcast_in_dim3A_229 : f32 to vector<16xf32>
      %mul3A_231 = arith.constant 128 : i32
      %mul3A_232 = arith.muli %scan3A_173, %mul3A_231 : i32
      %add3A_233 = arith.constant 112 : i32
      %add3A_234 = arith.addi %mul3A_232, %add3A_233 : i32
      %swap3A_235 = arith.index_cast %add3A_234 : i32 to index
      %swap3A_236 = tpu.vector_load %arg21[%swap3A_235] {strides = array<i32>} : memref<10240xf32, #tpu.memory_space<vmem>>, vector<16xf32>,
      tpu.vector_store %arg21[%swap3A_235], %broadcast_in_dim3A_230 {strides = array<i32>} : memref<10240xf32, #tpu.memory_space<vmem>>, vector<16xf32>,
      %scan3A_237 = arith.constant 0 : i32
      scf.yield %scan3A_237 : i32
    }
    %scan3A_7 = arith.constant 80 : i32
    %eq3A_8 = arith.constant 0 : i32
    %eq3A_9 = arith.cmpi eq, %arg0, %eq3A_8 : i32
    %convert_element_type3A = arith.extui %eq3A_9 : i1 to i32
    %cond3A = arith.constant 0 : i32
    %cond3A_10 = arith.cmpi ne, %convert_element_type3A, %cond3A : i32
    scf.if %cond3A_10 {
      %mul3A_173 = arith.constant 80 : i32
      %mul3A_174 = arith.muli %arg1, %mul3A_173 : i32
      "tpu.region"() ({
        %run_scoped3A_177 = tpu.sem_alloc : memref<!tpu.dma_semaphore, #tpu.memory_space<semaphore_mem>>
        %dma_start3A_178 = arith.constant 0 : i32
        %dma_start3A_179 = arith.constant 0 : i32
        %dma_start3A_180 = tpu.memref_slice %arg8[%dma_start3A_178, %dma_start3A_179] : memref<80x128xi32, #tpu.memory_space<vmem>> -> memref<80x128xi32, #tpu.memory_space<vmem>>
        %dma_start3A_181 = arith.constant 0 : i32
        %dma_start3A_182 = tpu.memref_slice %arg3[%mul3A_174, %dma_start3A_181] : memref<2500x128xi32, #tpu.memory_space<hbm>> -> memref<80x128xi32, #tpu.memory_space<hbm>>
        %dma_start3A_183 = arith.constant 0 : i32
        %dma_start3A_184 = arith.constant 0 : i32
        %dma_start3A_185 = tpu.memref_slice %arg8[%dma_start3A_183, %dma_start3A_184] : memref<80x128xi32, #tpu.memory_space<vmem>> -> memref<80x128xi32, #tpu.memory_space<vmem>>
        %dma_start3A_186 = arith.constant 0 : i32
        %dma_start3A_187 = tpu.memref_slice %arg3[%mul3A_174, %dma_start3A_186] : memref<2500x128xi32, #tpu.memory_space<hbm>> -> memref<80x128xi32, #tpu.memory_space<hbm>>
        tpu.enqueue_dma source(%dma_start3A_187 : memref<80x128xi32, #tpu.memory_space<hbm>>) target(%dma_start3A_185 : memref<80x128xi32, #tpu.memory_space<vmem>>) target_semaphore(%run_scoped3A_177 : memref<!tpu.dma_semaphore, #tpu.memory_space<semaphore_mem>>)
        %dma_wait3A = arith.constant 0 : i32
        %dma_wait3A_188 = arith.constant 0 : i32
        %dma_wait3A_189 = tpu.memref_slice %arg8[%dma_wait3A, %dma_wait3A_188] : memref<80x128xi32, #tpu.memory_space<vmem>> -> memref<80x128xi32, #tpu.memory_space<vmem>>
        %dma_wait3A_190 = arith.constant 0 : i32
        %dma_wait3A_191 = tpu.memref_slice %arg3[%mul3A_174, %dma_wait3A_190] : memref<2500x128xi32, #tpu.memory_space<hbm>> -> memref<80x128xi32, #tpu.memory_space<hbm>>
        %dma_wait3A_192 = arith.constant 0 : i32
        %dma_wait3A_193 = arith.constant 0 : i32
        %dma_wait3A_194 = tpu.memref_slice %arg8[%dma_wait3A_192, %dma_wait3A_193] : memref<80x128xi32, #tpu.memory_space<vmem>> -> memref<80x128xi32, #tpu.memory_space<vmem>>
        %dma_wait3A_195 = arith.constant 0 : i32
        %dma_wait3A_196 = tpu.memref_slice %arg3[%mul3A_174, %dma_wait3A_195] : memref<2500x128xi32, #tpu.memory_space<hbm>> -> memref<80x128xi32, #tpu.memory_space<hbm>>
        tpu.wait_dma2 semaphore(%run_scoped3A_177 : memref<!tpu.dma_semaphore, #tpu.memory_space<semaphore_mem>>) src(%dma_wait3A_196 : memref<80x128xi32, #tpu.memory_space<hbm>>) dst(%dma_wait3A_194 : memref<80x128xi32, #tpu.memory_space<vmem>>)
        tpu.yield
      }) : () -> ()
      %mul3A_175 = arith.constant 80 : i32
      %mul3A_176 = arith.muli %arg1, %mul3A_175 : i32
      "tpu.region"() ({
        %run_scoped3A_177 = tpu.sem_alloc : memref<!tpu.dma_semaphore, #tpu.memory_space<semaphore_mem>>
        %dma_start3A_178 = arith.constant 0 : i32
        %dma_start3A_179 = arith.constant 0 : i32
        %dma_start3A_180 = tpu.memref_slice %arg9[%dma_start3A_178, %dma_start3A_179] : memref<80x128xi32, #tpu.memory_space<vmem>> -> memref<80x128xi32, #tpu.memory_space<vmem>>
        %dma_start3A_181 = arith.constant 0 : i32
        %dma_start3A_182 = tpu.memref_slice %arg4[%mul3A_176, %dma_start3A_181] : memref<2500x128xi32, #tpu.memory_space<hbm>> -> memref<80x128xi32, #tpu.memory_space<hbm>>
        %dma_start3A_183 = arith.constant 0 : i32
        %dma_start3A_184 = arith.constant 0 : i32
        %dma_start3A_185 = tpu.memref_slice %arg9[%dma_start3A_183, %dma_start3A_184] : memref<80x128xi32, #tpu.memory_space<vmem>> -> memref<80x128xi32, #tpu.memory_space<vmem>>
        %dma_start3A_186 = arith.constant 0 : i32
        %dma_start3A_187 = tpu.memref_slice %arg4[%mul3A_176, %dma_start3A_186] : memref<2500x128xi32, #tpu.memory_space<hbm>> -> memref<80x128xi32, #tpu.memory_space<hbm>>
        tpu.enqueue_dma source(%dma_start3A_187 : memref<80x128xi32, #tpu.memory_space<hbm>>) target(%dma_start3A_185 : memref<80x128xi32, #tpu.memory_space<vmem>>) target_semaphore(%run_scoped3A_177 : memref<!tpu.dma_semaphore, #tpu.memory_space<semaphore_mem>>)
        %dma_wait3A = arith.constant 0 : i32
        %dma_wait3A_188 = arith.constant 0 : i32
        %dma_wait3A_189 = tpu.memref_slice %arg9[%dma_wait3A, %dma_wait3A_188] : memref<80x128xi32, #tpu.memory_space<vmem>> -> memref<80x128xi32, #tpu.memory_space<vmem>>
        %dma_wait3A_190 = arith.constant 0 : i32
        %dma_wait3A_191 = tpu.memref_slice %arg4[%mul3A_176, %dma_wait3A_190] : memref<2500x128xi32, #tpu.memory_space<hbm>> -> memref<80x128xi32, #tpu.memory_space<hbm>>
        %dma_wait3A_192 = arith.constant 0 : i32
        %dma_wait3A_193 = arith.constant 0 : i32
        %dma_wait3A_194 = tpu.memref_slice %arg9[%dma_wait3A_192, %dma_wait3A_193] : memref<80x128xi32, #tpu.memory_space<vmem>> -> memref<80x128xi32, #tpu.memory_space<vmem>>
        %dma_wait3A_195 = arith.constant 0 : i32
        %dma_wait3A_196 = tpu.memref_slice %arg4[%mul3A_176, %dma_wait3A_195] : memref<2500x128xi32, #tpu.memory_space<hbm>> -> memref<80x128xi32, #tpu.memory_space<hbm>>
        tpu.wait_dma2 semaphore(%run_scoped3A_177 : memref<!tpu.dma_semaphore, #tpu.memory_space<semaphore_mem>>) src(%dma_wait3A_196 : memref<80x128xi32, #tpu.memory_space<hbm>>) dst(%dma_wait3A_194 : memref<80x128xi32, #tpu.memory_space<vmem>>)
        tpu.yield
      }) : () -> ()
    } else {
    }
    %eq3A_11 = arith.constant 1 : i32
    %eq3A_12 = arith.cmpi eq, %arg0, %eq3A_11 : i32
    %convert_element_type3A_13 = arith.extui %eq3A_12 : i1 to i32
    %cond3A_14 = arith.constant 0 : i32
    %cond3A_15 = arith.cmpi ne, %convert_element_type3A_13, %cond3A_14 : i32
    scf.if %cond3A_15 {
      %mul3A_173 = arith.constant 76 : i32
      %mul3A_174 = arith.muli %arg1, %mul3A_173 : i32
      %add3A = arith.constant 1280 : i32
      %add3A_175 = arith.addi %add3A, %mul3A_174 : i32
      "tpu.region"() ({
        %run_scoped3A_176 = tpu.sem_alloc : memref<!tpu.dma_semaphore, #tpu.memory_space<semaphore_mem>>
        %dma_start3A_177 = arith.constant 0 : i32
        %dma_start3A_178 = arith.constant 0 : i32
        %dma_start3A_179 = tpu.memref_slice %arg8[%dma_start3A_177, %dma_start3A_178] : memref<80x128xi32, #tpu.memory_space<vmem>> -> memref<76x128xi32, #tpu.memory_space<vmem>>
        %dma_start3A_180 = arith.constant 0 : i32
        %dma_start3A_181 = tpu.memref_slice %arg3[%add3A_175, %dma_start3A_180] : memref<2500x128xi32, #tpu.memory_space<hbm>> -> memref<76x128xi32, #tpu.memory_space<hbm>>
        %dma_start3A_182 = arith.constant 0 : i32
        %dma_start3A_183 = arith.constant 0 : i32
        %dma_start3A_184 = tpu.memref_slice %arg8[%dma_start3A_182, %dma_start3A_183] : memref<80x128xi32, #tpu.memory_space<vmem>> -> memref<76x128xi32, #tpu.memory_space<vmem>>
        %dma_start3A_185 = arith.constant 0 : i32
        %dma_start3A_186 = tpu.memref_slice %arg3[%add3A_175, %dma_start3A_185] : memref<2500x128xi32, #tpu.memory_space<hbm>> -> memref<76x128xi32, #tpu.memory_space<hbm>>
        tpu.enqueue_dma source(%dma_start3A_186 : memref<76x128xi32, #tpu.memory_space<hbm>>) target(%dma_start3A_184 : memref<76x128xi32, #tpu.memory_space<vmem>>) target_semaphore(%run_scoped3A_176 : memref<!tpu.dma_semaphore, #tpu.memory_space<semaphore_mem>>)
        %dma_wait3A = arith.constant 0 : i32
        %dma_wait3A_187 = arith.constant 0 : i32
        %dma_wait3A_188 = tpu.memref_slice %arg8[%dma_wait3A, %dma_wait3A_187] : memref<80x128xi32, #tpu.memory_space<vmem>> -> memref<76x128xi32, #tpu.memory_space<vmem>>
        %dma_wait3A_189 = arith.constant 0 : i32
        %dma_wait3A_190 = tpu.memref_slice %arg3[%add3A_175, %dma_wait3A_189] : memref<2500x128xi32, #tpu.memory_space<hbm>> -> memref<76x128xi32, #tpu.memory_space<hbm>>
        %dma_wait3A_191 = arith.constant 0 : i32
        %dma_wait3A_192 = arith.constant 0 : i32
        %dma_wait3A_193 = tpu.memref_slice %arg8[%dma_wait3A_191, %dma_wait3A_192] : memref<80x128xi32, #tpu.memory_space<vmem>> -> memref<76x128xi32, #tpu.memory_space<vmem>>
        %dma_wait3A_194 = arith.constant 0 : i32
        %dma_wait3A_195 = tpu.memref_slice %arg3[%add3A_175, %dma_wait3A_194] : memref<2500x128xi32, #tpu.memory_space<hbm>> -> memref<76x128xi32, #tpu.memory_space<hbm>>
        tpu.wait_dma2 semaphore(%run_scoped3A_176 : memref<!tpu.dma_semaphore, #tpu.memory_space<semaphore_mem>>) src(%dma_wait3A_195 : memref<76x128xi32, #tpu.memory_space<hbm>>) dst(%dma_wait3A_193 : memref<76x128xi32, #tpu.memory_space<vmem>>)
        tpu.yield
      }) : () -> ()
      "tpu.region"() ({
        %run_scoped3A_176 = tpu.sem_alloc : memref<!tpu.dma_semaphore, #tpu.memory_space<semaphore_mem>>
        %dma_start3A_177 = arith.constant 0 : i32
        %dma_start3A_178 = arith.constant 0 : i32
        %dma_start3A_179 = tpu.memref_slice %arg9[%dma_start3A_177, %dma_start3A_178] : memref<80x128xi32, #tpu.memory_space<vmem>> -> memref<76x128xi32, #tpu.memory_space<vmem>>
        %dma_start3A_180 = arith.constant 0 : i32
        %dma_start3A_181 = tpu.memref_slice %arg4[%add3A_175, %dma_start3A_180] : memref<2500x128xi32, #tpu.memory_space<hbm>> -> memref<76x128xi32, #tpu.memory_space<hbm>>
        %dma_start3A_182 = arith.constant 0 : i32
        %dma_start3A_183 = arith.constant 0 : i32
        %dma_start3A_184 = tpu.memref_slice %arg9[%dma_start3A_182, %dma_start3A_183] : memref<80x128xi32, #tpu.memory_space<vmem>> -> memref<76x128xi32, #tpu.memory_space<vmem>>
        %dma_start3A_185 = arith.constant 0 : i32
        %dma_start3A_186 = tpu.memref_slice %arg4[%add3A_175, %dma_start3A_185] : memref<2500x128xi32, #tpu.memory_space<hbm>> -> memref<76x128xi32, #tpu.memory_space<hbm>>
        tpu.enqueue_dma source(%dma_start3A_186 : memref<76x128xi32, #tpu.memory_space<hbm>>) target(%dma_start3A_184 : memref<76x128xi32, #tpu.memory_space<vmem>>) target_semaphore(%run_scoped3A_176 : memref<!tpu.dma_semaphore, #tpu.memory_space<semaphore_mem>>)
        %dma_wait3A = arith.constant 0 : i32
        %dma_wait3A_187 = arith.constant 0 : i32
        %dma_wait3A_188 = tpu.memref_slice %arg9[%dma_wait3A, %dma_wait3A_187] : memref<80x128xi32, #tpu.memory_space<vmem>> -> memref<76x128xi32, #tpu.memory_space<vmem>>
        %dma_wait3A_189 = arith.constant 0 : i32
        %dma_wait3A_190 = tpu.memref_slice %arg4[%add3A_175, %dma_wait3A_189] : memref<2500x128xi32, #tpu.memory_space<hbm>> -> memref<76x128xi32, #tpu.memory_space<hbm>>
        %dma_wait3A_191 = arith.constant 0 : i32
        %dma_wait3A_192 = arith.constant 0 : i32
        %dma_wait3A_193 = tpu.memref_slice %arg9[%dma_wait3A_191, %dma_wait3A_192] : memref<80x128xi32, #tpu.memory_space<vmem>> -> memref<76x128xi32, #tpu.memory_space<vmem>>
        %dma_wait3A_194 = arith.constant 0 : i32
        %dma_wait3A_195 = tpu.memref_slice %arg4[%add3A_175, %dma_wait3A_194] : memref<2500x128xi32, #tpu.memory_space<hbm>> -> memref<76x128xi32, #tpu.memory_space<hbm>>
        tpu.wait_dma2 semaphore(%run_scoped3A_176 : memref<!tpu.dma_semaphore, #tpu.memory_space<semaphore_mem>>) src(%dma_wait3A_195 : memref<76x128xi32, #tpu.memory_space<hbm>>) dst(%dma_wait3A_193 : memref<76x128xi32, #tpu.memory_space<vmem>>)
        tpu.yield
      }) : () -> ()
    } else {
    }
    %mul3A = arith.constant 640 : i32
    %mul3A_16 = arith.muli %arg1, %mul3A : i32
    %mul3A_17 = arith.constant 640 : i32
    %mul3A_18 = arith.muli %arg1, %mul3A_17 : i32
    "tpu.region"() ({
      %run_scoped3A_173 = tpu.sem_alloc : memref<!tpu.dma_semaphore, #tpu.memory_space<semaphore_mem>>
      %dma_start3A_174 = arith.constant 0 : i32
      %dma_start3A_175 = tpu.memref_slice %arg16[%mul3A_18, %dma_start3A_174] : memref<10240x16xf32, #tpu.memory_space<vmem_shared>> -> memref<640x16xf32, #tpu.memory_space<vmem_shared>>
      %dma_start3A_176 = arith.constant 0 : i32
      %dma_start3A_177 = tpu.memref_slice %arg5[%mul3A_16, %dma_start3A_176] : memref<10240x16xf32, #tpu.memory_space<hbm>> -> memref<640x16xf32, #tpu.memory_space<hbm>>
      tpu.enqueue_dma source(%dma_start3A_177 : memref<640x16xf32, #tpu.memory_space<hbm>>) target(%dma_start3A_175 : memref<640x16xf32, #tpu.memory_space<vmem_shared>>) target_semaphore(%run_scoped3A_173 : memref<!tpu.dma_semaphore, #tpu.memory_space<semaphore_mem>>)
      %dma_wait3A = arith.constant 0 : i32
      %dma_wait3A_178 = tpu.memref_slice %arg16[%mul3A_18, %dma_wait3A] : memref<10240x16xf32, #tpu.memory_space<vmem_shared>> -> memref<640x16xf32, #tpu.memory_space<vmem_shared>>
      %dma_wait3A_179 = arith.constant 0 : i32
      %dma_wait3A_180 = tpu.memref_slice %arg5[%mul3A_16, %dma_wait3A_179] : memref<10240x16xf32, #tpu.memory_space<hbm>> -> memref<640x16xf32, #tpu.memory_space<hbm>>
      tpu.wait_dma2 semaphore(%run_scoped3A_173 : memref<!tpu.dma_semaphore, #tpu.memory_space<semaphore_mem>>) src(%dma_wait3A_180 : memref<640x16xf32, #tpu.memory_space<hbm>>) dst(%dma_wait3A_178 : memref<640x16xf32, #tpu.memory_space<vmem_shared>>)
      tpu.yield
    }) : () -> ()
    %while3A = arith.constant 0 : i32
    %while3A_19 = arith.constant 0 : i32
    %while3A_20 = arith.subi %select_n3A, %while3A : i32
    %while3A_21 = arith.addi %while3A, %while3A_20 : i32
    %while3A_22 = arith.constant 1 : i32
    %while3A_23 = arith.divsi %while3A_20, %while3A_22 : i32
    %while3A_24 = arith.muli %while3A_23, %while3A_22 : i32
    %while3A_25 = arith.addi %while3A, %while3A_24 : i32
    %while3A_26 = arith.constant 1 : i32
    %while3A_27 = scf.for %while3A_173 = %while3A to %while3A_25 step %while3A_26 iter_args(%while3A_174 = %while3A_19) -> (i32)  : i32 {
      %get3A = arith.index_cast %while3A_173 : i32 to index
      %get3A_175 = arith.constant 0 : index
      %get3A_176 = tpu.vector_load %arg9[%get3A, %get3A_175] {strides = array<i32>} : memref<80x128xi32, #tpu.memory_space<vmem>>, vector<16xi32>,
      %broadcast_in_dim3A_177 = arith.constant 1.000000e+00 : f32
      %broadcast_in_dim3A_178 = vector.broadcast %broadcast_in_dim3A_177 : f32 to vector<16xf32>
      tpu.vector_store_idx %arg21[%get3A_176], %broadcast_in_dim3A_178 {add = true} : memref<10240xf32, #tpu.memory_space<vmem>>[vector<16xi32>], vector<16xf32>,
      %get3A_179 = arith.index_cast %while3A_173 : i32 to index
      %get3A_180 = arith.constant 16 : index
      %get3A_181 = tpu.vector_load %arg9[%get3A_179, %get3A_180] {strides = array<i32>} : memref<80x128xi32, #tpu.memory_space<vmem>>, vector<16xi32>,
      %broadcast_in_dim3A_182 = arith.constant 1.000000e+00 : f32
      %broadcast_in_dim3A_183 = vector.broadcast %broadcast_in_dim3A_182 : f32 to vector<16xf32>
      tpu.vector_store_idx %arg21[%get3A_181], %broadcast_in_dim3A_183 {add = true} : memref<10240xf32, #tpu.memory_space<vmem>>[vector<16xi32>], vector<16xf32>,
      %get3A_184 = arith.index_cast %while3A_173 : i32 to index
      %get3A_185 = arith.constant 32 : index
      %get3A_186 = tpu.vector_load %arg9[%get3A_184, %get3A_185] {strides = array<i32>} : memref<80x128xi32, #tpu.memory_space<vmem>>, vector<16xi32>,
      %broadcast_in_dim3A_187 = arith.constant 1.000000e+00 : f32
      %broadcast_in_dim3A_188 = vector.broadcast %broadcast_in_dim3A_187 : f32 to vector<16xf32>
      tpu.vector_store_idx %arg21[%get3A_186], %broadcast_in_dim3A_188 {add = true} : memref<10240xf32, #tpu.memory_space<vmem>>[vector<16xi32>], vector<16xf32>,
      %get3A_189 = arith.index_cast %while3A_173 : i32 to index
      %get3A_190 = arith.constant 48 : index
      %get3A_191 = tpu.vector_load %arg9[%get3A_189, %get3A_190] {strides = array<i32>} : memref<80x128xi32, #tpu.memory_space<vmem>>, vector<16xi32>,
      %broadcast_in_dim3A_192 = arith.constant 1.000000e+00 : f32
      %broadcast_in_dim3A_193 = vector.broadcast %broadcast_in_dim3A_192 : f32 to vector<16xf32>
      tpu.vector_store_idx %arg21[%get3A_191], %broadcast_in_dim3A_193 {add = true} : memref<10240xf32, #tpu.memory_space<vmem>>[vector<16xi32>], vector<16xf32>,
      %get3A_194 = arith.index_cast %while3A_173 : i32 to index
      %get3A_195 = arith.constant 64 : index
      %get3A_196 = tpu.vector_load %arg9[%get3A_194, %get3A_195] {strides = array<i32>} : memref<80x128xi32, #tpu.memory_space<vmem>>, vector<16xi32>,
      %broadcast_in_dim3A_197 = arith.constant 1.000000e+00 : f32
      %broadcast_in_dim3A_198 = vector.broadcast %broadcast_in_dim3A_197 : f32 to vector<16xf32>
      tpu.vector_store_idx %arg21[%get3A_196], %broadcast_in_dim3A_198 {add = true} : memref<10240xf32, #tpu.memory_space<vmem>>[vector<16xi32>], vector<16xf32>,
      %get3A_199 = arith.index_cast %while3A_173 : i32 to index
      %get3A_200 = arith.constant 80 : index
      %get3A_201 = tpu.vector_load %arg9[%get3A_199, %get3A_200] {strides = array<i32>} : memref<80x128xi32, #tpu.memory_space<vmem>>, vector<16xi32>,
      %broadcast_in_dim3A_202 = arith.constant 1.000000e+00 : f32
      %broadcast_in_dim3A_203 = vector.broadcast %broadcast_in_dim3A_202 : f32 to vector<16xf32>
      tpu.vector_store_idx %arg21[%get3A_201], %broadcast_in_dim3A_203 {add = true} : memref<10240xf32, #tpu.memory_space<vmem>>[vector<16xi32>], vector<16xf32>,
      %get3A_204 = arith.index_cast %while3A_173 : i32 to index
      %get3A_205 = arith.constant 96 : index
      %get3A_206 = tpu.vector_load %arg9[%get3A_204, %get3A_205] {strides = array<i32>} : memref<80x128xi32, #tpu.memory_space<vmem>>, vector<16xi32>,
      %broadcast_in_dim3A_207 = arith.constant 1.000000e+00 : f32
      %broadcast_in_dim3A_208 = vector.broadcast %broadcast_in_dim3A_207 : f32 to vector<16xf32>
      tpu.vector_store_idx %arg21[%get3A_206], %broadcast_in_dim3A_208 {add = true} : memref<10240xf32, #tpu.memory_space<vmem>>[vector<16xi32>], vector<16xf32>,
      %get3A_209 = arith.index_cast %while3A_173 : i32 to index
      %get3A_210 = arith.constant 112 : index
      %get3A_211 = tpu.vector_load %arg9[%get3A_209, %get3A_210] {strides = array<i32>} : memref<80x128xi32, #tpu.memory_space<vmem>>, vector<16xi32>,
      %broadcast_in_dim3A_212 = arith.constant 1.000000e+00 : f32
      %broadcast_in_dim3A_213 = vector.broadcast %broadcast_in_dim3A_212 : f32 to vector<16xf32>
      tpu.vector_store_idx %arg21[%get3A_211], %broadcast_in_dim3A_213 {add = true} : memref<10240xf32, #tpu.memory_space<vmem>>[vector<16xi32>], vector<16xf32>,
      %while3A_214 = arith.constant 0 : i32
      scf.yield %while3A_214 : i32
    }
    %while3A_28 = arith.constant 1 : i32
    %while3A_29 = scf.for %while3A_173 = %while3A_25 to %while3A_21 step %while3A_28 iter_args(%while3A_174 = %while3A_27) -> (i32)  : i32 {
      %get3A = arith.index_cast %while3A_173 : i32 to index
      %get3A_175 = arith.constant 0 : index
      %get3A_176 = tpu.vector_load %arg9[%get3A, %get3A_175] {strides = array<i32>} : memref<80x128xi32, #tpu.memory_space<vmem>>, vector<16xi32>,
      %broadcast_in_dim3A_177 = arith.constant 1.000000e+00 : f32
      %broadcast_in_dim3A_178 = vector.broadcast %broadcast_in_dim3A_177 : f32 to vector<16xf32>
      tpu.vector_store_idx %arg21[%get3A_176], %broadcast_in_dim3A_178 {add = true} : memref<10240xf32, #tpu.memory_space<vmem>>[vector<16xi32>], vector<16xf32>,
      %get3A_179 = arith.index_cast %while3A_173 : i32 to index
      %get3A_180 = arith.constant 16 : index
      %get3A_181 = tpu.vector_load %arg9[%get3A_179, %get3A_180] {strides = array<i32>} : memref<80x128xi32, #tpu.memory_space<vmem>>, vector<16xi32>,
      %broadcast_in_dim3A_182 = arith.constant 1.000000e+00 : f32
      %broadcast_in_dim3A_183 = vector.broadcast %broadcast_in_dim3A_182 : f32 to vector<16xf32>
      tpu.vector_store_idx %arg21[%get3A_181], %broadcast_in_dim3A_183 {add = true} : memref<10240xf32, #tpu.memory_space<vmem>>[vector<16xi32>], vector<16xf32>,
      %get3A_184 = arith.index_cast %while3A_173 : i32 to index
      %get3A_185 = arith.constant 32 : index
      %get3A_186 = tpu.vector_load %arg9[%get3A_184, %get3A_185] {strides = array<i32>} : memref<80x128xi32, #tpu.memory_space<vmem>>, vector<16xi32>,
      %broadcast_in_dim3A_187 = arith.constant 1.000000e+00 : f32
      %broadcast_in_dim3A_188 = vector.broadcast %broadcast_in_dim3A_187 : f32 to vector<16xf32>
      tpu.vector_store_idx %arg21[%get3A_186], %broadcast_in_dim3A_188 {add = true} : memref<10240xf32, #tpu.memory_space<vmem>>[vector<16xi32>], vector<16xf32>,
      %get3A_189 = arith.index_cast %while3A_173 : i32 to index
      %get3A_190 = arith.constant 48 : index
      %get3A_191 = tpu.vector_load %arg9[%get3A_189, %get3A_190] {strides = array<i32>} : memref<80x128xi32, #tpu.memory_space<vmem>>, vector<16xi32>,
      %broadcast_in_dim3A_192 = arith.constant 1.000000e+00 : f32
      %broadcast_in_dim3A_193 = vector.broadcast %broadcast_in_dim3A_192 : f32 to vector<16xf32>
      tpu.vector_store_idx %arg21[%get3A_191], %broadcast_in_dim3A_193 {add = true} : memref<10240xf32, #tpu.memory_space<vmem>>[vector<16xi32>], vector<16xf32>,
      %get3A_194 = arith.index_cast %while3A_173 : i32 to index
      %get3A_195 = arith.constant 64 : index
      %get3A_196 = tpu.vector_load %arg9[%get3A_194, %get3A_195] {strides = array<i32>} : memref<80x128xi32, #tpu.memory_space<vmem>>, vector<16xi32>,
      %broadcast_in_dim3A_197 = arith.constant 1.000000e+00 : f32
      %broadcast_in_dim3A_198 = vector.broadcast %broadcast_in_dim3A_197 : f32 to vector<16xf32>
      tpu.vector_store_idx %arg21[%get3A_196], %broadcast_in_dim3A_198 {add = true} : memref<10240xf32, #tpu.memory_space<vmem>>[vector<16xi32>], vector<16xf32>,
      %get3A_199 = arith.index_cast %while3A_173 : i32 to index
      %get3A_200 = arith.constant 80 : index
      %get3A_201 = tpu.vector_load %arg9[%get3A_199, %get3A_200] {strides = array<i32>} : memref<80x128xi32, #tpu.memory_space<vmem>>, vector<16xi32>,
      %broadcast_in_dim3A_202 = arith.constant 1.000000e+00 : f32
      %broadcast_in_dim3A_203 = vector.broadcast %broadcast_in_dim3A_202 : f32 to vector<16xf32>
      tpu.vector_store_idx %arg21[%get3A_201], %broadcast_in_dim3A_203 {add = true} : memref<10240xf32, #tpu.memory_space<vmem>>[vector<16xi32>], vector<16xf32>,
      %get3A_204 = arith.index_cast %while3A_173 : i32 to index
      %get3A_205 = arith.constant 96 : index
      %get3A_206 = tpu.vector_load %arg9[%get3A_204, %get3A_205] {strides = array<i32>} : memref<80x128xi32, #tpu.memory_space<vmem>>, vector<16xi32>,
      %broadcast_in_dim3A_207 = arith.constant 1.000000e+00 : f32
      %broadcast_in_dim3A_208 = vector.broadcast %broadcast_in_dim3A_207 : f32 to vector<16xf32>
      tpu.vector_store_idx %arg21[%get3A_206], %broadcast_in_dim3A_208 {add = true} : memref<10240xf32, #tpu.memory_space<vmem>>[vector<16xi32>], vector<16xf32>,
      %get3A_209 = arith.index_cast %while3A_173 : i32 to index
      %get3A_210 = arith.constant 112 : index
      %get3A_211 = tpu.vector_load %arg9[%get3A_209, %get3A_210] {strides = array<i32>} : memref<80x128xi32, #tpu.memory_space<vmem>>, vector<16xi32>,
      %broadcast_in_dim3A_212 = arith.constant 1.000000e+00 : f32
      %broadcast_in_dim3A_213 = vector.broadcast %broadcast_in_dim3A_212 : f32 to vector<16xf32>
      tpu.vector_store_idx %arg21[%get3A_211], %broadcast_in_dim3A_213 {add = true} : memref<10240xf32, #tpu.memory_space<vmem>>[vector<16xi32>], vector<16xf32>,
      %while3A_214 = arith.constant 0 : i32
      scf.yield %while3A_214 : i32
    }
    %barrier3A = arith.constant 0 : index
    tpu.barrier barrier_id(%barrier3A)
    %broadcast_in_dim3A = arith.constant 1.000000e+00 : f32
    %broadcast_in_dim3A_30 = vector.broadcast %broadcast_in_dim3A : f32 to vector<16xf32>
    %eq3A_31 = arith.constant 0 : i32
    %eq3A_32 = arith.cmpi eq, %arg0, %eq3A_31 : i32
    %lt3A = arith.constant 4 : i32
    %lt3A_33 = arith.cmpi slt, %arg1, %lt3A : i32
    %and3A = arith.andi %eq3A_32, %lt3A_33 : i1
    %convert_element_type3A_34 = arith.extui %and3A : i1 to i32
    %cond3A_35 = arith.constant 0 : i32
    %cond3A_36 = arith.cmpi ne, %convert_element_type3A_34, %cond3A_35 : i32
    scf.if %cond3A_36 {
      %add3A = arith.constant 2496 : i32
      %add3A_173 = arith.addi %add3A, %arg1 : i32
      "tpu.region"() ({
        %run_scoped3A_219 = tpu.sem_alloc : memref<!tpu.dma_semaphore, #tpu.memory_space<semaphore_mem>>
        %dma_start3A_220 = arith.constant 0 : i32
        %dma_start3A_221 = tpu.memref_slice %arg3[%add3A_173, %dma_start3A_220] : memref<2500x128xi32, #tpu.memory_space<hbm>> -> memref<1x128xi32, #tpu.memory_space<hbm>>
        %dma_start3A_222 = arith.constant 0 : i32
        %dma_start3A_223 = tpu.memref_slice %arg3[%add3A_173, %dma_start3A_222] : memref<2500x128xi32, #tpu.memory_space<hbm>> -> memref<1x128xi32, #tpu.memory_space<hbm>>
        tpu.enqueue_dma source(%dma_start3A_223 : memref<1x128xi32, #tpu.memory_space<hbm>>) target(%arg10 : memref<1x128xi32, #tpu.memory_space<vmem>>) target_semaphore(%run_scoped3A_219 : memref<!tpu.dma_semaphore, #tpu.memory_space<semaphore_mem>>)
        %dma_wait3A_224 = arith.constant 0 : i32
        %dma_wait3A_225 = tpu.memref_slice %arg3[%add3A_173, %dma_wait3A_224] : memref<2500x128xi32, #tpu.memory_space<hbm>> -> memref<1x128xi32, #tpu.memory_space<hbm>>
        %dma_wait3A_226 = arith.constant 0 : i32
        %dma_wait3A_227 = tpu.memref_slice %arg3[%add3A_173, %dma_wait3A_226] : memref<2500x128xi32, #tpu.memory_space<hbm>> -> memref<1x128xi32, #tpu.memory_space<hbm>>
        tpu.wait_dma2 semaphore(%run_scoped3A_219 : memref<!tpu.dma_semaphore, #tpu.memory_space<semaphore_mem>>) src(%dma_wait3A_227 : memref<1x128xi32, #tpu.memory_space<hbm>>) dst(%arg10 : memref<1x128xi32, #tpu.memory_space<vmem>>)
        tpu.yield
      }) : () -> ()
      "tpu.region"() ({
        %run_scoped3A_219 = tpu.sem_alloc : memref<!tpu.dma_semaphore, #tpu.memory_space<semaphore_mem>>
        %dma_start3A_220 = arith.constant 0 : i32
        %dma_start3A_221 = tpu.memref_slice %arg4[%add3A_173, %dma_start3A_220] : memref<2500x128xi32, #tpu.memory_space<hbm>> -> memref<1x128xi32, #tpu.memory_space<hbm>>
        %dma_start3A_222 = arith.constant 0 : i32
        %dma_start3A_223 = tpu.memref_slice %arg4[%add3A_173, %dma_start3A_222] : memref<2500x128xi32, #tpu.memory_space<hbm>> -> memref<1x128xi32, #tpu.memory_space<hbm>>
        tpu.enqueue_dma source(%dma_start3A_223 : memref<1x128xi32, #tpu.memory_space<hbm>>) target(%arg11 : memref<1x128xi32, #tpu.memory_space<vmem>>) target_semaphore(%run_scoped3A_219 : memref<!tpu.dma_semaphore, #tpu.memory_space<semaphore_mem>>)
        %dma_wait3A_224 = arith.constant 0 : i32
        %dma_wait3A_225 = tpu.memref_slice %arg4[%add3A_173, %dma_wait3A_224] : memref<2500x128xi32, #tpu.memory_space<hbm>> -> memref<1x128xi32, #tpu.memory_space<hbm>>
        %dma_wait3A_226 = arith.constant 0 : i32
        %dma_wait3A_227 = tpu.memref_slice %arg4[%add3A_173, %dma_wait3A_226] : memref<2500x128xi32, #tpu.memory_space<hbm>> -> memref<1x128xi32, #tpu.memory_space<hbm>>
        tpu.wait_dma2 semaphore(%run_scoped3A_219 : memref<!tpu.dma_semaphore, #tpu.memory_space<semaphore_mem>>) src(%dma_wait3A_227 : memref<1x128xi32, #tpu.memory_space<hbm>>) dst(%arg11 : memref<1x128xi32, #tpu.memory_space<vmem>>)
        tpu.yield
      }) : () -> ()
      %dma_start3A_174 = arith.constant 0 : i32
      %dma_start3A_175 = arith.constant 0 : i32
      %dma_start3A_176 = tpu.memref_slice %arg10[%dma_start3A_174, %dma_start3A_175] : memref<1x128xi32, #tpu.memory_space<vmem>> -> memref<1x128xi32, #tpu.memory_space<vmem>>
      %dma_start3A_177 = tpu.memref_squeeze %dma_start3A_176 : memref<1x128xi32, #tpu.memory_space<vmem>> -> memref<128xi32, #tpu.memory_space<vmem>>
      %dma_start3A_178 = arith.constant 0 : i32
      %dma_start3A_179 = arith.constant 0 : i32
      %dma_start3A_180 = tpu.memref_slice %arg2[%dma_start3A_178, %dma_start3A_179] : memref<10240x16xf32, #tpu.memory_space<hbm>> -> memref<10240x16xf32, #tpu.memory_space<hbm>>
      tpu.enqueue_indirect_dma source(%dma_start3A_180 : memref<10240x16xf32, #tpu.memory_space<hbm>>) target(%arg12 : memref<128x16xf32, #tpu.memory_space<vmem>>) offsets(%dma_start3A_177 : memref<128xi32, #tpu.memory_space<vmem>>) semaphore(%arg17 : memref<!tpu.dma_semaphore, #tpu.memory_space<semaphore_mem>>)
      %dma_wait3A = arith.constant 0 : i32
      %dma_wait3A_181 = arith.constant 0 : i32
      %dma_wait3A_182 = tpu.memref_slice %arg10[%dma_wait3A, %dma_wait3A_181] : memref<1x128xi32, #tpu.memory_space<vmem>> -> memref<1x128xi32, #tpu.memory_space<vmem>>
      %dma_wait3A_183 = tpu.memref_squeeze %dma_wait3A_182 : memref<1x128xi32, #tpu.memory_space<vmem>> -> memref<128xi32, #tpu.memory_space<vmem>>
      %dma_wait3A_184 = arith.constant 0 : i32
      %dma_wait3A_185 = arith.constant 0 : i32
      %dma_wait3A_186 = tpu.memref_slice %arg2[%dma_wait3A_184, %dma_wait3A_185] : memref<10240x16xf32, #tpu.memory_space<hbm>> -> memref<10240x16xf32, #tpu.memory_space<hbm>>
      tpu.wait_indirect_dma semaphore(%arg17 : memref<!tpu.dma_semaphore, #tpu.memory_space<semaphore_mem>>) src(%dma_wait3A_186 : memref<10240x16xf32, #tpu.memory_space<hbm>>) dst(%arg12 : memref<128x16xf32, #tpu.memory_space<vmem>>)
      %run_scoped3A_187 = arith.constant 0 : i32
      "tpu.region"() ({
        %run_scoped3A_219 = tpu.sem_alloc : memref<!tpu.dma_semaphore, #tpu.memory_space<semaphore_mem>>
        %dma_start3A_220 = arith.constant 0 : i32
        %dma_start3A_221 = tpu.memref_slice %arg11[%run_scoped3A_187, %dma_start3A_220] : memref<1x128xi32, #tpu.memory_space<vmem>> -> memref<1x128xi32, #tpu.memory_space<vmem>>
        %dma_start3A_222 = tpu.memref_squeeze %dma_start3A_221 : memref<1x128xi32, #tpu.memory_space<vmem>> -> memref<128xi32, #tpu.memory_space<vmem>>
        %dma_start3A_223 = arith.constant 0 : i32
        %dma_start3A_224 = arith.constant 0 : i32
        %dma_start3A_225 = tpu.memref_slice %arg16[%dma_start3A_223, %dma_start3A_224] : memref<10240x16xf32, #tpu.memory_space<vmem_shared>> -> memref<10240x16xf32, #tpu.memory_space<vmem_shared>>
        tpu.enqueue_indirect_dma source(%arg12 : memref<128x16xf32, #tpu.memory_space<vmem>>) target(%dma_start3A_225 : memref<10240x16xf32, #tpu.memory_space<vmem_shared>>) offsets(%dma_start3A_222 : memref<128xi32, #tpu.memory_space<vmem>>) semaphore(%run_scoped3A_219 : memref<!tpu.dma_semaphore, #tpu.memory_space<semaphore_mem>>) {add = true}
        %dma_wait3A_226 = arith.constant 0 : i32
        %dma_wait3A_227 = tpu.memref_slice %arg11[%run_scoped3A_187, %dma_wait3A_226] : memref<1x128xi32, #tpu.memory_space<vmem>> -> memref<1x128xi32, #tpu.memory_space<vmem>>
        %dma_wait3A_228 = tpu.memref_squeeze %dma_wait3A_227 : memref<1x128xi32, #tpu.memory_space<vmem>> -> memref<128xi32, #tpu.memory_space<vmem>>
        %dma_wait3A_229 = arith.constant 0 : i32
        %dma_wait3A_230 = arith.constant 0 : i32
        %dma_wait3A_231 = tpu.memref_slice %arg16[%dma_wait3A_229, %dma_wait3A_230] : memref<10240x16xf32, #tpu.memory_space<vmem_shared>> -> memref<10240x16xf32, #tpu.memory_space<vmem_shared>>
        tpu.wait_indirect_dma semaphore(%run_scoped3A_219 : memref<!tpu.dma_semaphore, #tpu.memory_space<semaphore_mem>>) src(%arg12 : memref<128x16xf32, #tpu.memory_space<vmem>>) dst(%dma_wait3A_231 : memref<10240x16xf32, #tpu.memory_space<vmem_shared>>)
        tpu.yield
      }) : () -> ()
      %get3A = arith.constant 0 : i32
      %get3A_188 = arith.index_cast %get3A : i32 to index
      %get3A_189 = arith.constant 0 : index
      %get3A_190 = tpu.vector_load %arg11[%get3A_188, %get3A_189] {strides = array<i32>} : memref<1x128xi32, #tpu.memory_space<vmem>>, vector<16xi32>,
      tpu.vector_store_idx %arg21[%get3A_190], %broadcast_in_dim3A_30 {add = true} : memref<10240xf32, #tpu.memory_space<vmem>>[vector<16xi32>], vector<16xf32>,
      %get3A_191 = arith.constant 0 : i32
      %get3A_192 = arith.index_cast %get3A_191 : i32 to index
      %get3A_193 = arith.constant 16 : index
      %get3A_194 = tpu.vector_load %arg11[%get3A_192, %get3A_193] {strides = array<i32>} : memref<1x128xi32, #tpu.memory_space<vmem>>, vector<16xi32>,
      tpu.vector_store_idx %arg21[%get3A_194], %broadcast_in_dim3A_30 {add = true} : memref<10240xf32, #tpu.memory_space<vmem>>[vector<16xi32>], vector<16xf32>,
      %get3A_195 = arith.constant 0 : i32
      %get3A_196 = arith.index_cast %get3A_195 : i32 to index
      %get3A_197 = arith.constant 32 : index
      %get3A_198 = tpu.vector_load %arg11[%get3A_196, %get3A_197] {strides = array<i32>} : memref<1x128xi32, #tpu.memory_space<vmem>>, vector<16xi32>,
      tpu.vector_store_idx %arg21[%get3A_198], %broadcast_in_dim3A_30 {add = true} : memref<10240xf32, #tpu.memory_space<vmem>>[vector<16xi32>], vector<16xf32>,
      %get3A_199 = arith.constant 0 : i32
      %get3A_200 = arith.index_cast %get3A_199 : i32 to index
      %get3A_201 = arith.constant 48 : index
      %get3A_202 = tpu.vector_load %arg11[%get3A_200, %get3A_201] {strides = array<i32>} : memref<1x128xi32, #tpu.memory_space<vmem>>, vector<16xi32>,
      tpu.vector_store_idx %arg21[%get3A_202], %broadcast_in_dim3A_30 {add = true} : memref<10240xf32, #tpu.memory_space<vmem>>[vector<16xi32>], vector<16xf32>,
      %get3A_203 = arith.constant 0 : i32
      %get3A_204 = arith.index_cast %get3A_203 : i32 to index
      %get3A_205 = arith.constant 64 : index
      %get3A_206 = tpu.vector_load %arg11[%get3A_204, %get3A_205] {strides = array<i32>} : memref<1x128xi32, #tpu.memory_space<vmem>>, vector<16xi32>,
      tpu.vector_store_idx %arg21[%get3A_206], %broadcast_in_dim3A_30 {add = true} : memref<10240xf32, #tpu.memory_space<vmem>>[vector<16xi32>], vector<16xf32>,
      %get3A_207 = arith.constant 0 : i32
      %get3A_208 = arith.index_cast %get3A_207 : i32 to index
      %get3A_209 = arith.constant 80 : index
      %get3A_210 = tpu.vector_load %arg11[%get3A_208, %get3A_209] {strides = array<i32>} : memref<1x128xi32, #tpu.memory_space<vmem>>, vector<16xi32>,
      tpu.vector_store_idx %arg21[%get3A_210], %broadcast_in_dim3A_30 {add = true} : memref<10240xf32, #tpu.memory_space<vmem>>[vector<16xi32>], vector<16xf32>,
      %get3A_211 = arith.constant 0 : i32
      %get3A_212 = arith.index_cast %get3A_211 : i32 to index
      %get3A_213 = arith.constant 96 : index
      %get3A_214 = tpu.vector_load %arg11[%get3A_212, %get3A_213] {strides = array<i32>} : memref<1x128xi32, #tpu.memory_space<vmem>>, vector<16xi32>,
      tpu.vector_store_idx %arg21[%get3A_214], %broadcast_in_dim3A_30 {add = true} : memref<10240xf32, #tpu.memory_space<vmem>>[vector<16xi32>], vector<16xf32>,
      %get3A_215 = arith.constant 0 : i32
      %get3A_216 = arith.index_cast %get3A_215 : i32 to index
      %get3A_217 = arith.constant 112 : index
      %get3A_218 = tpu.vector_load %arg11[%get3A_216, %get3A_217] {strides = array<i32>} : memref<1x128xi32, #tpu.memory_space<vmem>>, vector<16xi32>,
      tpu.vector_store_idx %arg21[%get3A_218], %broadcast_in_dim3A_30 {add = true} : memref<10240xf32, #tpu.memory_space<vmem>>[vector<16xi32>], vector<16xf32>,
    } else {
    }
    %dma_start3A = arith.constant 0 : i32
    %dma_start3A_37 = arith.constant 0 : i32
    %dma_start3A_38 = tpu.memref_slice %arg8[%dma_start3A, %dma_start3A_37] : memref<80x128xi32, #tpu.memory_space<vmem>> -> memref<1x128xi32, #tpu.memory_space<vmem>>
    %dma_start3A_39 = tpu.memref_squeeze %dma_start3A_38 : memref<1x128xi32, #tpu.memory_space<vmem>> -> memref<128xi32, #tpu.memory_space<vmem>>
    %dma_start3A_40 = arith.constant 0 : i32
    %dma_start3A_41 = arith.constant 0 : i32
    %dma_start3A_42 = tpu.memref_slice %arg2[%dma_start3A_40, %dma_start3A_41] : memref<10240x16xf32, #tpu.memory_space<hbm>> -> memref<10240x16xf32, #tpu.memory_space<hbm>>
    tpu.enqueue_indirect_dma source(%dma_start3A_42 : memref<10240x16xf32, #tpu.memory_space<hbm>>) target(%arg12 : memref<128x16xf32, #tpu.memory_space<vmem>>) offsets(%dma_start3A_39 : memref<128xi32, #tpu.memory_space<vmem>>) semaphore(%arg17 : memref<!tpu.dma_semaphore, #tpu.memory_space<semaphore_mem>>)
    %dma_start3A_43 = arith.constant 1 : i32
    %dma_start3A_44 = arith.constant 0 : i32
    %dma_start3A_45 = tpu.memref_slice %arg8[%dma_start3A_43, %dma_start3A_44] : memref<80x128xi32, #tpu.memory_space<vmem>> -> memref<1x128xi32, #tpu.memory_space<vmem>>
    %dma_start3A_46 = tpu.memref_squeeze %dma_start3A_45 : memref<1x128xi32, #tpu.memory_space<vmem>> -> memref<128xi32, #tpu.memory_space<vmem>>
    %dma_start3A_47 = arith.constant 0 : i32
    %dma_start3A_48 = arith.constant 0 : i32
    %dma_start3A_49 = tpu.memref_slice %arg2[%dma_start3A_47, %dma_start3A_48] : memref<10240x16xf32, #tpu.memory_space<hbm>> -> memref<10240x16xf32, #tpu.memory_space<hbm>>
    tpu.enqueue_indirect_dma source(%dma_start3A_49 : memref<10240x16xf32, #tpu.memory_space<hbm>>) target(%arg13 : memref<128x16xf32, #tpu.memory_space<vmem>>) offsets(%dma_start3A_46 : memref<128xi32, #tpu.memory_space<vmem>>) semaphore(%arg18 : memref<!tpu.dma_semaphore, #tpu.memory_space<semaphore_mem>>)
    %dma_start3A_50 = arith.constant 2 : i32
    %dma_start3A_51 = arith.constant 0 : i32
    %dma_start3A_52 = tpu.memref_slice %arg8[%dma_start3A_50, %dma_start3A_51] : memref<80x128xi32, #tpu.memory_space<vmem>> -> memref<1x128xi32, #tpu.memory_space<vmem>>
    %dma_start3A_53 = tpu.memref_squeeze %dma_start3A_52 : memref<1x128xi32, #tpu.memory_space<vmem>> -> memref<128xi32, #tpu.memory_space<vmem>>
    %dma_start3A_54 = arith.constant 0 : i32
    %dma_start3A_55 = arith.constant 0 : i32
    %dma_start3A_56 = tpu.memref_slice %arg2[%dma_start3A_54, %dma_start3A_55] : memref<10240x16xf32, #tpu.memory_space<hbm>> -> memref<10240x16xf32, #tpu.memory_space<hbm>>
    tpu.enqueue_indirect_dma source(%dma_start3A_56 : memref<10240x16xf32, #tpu.memory_space<hbm>>) target(%arg14 : memref<128x16xf32, #tpu.memory_space<vmem>>) offsets(%dma_start3A_53 : memref<128xi32, #tpu.memory_space<vmem>>) semaphore(%arg19 : memref<!tpu.dma_semaphore, #tpu.memory_space<semaphore_mem>>)
    %dma_start3A_57 = arith.constant 3 : i32
    %dma_start3A_58 = arith.constant 0 : i32
    %dma_start3A_59 = tpu.memref_slice %arg8[%dma_start3A_57, %dma_start3A_58] : memref<80x128xi32, #tpu.memory_space<vmem>> -> memref<1x128xi32, #tpu.memory_space<vmem>>
    %dma_start3A_60 = tpu.memref_squeeze %dma_start3A_59 : memref<1x128xi32, #tpu.memory_space<vmem>> -> memref<128xi32, #tpu.memory_space<vmem>>
    %dma_start3A_61 = arith.constant 0 : i32
    %dma_start3A_62 = arith.constant 0 : i32
    %dma_start3A_63 = tpu.memref_slice %arg2[%dma_start3A_61, %dma_start3A_62] : memref<10240x16xf32, #tpu.memory_space<hbm>> -> memref<10240x16xf32, #tpu.memory_space<hbm>>
    tpu.enqueue_indirect_dma source(%dma_start3A_63 : memref<10240x16xf32, #tpu.memory_space<hbm>>) target(%arg15 : memref<128x16xf32, #tpu.memory_space<vmem>>) offsets(%dma_start3A_60 : memref<128xi32, #tpu.memory_space<vmem>>) semaphore(%arg20 : memref<!tpu.dma_semaphore, #tpu.memory_space<semaphore_mem>>)
    %jit3A_64 = arith.constant 4 : i32
    %div3A = arith.divsi %select_n3A, %jit3A_64 : i32
    %sign3A = arith.constant 0 : i32
    %sign3A_65 = arith.cmpi sgt, %select_n3A, %sign3A : i32
    %sign3A_66 = arith.extui %sign3A_65 : i1 to i32
    %sign3A_67 = arith.constant 0 : i32
    %sign3A_68 = arith.cmpi slt, %select_n3A, %sign3A_67 : i32
    %sign3A_69 = arith.extui %sign3A_68 : i1 to i32
    %sign3A_70 = arith.subi %sign3A_66, %sign3A_69 : i32
    %sign3A_71 = arith.constant 0 : i32
    %sign3A_72 = arith.cmpi sgt, %jit3A_64, %sign3A_71 : i32
    %sign3A_73 = arith.extui %sign3A_72 : i1 to i32
    %sign3A_74 = arith.constant 0 : i32
    %sign3A_75 = arith.cmpi slt, %jit3A_64, %sign3A_74 : i32
    %sign3A_76 = arith.extui %sign3A_75 : i1 to i32
    %sign3A_77 = arith.subi %sign3A_73, %sign3A_76 : i32
    %ne3A = arith.cmpi ne, %sign3A_70, %sign3A_77 : i32
    %rem3A = arith.remsi %select_n3A, %jit3A_64 : i32
    %ne3A_78 = arith.constant 0 : i32
    %ne3A_79 = arith.cmpi ne, %rem3A, %ne3A_78 : i32
    %and3A_80 = arith.andi %ne3A, %ne3A_79 : i1
    %sub3A = arith.constant 1 : i32
    %sub3A_81 = arith.subi %div3A, %sub3A : i32
    %select_n3A_82 = arith.select %and3A_80, %sub3A_81, %div3A : i32
    %while3A_83 = arith.constant 0 : i32
    %while3A_84 = arith.constant 0 : i32
    %while3A_85 = arith.subi %select_n3A_82, %while3A_83 : i32
    %while3A_86 = arith.addi %while3A_83, %while3A_85 : i32
    %while3A_87 = arith.constant 1 : i32
    %while3A_88 = arith.divsi %while3A_85, %while3A_87 : i32
    %while3A_89 = arith.muli %while3A_88, %while3A_87 : i32
    %while3A_90 = arith.addi %while3A_83, %while3A_89 : i32
    %while3A_91 = arith.constant 1 : i32
    %while3A_92 = scf.for %while3A_173 = %while3A_83 to %while3A_90 step %while3A_91 iter_args(%while3A_174 = %while3A_84) -> (i32)  : i32 {
      %mul3A_175 = arith.constant 4 : i32
      %mul3A_176 = arith.muli %while3A_173, %mul3A_175 : i32
      %add3A = arith.constant 0 : i32
      %add3A_177 = arith.addi %mul3A_176, %add3A : i32
      %dma_wait3A = arith.constant 0 : i32
      %dma_wait3A_178 = tpu.memref_slice %arg8[%add3A_177, %dma_wait3A] : memref<80x128xi32, #tpu.memory_space<vmem>> -> memref<1x128xi32, #tpu.memory_space<vmem>>
      %dma_wait3A_179 = tpu.memref_squeeze %dma_wait3A_178 : memref<1x128xi32, #tpu.memory_space<vmem>> -> memref<128xi32, #tpu.memory_space<vmem>>
      %dma_wait3A_180 = arith.constant 0 : i32
      %dma_wait3A_181 = arith.constant 0 : i32
      %dma_wait3A_182 = tpu.memref_slice %arg2[%dma_wait3A_180, %dma_wait3A_181] : memref<10240x16xf32, #tpu.memory_space<hbm>> -> memref<10240x16xf32, #tpu.memory_space<hbm>>
      tpu.wait_indirect_dma semaphore(%arg17 : memref<!tpu.dma_semaphore, #tpu.memory_space<semaphore_mem>>) src(%dma_wait3A_182 : memref<10240x16xf32, #tpu.memory_space<hbm>>) dst(%arg12 : memref<128x16xf32, #tpu.memory_space<vmem>>)
      "tpu.region"() ({
        %run_scoped3A_238 = tpu.sem_alloc : memref<!tpu.dma_semaphore, #tpu.memory_space<semaphore_mem>>
        %dma_start3A_239 = arith.constant 0 : i32
        %dma_start3A_240 = tpu.memref_slice %arg9[%add3A_177, %dma_start3A_239] : memref<80x128xi32, #tpu.memory_space<vmem>> -> memref<1x128xi32, #tpu.memory_space<vmem>>
        %dma_start3A_241 = tpu.memref_squeeze %dma_start3A_240 : memref<1x128xi32, #tpu.memory_space<vmem>> -> memref<128xi32, #tpu.memory_space<vmem>>
        %dma_start3A_242 = arith.constant 0 : i32
        %dma_start3A_243 = arith.constant 0 : i32
        %dma_start3A_244 = tpu.memref_slice %arg16[%dma_start3A_242, %dma_start3A_243] : memref<10240x16xf32, #tpu.memory_space<vmem_shared>> -> memref<10240x16xf32, #tpu.memory_space<vmem_shared>>
        tpu.enqueue_indirect_dma source(%arg12 : memref<128x16xf32, #tpu.memory_space<vmem>>) target(%dma_start3A_244 : memref<10240x16xf32, #tpu.memory_space<vmem_shared>>) offsets(%dma_start3A_241 : memref<128xi32, #tpu.memory_space<vmem>>) semaphore(%run_scoped3A_238 : memref<!tpu.dma_semaphore, #tpu.memory_space<semaphore_mem>>) {add = true}
        %dma_wait3A_245 = arith.constant 0 : i32
        %dma_wait3A_246 = tpu.memref_slice %arg9[%add3A_177, %dma_wait3A_245] : memref<80x128xi32, #tpu.memory_space<vmem>> -> memref<1x128xi32, #tpu.memory_space<vmem>>
        %dma_wait3A_247 = tpu.memref_squeeze %dma_wait3A_246 : memref<1x128xi32, #tpu.memory_space<vmem>> -> memref<128xi32, #tpu.memory_space<vmem>>
        %dma_wait3A_248 = arith.constant 0 : i32
        %dma_wait3A_249 = arith.constant 0 : i32
        %dma_wait3A_250 = tpu.memref_slice %arg16[%dma_wait3A_248, %dma_wait3A_249] : memref<10240x16xf32, #tpu.memory_space<vmem_shared>> -> memref<10240x16xf32, #tpu.memory_space<vmem_shared>>
        tpu.wait_indirect_dma semaphore(%run_scoped3A_238 : memref<!tpu.dma_semaphore, #tpu.memory_space<semaphore_mem>>) src(%arg12 : memref<128x16xf32, #tpu.memory_space<vmem>>) dst(%dma_wait3A_250 : memref<10240x16xf32, #tpu.memory_space<vmem_shared>>)
        tpu.yield
      }) : () -> ()
      %add3A_183 = arith.constant 4 : i32
      %add3A_184 = arith.addi %add3A_177, %add3A_183 : i32
      %lt3A_185 = arith.cmpi slt, %add3A_184, %select_n3A : i32
      %convert_element_type3A_186 = arith.extui %lt3A_185 : i1 to i32
      %cond3A_187 = arith.constant 0 : i32
      %cond3A_188 = arith.cmpi ne, %convert_element_type3A_186, %cond3A_187 : i32
      scf.if %cond3A_188 {
        %add3A_238 = arith.constant 4 : i32
        %add3A_239 = arith.addi %add3A_177, %add3A_238 : i32
        %dma_start3A_240 = arith.constant 0 : i32
        %dma_start3A_241 = tpu.memref_slice %arg8[%add3A_239, %dma_start3A_240] : memref<80x128xi32, #tpu.memory_space<vmem>> -> memref<1x128xi32, #tpu.memory_space<vmem>>
        %dma_start3A_242 = tpu.memref_squeeze %dma_start3A_241 : memref<1x128xi32, #tpu.memory_space<vmem>> -> memref<128xi32, #tpu.memory_space<vmem>>
        %dma_start3A_243 = arith.constant 0 : i32
        %dma_start3A_244 = arith.constant 0 : i32
        %dma_start3A_245 = tpu.memref_slice %arg2[%dma_start3A_243, %dma_start3A_244] : memref<10240x16xf32, #tpu.memory_space<hbm>> -> memref<10240x16xf32, #tpu.memory_space<hbm>>
        tpu.enqueue_indirect_dma source(%dma_start3A_245 : memref<10240x16xf32, #tpu.memory_space<hbm>>) target(%arg12 : memref<128x16xf32, #tpu.memory_space<vmem>>) offsets(%dma_start3A_242 : memref<128xi32, #tpu.memory_space<vmem>>) semaphore(%arg17 : memref<!tpu.dma_semaphore, #tpu.memory_space<semaphore_mem>>)
      } else {
      }
      %mul3A_189 = arith.constant 4 : i32
      %mul3A_190 = arith.muli %while3A_173, %mul3A_189 : i32
      %add3A_191 = arith.constant 1 : i32
      %add3A_192 = arith.addi %mul3A_190, %add3A_191 : i32
      %dma_wait3A_193 = arith.constant 0 : i32
      %dma_wait3A_194 = tpu.memref_slice %arg8[%add3A_192, %dma_wait3A_193] : memref<80x128xi32, #tpu.memory_space<vmem>> -> memref<1x128xi32, #tpu.memory_space<vmem>>
      %dma_wait3A_195 = tpu.memref_squeeze %dma_wait3A_194 : memref<1x128xi32, #tpu.memory_space<vmem>> -> memref<128xi32, #tpu.memory_space<vmem>>
      %dma_wait3A_196 = arith.constant 0 : i32
      %dma_wait3A_197 = arith.constant 0 : i32
      %dma_wait3A_198 = tpu.memref_slice %arg2[%dma_wait3A_196, %dma_wait3A_197] : memref<10240x16xf32, #tpu.memory_space<hbm>> -> memref<10240x16xf32, #tpu.memory_space<hbm>>
      tpu.wait_indirect_dma semaphore(%arg18 : memref<!tpu.dma_semaphore, #tpu.memory_space<semaphore_mem>>) src(%dma_wait3A_198 : memref<10240x16xf32, #tpu.memory_space<hbm>>) dst(%arg13 : memref<128x16xf32, #tpu.memory_space<vmem>>)
      "tpu.region"() ({
        %run_scoped3A_238 = tpu.sem_alloc : memref<!tpu.dma_semaphore, #tpu.memory_space<semaphore_mem>>
        %dma_start3A_239 = arith.constant 0 : i32
        %dma_start3A_240 = tpu.memref_slice %arg9[%add3A_192, %dma_start3A_239] : memref<80x128xi32, #tpu.memory_space<vmem>> -> memref<1x128xi32, #tpu.memory_space<vmem>>
        %dma_start3A_241 = tpu.memref_squeeze %dma_start3A_240 : memref<1x128xi32, #tpu.memory_space<vmem>> -> memref<128xi32, #tpu.memory_space<vmem>>
        %dma_start3A_242 = arith.constant 0 : i32
        %dma_start3A_243 = arith.constant 0 : i32
        %dma_start3A_244 = tpu.memref_slice %arg16[%dma_start3A_242, %dma_start3A_243] : memref<10240x16xf32, #tpu.memory_space<vmem_shared>> -> memref<10240x16xf32, #tpu.memory_space<vmem_shared>>
        tpu.enqueue_indirect_dma source(%arg13 : memref<128x16xf32, #tpu.memory_space<vmem>>) target(%dma_start3A_244 : memref<10240x16xf32, #tpu.memory_space<vmem_shared>>) offsets(%dma_start3A_241 : memref<128xi32, #tpu.memory_space<vmem>>) semaphore(%run_scoped3A_238 : memref<!tpu.dma_semaphore, #tpu.memory_space<semaphore_mem>>) {add = true}
        %dma_wait3A_245 = arith.constant 0 : i32
        %dma_wait3A_246 = tpu.memref_slice %arg9[%add3A_192, %dma_wait3A_245] : memref<80x128xi32, #tpu.memory_space<vmem>> -> memref<1x128xi32, #tpu.memory_space<vmem>>
        %dma_wait3A_247 = tpu.memref_squeeze %dma_wait3A_246 : memref<1x128xi32, #tpu.memory_space<vmem>> -> memref<128xi32, #tpu.memory_space<vmem>>
        %dma_wait3A_248 = arith.constant 0 : i32
        %dma_wait3A_249 = arith.constant 0 : i32
        %dma_wait3A_250 = tpu.memref_slice %arg16[%dma_wait3A_248, %dma_wait3A_249] : memref<10240x16xf32, #tpu.memory_space<vmem_shared>> -> memref<10240x16xf32, #tpu.memory_space<vmem_shared>>
        tpu.wait_indirect_dma semaphore(%run_scoped3A_238 : memref<!tpu.dma_semaphore, #tpu.memory_space<semaphore_mem>>) src(%arg13 : memref<128x16xf32, #tpu.memory_space<vmem>>) dst(%dma_wait3A_250 : memref<10240x16xf32, #tpu.memory_space<vmem_shared>>)
        tpu.yield
      }) : () -> ()
      %add3A_199 = arith.constant 4 : i32
      %add3A_200 = arith.addi %add3A_192, %add3A_199 : i32
      %lt3A_201 = arith.cmpi slt, %add3A_200, %select_n3A : i32
      %convert_element_type3A_202 = arith.extui %lt3A_201 : i1 to i32
      %cond3A_203 = arith.constant 0 : i32
      %cond3A_204 = arith.cmpi ne, %convert_element_type3A_202, %cond3A_203 : i32
      scf.if %cond3A_204 {
        %add3A_238 = arith.constant 4 : i32
        %add3A_239 = arith.addi %add3A_192, %add3A_238 : i32
        %dma_start3A_240 = arith.constant 0 : i32
        %dma_start3A_241 = tpu.memref_slice %arg8[%add3A_239, %dma_start3A_240] : memref<80x128xi32, #tpu.memory_space<vmem>> -> memref<1x128xi32, #tpu.memory_space<vmem>>
        %dma_start3A_242 = tpu.memref_squeeze %dma_start3A_241 : memref<1x128xi32, #tpu.memory_space<vmem>> -> memref<128xi32, #tpu.memory_space<vmem>>
        %dma_start3A_243 = arith.constant 0 : i32
        %dma_start3A_244 = arith.constant 0 : i32
        %dma_start3A_245 = tpu.memref_slice %arg2[%dma_start3A_243, %dma_start3A_244] : memref<10240x16xf32, #tpu.memory_space<hbm>> -> memref<10240x16xf32, #tpu.memory_space<hbm>>
        tpu.enqueue_indirect_dma source(%dma_start3A_245 : memref<10240x16xf32, #tpu.memory_space<hbm>>) target(%arg13 : memref<128x16xf32, #tpu.memory_space<vmem>>) offsets(%dma_start3A_242 : memref<128xi32, #tpu.memory_space<vmem>>) semaphore(%arg18 : memref<!tpu.dma_semaphore, #tpu.memory_space<semaphore_mem>>)
      } else {
      }
      %mul3A_205 = arith.constant 4 : i32
      %mul3A_206 = arith.muli %while3A_173, %mul3A_205 : i32
      %add3A_207 = arith.constant 2 : i32
      %add3A_208 = arith.addi %mul3A_206, %add3A_207 : i32
      %dma_wait3A_209 = arith.constant 0 : i32
      %dma_wait3A_210 = tpu.memref_slice %arg8[%add3A_208, %dma_wait3A_209] : memref<80x128xi32, #tpu.memory_space<vmem>> -> memref<1x128xi32, #tpu.memory_space<vmem>>
      %dma_wait3A_211 = tpu.memref_squeeze %dma_wait3A_210 : memref<1x128xi32, #tpu.memory_space<vmem>> -> memref<128xi32, #tpu.memory_space<vmem>>
      %dma_wait3A_212 = arith.constant 0 : i32
      %dma_wait3A_213 = arith.constant 0 : i32
      %dma_wait3A_214 = tpu.memref_slice %arg2[%dma_wait3A_212, %dma_wait3A_213] : memref<10240x16xf32, #tpu.memory_space<hbm>> -> memref<10240x16xf32, #tpu.memory_space<hbm>>
      tpu.wait_indirect_dma semaphore(%arg19 : memref<!tpu.dma_semaphore, #tpu.memory_space<semaphore_mem>>) src(%dma_wait3A_214 : memref<10240x16xf32, #tpu.memory_space<hbm>>) dst(%arg14 : memref<128x16xf32, #tpu.memory_space<vmem>>)
      "tpu.region"() ({
        %run_scoped3A_238 = tpu.sem_alloc : memref<!tpu.dma_semaphore, #tpu.memory_space<semaphore_mem>>
        %dma_start3A_239 = arith.constant 0 : i32
        %dma_start3A_240 = tpu.memref_slice %arg9[%add3A_208, %dma_start3A_239] : memref<80x128xi32, #tpu.memory_space<vmem>> -> memref<1x128xi32, #tpu.memory_space<vmem>>
        %dma_start3A_241 = tpu.memref_squeeze %dma_start3A_240 : memref<1x128xi32, #tpu.memory_space<vmem>> -> memref<128xi32, #tpu.memory_space<vmem>>
        %dma_start3A_242 = arith.constant 0 : i32
        %dma_start3A_243 = arith.constant 0 : i32
        %dma_start3A_244 = tpu.memref_slice %arg16[%dma_start3A_242, %dma_start3A_243] : memref<10240x16xf32, #tpu.memory_space<vmem_shared>> -> memref<10240x16xf32, #tpu.memory_space<vmem_shared>>
        tpu.enqueue_indirect_dma source(%arg14 : memref<128x16xf32, #tpu.memory_space<vmem>>) target(%dma_start3A_244 : memref<10240x16xf32, #tpu.memory_space<vmem_shared>>) offsets(%dma_start3A_241 : memref<128xi32, #tpu.memory_space<vmem>>) semaphore(%run_scoped3A_238 : memref<!tpu.dma_semaphore, #tpu.memory_space<semaphore_mem>>) {add = true}
        %dma_wait3A_245 = arith.constant 0 : i32
        %dma_wait3A_246 = tpu.memref_slice %arg9[%add3A_208, %dma_wait3A_245] : memref<80x128xi32, #tpu.memory_space<vmem>> -> memref<1x128xi32, #tpu.memory_space<vmem>>
        %dma_wait3A_247 = tpu.memref_squeeze %dma_wait3A_246 : memref<1x128xi32, #tpu.memory_space<vmem>> -> memref<128xi32, #tpu.memory_space<vmem>>
        %dma_wait3A_248 = arith.constant 0 : i32
        %dma_wait3A_249 = arith.constant 0 : i32
        %dma_wait3A_250 = tpu.memref_slice %arg16[%dma_wait3A_248, %dma_wait3A_249] : memref<10240x16xf32, #tpu.memory_space<vmem_shared>> -> memref<10240x16xf32, #tpu.memory_space<vmem_shared>>
        tpu.wait_indirect_dma semaphore(%run_scoped3A_238 : memref<!tpu.dma_semaphore, #tpu.memory_space<semaphore_mem>>) src(%arg14 : memref<128x16xf32, #tpu.memory_space<vmem>>) dst(%dma_wait3A_250 : memref<10240x16xf32, #tpu.memory_space<vmem_shared>>)
        tpu.yield
      }) : () -> ()
      %add3A_215 = arith.constant 4 : i32
      %add3A_216 = arith.addi %add3A_208, %add3A_215 : i32
      %lt3A_217 = arith.cmpi slt, %add3A_216, %select_n3A : i32
      %convert_element_type3A_218 = arith.extui %lt3A_217 : i1 to i32
      %cond3A_219 = arith.constant 0 : i32
      %cond3A_220 = arith.cmpi ne, %convert_element_type3A_218, %cond3A_219 : i32
      scf.if %cond3A_220 {
        %add3A_238 = arith.constant 4 : i32
        %add3A_239 = arith.addi %add3A_208, %add3A_238 : i32
        %dma_start3A_240 = arith.constant 0 : i32
        %dma_start3A_241 = tpu.memref_slice %arg8[%add3A_239, %dma_start3A_240] : memref<80x128xi32, #tpu.memory_space<vmem>> -> memref<1x128xi32, #tpu.memory_space<vmem>>
        %dma_start3A_242 = tpu.memref_squeeze %dma_start3A_241 : memref<1x128xi32, #tpu.memory_space<vmem>> -> memref<128xi32, #tpu.memory_space<vmem>>
        %dma_start3A_243 = arith.constant 0 : i32
        %dma_start3A_244 = arith.constant 0 : i32
        %dma_start3A_245 = tpu.memref_slice %arg2[%dma_start3A_243, %dma_start3A_244] : memref<10240x16xf32, #tpu.memory_space<hbm>> -> memref<10240x16xf32, #tpu.memory_space<hbm>>
        tpu.enqueue_indirect_dma source(%dma_start3A_245 : memref<10240x16xf32, #tpu.memory_space<hbm>>) target(%arg14 : memref<128x16xf32, #tpu.memory_space<vmem>>) offsets(%dma_start3A_242 : memref<128xi32, #tpu.memory_space<vmem>>) semaphore(%arg19 : memref<!tpu.dma_semaphore, #tpu.memory_space<semaphore_mem>>)
      } else {
      }
      %mul3A_221 = arith.constant 4 : i32
      %mul3A_222 = arith.muli %while3A_173, %mul3A_221 : i32
      %add3A_223 = arith.constant 3 : i32
      %add3A_224 = arith.addi %mul3A_222, %add3A_223 : i32
      %dma_wait3A_225 = arith.constant 0 : i32
      %dma_wait3A_226 = tpu.memref_slice %arg8[%add3A_224, %dma_wait3A_225] : memref<80x128xi32, #tpu.memory_space<vmem>> -> memref<1x128xi32, #tpu.memory_space<vmem>>
      %dma_wait3A_227 = tpu.memref_squeeze %dma_wait3A_226 : memref<1x128xi32, #tpu.memory_space<vmem>> -> memref<128xi32, #tpu.memory_space<vmem>>
      %dma_wait3A_228 = arith.constant 0 : i32
      %dma_wait3A_229 = arith.constant 0 : i32
      %dma_wait3A_230 = tpu.memref_slice %arg2[%dma_wait3A_228, %dma_wait3A_229] : memref<10240x16xf32, #tpu.memory_space<hbm>> -> memref<10240x16xf32, #tpu.memory_space<hbm>>
      tpu.wait_indirect_dma semaphore(%arg20 : memref<!tpu.dma_semaphore, #tpu.memory_space<semaphore_mem>>) src(%dma_wait3A_230 : memref<10240x16xf32, #tpu.memory_space<hbm>>) dst(%arg15 : memref<128x16xf32, #tpu.memory_space<vmem>>)
      "tpu.region"() ({
        %run_scoped3A_238 = tpu.sem_alloc : memref<!tpu.dma_semaphore, #tpu.memory_space<semaphore_mem>>
        %dma_start3A_239 = arith.constant 0 : i32
        %dma_start3A_240 = tpu.memref_slice %arg9[%add3A_224, %dma_start3A_239] : memref<80x128xi32, #tpu.memory_space<vmem>> -> memref<1x128xi32, #tpu.memory_space<vmem>>
        %dma_start3A_241 = tpu.memref_squeeze %dma_start3A_240 : memref<1x128xi32, #tpu.memory_space<vmem>> -> memref<128xi32, #tpu.memory_space<vmem>>
        %dma_start3A_242 = arith.constant 0 : i32
        %dma_start3A_243 = arith.constant 0 : i32
        %dma_start3A_244 = tpu.memref_slice %arg16[%dma_start3A_242, %dma_start3A_243] : memref<10240x16xf32, #tpu.memory_space<vmem_shared>> -> memref<10240x16xf32, #tpu.memory_space<vmem_shared>>
        tpu.enqueue_indirect_dma source(%arg15 : memref<128x16xf32, #tpu.memory_space<vmem>>) target(%dma_start3A_244 : memref<10240x16xf32, #tpu.memory_space<vmem_shared>>) offsets(%dma_start3A_241 : memref<128xi32, #tpu.memory_space<vmem>>) semaphore(%run_scoped3A_238 : memref<!tpu.dma_semaphore, #tpu.memory_space<semaphore_mem>>) {add = true}
        %dma_wait3A_245 = arith.constant 0 : i32
        %dma_wait3A_246 = tpu.memref_slice %arg9[%add3A_224, %dma_wait3A_245] : memref<80x128xi32, #tpu.memory_space<vmem>> -> memref<1x128xi32, #tpu.memory_space<vmem>>
        %dma_wait3A_247 = tpu.memref_squeeze %dma_wait3A_246 : memref<1x128xi32, #tpu.memory_space<vmem>> -> memref<128xi32, #tpu.memory_space<vmem>>
        %dma_wait3A_248 = arith.constant 0 : i32
        %dma_wait3A_249 = arith.constant 0 : i32
        %dma_wait3A_250 = tpu.memref_slice %arg16[%dma_wait3A_248, %dma_wait3A_249] : memref<10240x16xf32, #tpu.memory_space<vmem_shared>> -> memref<10240x16xf32, #tpu.memory_space<vmem_shared>>
        tpu.wait_indirect_dma semaphore(%run_scoped3A_238 : memref<!tpu.dma_semaphore, #tpu.memory_space<semaphore_mem>>) src(%arg15 : memref<128x16xf32, #tpu.memory_space<vmem>>) dst(%dma_wait3A_250 : memref<10240x16xf32, #tpu.memory_space<vmem_shared>>)
        tpu.yield
      }) : () -> ()
      %add3A_231 = arith.constant 4 : i32
      %add3A_232 = arith.addi %add3A_224, %add3A_231 : i32
      %lt3A_233 = arith.cmpi slt, %add3A_232, %select_n3A : i32
      %convert_element_type3A_234 = arith.extui %lt3A_233 : i1 to i32
      %cond3A_235 = arith.constant 0 : i32
      %cond3A_236 = arith.cmpi ne, %convert_element_type3A_234, %cond3A_235 : i32
      scf.if %cond3A_236 {
        %add3A_238 = arith.constant 4 : i32
        %add3A_239 = arith.addi %add3A_224, %add3A_238 : i32
        %dma_start3A_240 = arith.constant 0 : i32
        %dma_start3A_241 = tpu.memref_slice %arg8[%add3A_239, %dma_start3A_240] : memref<80x128xi32, #tpu.memory_space<vmem>> -> memref<1x128xi32, #tpu.memory_space<vmem>>
        %dma_start3A_242 = tpu.memref_squeeze %dma_start3A_241 : memref<1x128xi32, #tpu.memory_space<vmem>> -> memref<128xi32, #tpu.memory_space<vmem>>
        %dma_start3A_243 = arith.constant 0 : i32
        %dma_start3A_244 = arith.constant 0 : i32
        %dma_start3A_245 = tpu.memref_slice %arg2[%dma_start3A_243, %dma_start3A_244] : memref<10240x16xf32, #tpu.memory_space<hbm>> -> memref<10240x16xf32, #tpu.memory_space<hbm>>
        tpu.enqueue_indirect_dma source(%dma_start3A_245 : memref<10240x16xf32, #tpu.memory_space<hbm>>) target(%arg15 : memref<128x16xf32, #tpu.memory_space<vmem>>) offsets(%dma_start3A_242 : memref<128xi32, #tpu.memory_space<vmem>>) semaphore(%arg20 : memref<!tpu.dma_semaphore, #tpu.memory_space<semaphore_mem>>)
      } else {
      }
      %while3A_237 = arith.constant 0 : i32
      scf.yield %while3A_237 : i32
    }
    %while3A_93 = arith.constant 1 : i32
    %while3A_94 = scf.for %while3A_173 = %while3A_90 to %while3A_86 step %while3A_93 iter_args(%while3A_174 = %while3A_92) -> (i32)  : i32 {
      %mul3A_175 = arith.constant 4 : i32
      %mul3A_176 = arith.muli %while3A_173, %mul3A_175 : i32
      %add3A = arith.constant 0 : i32
      %add3A_177 = arith.addi %mul3A_176, %add3A : i32
      %dma_wait3A = arith.constant 0 : i32
      %dma_wait3A_178 = tpu.memref_slice %arg8[%add3A_177, %dma_wait3A] : memref<80x128xi32, #tpu.memory_space<vmem>> -> memref<1x128xi32, #tpu.memory_space<vmem>>
      %dma_wait3A_179 = tpu.memref_squeeze %dma_wait3A_178 : memref<1x128xi32, #tpu.memory_space<vmem>> -> memref<128xi32, #tpu.memory_space<vmem>>
      %dma_wait3A_180 = arith.constant 0 : i32
      %dma_wait3A_181 = arith.constant 0 : i32
      %dma_wait3A_182 = tpu.memref_slice %arg2[%dma_wait3A_180, %dma_wait3A_181] : memref<10240x16xf32, #tpu.memory_space<hbm>> -> memref<10240x16xf32, #tpu.memory_space<hbm>>
      tpu.wait_indirect_dma semaphore(%arg17 : memref<!tpu.dma_semaphore, #tpu.memory_space<semaphore_mem>>) src(%dma_wait3A_182 : memref<10240x16xf32, #tpu.memory_space<hbm>>) dst(%arg12 : memref<128x16xf32, #tpu.memory_space<vmem>>)
      "tpu.region"() ({
        %run_scoped3A_238 = tpu.sem_alloc : memref<!tpu.dma_semaphore, #tpu.memory_space<semaphore_mem>>
        %dma_start3A_239 = arith.constant 0 : i32
        %dma_start3A_240 = tpu.memref_slice %arg9[%add3A_177, %dma_start3A_239] : memref<80x128xi32, #tpu.memory_space<vmem>> -> memref<1x128xi32, #tpu.memory_space<vmem>>
        %dma_start3A_241 = tpu.memref_squeeze %dma_start3A_240 : memref<1x128xi32, #tpu.memory_space<vmem>> -> memref<128xi32, #tpu.memory_space<vmem>>
        %dma_start3A_242 = arith.constant 0 : i32
        %dma_start3A_243 = arith.constant 0 : i32
        %dma_start3A_244 = tpu.memref_slice %arg16[%dma_start3A_242, %dma_start3A_243] : memref<10240x16xf32, #tpu.memory_space<vmem_shared>> -> memref<10240x16xf32, #tpu.memory_space<vmem_shared>>
        tpu.enqueue_indirect_dma source(%arg12 : memref<128x16xf32, #tpu.memory_space<vmem>>) target(%dma_start3A_244 : memref<10240x16xf32, #tpu.memory_space<vmem_shared>>) offsets(%dma_start3A_241 : memref<128xi32, #tpu.memory_space<vmem>>) semaphore(%run_scoped3A_238 : memref<!tpu.dma_semaphore, #tpu.memory_space<semaphore_mem>>) {add = true}
        %dma_wait3A_245 = arith.constant 0 : i32
        %dma_wait3A_246 = tpu.memref_slice %arg9[%add3A_177, %dma_wait3A_245] : memref<80x128xi32, #tpu.memory_space<vmem>> -> memref<1x128xi32, #tpu.memory_space<vmem>>
        %dma_wait3A_247 = tpu.memref_squeeze %dma_wait3A_246 : memref<1x128xi32, #tpu.memory_space<vmem>> -> memref<128xi32, #tpu.memory_space<vmem>>
        %dma_wait3A_248 = arith.constant 0 : i32
        %dma_wait3A_249 = arith.constant 0 : i32
        %dma_wait3A_250 = tpu.memref_slice %arg16[%dma_wait3A_248, %dma_wait3A_249] : memref<10240x16xf32, #tpu.memory_space<vmem_shared>> -> memref<10240x16xf32, #tpu.memory_space<vmem_shared>>
        tpu.wait_indirect_dma semaphore(%run_scoped3A_238 : memref<!tpu.dma_semaphore, #tpu.memory_space<semaphore_mem>>) src(%arg12 : memref<128x16xf32, #tpu.memory_space<vmem>>) dst(%dma_wait3A_250 : memref<10240x16xf32, #tpu.memory_space<vmem_shared>>)
        tpu.yield
      }) : () -> ()
      %add3A_183 = arith.constant 4 : i32
      %add3A_184 = arith.addi %add3A_177, %add3A_183 : i32
      %lt3A_185 = arith.cmpi slt, %add3A_184, %select_n3A : i32
      %convert_element_type3A_186 = arith.extui %lt3A_185 : i1 to i32
      %cond3A_187 = arith.constant 0 : i32
      %cond3A_188 = arith.cmpi ne, %convert_element_type3A_186, %cond3A_187 : i32
      scf.if %cond3A_188 {
        %add3A_238 = arith.constant 4 : i32
        %add3A_239 = arith.addi %add3A_177, %add3A_238 : i32
        %dma_start3A_240 = arith.constant 0 : i32
        %dma_start3A_241 = tpu.memref_slice %arg8[%add3A_239, %dma_start3A_240] : memref<80x128xi32, #tpu.memory_space<vmem>> -> memref<1x128xi32, #tpu.memory_space<vmem>>
        %dma_start3A_242 = tpu.memref_squeeze %dma_start3A_241 : memref<1x128xi32, #tpu.memory_space<vmem>> -> memref<128xi32, #tpu.memory_space<vmem>>
        %dma_start3A_243 = arith.constant 0 : i32
        %dma_start3A_244 = arith.constant 0 : i32
        %dma_start3A_245 = tpu.memref_slice %arg2[%dma_start3A_243, %dma_start3A_244] : memref<10240x16xf32, #tpu.memory_space<hbm>> -> memref<10240x16xf32, #tpu.memory_space<hbm>>
        tpu.enqueue_indirect_dma source(%dma_start3A_245 : memref<10240x16xf32, #tpu.memory_space<hbm>>) target(%arg12 : memref<128x16xf32, #tpu.memory_space<vmem>>) offsets(%dma_start3A_242 : memref<128xi32, #tpu.memory_space<vmem>>) semaphore(%arg17 : memref<!tpu.dma_semaphore, #tpu.memory_space<semaphore_mem>>)
      } else {
      }
      %mul3A_189 = arith.constant 4 : i32
      %mul3A_190 = arith.muli %while3A_173, %mul3A_189 : i32
      %add3A_191 = arith.constant 1 : i32
      %add3A_192 = arith.addi %mul3A_190, %add3A_191 : i32
      %dma_wait3A_193 = arith.constant 0 : i32
      %dma_wait3A_194 = tpu.memref_slice %arg8[%add3A_192, %dma_wait3A_193] : memref<80x128xi32, #tpu.memory_space<vmem>> -> memref<1x128xi32, #tpu.memory_space<vmem>>
      %dma_wait3A_195 = tpu.memref_squeeze %dma_wait3A_194 : memref<1x128xi32, #tpu.memory_space<vmem>> -> memref<128xi32, #tpu.memory_space<vmem>>
      %dma_wait3A_196 = arith.constant 0 : i32
      %dma_wait3A_197 = arith.constant 0 : i32
      %dma_wait3A_198 = tpu.memref_slice %arg2[%dma_wait3A_196, %dma_wait3A_197] : memref<10240x16xf32, #tpu.memory_space<hbm>> -> memref<10240x16xf32, #tpu.memory_space<hbm>>
      tpu.wait_indirect_dma semaphore(%arg18 : memref<!tpu.dma_semaphore, #tpu.memory_space<semaphore_mem>>) src(%dma_wait3A_198 : memref<10240x16xf32, #tpu.memory_space<hbm>>) dst(%arg13 : memref<128x16xf32, #tpu.memory_space<vmem>>)
      "tpu.region"() ({
        %run_scoped3A_238 = tpu.sem_alloc : memref<!tpu.dma_semaphore, #tpu.memory_space<semaphore_mem>>
        %dma_start3A_239 = arith.constant 0 : i32
        %dma_start3A_240 = tpu.memref_slice %arg9[%add3A_192, %dma_start3A_239] : memref<80x128xi32, #tpu.memory_space<vmem>> -> memref<1x128xi32, #tpu.memory_space<vmem>>
        %dma_start3A_241 = tpu.memref_squeeze %dma_start3A_240 : memref<1x128xi32, #tpu.memory_space<vmem>> -> memref<128xi32, #tpu.memory_space<vmem>>
        %dma_start3A_242 = arith.constant 0 : i32
        %dma_start3A_243 = arith.constant 0 : i32
        %dma_start3A_244 = tpu.memref_slice %arg16[%dma_start3A_242, %dma_start3A_243] : memref<10240x16xf32, #tpu.memory_space<vmem_shared>> -> memref<10240x16xf32, #tpu.memory_space<vmem_shared>>
        tpu.enqueue_indirect_dma source(%arg13 : memref<128x16xf32, #tpu.memory_space<vmem>>) target(%dma_start3A_244 : memref<10240x16xf32, #tpu.memory_space<vmem_shared>>) offsets(%dma_start3A_241 : memref<128xi32, #tpu.memory_space<vmem>>) semaphore(%run_scoped3A_238 : memref<!tpu.dma_semaphore, #tpu.memory_space<semaphore_mem>>) {add = true}
        %dma_wait3A_245 = arith.constant 0 : i32
        %dma_wait3A_246 = tpu.memref_slice %arg9[%add3A_192, %dma_wait3A_245] : memref<80x128xi32, #tpu.memory_space<vmem>> -> memref<1x128xi32, #tpu.memory_space<vmem>>
        %dma_wait3A_247 = tpu.memref_squeeze %dma_wait3A_246 : memref<1x128xi32, #tpu.memory_space<vmem>> -> memref<128xi32, #tpu.memory_space<vmem>>
        %dma_wait3A_248 = arith.constant 0 : i32
        %dma_wait3A_249 = arith.constant 0 : i32
        %dma_wait3A_250 = tpu.memref_slice %arg16[%dma_wait3A_248, %dma_wait3A_249] : memref<10240x16xf32, #tpu.memory_space<vmem_shared>> -> memref<10240x16xf32, #tpu.memory_space<vmem_shared>>
        tpu.wait_indirect_dma semaphore(%run_scoped3A_238 : memref<!tpu.dma_semaphore, #tpu.memory_space<semaphore_mem>>) src(%arg13 : memref<128x16xf32, #tpu.memory_space<vmem>>) dst(%dma_wait3A_250 : memref<10240x16xf32, #tpu.memory_space<vmem_shared>>)
        tpu.yield
      }) : () -> ()
      %add3A_199 = arith.constant 4 : i32
      %add3A_200 = arith.addi %add3A_192, %add3A_199 : i32
      %lt3A_201 = arith.cmpi slt, %add3A_200, %select_n3A : i32
      %convert_element_type3A_202 = arith.extui %lt3A_201 : i1 to i32
      %cond3A_203 = arith.constant 0 : i32
      %cond3A_204 = arith.cmpi ne, %convert_element_type3A_202, %cond3A_203 : i32
      scf.if %cond3A_204 {
        %add3A_238 = arith.constant 4 : i32
        %add3A_239 = arith.addi %add3A_192, %add3A_238 : i32
        %dma_start3A_240 = arith.constant 0 : i32
        %dma_start3A_241 = tpu.memref_slice %arg8[%add3A_239, %dma_start3A_240] : memref<80x128xi32, #tpu.memory_space<vmem>> -> memref<1x128xi32, #tpu.memory_space<vmem>>
        %dma_start3A_242 = tpu.memref_squeeze %dma_start3A_241 : memref<1x128xi32, #tpu.memory_space<vmem>> -> memref<128xi32, #tpu.memory_space<vmem>>
        %dma_start3A_243 = arith.constant 0 : i32
        %dma_start3A_244 = arith.constant 0 : i32
        %dma_start3A_245 = tpu.memref_slice %arg2[%dma_start3A_243, %dma_start3A_244] : memref<10240x16xf32, #tpu.memory_space<hbm>> -> memref<10240x16xf32, #tpu.memory_space<hbm>>
        tpu.enqueue_indirect_dma source(%dma_start3A_245 : memref<10240x16xf32, #tpu.memory_space<hbm>>) target(%arg13 : memref<128x16xf32, #tpu.memory_space<vmem>>) offsets(%dma_start3A_242 : memref<128xi32, #tpu.memory_space<vmem>>) semaphore(%arg18 : memref<!tpu.dma_semaphore, #tpu.memory_space<semaphore_mem>>)
      } else {
      }
      %mul3A_205 = arith.constant 4 : i32
      %mul3A_206 = arith.muli %while3A_173, %mul3A_205 : i32
      %add3A_207 = arith.constant 2 : i32
      %add3A_208 = arith.addi %mul3A_206, %add3A_207 : i32
      %dma_wait3A_209 = arith.constant 0 : i32
      %dma_wait3A_210 = tpu.memref_slice %arg8[%add3A_208, %dma_wait3A_209] : memref<80x128xi32, #tpu.memory_space<vmem>> -> memref<1x128xi32, #tpu.memory_space<vmem>>
      %dma_wait3A_211 = tpu.memref_squeeze %dma_wait3A_210 : memref<1x128xi32, #tpu.memory_space<vmem>> -> memref<128xi32, #tpu.memory_space<vmem>>
      %dma_wait3A_212 = arith.constant 0 : i32
      %dma_wait3A_213 = arith.constant 0 : i32
      %dma_wait3A_214 = tpu.memref_slice %arg2[%dma_wait3A_212, %dma_wait3A_213] : memref<10240x16xf32, #tpu.memory_space<hbm>> -> memref<10240x16xf32, #tpu.memory_space<hbm>>
      tpu.wait_indirect_dma semaphore(%arg19 : memref<!tpu.dma_semaphore, #tpu.memory_space<semaphore_mem>>) src(%dma_wait3A_214 : memref<10240x16xf32, #tpu.memory_space<hbm>>) dst(%arg14 : memref<128x16xf32, #tpu.memory_space<vmem>>)
      "tpu.region"() ({
        %run_scoped3A_238 = tpu.sem_alloc : memref<!tpu.dma_semaphore, #tpu.memory_space<semaphore_mem>>
        %dma_start3A_239 = arith.constant 0 : i32
        %dma_start3A_240 = tpu.memref_slice %arg9[%add3A_208, %dma_start3A_239] : memref<80x128xi32, #tpu.memory_space<vmem>> -> memref<1x128xi32, #tpu.memory_space<vmem>>
        %dma_start3A_241 = tpu.memref_squeeze %dma_start3A_240 : memref<1x128xi32, #tpu.memory_space<vmem>> -> memref<128xi32, #tpu.memory_space<vmem>>
        %dma_start3A_242 = arith.constant 0 : i32
        %dma_start3A_243 = arith.constant 0 : i32
        %dma_start3A_244 = tpu.memref_slice %arg16[%dma_start3A_242, %dma_start3A_243] : memref<10240x16xf32, #tpu.memory_space<vmem_shared>> -> memref<10240x16xf32, #tpu.memory_space<vmem_shared>>
        tpu.enqueue_indirect_dma source(%arg14 : memref<128x16xf32, #tpu.memory_space<vmem>>) target(%dma_start3A_244 : memref<10240x16xf32, #tpu.memory_space<vmem_shared>>) offsets(%dma_start3A_241 : memref<128xi32, #tpu.memory_space<vmem>>) semaphore(%run_scoped3A_238 : memref<!tpu.dma_semaphore, #tpu.memory_space<semaphore_mem>>) {add = true}
        %dma_wait3A_245 = arith.constant 0 : i32
        %dma_wait3A_246 = tpu.memref_slice %arg9[%add3A_208, %dma_wait3A_245] : memref<80x128xi32, #tpu.memory_space<vmem>> -> memref<1x128xi32, #tpu.memory_space<vmem>>
        %dma_wait3A_247 = tpu.memref_squeeze %dma_wait3A_246 : memref<1x128xi32, #tpu.memory_space<vmem>> -> memref<128xi32, #tpu.memory_space<vmem>>
        %dma_wait3A_248 = arith.constant 0 : i32
        %dma_wait3A_249 = arith.constant 0 : i32
        %dma_wait3A_250 = tpu.memref_slice %arg16[%dma_wait3A_248, %dma_wait3A_249] : memref<10240x16xf32, #tpu.memory_space<vmem_shared>> -> memref<10240x16xf32, #tpu.memory_space<vmem_shared>>
        tpu.wait_indirect_dma semaphore(%run_scoped3A_238 : memref<!tpu.dma_semaphore, #tpu.memory_space<semaphore_mem>>) src(%arg14 : memref<128x16xf32, #tpu.memory_space<vmem>>) dst(%dma_wait3A_250 : memref<10240x16xf32, #tpu.memory_space<vmem_shared>>)
        tpu.yield
      }) : () -> ()
      %add3A_215 = arith.constant 4 : i32
      %add3A_216 = arith.addi %add3A_208, %add3A_215 : i32
      %lt3A_217 = arith.cmpi slt, %add3A_216, %select_n3A : i32
      %convert_element_type3A_218 = arith.extui %lt3A_217 : i1 to i32
      %cond3A_219 = arith.constant 0 : i32
      %cond3A_220 = arith.cmpi ne, %convert_element_type3A_218, %cond3A_219 : i32
      scf.if %cond3A_220 {
        %add3A_238 = arith.constant 4 : i32
        %add3A_239 = arith.addi %add3A_208, %add3A_238 : i32
        %dma_start3A_240 = arith.constant 0 : i32
        %dma_start3A_241 = tpu.memref_slice %arg8[%add3A_239, %dma_start3A_240] : memref<80x128xi32, #tpu.memory_space<vmem>> -> memref<1x128xi32, #tpu.memory_space<vmem>>
        %dma_start3A_242 = tpu.memref_squeeze %dma_start3A_241 : memref<1x128xi32, #tpu.memory_space<vmem>> -> memref<128xi32, #tpu.memory_space<vmem>>
        %dma_start3A_243 = arith.constant 0 : i32
        %dma_start3A_244 = arith.constant 0 : i32
        %dma_start3A_245 = tpu.memref_slice %arg2[%dma_start3A_243, %dma_start3A_244] : memref<10240x16xf32, #tpu.memory_space<hbm>> -> memref<10240x16xf32, #tpu.memory_space<hbm>>
        tpu.enqueue_indirect_dma source(%dma_start3A_245 : memref<10240x16xf32, #tpu.memory_space<hbm>>) target(%arg14 : memref<128x16xf32, #tpu.memory_space<vmem>>) offsets(%dma_start3A_242 : memref<128xi32, #tpu.memory_space<vmem>>) semaphore(%arg19 : memref<!tpu.dma_semaphore, #tpu.memory_space<semaphore_mem>>)
      } else {
      }
      %mul3A_221 = arith.constant 4 : i32
      %mul3A_222 = arith.muli %while3A_173, %mul3A_221 : i32
      %add3A_223 = arith.constant 3 : i32
      %add3A_224 = arith.addi %mul3A_222, %add3A_223 : i32
      %dma_wait3A_225 = arith.constant 0 : i32
      %dma_wait3A_226 = tpu.memref_slice %arg8[%add3A_224, %dma_wait3A_225] : memref<80x128xi32, #tpu.memory_space<vmem>> -> memref<1x128xi32, #tpu.memory_space<vmem>>
      %dma_wait3A_227 = tpu.memref_squeeze %dma_wait3A_226 : memref<1x128xi32, #tpu.memory_space<vmem>> -> memref<128xi32, #tpu.memory_space<vmem>>
      %dma_wait3A_228 = arith.constant 0 : i32
      %dma_wait3A_229 = arith.constant 0 : i32
      %dma_wait3A_230 = tpu.memref_slice %arg2[%dma_wait3A_228, %dma_wait3A_229] : memref<10240x16xf32, #tpu.memory_space<hbm>> -> memref<10240x16xf32, #tpu.memory_space<hbm>>
      tpu.wait_indirect_dma semaphore(%arg20 : memref<!tpu.dma_semaphore, #tpu.memory_space<semaphore_mem>>) src(%dma_wait3A_230 : memref<10240x16xf32, #tpu.memory_space<hbm>>) dst(%arg15 : memref<128x16xf32, #tpu.memory_space<vmem>>)
      "tpu.region"() ({
        %run_scoped3A_238 = tpu.sem_alloc : memref<!tpu.dma_semaphore, #tpu.memory_space<semaphore_mem>>
        %dma_start3A_239 = arith.constant 0 : i32
        %dma_start3A_240 = tpu.memref_slice %arg9[%add3A_224, %dma_start3A_239] : memref<80x128xi32, #tpu.memory_space<vmem>> -> memref<1x128xi32, #tpu.memory_space<vmem>>
        %dma_start3A_241 = tpu.memref_squeeze %dma_start3A_240 : memref<1x128xi32, #tpu.memory_space<vmem>> -> memref<128xi32, #tpu.memory_space<vmem>>
        %dma_start3A_242 = arith.constant 0 : i32
        %dma_start3A_243 = arith.constant 0 : i32
        %dma_start3A_244 = tpu.memref_slice %arg16[%dma_start3A_242, %dma_start3A_243] : memref<10240x16xf32, #tpu.memory_space<vmem_shared>> -> memref<10240x16xf32, #tpu.memory_space<vmem_shared>>
        tpu.enqueue_indirect_dma source(%arg15 : memref<128x16xf32, #tpu.memory_space<vmem>>) target(%dma_start3A_244 : memref<10240x16xf32, #tpu.memory_space<vmem_shared>>) offsets(%dma_start3A_241 : memref<128xi32, #tpu.memory_space<vmem>>) semaphore(%run_scoped3A_238 : memref<!tpu.dma_semaphore, #tpu.memory_space<semaphore_mem>>) {add = true}
        %dma_wait3A_245 = arith.constant 0 : i32
        %dma_wait3A_246 = tpu.memref_slice %arg9[%add3A_224, %dma_wait3A_245] : memref<80x128xi32, #tpu.memory_space<vmem>> -> memref<1x128xi32, #tpu.memory_space<vmem>>
        %dma_wait3A_247 = tpu.memref_squeeze %dma_wait3A_246 : memref<1x128xi32, #tpu.memory_space<vmem>> -> memref<128xi32, #tpu.memory_space<vmem>>
        %dma_wait3A_248 = arith.constant 0 : i32
        %dma_wait3A_249 = arith.constant 0 : i32
        %dma_wait3A_250 = tpu.memref_slice %arg16[%dma_wait3A_248, %dma_wait3A_249] : memref<10240x16xf32, #tpu.memory_space<vmem_shared>> -> memref<10240x16xf32, #tpu.memory_space<vmem_shared>>
        tpu.wait_indirect_dma semaphore(%run_scoped3A_238 : memref<!tpu.dma_semaphore, #tpu.memory_space<semaphore_mem>>) src(%arg15 : memref<128x16xf32, #tpu.memory_space<vmem>>) dst(%dma_wait3A_250 : memref<10240x16xf32, #tpu.memory_space<vmem_shared>>)
        tpu.yield
      }) : () -> ()
      %add3A_231 = arith.constant 4 : i32
      %add3A_232 = arith.addi %add3A_224, %add3A_231 : i32
      %lt3A_233 = arith.cmpi slt, %add3A_232, %select_n3A : i32
      %convert_element_type3A_234 = arith.extui %lt3A_233 : i1 to i32
      %cond3A_235 = arith.constant 0 : i32
      %cond3A_236 = arith.cmpi ne, %convert_element_type3A_234, %cond3A_235 : i32
      scf.if %cond3A_236 {
        %add3A_238 = arith.constant 4 : i32
        %add3A_239 = arith.addi %add3A_224, %add3A_238 : i32
        %dma_start3A_240 = arith.constant 0 : i32
        %dma_start3A_241 = tpu.memref_slice %arg8[%add3A_239, %dma_start3A_240] : memref<80x128xi32, #tpu.memory_space<vmem>> -> memref<1x128xi32, #tpu.memory_space<vmem>>
        %dma_start3A_242 = tpu.memref_squeeze %dma_start3A_241 : memref<1x128xi32, #tpu.memory_space<vmem>> -> memref<128xi32, #tpu.memory_space<vmem>>
        %dma_start3A_243 = arith.constant 0 : i32
        %dma_start3A_244 = arith.constant 0 : i32
        %dma_start3A_245 = tpu.memref_slice %arg2[%dma_start3A_243, %dma_start3A_244] : memref<10240x16xf32, #tpu.memory_space<hbm>> -> memref<10240x16xf32, #tpu.memory_space<hbm>>
        tpu.enqueue_indirect_dma source(%dma_start3A_245 : memref<10240x16xf32, #tpu.memory_space<hbm>>) target(%arg15 : memref<128x16xf32, #tpu.memory_space<vmem>>) offsets(%dma_start3A_242 : memref<128xi32, #tpu.memory_space<vmem>>) semaphore(%arg20 : memref<!tpu.dma_semaphore, #tpu.memory_space<semaphore_mem>>)
      } else {
      }
      %while3A_237 = arith.constant 0 : i32
      scf.yield %while3A_237 : i32
    }
    "tpu.region"() ({
      %run_scoped3A_173 = tpu.sem_alloc : memref<!tpu.dma_semaphore, #tpu.memory_space<semaphore_mem>>
      %dma_start3A_174 = arith.constant 0 : i32
      %dma_start3A_175 = tpu.memref_slice %arg22[%arg1, %dma_start3A_174] : memref<16x10240xf32, #tpu.memory_space<vmem_shared>> -> memref<1x10240xf32, #tpu.memory_space<vmem_shared>>
      %dma_start3A_176 = tpu.memref_squeeze %dma_start3A_175 : memref<1x10240xf32, #tpu.memory_space<vmem_shared>> -> memref<10240xf32, #tpu.memory_space<vmem_shared>>
      %dma_start3A_177 = arith.constant 0 : i32
      %dma_start3A_178 = tpu.memref_slice %arg22[%arg1, %dma_start3A_177] : memref<16x10240xf32, #tpu.memory_space<vmem_shared>> -> memref<1x10240xf32, #tpu.memory_space<vmem_shared>>
      %dma_start3A_179 = tpu.memref_squeeze %dma_start3A_178 : memref<1x10240xf32, #tpu.memory_space<vmem_shared>> -> memref<10240xf32, #tpu.memory_space<vmem_shared>>
      tpu.enqueue_dma source(%arg21 : memref<10240xf32, #tpu.memory_space<vmem>>) target(%dma_start3A_179 : memref<10240xf32, #tpu.memory_space<vmem_shared>>) target_semaphore(%run_scoped3A_173 : memref<!tpu.dma_semaphore, #tpu.memory_space<semaphore_mem>>)
      %dma_wait3A = arith.constant 0 : i32
      %dma_wait3A_180 = tpu.memref_slice %arg22[%arg1, %dma_wait3A] : memref<16x10240xf32, #tpu.memory_space<vmem_shared>> -> memref<1x10240xf32, #tpu.memory_space<vmem_shared>>
      %dma_wait3A_181 = tpu.memref_squeeze %dma_wait3A_180 : memref<1x10240xf32, #tpu.memory_space<vmem_shared>> -> memref<10240xf32, #tpu.memory_space<vmem_shared>>
      %dma_wait3A_182 = arith.constant 0 : i32
      %dma_wait3A_183 = tpu.memref_slice %arg22[%arg1, %dma_wait3A_182] : memref<16x10240xf32, #tpu.memory_space<vmem_shared>> -> memref<1x10240xf32, #tpu.memory_space<vmem_shared>>
      %dma_wait3A_184 = tpu.memref_squeeze %dma_wait3A_183 : memref<1x10240xf32, #tpu.memory_space<vmem_shared>> -> memref<10240xf32, #tpu.memory_space<vmem_shared>>
      tpu.wait_dma2 semaphore(%run_scoped3A_173 : memref<!tpu.dma_semaphore, #tpu.memory_space<semaphore_mem>>) src(%arg21 : memref<10240xf32, #tpu.memory_space<vmem>>) dst(%dma_wait3A_184 : memref<10240xf32, #tpu.memory_space<vmem_shared>>)
      tpu.yield
    }) : () -> ()
    %barrier3A_95 = arith.constant 0 : index
    tpu.barrier barrier_id(%barrier3A_95)
    %mul3A_96 = arith.constant 640 : i32
    %mul3A_97 = arith.muli %arg1, %mul3A_96 : i32
    %mul3A_98 = arith.constant 640 : i32
    %mul3A_99 = arith.muli %arg1, %mul3A_98 : i32
    "tpu.region"() ({
      %run_scoped3A_173 = tpu.sem_alloc : memref<!tpu.dma_semaphore, #tpu.memory_space<semaphore_mem>>
      %dma_start3A_174 = arith.constant 0 : i32
      %dma_start3A_175 = tpu.memref_slice %arg6[%arg0, %mul3A_99, %dma_start3A_174] : memref<2x10240x16xf32, #tpu.memory_space<hbm>> -> memref<1x640x16xf32, #tpu.memory_space<hbm>>
      %dma_start3A_176 = tpu.memref_squeeze %dma_start3A_175 : memref<1x640x16xf32, #tpu.memory_space<hbm>> -> memref<640x16xf32, #tpu.memory_space<hbm>>
      %dma_start3A_177 = arith.constant 0 : i32
      %dma_start3A_178 = tpu.memref_slice %arg16[%mul3A_97, %dma_start3A_177] : memref<10240x16xf32, #tpu.memory_space<vmem_shared>> -> memref<640x16xf32, #tpu.memory_space<vmem_shared>>
      tpu.enqueue_dma source(%dma_start3A_178 : memref<640x16xf32, #tpu.memory_space<vmem_shared>>) target(%dma_start3A_176 : memref<640x16xf32, #tpu.memory_space<hbm>>) target_semaphore(%run_scoped3A_173 : memref<!tpu.dma_semaphore, #tpu.memory_space<semaphore_mem>>)
      %dma_wait3A = arith.constant 0 : i32
      %dma_wait3A_179 = tpu.memref_slice %arg6[%arg0, %mul3A_99, %dma_wait3A] : memref<2x10240x16xf32, #tpu.memory_space<hbm>> -> memref<1x640x16xf32, #tpu.memory_space<hbm>>
      %dma_wait3A_180 = tpu.memref_squeeze %dma_wait3A_179 : memref<1x640x16xf32, #tpu.memory_space<hbm>> -> memref<640x16xf32, #tpu.memory_space<hbm>>
      %dma_wait3A_181 = arith.constant 0 : i32
      %dma_wait3A_182 = tpu.memref_slice %arg16[%mul3A_97, %dma_wait3A_181] : memref<10240x16xf32, #tpu.memory_space<vmem_shared>> -> memref<640x16xf32, #tpu.memory_space<vmem_shared>>
      tpu.wait_dma2 semaphore(%run_scoped3A_173 : memref<!tpu.dma_semaphore, #tpu.memory_space<semaphore_mem>>) src(%dma_wait3A_182 : memref<640x16xf32, #tpu.memory_space<vmem_shared>>) dst(%dma_wait3A_180 : memref<640x16xf32, #tpu.memory_space<hbm>>)
      tpu.yield
    }) : () -> ()
    %mul3A_100 = arith.constant 640 : i32
    %mul3A_101 = arith.muli %arg1, %mul3A_100 : i32
    %run_scoped3A = arith.constant 0 : i32
    %run_scoped3A_102 = arith.constant 0 : i32
    "tpu.region"() ({
      %run_scoped3A_173 = tpu.sem_alloc : memref<!tpu.dma_semaphore, #tpu.memory_space<semaphore_mem>>
      %dma_start3A_174 = arith.constant 0 : i32
      %dma_start3A_175 = tpu.memref_slice %arg23[%run_scoped3A_102, %dma_start3A_174] : memref<16x640xf32, #tpu.memory_space<vmem>> -> memref<1x640xf32, #tpu.memory_space<vmem>>
      %dma_start3A_176 = tpu.memref_squeeze %dma_start3A_175 : memref<1x640xf32, #tpu.memory_space<vmem>> -> memref<640xf32, #tpu.memory_space<vmem>>
      %dma_start3A_177 = tpu.memref_slice %arg22[%run_scoped3A, %mul3A_101] : memref<16x10240xf32, #tpu.memory_space<vmem_shared>> -> memref<1x640xf32, #tpu.memory_space<vmem_shared>>
      %dma_start3A_178 = tpu.memref_squeeze %dma_start3A_177 : memref<1x640xf32, #tpu.memory_space<vmem_shared>> -> memref<640xf32, #tpu.memory_space<vmem_shared>>
      %dma_start3A_179 = arith.constant 0 : i32
      %dma_start3A_180 = tpu.memref_slice %arg23[%run_scoped3A_102, %dma_start3A_179] : memref<16x640xf32, #tpu.memory_space<vmem>> -> memref<1x640xf32, #tpu.memory_space<vmem>>
      %dma_start3A_181 = tpu.memref_squeeze %dma_start3A_180 : memref<1x640xf32, #tpu.memory_space<vmem>> -> memref<640xf32, #tpu.memory_space<vmem>>
      %dma_start3A_182 = tpu.memref_slice %arg22[%run_scoped3A, %mul3A_101] : memref<16x10240xf32, #tpu.memory_space<vmem_shared>> -> memref<1x640xf32, #tpu.memory_space<vmem_shared>>
      %dma_start3A_183 = tpu.memref_squeeze %dma_start3A_182 : memref<1x640xf32, #tpu.memory_space<vmem_shared>> -> memref<640xf32, #tpu.memory_space<vmem_shared>>
      tpu.enqueue_dma source(%dma_start3A_183 : memref<640xf32, #tpu.memory_space<vmem_shared>>) target(%dma_start3A_181 : memref<640xf32, #tpu.memory_space<vmem>>) target_semaphore(%run_scoped3A_173 : memref<!tpu.dma_semaphore, #tpu.memory_space<semaphore_mem>>)
      %dma_wait3A = arith.constant 0 : i32
      %dma_wait3A_184 = tpu.memref_slice %arg23[%run_scoped3A_102, %dma_wait3A] : memref<16x640xf32, #tpu.memory_space<vmem>> -> memref<1x640xf32, #tpu.memory_space<vmem>>
      %dma_wait3A_185 = tpu.memref_squeeze %dma_wait3A_184 : memref<1x640xf32, #tpu.memory_space<vmem>> -> memref<640xf32, #tpu.memory_space<vmem>>
      %dma_wait3A_186 = tpu.memref_slice %arg22[%run_scoped3A, %mul3A_101] : memref<16x10240xf32, #tpu.memory_space<vmem_shared>> -> memref<1x640xf32, #tpu.memory_space<vmem_shared>>
      %dma_wait3A_187 = tpu.memref_squeeze %dma_wait3A_186 : memref<1x640xf32, #tpu.memory_space<vmem_shared>> -> memref<640xf32, #tpu.memory_space<vmem_shared>>
      %dma_wait3A_188 = arith.constant 0 : i32
      %dma_wait3A_189 = tpu.memref_slice %arg23[%run_scoped3A_102, %dma_wait3A_188] : memref<16x640xf32, #tpu.memory_space<vmem>> -> memref<1x640xf32, #tpu.memory_space<vmem>>
      %dma_wait3A_190 = tpu.memref_squeeze %dma_wait3A_189 : memref<1x640xf32, #tpu.memory_space<vmem>> -> memref<640xf32, #tpu.memory_space<vmem>>
      %dma_wait3A_191 = tpu.memref_slice %arg22[%run_scoped3A, %mul3A_101] : memref<16x10240xf32, #tpu.memory_space<vmem_shared>> -> memref<1x640xf32, #tpu.memory_space<vmem_shared>>
      %dma_wait3A_192 = tpu.memref_squeeze %dma_wait3A_191 : memref<1x640xf32, #tpu.memory_space<vmem_shared>> -> memref<640xf32, #tpu.memory_space<vmem_shared>>
      tpu.wait_dma2 semaphore(%run_scoped3A_173 : memref<!tpu.dma_semaphore, #tpu.memory_space<semaphore_mem>>) src(%dma_wait3A_192 : memref<640xf32, #tpu.memory_space<vmem_shared>>) dst(%dma_wait3A_190 : memref<640xf32, #tpu.memory_space<vmem>>)
      tpu.yield
    }) : () -> ()
    %mul3A_103 = arith.constant 640 : i32
    %mul3A_104 = arith.muli %arg1, %mul3A_103 : i32
    %run_scoped3A_105 = arith.constant 1 : i32
    %run_scoped3A_106 = arith.constant 1 : i32
    "tpu.region"() ({
      %run_scoped3A_173 = tpu.sem_alloc : memref<!tpu.dma_semaphore, #tpu.memory_space<semaphore_mem>>
      %dma_start3A_174 = arith.constant 0 : i32
      %dma_start3A_175 = tpu.memref_slice %arg23[%run_scoped3A_106, %dma_start3A_174] : memref<16x640xf32, #tpu.memory_space<vmem>> -> memref<1x640xf32, #tpu.memory_space<vmem>>
      %dma_start3A_176 = tpu.memref_squeeze %dma_start3A_175 : memref<1x640xf32, #tpu.memory_space<vmem>> -> memref<640xf32, #tpu.memory_space<vmem>>
      %dma_start3A_177 = tpu.memref_slice %arg22[%run_scoped3A_105, %mul3A_104] : memref<16x10240xf32, #tpu.memory_space<vmem_shared>> -> memref<1x640xf32, #tpu.memory_space<vmem_shared>>
      %dma_start3A_178 = tpu.memref_squeeze %dma_start3A_177 : memref<1x640xf32, #tpu.memory_space<vmem_shared>> -> memref<640xf32, #tpu.memory_space<vmem_shared>>
      %dma_start3A_179 = arith.constant 0 : i32
      %dma_start3A_180 = tpu.memref_slice %arg23[%run_scoped3A_106, %dma_start3A_179] : memref<16x640xf32, #tpu.memory_space<vmem>> -> memref<1x640xf32, #tpu.memory_space<vmem>>
      %dma_start3A_181 = tpu.memref_squeeze %dma_start3A_180 : memref<1x640xf32, #tpu.memory_space<vmem>> -> memref<640xf32, #tpu.memory_space<vmem>>
      %dma_start3A_182 = tpu.memref_slice %arg22[%run_scoped3A_105, %mul3A_104] : memref<16x10240xf32, #tpu.memory_space<vmem_shared>> -> memref<1x640xf32, #tpu.memory_space<vmem_shared>>
      %dma_start3A_183 = tpu.memref_squeeze %dma_start3A_182 : memref<1x640xf32, #tpu.memory_space<vmem_shared>> -> memref<640xf32, #tpu.memory_space<vmem_shared>>
      tpu.enqueue_dma source(%dma_start3A_183 : memref<640xf32, #tpu.memory_space<vmem_shared>>) target(%dma_start3A_181 : memref<640xf32, #tpu.memory_space<vmem>>) target_semaphore(%run_scoped3A_173 : memref<!tpu.dma_semaphore, #tpu.memory_space<semaphore_mem>>)
      %dma_wait3A = arith.constant 0 : i32
      %dma_wait3A_184 = tpu.memref_slice %arg23[%run_scoped3A_106, %dma_wait3A] : memref<16x640xf32, #tpu.memory_space<vmem>> -> memref<1x640xf32, #tpu.memory_space<vmem>>
      %dma_wait3A_185 = tpu.memref_squeeze %dma_wait3A_184 : memref<1x640xf32, #tpu.memory_space<vmem>> -> memref<640xf32, #tpu.memory_space<vmem>>
      %dma_wait3A_186 = tpu.memref_slice %arg22[%run_scoped3A_105, %mul3A_104] : memref<16x10240xf32, #tpu.memory_space<vmem_shared>> -> memref<1x640xf32, #tpu.memory_space<vmem_shared>>
      %dma_wait3A_187 = tpu.memref_squeeze %dma_wait3A_186 : memref<1x640xf32, #tpu.memory_space<vmem_shared>> -> memref<640xf32, #tpu.memory_space<vmem_shared>>
      %dma_wait3A_188 = arith.constant 0 : i32
      %dma_wait3A_189 = tpu.memref_slice %arg23[%run_scoped3A_106, %dma_wait3A_188] : memref<16x640xf32, #tpu.memory_space<vmem>> -> memref<1x640xf32, #tpu.memory_space<vmem>>
      %dma_wait3A_190 = tpu.memref_squeeze %dma_wait3A_189 : memref<1x640xf32, #tpu.memory_space<vmem>> -> memref<640xf32, #tpu.memory_space<vmem>>
      %dma_wait3A_191 = tpu.memref_slice %arg22[%run_scoped3A_105, %mul3A_104] : memref<16x10240xf32, #tpu.memory_space<vmem_shared>> -> memref<1x640xf32, #tpu.memory_space<vmem_shared>>
      %dma_wait3A_192 = tpu.memref_squeeze %dma_wait3A_191 : memref<1x640xf32, #tpu.memory_space<vmem_shared>> -> memref<640xf32, #tpu.memory_space<vmem_shared>>
      tpu.wait_dma2 semaphore(%run_scoped3A_173 : memref<!tpu.dma_semaphore, #tpu.memory_space<semaphore_mem>>) src(%dma_wait3A_192 : memref<640xf32, #tpu.memory_space<vmem_shared>>) dst(%dma_wait3A_190 : memref<640xf32, #tpu.memory_space<vmem>>)
      tpu.yield
    }) : () -> ()
    %mul3A_107 = arith.constant 640 : i32
    %mul3A_108 = arith.muli %arg1, %mul3A_107 : i32
    %run_scoped3A_109 = arith.constant 2 : i32
    %run_scoped3A_110 = arith.constant 2 : i32
    "tpu.region"() ({
      %run_scoped3A_173 = tpu.sem_alloc : memref<!tpu.dma_semaphore, #tpu.memory_space<semaphore_mem>>
      %dma_start3A_174 = arith.constant 0 : i32
      %dma_start3A_175 = tpu.memref_slice %arg23[%run_scoped3A_110, %dma_start3A_174] : memref<16x640xf32, #tpu.memory_space<vmem>> -> memref<1x640xf32, #tpu.memory_space<vmem>>
      %dma_start3A_176 = tpu.memref_squeeze %dma_start3A_175 : memref<1x640xf32, #tpu.memory_space<vmem>> -> memref<640xf32, #tpu.memory_space<vmem>>
      %dma_start3A_177 = tpu.memref_slice %arg22[%run_scoped3A_109, %mul3A_108] : memref<16x10240xf32, #tpu.memory_space<vmem_shared>> -> memref<1x640xf32, #tpu.memory_space<vmem_shared>>
      %dma_start3A_178 = tpu.memref_squeeze %dma_start3A_177 : memref<1x640xf32, #tpu.memory_space<vmem_shared>> -> memref<640xf32, #tpu.memory_space<vmem_shared>>
      %dma_start3A_179 = arith.constant 0 : i32
      %dma_start3A_180 = tpu.memref_slice %arg23[%run_scoped3A_110, %dma_start3A_179] : memref<16x640xf32, #tpu.memory_space<vmem>> -> memref<1x640xf32, #tpu.memory_space<vmem>>
      %dma_start3A_181 = tpu.memref_squeeze %dma_start3A_180 : memref<1x640xf32, #tpu.memory_space<vmem>> -> memref<640xf32, #tpu.memory_space<vmem>>
      %dma_start3A_182 = tpu.memref_slice %arg22[%run_scoped3A_109, %mul3A_108] : memref<16x10240xf32, #tpu.memory_space<vmem_shared>> -> memref<1x640xf32, #tpu.memory_space<vmem_shared>>
      %dma_start3A_183 = tpu.memref_squeeze %dma_start3A_182 : memref<1x640xf32, #tpu.memory_space<vmem_shared>> -> memref<640xf32, #tpu.memory_space<vmem_shared>>
      tpu.enqueue_dma source(%dma_start3A_183 : memref<640xf32, #tpu.memory_space<vmem_shared>>) target(%dma_start3A_181 : memref<640xf32, #tpu.memory_space<vmem>>) target_semaphore(%run_scoped3A_173 : memref<!tpu.dma_semaphore, #tpu.memory_space<semaphore_mem>>)
      %dma_wait3A = arith.constant 0 : i32
      %dma_wait3A_184 = tpu.memref_slice %arg23[%run_scoped3A_110, %dma_wait3A] : memref<16x640xf32, #tpu.memory_space<vmem>> -> memref<1x640xf32, #tpu.memory_space<vmem>>
      %dma_wait3A_185 = tpu.memref_squeeze %dma_wait3A_184 : memref<1x640xf32, #tpu.memory_space<vmem>> -> memref<640xf32, #tpu.memory_space<vmem>>
      %dma_wait3A_186 = tpu.memref_slice %arg22[%run_scoped3A_109, %mul3A_108] : memref<16x10240xf32, #tpu.memory_space<vmem_shared>> -> memref<1x640xf32, #tpu.memory_space<vmem_shared>>
      %dma_wait3A_187 = tpu.memref_squeeze %dma_wait3A_186 : memref<1x640xf32, #tpu.memory_space<vmem_shared>> -> memref<640xf32, #tpu.memory_space<vmem_shared>>
      %dma_wait3A_188 = arith.constant 0 : i32
      %dma_wait3A_189 = tpu.memref_slice %arg23[%run_scoped3A_110, %dma_wait3A_188] : memref<16x640xf32, #tpu.memory_space<vmem>> -> memref<1x640xf32, #tpu.memory_space<vmem>>
      %dma_wait3A_190 = tpu.memref_squeeze %dma_wait3A_189 : memref<1x640xf32, #tpu.memory_space<vmem>> -> memref<640xf32, #tpu.memory_space<vmem>>
      %dma_wait3A_191 = tpu.memref_slice %arg22[%run_scoped3A_109, %mul3A_108] : memref<16x10240xf32, #tpu.memory_space<vmem_shared>> -> memref<1x640xf32, #tpu.memory_space<vmem_shared>>
      %dma_wait3A_192 = tpu.memref_squeeze %dma_wait3A_191 : memref<1x640xf32, #tpu.memory_space<vmem_shared>> -> memref<640xf32, #tpu.memory_space<vmem_shared>>
      tpu.wait_dma2 semaphore(%run_scoped3A_173 : memref<!tpu.dma_semaphore, #tpu.memory_space<semaphore_mem>>) src(%dma_wait3A_192 : memref<640xf32, #tpu.memory_space<vmem_shared>>) dst(%dma_wait3A_190 : memref<640xf32, #tpu.memory_space<vmem>>)
      tpu.yield
    }) : () -> ()
    %mul3A_111 = arith.constant 640 : i32
    %mul3A_112 = arith.muli %arg1, %mul3A_111 : i32
    %run_scoped3A_113 = arith.constant 3 : i32
    %run_scoped3A_114 = arith.constant 3 : i32
    "tpu.region"() ({
      %run_scoped3A_173 = tpu.sem_alloc : memref<!tpu.dma_semaphore, #tpu.memory_space<semaphore_mem>>
      %dma_start3A_174 = arith.constant 0 : i32
      %dma_start3A_175 = tpu.memref_slice %arg23[%run_scoped3A_114, %dma_start3A_174] : memref<16x640xf32, #tpu.memory_space<vmem>> -> memref<1x640xf32, #tpu.memory_space<vmem>>
      %dma_start3A_176 = tpu.memref_squeeze %dma_start3A_175 : memref<1x640xf32, #tpu.memory_space<vmem>> -> memref<640xf32, #tpu.memory_space<vmem>>
      %dma_start3A_177 = tpu.memref_slice %arg22[%run_scoped3A_113, %mul3A_112] : memref<16x10240xf32, #tpu.memory_space<vmem_shared>> -> memref<1x640xf32, #tpu.memory_space<vmem_shared>>
      %dma_start3A_178 = tpu.memref_squeeze %dma_start3A_177 : memref<1x640xf32, #tpu.memory_space<vmem_shared>> -> memref<640xf32, #tpu.memory_space<vmem_shared>>
      %dma_start3A_179 = arith.constant 0 : i32
      %dma_start3A_180 = tpu.memref_slice %arg23[%run_scoped3A_114, %dma_start3A_179] : memref<16x640xf32, #tpu.memory_space<vmem>> -> memref<1x640xf32, #tpu.memory_space<vmem>>
      %dma_start3A_181 = tpu.memref_squeeze %dma_start3A_180 : memref<1x640xf32, #tpu.memory_space<vmem>> -> memref<640xf32, #tpu.memory_space<vmem>>
      %dma_start3A_182 = tpu.memref_slice %arg22[%run_scoped3A_113, %mul3A_112] : memref<16x10240xf32, #tpu.memory_space<vmem_shared>> -> memref<1x640xf32, #tpu.memory_space<vmem_shared>>
      %dma_start3A_183 = tpu.memref_squeeze %dma_start3A_182 : memref<1x640xf32, #tpu.memory_space<vmem_shared>> -> memref<640xf32, #tpu.memory_space<vmem_shared>>
      tpu.enqueue_dma source(%dma_start3A_183 : memref<640xf32, #tpu.memory_space<vmem_shared>>) target(%dma_start3A_181 : memref<640xf32, #tpu.memory_space<vmem>>) target_semaphore(%run_scoped3A_173 : memref<!tpu.dma_semaphore, #tpu.memory_space<semaphore_mem>>)
      %dma_wait3A = arith.constant 0 : i32
      %dma_wait3A_184 = tpu.memref_slice %arg23[%run_scoped3A_114, %dma_wait3A] : memref<16x640xf32, #tpu.memory_space<vmem>> -> memref<1x640xf32, #tpu.memory_space<vmem>>
      %dma_wait3A_185 = tpu.memref_squeeze %dma_wait3A_184 : memref<1x640xf32, #tpu.memory_space<vmem>> -> memref<640xf32, #tpu.memory_space<vmem>>
      %dma_wait3A_186 = tpu.memref_slice %arg22[%run_scoped3A_113, %mul3A_112] : memref<16x10240xf32, #tpu.memory_space<vmem_shared>> -> memref<1x640xf32, #tpu.memory_space<vmem_shared>>
      %dma_wait3A_187 = tpu.memref_squeeze %dma_wait3A_186 : memref<1x640xf32, #tpu.memory_space<vmem_shared>> -> memref<640xf32, #tpu.memory_space<vmem_shared>>
      %dma_wait3A_188 = arith.constant 0 : i32
      %dma_wait3A_189 = tpu.memref_slice %arg23[%run_scoped3A_114, %dma_wait3A_188] : memref<16x640xf32, #tpu.memory_space<vmem>> -> memref<1x640xf32, #tpu.memory_space<vmem>>
      %dma_wait3A_190 = tpu.memref_squeeze %dma_wait3A_189 : memref<1x640xf32, #tpu.memory_space<vmem>> -> memref<640xf32, #tpu.memory_space<vmem>>
      %dma_wait3A_191 = tpu.memref_slice %arg22[%run_scoped3A_113, %mul3A_112] : memref<16x10240xf32, #tpu.memory_space<vmem_shared>> -> memref<1x640xf32, #tpu.memory_space<vmem_shared>>
      %dma_wait3A_192 = tpu.memref_squeeze %dma_wait3A_191 : memref<1x640xf32, #tpu.memory_space<vmem_shared>> -> memref<640xf32, #tpu.memory_space<vmem_shared>>
      tpu.wait_dma2 semaphore(%run_scoped3A_173 : memref<!tpu.dma_semaphore, #tpu.memory_space<semaphore_mem>>) src(%dma_wait3A_192 : memref<640xf32, #tpu.memory_space<vmem_shared>>) dst(%dma_wait3A_190 : memref<640xf32, #tpu.memory_space<vmem>>)
      tpu.yield
    }) : () -> ()
    %mul3A_115 = arith.constant 640 : i32
    %mul3A_116 = arith.muli %arg1, %mul3A_115 : i32
    %run_scoped3A_117 = arith.constant 4 : i32
    %run_scoped3A_118 = arith.constant 4 : i32
    "tpu.region"() ({
      %run_scoped3A_173 = tpu.sem_alloc : memref<!tpu.dma_semaphore, #tpu.memory_space<semaphore_mem>>
      %dma_start3A_174 = arith.constant 0 : i32
      %dma_start3A_175 = tpu.memref_slice %arg23[%run_scoped3A_118, %dma_start3A_174] : memref<16x640xf32, #tpu.memory_space<vmem>> -> memref<1x640xf32, #tpu.memory_space<vmem>>
      %dma_start3A_176 = tpu.memref_squeeze %dma_start3A_175 : memref<1x640xf32, #tpu.memory_space<vmem>> -> memref<640xf32, #tpu.memory_space<vmem>>
      %dma_start3A_177 = tpu.memref_slice %arg22[%run_scoped3A_117, %mul3A_116] : memref<16x10240xf32, #tpu.memory_space<vmem_shared>> -> memref<1x640xf32, #tpu.memory_space<vmem_shared>>
      %dma_start3A_178 = tpu.memref_squeeze %dma_start3A_177 : memref<1x640xf32, #tpu.memory_space<vmem_shared>> -> memref<640xf32, #tpu.memory_space<vmem_shared>>
      %dma_start3A_179 = arith.constant 0 : i32
      %dma_start3A_180 = tpu.memref_slice %arg23[%run_scoped3A_118, %dma_start3A_179] : memref<16x640xf32, #tpu.memory_space<vmem>> -> memref<1x640xf32, #tpu.memory_space<vmem>>
      %dma_start3A_181 = tpu.memref_squeeze %dma_start3A_180 : memref<1x640xf32, #tpu.memory_space<vmem>> -> memref<640xf32, #tpu.memory_space<vmem>>
      %dma_start3A_182 = tpu.memref_slice %arg22[%run_scoped3A_117, %mul3A_116] : memref<16x10240xf32, #tpu.memory_space<vmem_shared>> -> memref<1x640xf32, #tpu.memory_space<vmem_shared>>
      %dma_start3A_183 = tpu.memref_squeeze %dma_start3A_182 : memref<1x640xf32, #tpu.memory_space<vmem_shared>> -> memref<640xf32, #tpu.memory_space<vmem_shared>>
      tpu.enqueue_dma source(%dma_start3A_183 : memref<640xf32, #tpu.memory_space<vmem_shared>>) target(%dma_start3A_181 : memref<640xf32, #tpu.memory_space<vmem>>) target_semaphore(%run_scoped3A_173 : memref<!tpu.dma_semaphore, #tpu.memory_space<semaphore_mem>>)
      %dma_wait3A = arith.constant 0 : i32
      %dma_wait3A_184 = tpu.memref_slice %arg23[%run_scoped3A_118, %dma_wait3A] : memref<16x640xf32, #tpu.memory_space<vmem>> -> memref<1x640xf32, #tpu.memory_space<vmem>>
      %dma_wait3A_185 = tpu.memref_squeeze %dma_wait3A_184 : memref<1x640xf32, #tpu.memory_space<vmem>> -> memref<640xf32, #tpu.memory_space<vmem>>
      %dma_wait3A_186 = tpu.memref_slice %arg22[%run_scoped3A_117, %mul3A_116] : memref<16x10240xf32, #tpu.memory_space<vmem_shared>> -> memref<1x640xf32, #tpu.memory_space<vmem_shared>>
      %dma_wait3A_187 = tpu.memref_squeeze %dma_wait3A_186 : memref<1x640xf32, #tpu.memory_space<vmem_shared>> -> memref<640xf32, #tpu.memory_space<vmem_shared>>
      %dma_wait3A_188 = arith.constant 0 : i32
      %dma_wait3A_189 = tpu.memref_slice %arg23[%run_scoped3A_118, %dma_wait3A_188] : memref<16x640xf32, #tpu.memory_space<vmem>> -> memref<1x640xf32, #tpu.memory_space<vmem>>
      %dma_wait3A_190 = tpu.memref_squeeze %dma_wait3A_189 : memref<1x640xf32, #tpu.memory_space<vmem>> -> memref<640xf32, #tpu.memory_space<vmem>>
      %dma_wait3A_191 = tpu.memref_slice %arg22[%run_scoped3A_117, %mul3A_116] : memref<16x10240xf32, #tpu.memory_space<vmem_shared>> -> memref<1x640xf32, #tpu.memory_space<vmem_shared>>
      %dma_wait3A_192 = tpu.memref_squeeze %dma_wait3A_191 : memref<1x640xf32, #tpu.memory_space<vmem_shared>> -> memref<640xf32, #tpu.memory_space<vmem_shared>>
      tpu.wait_dma2 semaphore(%run_scoped3A_173 : memref<!tpu.dma_semaphore, #tpu.memory_space<semaphore_mem>>) src(%dma_wait3A_192 : memref<640xf32, #tpu.memory_space<vmem_shared>>) dst(%dma_wait3A_190 : memref<640xf32, #tpu.memory_space<vmem>>)
      tpu.yield
    }) : () -> ()
    %mul3A_119 = arith.constant 640 : i32
    %mul3A_120 = arith.muli %arg1, %mul3A_119 : i32
    %run_scoped3A_121 = arith.constant 5 : i32
    %run_scoped3A_122 = arith.constant 5 : i32
    "tpu.region"() ({
      %run_scoped3A_173 = tpu.sem_alloc : memref<!tpu.dma_semaphore, #tpu.memory_space<semaphore_mem>>
      %dma_start3A_174 = arith.constant 0 : i32
      %dma_start3A_175 = tpu.memref_slice %arg23[%run_scoped3A_122, %dma_start3A_174] : memref<16x640xf32, #tpu.memory_space<vmem>> -> memref<1x640xf32, #tpu.memory_space<vmem>>
      %dma_start3A_176 = tpu.memref_squeeze %dma_start3A_175 : memref<1x640xf32, #tpu.memory_space<vmem>> -> memref<640xf32, #tpu.memory_space<vmem>>
      %dma_start3A_177 = tpu.memref_slice %arg22[%run_scoped3A_121, %mul3A_120] : memref<16x10240xf32, #tpu.memory_space<vmem_shared>> -> memref<1x640xf32, #tpu.memory_space<vmem_shared>>
      %dma_start3A_178 = tpu.memref_squeeze %dma_start3A_177 : memref<1x640xf32, #tpu.memory_space<vmem_shared>> -> memref<640xf32, #tpu.memory_space<vmem_shared>>
      %dma_start3A_179 = arith.constant 0 : i32
      %dma_start3A_180 = tpu.memref_slice %arg23[%run_scoped3A_122, %dma_start3A_179] : memref<16x640xf32, #tpu.memory_space<vmem>> -> memref<1x640xf32, #tpu.memory_space<vmem>>
      %dma_start3A_181 = tpu.memref_squeeze %dma_start3A_180 : memref<1x640xf32, #tpu.memory_space<vmem>> -> memref<640xf32, #tpu.memory_space<vmem>>
      %dma_start3A_182 = tpu.memref_slice %arg22[%run_scoped3A_121, %mul3A_120] : memref<16x10240xf32, #tpu.memory_space<vmem_shared>> -> memref<1x640xf32, #tpu.memory_space<vmem_shared>>
      %dma_start3A_183 = tpu.memref_squeeze %dma_start3A_182 : memref<1x640xf32, #tpu.memory_space<vmem_shared>> -> memref<640xf32, #tpu.memory_space<vmem_shared>>
      tpu.enqueue_dma source(%dma_start3A_183 : memref<640xf32, #tpu.memory_space<vmem_shared>>) target(%dma_start3A_181 : memref<640xf32, #tpu.memory_space<vmem>>) target_semaphore(%run_scoped3A_173 : memref<!tpu.dma_semaphore, #tpu.memory_space<semaphore_mem>>)
      %dma_wait3A = arith.constant 0 : i32
      %dma_wait3A_184 = tpu.memref_slice %arg23[%run_scoped3A_122, %dma_wait3A] : memref<16x640xf32, #tpu.memory_space<vmem>> -> memref<1x640xf32, #tpu.memory_space<vmem>>
      %dma_wait3A_185 = tpu.memref_squeeze %dma_wait3A_184 : memref<1x640xf32, #tpu.memory_space<vmem>> -> memref<640xf32, #tpu.memory_space<vmem>>
      %dma_wait3A_186 = tpu.memref_slice %arg22[%run_scoped3A_121, %mul3A_120] : memref<16x10240xf32, #tpu.memory_space<vmem_shared>> -> memref<1x640xf32, #tpu.memory_space<vmem_shared>>
      %dma_wait3A_187 = tpu.memref_squeeze %dma_wait3A_186 : memref<1x640xf32, #tpu.memory_space<vmem_shared>> -> memref<640xf32, #tpu.memory_space<vmem_shared>>
      %dma_wait3A_188 = arith.constant 0 : i32
      %dma_wait3A_189 = tpu.memref_slice %arg23[%run_scoped3A_122, %dma_wait3A_188] : memref<16x640xf32, #tpu.memory_space<vmem>> -> memref<1x640xf32, #tpu.memory_space<vmem>>
      %dma_wait3A_190 = tpu.memref_squeeze %dma_wait3A_189 : memref<1x640xf32, #tpu.memory_space<vmem>> -> memref<640xf32, #tpu.memory_space<vmem>>
      %dma_wait3A_191 = tpu.memref_slice %arg22[%run_scoped3A_121, %mul3A_120] : memref<16x10240xf32, #tpu.memory_space<vmem_shared>> -> memref<1x640xf32, #tpu.memory_space<vmem_shared>>
      %dma_wait3A_192 = tpu.memref_squeeze %dma_wait3A_191 : memref<1x640xf32, #tpu.memory_space<vmem_shared>> -> memref<640xf32, #tpu.memory_space<vmem_shared>>
      tpu.wait_dma2 semaphore(%run_scoped3A_173 : memref<!tpu.dma_semaphore, #tpu.memory_space<semaphore_mem>>) src(%dma_wait3A_192 : memref<640xf32, #tpu.memory_space<vmem_shared>>) dst(%dma_wait3A_190 : memref<640xf32, #tpu.memory_space<vmem>>)
      tpu.yield
    }) : () -> ()
    %mul3A_123 = arith.constant 640 : i32
    %mul3A_124 = arith.muli %arg1, %mul3A_123 : i32
    %run_scoped3A_125 = arith.constant 6 : i32
    %run_scoped3A_126 = arith.constant 6 : i32
    "tpu.region"() ({
      %run_scoped3A_173 = tpu.sem_alloc : memref<!tpu.dma_semaphore, #tpu.memory_space<semaphore_mem>>
      %dma_start3A_174 = arith.constant 0 : i32
      %dma_start3A_175 = tpu.memref_slice %arg23[%run_scoped3A_126, %dma_start3A_174] : memref<16x640xf32, #tpu.memory_space<vmem>> -> memref<1x640xf32, #tpu.memory_space<vmem>>
      %dma_start3A_176 = tpu.memref_squeeze %dma_start3A_175 : memref<1x640xf32, #tpu.memory_space<vmem>> -> memref<640xf32, #tpu.memory_space<vmem>>
      %dma_start3A_177 = tpu.memref_slice %arg22[%run_scoped3A_125, %mul3A_124] : memref<16x10240xf32, #tpu.memory_space<vmem_shared>> -> memref<1x640xf32, #tpu.memory_space<vmem_shared>>
      %dma_start3A_178 = tpu.memref_squeeze %dma_start3A_177 : memref<1x640xf32, #tpu.memory_space<vmem_shared>> -> memref<640xf32, #tpu.memory_space<vmem_shared>>
      %dma_start3A_179 = arith.constant 0 : i32
      %dma_start3A_180 = tpu.memref_slice %arg23[%run_scoped3A_126, %dma_start3A_179] : memref<16x640xf32, #tpu.memory_space<vmem>> -> memref<1x640xf32, #tpu.memory_space<vmem>>
      %dma_start3A_181 = tpu.memref_squeeze %dma_start3A_180 : memref<1x640xf32, #tpu.memory_space<vmem>> -> memref<640xf32, #tpu.memory_space<vmem>>
      %dma_start3A_182 = tpu.memref_slice %arg22[%run_scoped3A_125, %mul3A_124] : memref<16x10240xf32, #tpu.memory_space<vmem_shared>> -> memref<1x640xf32, #tpu.memory_space<vmem_shared>>
      %dma_start3A_183 = tpu.memref_squeeze %dma_start3A_182 : memref<1x640xf32, #tpu.memory_space<vmem_shared>> -> memref<640xf32, #tpu.memory_space<vmem_shared>>
      tpu.enqueue_dma source(%dma_start3A_183 : memref<640xf32, #tpu.memory_space<vmem_shared>>) target(%dma_start3A_181 : memref<640xf32, #tpu.memory_space<vmem>>) target_semaphore(%run_scoped3A_173 : memref<!tpu.dma_semaphore, #tpu.memory_space<semaphore_mem>>)
      %dma_wait3A = arith.constant 0 : i32
      %dma_wait3A_184 = tpu.memref_slice %arg23[%run_scoped3A_126, %dma_wait3A] : memref<16x640xf32, #tpu.memory_space<vmem>> -> memref<1x640xf32, #tpu.memory_space<vmem>>
      %dma_wait3A_185 = tpu.memref_squeeze %dma_wait3A_184 : memref<1x640xf32, #tpu.memory_space<vmem>> -> memref<640xf32, #tpu.memory_space<vmem>>
      %dma_wait3A_186 = tpu.memref_slice %arg22[%run_scoped3A_125, %mul3A_124] : memref<16x10240xf32, #tpu.memory_space<vmem_shared>> -> memref<1x640xf32, #tpu.memory_space<vmem_shared>>
      %dma_wait3A_187 = tpu.memref_squeeze %dma_wait3A_186 : memref<1x640xf32, #tpu.memory_space<vmem_shared>> -> memref<640xf32, #tpu.memory_space<vmem_shared>>
      %dma_wait3A_188 = arith.constant 0 : i32
      %dma_wait3A_189 = tpu.memref_slice %arg23[%run_scoped3A_126, %dma_wait3A_188] : memref<16x640xf32, #tpu.memory_space<vmem>> -> memref<1x640xf32, #tpu.memory_space<vmem>>
      %dma_wait3A_190 = tpu.memref_squeeze %dma_wait3A_189 : memref<1x640xf32, #tpu.memory_space<vmem>> -> memref<640xf32, #tpu.memory_space<vmem>>
      %dma_wait3A_191 = tpu.memref_slice %arg22[%run_scoped3A_125, %mul3A_124] : memref<16x10240xf32, #tpu.memory_space<vmem_shared>> -> memref<1x640xf32, #tpu.memory_space<vmem_shared>>
      %dma_wait3A_192 = tpu.memref_squeeze %dma_wait3A_191 : memref<1x640xf32, #tpu.memory_space<vmem_shared>> -> memref<640xf32, #tpu.memory_space<vmem_shared>>
      tpu.wait_dma2 semaphore(%run_scoped3A_173 : memref<!tpu.dma_semaphore, #tpu.memory_space<semaphore_mem>>) src(%dma_wait3A_192 : memref<640xf32, #tpu.memory_space<vmem_shared>>) dst(%dma_wait3A_190 : memref<640xf32, #tpu.memory_space<vmem>>)
      tpu.yield
    }) : () -> ()
    %mul3A_127 = arith.constant 640 : i32
    %mul3A_128 = arith.muli %arg1, %mul3A_127 : i32
    %run_scoped3A_129 = arith.constant 7 : i32
    %run_scoped3A_130 = arith.constant 7 : i32
    "tpu.region"() ({
      %run_scoped3A_173 = tpu.sem_alloc : memref<!tpu.dma_semaphore, #tpu.memory_space<semaphore_mem>>
      %dma_start3A_174 = arith.constant 0 : i32
      %dma_start3A_175 = tpu.memref_slice %arg23[%run_scoped3A_130, %dma_start3A_174] : memref<16x640xf32, #tpu.memory_space<vmem>> -> memref<1x640xf32, #tpu.memory_space<vmem>>
      %dma_start3A_176 = tpu.memref_squeeze %dma_start3A_175 : memref<1x640xf32, #tpu.memory_space<vmem>> -> memref<640xf32, #tpu.memory_space<vmem>>
      %dma_start3A_177 = tpu.memref_slice %arg22[%run_scoped3A_129, %mul3A_128] : memref<16x10240xf32, #tpu.memory_space<vmem_shared>> -> memref<1x640xf32, #tpu.memory_space<vmem_shared>>
      %dma_start3A_178 = tpu.memref_squeeze %dma_start3A_177 : memref<1x640xf32, #tpu.memory_space<vmem_shared>> -> memref<640xf32, #tpu.memory_space<vmem_shared>>
      %dma_start3A_179 = arith.constant 0 : i32
      %dma_start3A_180 = tpu.memref_slice %arg23[%run_scoped3A_130, %dma_start3A_179] : memref<16x640xf32, #tpu.memory_space<vmem>> -> memref<1x640xf32, #tpu.memory_space<vmem>>
      %dma_start3A_181 = tpu.memref_squeeze %dma_start3A_180 : memref<1x640xf32, #tpu.memory_space<vmem>> -> memref<640xf32, #tpu.memory_space<vmem>>
      %dma_start3A_182 = tpu.memref_slice %arg22[%run_scoped3A_129, %mul3A_128] : memref<16x10240xf32, #tpu.memory_space<vmem_shared>> -> memref<1x640xf32, #tpu.memory_space<vmem_shared>>
      %dma_start3A_183 = tpu.memref_squeeze %dma_start3A_182 : memref<1x640xf32, #tpu.memory_space<vmem_shared>> -> memref<640xf32, #tpu.memory_space<vmem_shared>>
      tpu.enqueue_dma source(%dma_start3A_183 : memref<640xf32, #tpu.memory_space<vmem_shared>>) target(%dma_start3A_181 : memref<640xf32, #tpu.memory_space<vmem>>) target_semaphore(%run_scoped3A_173 : memref<!tpu.dma_semaphore, #tpu.memory_space<semaphore_mem>>)
      %dma_wait3A = arith.constant 0 : i32
      %dma_wait3A_184 = tpu.memref_slice %arg23[%run_scoped3A_130, %dma_wait3A] : memref<16x640xf32, #tpu.memory_space<vmem>> -> memref<1x640xf32, #tpu.memory_space<vmem>>
      %dma_wait3A_185 = tpu.memref_squeeze %dma_wait3A_184 : memref<1x640xf32, #tpu.memory_space<vmem>> -> memref<640xf32, #tpu.memory_space<vmem>>
      %dma_wait3A_186 = tpu.memref_slice %arg22[%run_scoped3A_129, %mul3A_128] : memref<16x10240xf32, #tpu.memory_space<vmem_shared>> -> memref<1x640xf32, #tpu.memory_space<vmem_shared>>
      %dma_wait3A_187 = tpu.memref_squeeze %dma_wait3A_186 : memref<1x640xf32, #tpu.memory_space<vmem_shared>> -> memref<640xf32, #tpu.memory_space<vmem_shared>>
      %dma_wait3A_188 = arith.constant 0 : i32
      %dma_wait3A_189 = tpu.memref_slice %arg23[%run_scoped3A_130, %dma_wait3A_188] : memref<16x640xf32, #tpu.memory_space<vmem>> -> memref<1x640xf32, #tpu.memory_space<vmem>>
      %dma_wait3A_190 = tpu.memref_squeeze %dma_wait3A_189 : memref<1x640xf32, #tpu.memory_space<vmem>> -> memref<640xf32, #tpu.memory_space<vmem>>
      %dma_wait3A_191 = tpu.memref_slice %arg22[%run_scoped3A_129, %mul3A_128] : memref<16x10240xf32, #tpu.memory_space<vmem_shared>> -> memref<1x640xf32, #tpu.memory_space<vmem_shared>>
      %dma_wait3A_192 = tpu.memref_squeeze %dma_wait3A_191 : memref<1x640xf32, #tpu.memory_space<vmem_shared>> -> memref<640xf32, #tpu.memory_space<vmem_shared>>
      tpu.wait_dma2 semaphore(%run_scoped3A_173 : memref<!tpu.dma_semaphore, #tpu.memory_space<semaphore_mem>>) src(%dma_wait3A_192 : memref<640xf32, #tpu.memory_space<vmem_shared>>) dst(%dma_wait3A_190 : memref<640xf32, #tpu.memory_space<vmem>>)
      tpu.yield
    }) : () -> ()
    %mul3A_131 = arith.constant 640 : i32
    %mul3A_132 = arith.muli %arg1, %mul3A_131 : i32
    %run_scoped3A_133 = arith.constant 8 : i32
    %run_scoped3A_134 = arith.constant 8 : i32
    "tpu.region"() ({
      %run_scoped3A_173 = tpu.sem_alloc : memref<!tpu.dma_semaphore, #tpu.memory_space<semaphore_mem>>
      %dma_start3A_174 = arith.constant 0 : i32
      %dma_start3A_175 = tpu.memref_slice %arg23[%run_scoped3A_134, %dma_start3A_174] : memref<16x640xf32, #tpu.memory_space<vmem>> -> memref<1x640xf32, #tpu.memory_space<vmem>>
      %dma_start3A_176 = tpu.memref_squeeze %dma_start3A_175 : memref<1x640xf32, #tpu.memory_space<vmem>> -> memref<640xf32, #tpu.memory_space<vmem>>
      %dma_start3A_177 = tpu.memref_slice %arg22[%run_scoped3A_133, %mul3A_132] : memref<16x10240xf32, #tpu.memory_space<vmem_shared>> -> memref<1x640xf32, #tpu.memory_space<vmem_shared>>
      %dma_start3A_178 = tpu.memref_squeeze %dma_start3A_177 : memref<1x640xf32, #tpu.memory_space<vmem_shared>> -> memref<640xf32, #tpu.memory_space<vmem_shared>>
      %dma_start3A_179 = arith.constant 0 : i32
      %dma_start3A_180 = tpu.memref_slice %arg23[%run_scoped3A_134, %dma_start3A_179] : memref<16x640xf32, #tpu.memory_space<vmem>> -> memref<1x640xf32, #tpu.memory_space<vmem>>
      %dma_start3A_181 = tpu.memref_squeeze %dma_start3A_180 : memref<1x640xf32, #tpu.memory_space<vmem>> -> memref<640xf32, #tpu.memory_space<vmem>>
      %dma_start3A_182 = tpu.memref_slice %arg22[%run_scoped3A_133, %mul3A_132] : memref<16x10240xf32, #tpu.memory_space<vmem_shared>> -> memref<1x640xf32, #tpu.memory_space<vmem_shared>>
      %dma_start3A_183 = tpu.memref_squeeze %dma_start3A_182 : memref<1x640xf32, #tpu.memory_space<vmem_shared>> -> memref<640xf32, #tpu.memory_space<vmem_shared>>
      tpu.enqueue_dma source(%dma_start3A_183 : memref<640xf32, #tpu.memory_space<vmem_shared>>) target(%dma_start3A_181 : memref<640xf32, #tpu.memory_space<vmem>>) target_semaphore(%run_scoped3A_173 : memref<!tpu.dma_semaphore, #tpu.memory_space<semaphore_mem>>)
      %dma_wait3A = arith.constant 0 : i32
      %dma_wait3A_184 = tpu.memref_slice %arg23[%run_scoped3A_134, %dma_wait3A] : memref<16x640xf32, #tpu.memory_space<vmem>> -> memref<1x640xf32, #tpu.memory_space<vmem>>
      %dma_wait3A_185 = tpu.memref_squeeze %dma_wait3A_184 : memref<1x640xf32, #tpu.memory_space<vmem>> -> memref<640xf32, #tpu.memory_space<vmem>>
      %dma_wait3A_186 = tpu.memref_slice %arg22[%run_scoped3A_133, %mul3A_132] : memref<16x10240xf32, #tpu.memory_space<vmem_shared>> -> memref<1x640xf32, #tpu.memory_space<vmem_shared>>
      %dma_wait3A_187 = tpu.memref_squeeze %dma_wait3A_186 : memref<1x640xf32, #tpu.memory_space<vmem_shared>> -> memref<640xf32, #tpu.memory_space<vmem_shared>>
      %dma_wait3A_188 = arith.constant 0 : i32
      %dma_wait3A_189 = tpu.memref_slice %arg23[%run_scoped3A_134, %dma_wait3A_188] : memref<16x640xf32, #tpu.memory_space<vmem>> -> memref<1x640xf32, #tpu.memory_space<vmem>>
      %dma_wait3A_190 = tpu.memref_squeeze %dma_wait3A_189 : memref<1x640xf32, #tpu.memory_space<vmem>> -> memref<640xf32, #tpu.memory_space<vmem>>
      %dma_wait3A_191 = tpu.memref_slice %arg22[%run_scoped3A_133, %mul3A_132] : memref<16x10240xf32, #tpu.memory_space<vmem_shared>> -> memref<1x640xf32, #tpu.memory_space<vmem_shared>>
      %dma_wait3A_192 = tpu.memref_squeeze %dma_wait3A_191 : memref<1x640xf32, #tpu.memory_space<vmem_shared>> -> memref<640xf32, #tpu.memory_space<vmem_shared>>
      tpu.wait_dma2 semaphore(%run_scoped3A_173 : memref<!tpu.dma_semaphore, #tpu.memory_space<semaphore_mem>>) src(%dma_wait3A_192 : memref<640xf32, #tpu.memory_space<vmem_shared>>) dst(%dma_wait3A_190 : memref<640xf32, #tpu.memory_space<vmem>>)
      tpu.yield
    }) : () -> ()
    %mul3A_135 = arith.constant 640 : i32
    %mul3A_136 = arith.muli %arg1, %mul3A_135 : i32
    %run_scoped3A_137 = arith.constant 9 : i32
    %run_scoped3A_138 = arith.constant 9 : i32
    "tpu.region"() ({
      %run_scoped3A_173 = tpu.sem_alloc : memref<!tpu.dma_semaphore, #tpu.memory_space<semaphore_mem>>
      %dma_start3A_174 = arith.constant 0 : i32
      %dma_start3A_175 = tpu.memref_slice %arg23[%run_scoped3A_138, %dma_start3A_174] : memref<16x640xf32, #tpu.memory_space<vmem>> -> memref<1x640xf32, #tpu.memory_space<vmem>>
      %dma_start3A_176 = tpu.memref_squeeze %dma_start3A_175 : memref<1x640xf32, #tpu.memory_space<vmem>> -> memref<640xf32, #tpu.memory_space<vmem>>
      %dma_start3A_177 = tpu.memref_slice %arg22[%run_scoped3A_137, %mul3A_136] : memref<16x10240xf32, #tpu.memory_space<vmem_shared>> -> memref<1x640xf32, #tpu.memory_space<vmem_shared>>
      %dma_start3A_178 = tpu.memref_squeeze %dma_start3A_177 : memref<1x640xf32, #tpu.memory_space<vmem_shared>> -> memref<640xf32, #tpu.memory_space<vmem_shared>>
      %dma_start3A_179 = arith.constant 0 : i32
      %dma_start3A_180 = tpu.memref_slice %arg23[%run_scoped3A_138, %dma_start3A_179] : memref<16x640xf32, #tpu.memory_space<vmem>> -> memref<1x640xf32, #tpu.memory_space<vmem>>
      %dma_start3A_181 = tpu.memref_squeeze %dma_start3A_180 : memref<1x640xf32, #tpu.memory_space<vmem>> -> memref<640xf32, #tpu.memory_space<vmem>>
      %dma_start3A_182 = tpu.memref_slice %arg22[%run_scoped3A_137, %mul3A_136] : memref<16x10240xf32, #tpu.memory_space<vmem_shared>> -> memref<1x640xf32, #tpu.memory_space<vmem_shared>>
      %dma_start3A_183 = tpu.memref_squeeze %dma_start3A_182 : memref<1x640xf32, #tpu.memory_space<vmem_shared>> -> memref<640xf32, #tpu.memory_space<vmem_shared>>
      tpu.enqueue_dma source(%dma_start3A_183 : memref<640xf32, #tpu.memory_space<vmem_shared>>) target(%dma_start3A_181 : memref<640xf32, #tpu.memory_space<vmem>>) target_semaphore(%run_scoped3A_173 : memref<!tpu.dma_semaphore, #tpu.memory_space<semaphore_mem>>)
      %dma_wait3A = arith.constant 0 : i32
      %dma_wait3A_184 = tpu.memref_slice %arg23[%run_scoped3A_138, %dma_wait3A] : memref<16x640xf32, #tpu.memory_space<vmem>> -> memref<1x640xf32, #tpu.memory_space<vmem>>
      %dma_wait3A_185 = tpu.memref_squeeze %dma_wait3A_184 : memref<1x640xf32, #tpu.memory_space<vmem>> -> memref<640xf32, #tpu.memory_space<vmem>>
      %dma_wait3A_186 = tpu.memref_slice %arg22[%run_scoped3A_137, %mul3A_136] : memref<16x10240xf32, #tpu.memory_space<vmem_shared>> -> memref<1x640xf32, #tpu.memory_space<vmem_shared>>
      %dma_wait3A_187 = tpu.memref_squeeze %dma_wait3A_186 : memref<1x640xf32, #tpu.memory_space<vmem_shared>> -> memref<640xf32, #tpu.memory_space<vmem_shared>>
      %dma_wait3A_188 = arith.constant 0 : i32
      %dma_wait3A_189 = tpu.memref_slice %arg23[%run_scoped3A_138, %dma_wait3A_188] : memref<16x640xf32, #tpu.memory_space<vmem>> -> memref<1x640xf32, #tpu.memory_space<vmem>>
      %dma_wait3A_190 = tpu.memref_squeeze %dma_wait3A_189 : memref<1x640xf32, #tpu.memory_space<vmem>> -> memref<640xf32, #tpu.memory_space<vmem>>
      %dma_wait3A_191 = tpu.memref_slice %arg22[%run_scoped3A_137, %mul3A_136] : memref<16x10240xf32, #tpu.memory_space<vmem_shared>> -> memref<1x640xf32, #tpu.memory_space<vmem_shared>>
      %dma_wait3A_192 = tpu.memref_squeeze %dma_wait3A_191 : memref<1x640xf32, #tpu.memory_space<vmem_shared>> -> memref<640xf32, #tpu.memory_space<vmem_shared>>
      tpu.wait_dma2 semaphore(%run_scoped3A_173 : memref<!tpu.dma_semaphore, #tpu.memory_space<semaphore_mem>>) src(%dma_wait3A_192 : memref<640xf32, #tpu.memory_space<vmem_shared>>) dst(%dma_wait3A_190 : memref<640xf32, #tpu.memory_space<vmem>>)
      tpu.yield
    }) : () -> ()
    %mul3A_139 = arith.constant 640 : i32
    %mul3A_140 = arith.muli %arg1, %mul3A_139 : i32
    %run_scoped3A_141 = arith.constant 10 : i32
    %run_scoped3A_142 = arith.constant 10 : i32
    "tpu.region"() ({
      %run_scoped3A_173 = tpu.sem_alloc : memref<!tpu.dma_semaphore, #tpu.memory_space<semaphore_mem>>
      %dma_start3A_174 = arith.constant 0 : i32
      %dma_start3A_175 = tpu.memref_slice %arg23[%run_scoped3A_142, %dma_start3A_174] : memref<16x640xf32, #tpu.memory_space<vmem>> -> memref<1x640xf32, #tpu.memory_space<vmem>>
      %dma_start3A_176 = tpu.memref_squeeze %dma_start3A_175 : memref<1x640xf32, #tpu.memory_space<vmem>> -> memref<640xf32, #tpu.memory_space<vmem>>
      %dma_start3A_177 = tpu.memref_slice %arg22[%run_scoped3A_141, %mul3A_140] : memref<16x10240xf32, #tpu.memory_space<vmem_shared>> -> memref<1x640xf32, #tpu.memory_space<vmem_shared>>
      %dma_start3A_178 = tpu.memref_squeeze %dma_start3A_177 : memref<1x640xf32, #tpu.memory_space<vmem_shared>> -> memref<640xf32, #tpu.memory_space<vmem_shared>>
      %dma_start3A_179 = arith.constant 0 : i32
      %dma_start3A_180 = tpu.memref_slice %arg23[%run_scoped3A_142, %dma_start3A_179] : memref<16x640xf32, #tpu.memory_space<vmem>> -> memref<1x640xf32, #tpu.memory_space<vmem>>
      %dma_start3A_181 = tpu.memref_squeeze %dma_start3A_180 : memref<1x640xf32, #tpu.memory_space<vmem>> -> memref<640xf32, #tpu.memory_space<vmem>>
      %dma_start3A_182 = tpu.memref_slice %arg22[%run_scoped3A_141, %mul3A_140] : memref<16x10240xf32, #tpu.memory_space<vmem_shared>> -> memref<1x640xf32, #tpu.memory_space<vmem_shared>>
      %dma_start3A_183 = tpu.memref_squeeze %dma_start3A_182 : memref<1x640xf32, #tpu.memory_space<vmem_shared>> -> memref<640xf32, #tpu.memory_space<vmem_shared>>
      tpu.enqueue_dma source(%dma_start3A_183 : memref<640xf32, #tpu.memory_space<vmem_shared>>) target(%dma_start3A_181 : memref<640xf32, #tpu.memory_space<vmem>>) target_semaphore(%run_scoped3A_173 : memref<!tpu.dma_semaphore, #tpu.memory_space<semaphore_mem>>)
      %dma_wait3A = arith.constant 0 : i32
      %dma_wait3A_184 = tpu.memref_slice %arg23[%run_scoped3A_142, %dma_wait3A] : memref<16x640xf32, #tpu.memory_space<vmem>> -> memref<1x640xf32, #tpu.memory_space<vmem>>
      %dma_wait3A_185 = tpu.memref_squeeze %dma_wait3A_184 : memref<1x640xf32, #tpu.memory_space<vmem>> -> memref<640xf32, #tpu.memory_space<vmem>>
      %dma_wait3A_186 = tpu.memref_slice %arg22[%run_scoped3A_141, %mul3A_140] : memref<16x10240xf32, #tpu.memory_space<vmem_shared>> -> memref<1x640xf32, #tpu.memory_space<vmem_shared>>
      %dma_wait3A_187 = tpu.memref_squeeze %dma_wait3A_186 : memref<1x640xf32, #tpu.memory_space<vmem_shared>> -> memref<640xf32, #tpu.memory_space<vmem_shared>>
      %dma_wait3A_188 = arith.constant 0 : i32
      %dma_wait3A_189 = tpu.memref_slice %arg23[%run_scoped3A_142, %dma_wait3A_188] : memref<16x640xf32, #tpu.memory_space<vmem>> -> memref<1x640xf32, #tpu.memory_space<vmem>>
      %dma_wait3A_190 = tpu.memref_squeeze %dma_wait3A_189 : memref<1x640xf32, #tpu.memory_space<vmem>> -> memref<640xf32, #tpu.memory_space<vmem>>
      %dma_wait3A_191 = tpu.memref_slice %arg22[%run_scoped3A_141, %mul3A_140] : memref<16x10240xf32, #tpu.memory_space<vmem_shared>> -> memref<1x640xf32, #tpu.memory_space<vmem_shared>>
      %dma_wait3A_192 = tpu.memref_squeeze %dma_wait3A_191 : memref<1x640xf32, #tpu.memory_space<vmem_shared>> -> memref<640xf32, #tpu.memory_space<vmem_shared>>
      tpu.wait_dma2 semaphore(%run_scoped3A_173 : memref<!tpu.dma_semaphore, #tpu.memory_space<semaphore_mem>>) src(%dma_wait3A_192 : memref<640xf32, #tpu.memory_space<vmem_shared>>) dst(%dma_wait3A_190 : memref<640xf32, #tpu.memory_space<vmem>>)
      tpu.yield
    }) : () -> ()
    %mul3A_143 = arith.constant 640 : i32
    %mul3A_144 = arith.muli %arg1, %mul3A_143 : i32
    %run_scoped3A_145 = arith.constant 11 : i32
    %run_scoped3A_146 = arith.constant 11 : i32
    "tpu.region"() ({
      %run_scoped3A_173 = tpu.sem_alloc : memref<!tpu.dma_semaphore, #tpu.memory_space<semaphore_mem>>
      %dma_start3A_174 = arith.constant 0 : i32
      %dma_start3A_175 = tpu.memref_slice %arg23[%run_scoped3A_146, %dma_start3A_174] : memref<16x640xf32, #tpu.memory_space<vmem>> -> memref<1x640xf32, #tpu.memory_space<vmem>>
      %dma_start3A_176 = tpu.memref_squeeze %dma_start3A_175 : memref<1x640xf32, #tpu.memory_space<vmem>> -> memref<640xf32, #tpu.memory_space<vmem>>
      %dma_start3A_177 = tpu.memref_slice %arg22[%run_scoped3A_145, %mul3A_144] : memref<16x10240xf32, #tpu.memory_space<vmem_shared>> -> memref<1x640xf32, #tpu.memory_space<vmem_shared>>
      %dma_start3A_178 = tpu.memref_squeeze %dma_start3A_177 : memref<1x640xf32, #tpu.memory_space<vmem_shared>> -> memref<640xf32, #tpu.memory_space<vmem_shared>>
      %dma_start3A_179 = arith.constant 0 : i32
      %dma_start3A_180 = tpu.memref_slice %arg23[%run_scoped3A_146, %dma_start3A_179] : memref<16x640xf32, #tpu.memory_space<vmem>> -> memref<1x640xf32, #tpu.memory_space<vmem>>
      %dma_start3A_181 = tpu.memref_squeeze %dma_start3A_180 : memref<1x640xf32, #tpu.memory_space<vmem>> -> memref<640xf32, #tpu.memory_space<vmem>>
      %dma_start3A_182 = tpu.memref_slice %arg22[%run_scoped3A_145, %mul3A_144] : memref<16x10240xf32, #tpu.memory_space<vmem_shared>> -> memref<1x640xf32, #tpu.memory_space<vmem_shared>>
      %dma_start3A_183 = tpu.memref_squeeze %dma_start3A_182 : memref<1x640xf32, #tpu.memory_space<vmem_shared>> -> memref<640xf32, #tpu.memory_space<vmem_shared>>
      tpu.enqueue_dma source(%dma_start3A_183 : memref<640xf32, #tpu.memory_space<vmem_shared>>) target(%dma_start3A_181 : memref<640xf32, #tpu.memory_space<vmem>>) target_semaphore(%run_scoped3A_173 : memref<!tpu.dma_semaphore, #tpu.memory_space<semaphore_mem>>)
      %dma_wait3A = arith.constant 0 : i32
      %dma_wait3A_184 = tpu.memref_slice %arg23[%run_scoped3A_146, %dma_wait3A] : memref<16x640xf32, #tpu.memory_space<vmem>> -> memref<1x640xf32, #tpu.memory_space<vmem>>
      %dma_wait3A_185 = tpu.memref_squeeze %dma_wait3A_184 : memref<1x640xf32, #tpu.memory_space<vmem>> -> memref<640xf32, #tpu.memory_space<vmem>>
      %dma_wait3A_186 = tpu.memref_slice %arg22[%run_scoped3A_145, %mul3A_144] : memref<16x10240xf32, #tpu.memory_space<vmem_shared>> -> memref<1x640xf32, #tpu.memory_space<vmem_shared>>
      %dma_wait3A_187 = tpu.memref_squeeze %dma_wait3A_186 : memref<1x640xf32, #tpu.memory_space<vmem_shared>> -> memref<640xf32, #tpu.memory_space<vmem_shared>>
      %dma_wait3A_188 = arith.constant 0 : i32
      %dma_wait3A_189 = tpu.memref_slice %arg23[%run_scoped3A_146, %dma_wait3A_188] : memref<16x640xf32, #tpu.memory_space<vmem>> -> memref<1x640xf32, #tpu.memory_space<vmem>>
      %dma_wait3A_190 = tpu.memref_squeeze %dma_wait3A_189 : memref<1x640xf32, #tpu.memory_space<vmem>> -> memref<640xf32, #tpu.memory_space<vmem>>
      %dma_wait3A_191 = tpu.memref_slice %arg22[%run_scoped3A_145, %mul3A_144] : memref<16x10240xf32, #tpu.memory_space<vmem_shared>> -> memref<1x640xf32, #tpu.memory_space<vmem_shared>>
      %dma_wait3A_192 = tpu.memref_squeeze %dma_wait3A_191 : memref<1x640xf32, #tpu.memory_space<vmem_shared>> -> memref<640xf32, #tpu.memory_space<vmem_shared>>
      tpu.wait_dma2 semaphore(%run_scoped3A_173 : memref<!tpu.dma_semaphore, #tpu.memory_space<semaphore_mem>>) src(%dma_wait3A_192 : memref<640xf32, #tpu.memory_space<vmem_shared>>) dst(%dma_wait3A_190 : memref<640xf32, #tpu.memory_space<vmem>>)
      tpu.yield
    }) : () -> ()
    %mul3A_147 = arith.constant 640 : i32
    %mul3A_148 = arith.muli %arg1, %mul3A_147 : i32
    %run_scoped3A_149 = arith.constant 12 : i32
    %run_scoped3A_150 = arith.constant 12 : i32
    "tpu.region"() ({
      %run_scoped3A_173 = tpu.sem_alloc : memref<!tpu.dma_semaphore, #tpu.memory_space<semaphore_mem>>
      %dma_start3A_174 = arith.constant 0 : i32
      %dma_start3A_175 = tpu.memref_slice %arg23[%run_scoped3A_150, %dma_start3A_174] : memref<16x640xf32, #tpu.memory_space<vmem>> -> memref<1x640xf32, #tpu.memory_space<vmem>>
      %dma_start3A_176 = tpu.memref_squeeze %dma_start3A_175 : memref<1x640xf32, #tpu.memory_space<vmem>> -> memref<640xf32, #tpu.memory_space<vmem>>
      %dma_start3A_177 = tpu.memref_slice %arg22[%run_scoped3A_149, %mul3A_148] : memref<16x10240xf32, #tpu.memory_space<vmem_shared>> -> memref<1x640xf32, #tpu.memory_space<vmem_shared>>
      %dma_start3A_178 = tpu.memref_squeeze %dma_start3A_177 : memref<1x640xf32, #tpu.memory_space<vmem_shared>> -> memref<640xf32, #tpu.memory_space<vmem_shared>>
      %dma_start3A_179 = arith.constant 0 : i32
      %dma_start3A_180 = tpu.memref_slice %arg23[%run_scoped3A_150, %dma_start3A_179] : memref<16x640xf32, #tpu.memory_space<vmem>> -> memref<1x640xf32, #tpu.memory_space<vmem>>
      %dma_start3A_181 = tpu.memref_squeeze %dma_start3A_180 : memref<1x640xf32, #tpu.memory_space<vmem>> -> memref<640xf32, #tpu.memory_space<vmem>>
      %dma_start3A_182 = tpu.memref_slice %arg22[%run_scoped3A_149, %mul3A_148] : memref<16x10240xf32, #tpu.memory_space<vmem_shared>> -> memref<1x640xf32, #tpu.memory_space<vmem_shared>>
      %dma_start3A_183 = tpu.memref_squeeze %dma_start3A_182 : memref<1x640xf32, #tpu.memory_space<vmem_shared>> -> memref<640xf32, #tpu.memory_space<vmem_shared>>
      tpu.enqueue_dma source(%dma_start3A_183 : memref<640xf32, #tpu.memory_space<vmem_shared>>) target(%dma_start3A_181 : memref<640xf32, #tpu.memory_space<vmem>>) target_semaphore(%run_scoped3A_173 : memref<!tpu.dma_semaphore, #tpu.memory_space<semaphore_mem>>)
      %dma_wait3A = arith.constant 0 : i32
      %dma_wait3A_184 = tpu.memref_slice %arg23[%run_scoped3A_150, %dma_wait3A] : memref<16x640xf32, #tpu.memory_space<vmem>> -> memref<1x640xf32, #tpu.memory_space<vmem>>
      %dma_wait3A_185 = tpu.memref_squeeze %dma_wait3A_184 : memref<1x640xf32, #tpu.memory_space<vmem>> -> memref<640xf32, #tpu.memory_space<vmem>>
      %dma_wait3A_186 = tpu.memref_slice %arg22[%run_scoped3A_149, %mul3A_148] : memref<16x10240xf32, #tpu.memory_space<vmem_shared>> -> memref<1x640xf32, #tpu.memory_space<vmem_shared>>
      %dma_wait3A_187 = tpu.memref_squeeze %dma_wait3A_186 : memref<1x640xf32, #tpu.memory_space<vmem_shared>> -> memref<640xf32, #tpu.memory_space<vmem_shared>>
      %dma_wait3A_188 = arith.constant 0 : i32
      %dma_wait3A_189 = tpu.memref_slice %arg23[%run_scoped3A_150, %dma_wait3A_188] : memref<16x640xf32, #tpu.memory_space<vmem>> -> memref<1x640xf32, #tpu.memory_space<vmem>>
      %dma_wait3A_190 = tpu.memref_squeeze %dma_wait3A_189 : memref<1x640xf32, #tpu.memory_space<vmem>> -> memref<640xf32, #tpu.memory_space<vmem>>
      %dma_wait3A_191 = tpu.memref_slice %arg22[%run_scoped3A_149, %mul3A_148] : memref<16x10240xf32, #tpu.memory_space<vmem_shared>> -> memref<1x640xf32, #tpu.memory_space<vmem_shared>>
      %dma_wait3A_192 = tpu.memref_squeeze %dma_wait3A_191 : memref<1x640xf32, #tpu.memory_space<vmem_shared>> -> memref<640xf32, #tpu.memory_space<vmem_shared>>
      tpu.wait_dma2 semaphore(%run_scoped3A_173 : memref<!tpu.dma_semaphore, #tpu.memory_space<semaphore_mem>>) src(%dma_wait3A_192 : memref<640xf32, #tpu.memory_space<vmem_shared>>) dst(%dma_wait3A_190 : memref<640xf32, #tpu.memory_space<vmem>>)
      tpu.yield
    }) : () -> ()
    %mul3A_151 = arith.constant 640 : i32
    %mul3A_152 = arith.muli %arg1, %mul3A_151 : i32
    %run_scoped3A_153 = arith.constant 13 : i32
    %run_scoped3A_154 = arith.constant 13 : i32
    "tpu.region"() ({
      %run_scoped3A_173 = tpu.sem_alloc : memref<!tpu.dma_semaphore, #tpu.memory_space<semaphore_mem>>
      %dma_start3A_174 = arith.constant 0 : i32
      %dma_start3A_175 = tpu.memref_slice %arg23[%run_scoped3A_154, %dma_start3A_174] : memref<16x640xf32, #tpu.memory_space<vmem>> -> memref<1x640xf32, #tpu.memory_space<vmem>>
      %dma_start3A_176 = tpu.memref_squeeze %dma_start3A_175 : memref<1x640xf32, #tpu.memory_space<vmem>> -> memref<640xf32, #tpu.memory_space<vmem>>
      %dma_start3A_177 = tpu.memref_slice %arg22[%run_scoped3A_153, %mul3A_152] : memref<16x10240xf32, #tpu.memory_space<vmem_shared>> -> memref<1x640xf32, #tpu.memory_space<vmem_shared>>
      %dma_start3A_178 = tpu.memref_squeeze %dma_start3A_177 : memref<1x640xf32, #tpu.memory_space<vmem_shared>> -> memref<640xf32, #tpu.memory_space<vmem_shared>>
      %dma_start3A_179 = arith.constant 0 : i32
      %dma_start3A_180 = tpu.memref_slice %arg23[%run_scoped3A_154, %dma_start3A_179] : memref<16x640xf32, #tpu.memory_space<vmem>> -> memref<1x640xf32, #tpu.memory_space<vmem>>
      %dma_start3A_181 = tpu.memref_squeeze %dma_start3A_180 : memref<1x640xf32, #tpu.memory_space<vmem>> -> memref<640xf32, #tpu.memory_space<vmem>>
      %dma_start3A_182 = tpu.memref_slice %arg22[%run_scoped3A_153, %mul3A_152] : memref<16x10240xf32, #tpu.memory_space<vmem_shared>> -> memref<1x640xf32, #tpu.memory_space<vmem_shared>>
      %dma_start3A_183 = tpu.memref_squeeze %dma_start3A_182 : memref<1x640xf32, #tpu.memory_space<vmem_shared>> -> memref<640xf32, #tpu.memory_space<vmem_shared>>
      tpu.enqueue_dma source(%dma_start3A_183 : memref<640xf32, #tpu.memory_space<vmem_shared>>) target(%dma_start3A_181 : memref<640xf32, #tpu.memory_space<vmem>>) target_semaphore(%run_scoped3A_173 : memref<!tpu.dma_semaphore, #tpu.memory_space<semaphore_mem>>)
      %dma_wait3A = arith.constant 0 : i32
      %dma_wait3A_184 = tpu.memref_slice %arg23[%run_scoped3A_154, %dma_wait3A] : memref<16x640xf32, #tpu.memory_space<vmem>> -> memref<1x640xf32, #tpu.memory_space<vmem>>
      %dma_wait3A_185 = tpu.memref_squeeze %dma_wait3A_184 : memref<1x640xf32, #tpu.memory_space<vmem>> -> memref<640xf32, #tpu.memory_space<vmem>>
      %dma_wait3A_186 = tpu.memref_slice %arg22[%run_scoped3A_153, %mul3A_152] : memref<16x10240xf32, #tpu.memory_space<vmem_shared>> -> memref<1x640xf32, #tpu.memory_space<vmem_shared>>
      %dma_wait3A_187 = tpu.memref_squeeze %dma_wait3A_186 : memref<1x640xf32, #tpu.memory_space<vmem_shared>> -> memref<640xf32, #tpu.memory_space<vmem_shared>>
      %dma_wait3A_188 = arith.constant 0 : i32
      %dma_wait3A_189 = tpu.memref_slice %arg23[%run_scoped3A_154, %dma_wait3A_188] : memref<16x640xf32, #tpu.memory_space<vmem>> -> memref<1x640xf32, #tpu.memory_space<vmem>>
      %dma_wait3A_190 = tpu.memref_squeeze %dma_wait3A_189 : memref<1x640xf32, #tpu.memory_space<vmem>> -> memref<640xf32, #tpu.memory_space<vmem>>
      %dma_wait3A_191 = tpu.memref_slice %arg22[%run_scoped3A_153, %mul3A_152] : memref<16x10240xf32, #tpu.memory_space<vmem_shared>> -> memref<1x640xf32, #tpu.memory_space<vmem_shared>>
      %dma_wait3A_192 = tpu.memref_squeeze %dma_wait3A_191 : memref<1x640xf32, #tpu.memory_space<vmem_shared>> -> memref<640xf32, #tpu.memory_space<vmem_shared>>
      tpu.wait_dma2 semaphore(%run_scoped3A_173 : memref<!tpu.dma_semaphore, #tpu.memory_space<semaphore_mem>>) src(%dma_wait3A_192 : memref<640xf32, #tpu.memory_space<vmem_shared>>) dst(%dma_wait3A_190 : memref<640xf32, #tpu.memory_space<vmem>>)
      tpu.yield
    }) : () -> ()
    %mul3A_155 = arith.constant 640 : i32
    %mul3A_156 = arith.muli %arg1, %mul3A_155 : i32
    %run_scoped3A_157 = arith.constant 14 : i32
    %run_scoped3A_158 = arith.constant 14 : i32
    "tpu.region"() ({
      %run_scoped3A_173 = tpu.sem_alloc : memref<!tpu.dma_semaphore, #tpu.memory_space<semaphore_mem>>
      %dma_start3A_174 = arith.constant 0 : i32
      %dma_start3A_175 = tpu.memref_slice %arg23[%run_scoped3A_158, %dma_start3A_174] : memref<16x640xf32, #tpu.memory_space<vmem>> -> memref<1x640xf32, #tpu.memory_space<vmem>>
      %dma_start3A_176 = tpu.memref_squeeze %dma_start3A_175 : memref<1x640xf32, #tpu.memory_space<vmem>> -> memref<640xf32, #tpu.memory_space<vmem>>
      %dma_start3A_177 = tpu.memref_slice %arg22[%run_scoped3A_157, %mul3A_156] : memref<16x10240xf32, #tpu.memory_space<vmem_shared>> -> memref<1x640xf32, #tpu.memory_space<vmem_shared>>
      %dma_start3A_178 = tpu.memref_squeeze %dma_start3A_177 : memref<1x640xf32, #tpu.memory_space<vmem_shared>> -> memref<640xf32, #tpu.memory_space<vmem_shared>>
      %dma_start3A_179 = arith.constant 0 : i32
      %dma_start3A_180 = tpu.memref_slice %arg23[%run_scoped3A_158, %dma_start3A_179] : memref<16x640xf32, #tpu.memory_space<vmem>> -> memref<1x640xf32, #tpu.memory_space<vmem>>
      %dma_start3A_181 = tpu.memref_squeeze %dma_start3A_180 : memref<1x640xf32, #tpu.memory_space<vmem>> -> memref<640xf32, #tpu.memory_space<vmem>>
      %dma_start3A_182 = tpu.memref_slice %arg22[%run_scoped3A_157, %mul3A_156] : memref<16x10240xf32, #tpu.memory_space<vmem_shared>> -> memref<1x640xf32, #tpu.memory_space<vmem_shared>>
      %dma_start3A_183 = tpu.memref_squeeze %dma_start3A_182 : memref<1x640xf32, #tpu.memory_space<vmem_shared>> -> memref<640xf32, #tpu.memory_space<vmem_shared>>
      tpu.enqueue_dma source(%dma_start3A_183 : memref<640xf32, #tpu.memory_space<vmem_shared>>) target(%dma_start3A_181 : memref<640xf32, #tpu.memory_space<vmem>>) target_semaphore(%run_scoped3A_173 : memref<!tpu.dma_semaphore, #tpu.memory_space<semaphore_mem>>)
      %dma_wait3A = arith.constant 0 : i32
      %dma_wait3A_184 = tpu.memref_slice %arg23[%run_scoped3A_158, %dma_wait3A] : memref<16x640xf32, #tpu.memory_space<vmem>> -> memref<1x640xf32, #tpu.memory_space<vmem>>
      %dma_wait3A_185 = tpu.memref_squeeze %dma_wait3A_184 : memref<1x640xf32, #tpu.memory_space<vmem>> -> memref<640xf32, #tpu.memory_space<vmem>>
      %dma_wait3A_186 = tpu.memref_slice %arg22[%run_scoped3A_157, %mul3A_156] : memref<16x10240xf32, #tpu.memory_space<vmem_shared>> -> memref<1x640xf32, #tpu.memory_space<vmem_shared>>
      %dma_wait3A_187 = tpu.memref_squeeze %dma_wait3A_186 : memref<1x640xf32, #tpu.memory_space<vmem_shared>> -> memref<640xf32, #tpu.memory_space<vmem_shared>>
      %dma_wait3A_188 = arith.constant 0 : i32
      %dma_wait3A_189 = tpu.memref_slice %arg23[%run_scoped3A_158, %dma_wait3A_188] : memref<16x640xf32, #tpu.memory_space<vmem>> -> memref<1x640xf32, #tpu.memory_space<vmem>>
      %dma_wait3A_190 = tpu.memref_squeeze %dma_wait3A_189 : memref<1x640xf32, #tpu.memory_space<vmem>> -> memref<640xf32, #tpu.memory_space<vmem>>
      %dma_wait3A_191 = tpu.memref_slice %arg22[%run_scoped3A_157, %mul3A_156] : memref<16x10240xf32, #tpu.memory_space<vmem_shared>> -> memref<1x640xf32, #tpu.memory_space<vmem_shared>>
      %dma_wait3A_192 = tpu.memref_squeeze %dma_wait3A_191 : memref<1x640xf32, #tpu.memory_space<vmem_shared>> -> memref<640xf32, #tpu.memory_space<vmem_shared>>
      tpu.wait_dma2 semaphore(%run_scoped3A_173 : memref<!tpu.dma_semaphore, #tpu.memory_space<semaphore_mem>>) src(%dma_wait3A_192 : memref<640xf32, #tpu.memory_space<vmem_shared>>) dst(%dma_wait3A_190 : memref<640xf32, #tpu.memory_space<vmem>>)
      tpu.yield
    }) : () -> ()
    %mul3A_159 = arith.constant 640 : i32
    %mul3A_160 = arith.muli %arg1, %mul3A_159 : i32
    %run_scoped3A_161 = arith.constant 15 : i32
    %run_scoped3A_162 = arith.constant 15 : i32
    "tpu.region"() ({
      %run_scoped3A_173 = tpu.sem_alloc : memref<!tpu.dma_semaphore, #tpu.memory_space<semaphore_mem>>
      %dma_start3A_174 = arith.constant 0 : i32
      %dma_start3A_175 = tpu.memref_slice %arg23[%run_scoped3A_162, %dma_start3A_174] : memref<16x640xf32, #tpu.memory_space<vmem>> -> memref<1x640xf32, #tpu.memory_space<vmem>>
      %dma_start3A_176 = tpu.memref_squeeze %dma_start3A_175 : memref<1x640xf32, #tpu.memory_space<vmem>> -> memref<640xf32, #tpu.memory_space<vmem>>
      %dma_start3A_177 = tpu.memref_slice %arg22[%run_scoped3A_161, %mul3A_160] : memref<16x10240xf32, #tpu.memory_space<vmem_shared>> -> memref<1x640xf32, #tpu.memory_space<vmem_shared>>
      %dma_start3A_178 = tpu.memref_squeeze %dma_start3A_177 : memref<1x640xf32, #tpu.memory_space<vmem_shared>> -> memref<640xf32, #tpu.memory_space<vmem_shared>>
      %dma_start3A_179 = arith.constant 0 : i32
      %dma_start3A_180 = tpu.memref_slice %arg23[%run_scoped3A_162, %dma_start3A_179] : memref<16x640xf32, #tpu.memory_space<vmem>> -> memref<1x640xf32, #tpu.memory_space<vmem>>
      %dma_start3A_181 = tpu.memref_squeeze %dma_start3A_180 : memref<1x640xf32, #tpu.memory_space<vmem>> -> memref<640xf32, #tpu.memory_space<vmem>>
      %dma_start3A_182 = tpu.memref_slice %arg22[%run_scoped3A_161, %mul3A_160] : memref<16x10240xf32, #tpu.memory_space<vmem_shared>> -> memref<1x640xf32, #tpu.memory_space<vmem_shared>>
      %dma_start3A_183 = tpu.memref_squeeze %dma_start3A_182 : memref<1x640xf32, #tpu.memory_space<vmem_shared>> -> memref<640xf32, #tpu.memory_space<vmem_shared>>
      tpu.enqueue_dma source(%dma_start3A_183 : memref<640xf32, #tpu.memory_space<vmem_shared>>) target(%dma_start3A_181 : memref<640xf32, #tpu.memory_space<vmem>>) target_semaphore(%run_scoped3A_173 : memref<!tpu.dma_semaphore, #tpu.memory_space<semaphore_mem>>)
      %dma_wait3A = arith.constant 0 : i32
      %dma_wait3A_184 = tpu.memref_slice %arg23[%run_scoped3A_162, %dma_wait3A] : memref<16x640xf32, #tpu.memory_space<vmem>> -> memref<1x640xf32, #tpu.memory_space<vmem>>
      %dma_wait3A_185 = tpu.memref_squeeze %dma_wait3A_184 : memref<1x640xf32, #tpu.memory_space<vmem>> -> memref<640xf32, #tpu.memory_space<vmem>>
      %dma_wait3A_186 = tpu.memref_slice %arg22[%run_scoped3A_161, %mul3A_160] : memref<16x10240xf32, #tpu.memory_space<vmem_shared>> -> memref<1x640xf32, #tpu.memory_space<vmem_shared>>
      %dma_wait3A_187 = tpu.memref_squeeze %dma_wait3A_186 : memref<1x640xf32, #tpu.memory_space<vmem_shared>> -> memref<640xf32, #tpu.memory_space<vmem_shared>>
      %dma_wait3A_188 = arith.constant 0 : i32
      %dma_wait3A_189 = tpu.memref_slice %arg23[%run_scoped3A_162, %dma_wait3A_188] : memref<16x640xf32, #tpu.memory_space<vmem>> -> memref<1x640xf32, #tpu.memory_space<vmem>>
      %dma_wait3A_190 = tpu.memref_squeeze %dma_wait3A_189 : memref<1x640xf32, #tpu.memory_space<vmem>> -> memref<640xf32, #tpu.memory_space<vmem>>
      %dma_wait3A_191 = tpu.memref_slice %arg22[%run_scoped3A_161, %mul3A_160] : memref<16x10240xf32, #tpu.memory_space<vmem_shared>> -> memref<1x640xf32, #tpu.memory_space<vmem_shared>>
      %dma_wait3A_192 = tpu.memref_squeeze %dma_wait3A_191 : memref<1x640xf32, #tpu.memory_space<vmem_shared>> -> memref<640xf32, #tpu.memory_space<vmem_shared>>
      tpu.wait_dma2 semaphore(%run_scoped3A_173 : memref<!tpu.dma_semaphore, #tpu.memory_space<semaphore_mem>>) src(%dma_wait3A_192 : memref<640xf32, #tpu.memory_space<vmem_shared>>) dst(%dma_wait3A_190 : memref<640xf32, #tpu.memory_space<vmem>>)
      tpu.yield
    }) : () -> ()
    %iota3A = tpu.iota {dimensions = array<i32: 0>} : vector<16xi32>
    %scan3A_163 = arith.constant 0 : i32
    %scan3A_164 = arith.constant 0 : i32
    %scan3A_165 = arith.constant 40 : i32
    %scan3A_166 = arith.addi %scan3A_164, %scan3A_165 : i32
    %scan3A_167 = arith.constant 1 : i32
    %scan3A_168 = scf.for %scan3A_173 = %scan3A_164 to %scan3A_166 step %scan3A_167 iter_args(%scan3A_174 = %scan3A_163) -> (i32)  : i32 {
      %mul3A_175 = arith.constant 16 : i32
      %mul3A_176 = arith.muli %scan3A_173, %mul3A_175 : i32
      %get3A = arith.constant 0 : i32
      %get3A_177 = arith.index_cast %get3A : i32 to index
      %get3A_178 = arith.index_cast %mul3A_176 : i32 to index
      %get3A_179 = tpu.vector_load %arg23[%get3A_177, %get3A_178] {strides = array<i32>} : memref<16x640xf32, #tpu.memory_space<vmem>>, vector<16xf32>,
      %mul3A_180 = arith.constant 16 : i32
      %mul3A_181 = arith.muli %scan3A_173, %mul3A_180 : i32
      %get3A_182 = arith.constant 1 : i32
      %get3A_183 = arith.index_cast %get3A_182 : i32 to index
      %get3A_184 = arith.index_cast %mul3A_181 : i32 to index
      %get3A_185 = tpu.vector_load %arg23[%get3A_183, %get3A_184] {strides = array<i32>} : memref<16x640xf32, #tpu.memory_space<vmem>>, vector<16xf32>,
      %add3A = arith.addf %get3A_179, %get3A_185 : vector<16xf32>
      %mul3A_186 = arith.constant 16 : i32
      %mul3A_187 = arith.muli %scan3A_173, %mul3A_186 : i32
      %get3A_188 = arith.constant 2 : i32
      %get3A_189 = arith.index_cast %get3A_188 : i32 to index
      %get3A_190 = arith.index_cast %mul3A_187 : i32 to index
      %get3A_191 = tpu.vector_load %arg23[%get3A_189, %get3A_190] {strides = array<i32>} : memref<16x640xf32, #tpu.memory_space<vmem>>, vector<16xf32>,
      %add3A_192 = arith.addf %add3A, %get3A_191 : vector<16xf32>
      %mul3A_193 = arith.constant 16 : i32
      %mul3A_194 = arith.muli %scan3A_173, %mul3A_193 : i32
      %get3A_195 = arith.constant 3 : i32
      %get3A_196 = arith.index_cast %get3A_195 : i32 to index
      %get3A_197 = arith.index_cast %mul3A_194 : i32 to index
      %get3A_198 = tpu.vector_load %arg23[%get3A_196, %get3A_197] {strides = array<i32>} : memref<16x640xf32, #tpu.memory_space<vmem>>, vector<16xf32>,
      %add3A_199 = arith.addf %add3A_192, %get3A_198 : vector<16xf32>
      %mul3A_200 = arith.constant 16 : i32
      %mul3A_201 = arith.muli %scan3A_173, %mul3A_200 : i32
      %get3A_202 = arith.constant 4 : i32
      %get3A_203 = arith.index_cast %get3A_202 : i32 to index
      %get3A_204 = arith.index_cast %mul3A_201 : i32 to index
      %get3A_205 = tpu.vector_load %arg23[%get3A_203, %get3A_204] {strides = array<i32>} : memref<16x640xf32, #tpu.memory_space<vmem>>, vector<16xf32>,
      %add3A_206 = arith.addf %add3A_199, %get3A_205 : vector<16xf32>
      %mul3A_207 = arith.constant 16 : i32
      %mul3A_208 = arith.muli %scan3A_173, %mul3A_207 : i32
      %get3A_209 = arith.constant 5 : i32
      %get3A_210 = arith.index_cast %get3A_209 : i32 to index
      %get3A_211 = arith.index_cast %mul3A_208 : i32 to index
      %get3A_212 = tpu.vector_load %arg23[%get3A_210, %get3A_211] {strides = array<i32>} : memref<16x640xf32, #tpu.memory_space<vmem>>, vector<16xf32>,
      %add3A_213 = arith.addf %add3A_206, %get3A_212 : vector<16xf32>
      %mul3A_214 = arith.constant 16 : i32
      %mul3A_215 = arith.muli %scan3A_173, %mul3A_214 : i32
      %get3A_216 = arith.constant 6 : i32
      %get3A_217 = arith.index_cast %get3A_216 : i32 to index
      %get3A_218 = arith.index_cast %mul3A_215 : i32 to index
      %get3A_219 = tpu.vector_load %arg23[%get3A_217, %get3A_218] {strides = array<i32>} : memref<16x640xf32, #tpu.memory_space<vmem>>, vector<16xf32>,
      %add3A_220 = arith.addf %add3A_213, %get3A_219 : vector<16xf32>
      %mul3A_221 = arith.constant 16 : i32
      %mul3A_222 = arith.muli %scan3A_173, %mul3A_221 : i32
      %get3A_223 = arith.constant 7 : i32
      %get3A_224 = arith.index_cast %get3A_223 : i32 to index
      %get3A_225 = arith.index_cast %mul3A_222 : i32 to index
      %get3A_226 = tpu.vector_load %arg23[%get3A_224, %get3A_225] {strides = array<i32>} : memref<16x640xf32, #tpu.memory_space<vmem>>, vector<16xf32>,
      %add3A_227 = arith.addf %add3A_220, %get3A_226 : vector<16xf32>
      %mul3A_228 = arith.constant 16 : i32
      %mul3A_229 = arith.muli %scan3A_173, %mul3A_228 : i32
      %get3A_230 = arith.constant 8 : i32
      %get3A_231 = arith.index_cast %get3A_230 : i32 to index
      %get3A_232 = arith.index_cast %mul3A_229 : i32 to index
      %get3A_233 = tpu.vector_load %arg23[%get3A_231, %get3A_232] {strides = array<i32>} : memref<16x640xf32, #tpu.memory_space<vmem>>, vector<16xf32>,
      %add3A_234 = arith.addf %add3A_227, %get3A_233 : vector<16xf32>
      %mul3A_235 = arith.constant 16 : i32
      %mul3A_236 = arith.muli %scan3A_173, %mul3A_235 : i32
      %get3A_237 = arith.constant 9 : i32
      %get3A_238 = arith.index_cast %get3A_237 : i32 to index
      %get3A_239 = arith.index_cast %mul3A_236 : i32 to index
      %get3A_240 = tpu.vector_load %arg23[%get3A_238, %get3A_239] {strides = array<i32>} : memref<16x640xf32, #tpu.memory_space<vmem>>, vector<16xf32>,
      %add3A_241 = arith.addf %add3A_234, %get3A_240 : vector<16xf32>
      %mul3A_242 = arith.constant 16 : i32
      %mul3A_243 = arith.muli %scan3A_173, %mul3A_242 : i32
      %get3A_244 = arith.constant 10 : i32
      %get3A_245 = arith.index_cast %get3A_244 : i32 to index
      %get3A_246 = arith.index_cast %mul3A_243 : i32 to index
      %get3A_247 = tpu.vector_load %arg23[%get3A_245, %get3A_246] {strides = array<i32>} : memref<16x640xf32, #tpu.memory_space<vmem>>, vector<16xf32>,
      %add3A_248 = arith.addf %add3A_241, %get3A_247 : vector<16xf32>
      %mul3A_249 = arith.constant 16 : i32
      %mul3A_250 = arith.muli %scan3A_173, %mul3A_249 : i32
      %get3A_251 = arith.constant 11 : i32
      %get3A_252 = arith.index_cast %get3A_251 : i32 to index
      %get3A_253 = arith.index_cast %mul3A_250 : i32 to index
      %get3A_254 = tpu.vector_load %arg23[%get3A_252, %get3A_253] {strides = array<i32>} : memref<16x640xf32, #tpu.memory_space<vmem>>, vector<16xf32>,
      %add3A_255 = arith.addf %add3A_248, %get3A_254 : vector<16xf32>
      %mul3A_256 = arith.constant 16 : i32
      %mul3A_257 = arith.muli %scan3A_173, %mul3A_256 : i32
      %get3A_258 = arith.constant 12 : i32
      %get3A_259 = arith.index_cast %get3A_258 : i32 to index
      %get3A_260 = arith.index_cast %mul3A_257 : i32 to index
      %get3A_261 = tpu.vector_load %arg23[%get3A_259, %get3A_260] {strides = array<i32>} : memref<16x640xf32, #tpu.memory_space<vmem>>, vector<16xf32>,
      %add3A_262 = arith.addf %add3A_255, %get3A_261 : vector<16xf32>
      %mul3A_263 = arith.constant 16 : i32
      %mul3A_264 = arith.muli %scan3A_173, %mul3A_263 : i32
      %get3A_265 = arith.constant 13 : i32
      %get3A_266 = arith.index_cast %get3A_265 : i32 to index
      %get3A_267 = arith.index_cast %mul3A_264 : i32 to index
      %get3A_268 = tpu.vector_load %arg23[%get3A_266, %get3A_267] {strides = array<i32>} : memref<16x640xf32, #tpu.memory_space<vmem>>, vector<16xf32>,
      %add3A_269 = arith.addf %add3A_262, %get3A_268 : vector<16xf32>
      %mul3A_270 = arith.constant 16 : i32
      %mul3A_271 = arith.muli %scan3A_173, %mul3A_270 : i32
      %get3A_272 = arith.constant 14 : i32
      %get3A_273 = arith.index_cast %get3A_272 : i32 to index
      %get3A_274 = arith.index_cast %mul3A_271 : i32 to index
      %get3A_275 = tpu.vector_load %arg23[%get3A_273, %get3A_274] {strides = array<i32>} : memref<16x640xf32, #tpu.memory_space<vmem>>, vector<16xf32>,
      %add3A_276 = arith.addf %add3A_269, %get3A_275 : vector<16xf32>
      %mul3A_277 = arith.constant 16 : i32
      %mul3A_278 = arith.muli %scan3A_173, %mul3A_277 : i32
      %get3A_279 = arith.constant 15 : i32
      %get3A_280 = arith.index_cast %get3A_279 : i32 to index
      %get3A_281 = arith.index_cast %mul3A_278 : i32 to index
      %get3A_282 = tpu.vector_load %arg23[%get3A_280, %get3A_281] {strides = array<i32>} : memref<16x640xf32, #tpu.memory_space<vmem>>, vector<16xf32>,
      %add3A_283 = arith.addf %add3A_276, %get3A_282 : vector<16xf32>
      %mul3A_284 = arith.constant 16 : i32
      %mul3A_285 = arith.muli %scan3A_173, %mul3A_284 : i32
      %add3A_286 = vector.broadcast %mul3A_285 : i32 to vector<16xi32>
      %add3A_287 = arith.addi %iota3A, %add3A_286 : vector<16xi32>
      %broadcast_in_dim3A_288 = arith.constant 0 : i32
      %broadcast_in_dim3A_289 = vector.broadcast %broadcast_in_dim3A_288 : i32 to vector<16xi32>
      tpu.vector_store_idx %arg24[%add3A_287, %broadcast_in_dim3A_289], %add3A_283 : memref<640x16xf32, #tpu.memory_space<vmem>>[vector<16xi32>, vector<16xi32>], vector<16xf32>,
      %broadcast_in_dim3A_290 = arith.constant 1 : i32
      %broadcast_in_dim3A_291 = vector.broadcast %broadcast_in_dim3A_290 : i32 to vector<16xi32>
      tpu.vector_store_idx %arg24[%add3A_287, %broadcast_in_dim3A_291], %add3A_283 : memref<640x16xf32, #tpu.memory_space<vmem>>[vector<16xi32>, vector<16xi32>], vector<16xf32>,
      %broadcast_in_dim3A_292 = arith.constant 2 : i32
      %broadcast_in_dim3A_293 = vector.broadcast %broadcast_in_dim3A_292 : i32 to vector<16xi32>
      tpu.vector_store_idx %arg24[%add3A_287, %broadcast_in_dim3A_293], %add3A_283 : memref<640x16xf32, #tpu.memory_space<vmem>>[vector<16xi32>, vector<16xi32>], vector<16xf32>,
      %broadcast_in_dim3A_294 = arith.constant 3 : i32
      %broadcast_in_dim3A_295 = vector.broadcast %broadcast_in_dim3A_294 : i32 to vector<16xi32>
      tpu.vector_store_idx %arg24[%add3A_287, %broadcast_in_dim3A_295], %add3A_283 : memref<640x16xf32, #tpu.memory_space<vmem>>[vector<16xi32>, vector<16xi32>], vector<16xf32>,
      %broadcast_in_dim3A_296 = arith.constant 4 : i32
      %broadcast_in_dim3A_297 = vector.broadcast %broadcast_in_dim3A_296 : i32 to vector<16xi32>
      tpu.vector_store_idx %arg24[%add3A_287, %broadcast_in_dim3A_297], %add3A_283 : memref<640x16xf32, #tpu.memory_space<vmem>>[vector<16xi32>, vector<16xi32>], vector<16xf32>,
      %broadcast_in_dim3A_298 = arith.constant 5 : i32
      %broadcast_in_dim3A_299 = vector.broadcast %broadcast_in_dim3A_298 : i32 to vector<16xi32>
      tpu.vector_store_idx %arg24[%add3A_287, %broadcast_in_dim3A_299], %add3A_283 : memref<640x16xf32, #tpu.memory_space<vmem>>[vector<16xi32>, vector<16xi32>], vector<16xf32>,
      %broadcast_in_dim3A_300 = arith.constant 6 : i32
      %broadcast_in_dim3A_301 = vector.broadcast %broadcast_in_dim3A_300 : i32 to vector<16xi32>
      tpu.vector_store_idx %arg24[%add3A_287, %broadcast_in_dim3A_301], %add3A_283 : memref<640x16xf32, #tpu.memory_space<vmem>>[vector<16xi32>, vector<16xi32>], vector<16xf32>,
      %broadcast_in_dim3A_302 = arith.constant 7 : i32
      %broadcast_in_dim3A_303 = vector.broadcast %broadcast_in_dim3A_302 : i32 to vector<16xi32>
      tpu.vector_store_idx %arg24[%add3A_287, %broadcast_in_dim3A_303], %add3A_283 : memref<640x16xf32, #tpu.memory_space<vmem>>[vector<16xi32>, vector<16xi32>], vector<16xf32>,
      %broadcast_in_dim3A_304 = arith.constant 8 : i32
      %broadcast_in_dim3A_305 = vector.broadcast %broadcast_in_dim3A_304 : i32 to vector<16xi32>
      tpu.vector_store_idx %arg24[%add3A_287, %broadcast_in_dim3A_305], %add3A_283 : memref<640x16xf32, #tpu.memory_space<vmem>>[vector<16xi32>, vector<16xi32>], vector<16xf32>,
      %broadcast_in_dim3A_306 = arith.constant 9 : i32
      %broadcast_in_dim3A_307 = vector.broadcast %broadcast_in_dim3A_306 : i32 to vector<16xi32>
      tpu.vector_store_idx %arg24[%add3A_287, %broadcast_in_dim3A_307], %add3A_283 : memref<640x16xf32, #tpu.memory_space<vmem>>[vector<16xi32>, vector<16xi32>], vector<16xf32>,
      %broadcast_in_dim3A_308 = arith.constant 10 : i32
      %broadcast_in_dim3A_309 = vector.broadcast %broadcast_in_dim3A_308 : i32 to vector<16xi32>
      tpu.vector_store_idx %arg24[%add3A_287, %broadcast_in_dim3A_309], %add3A_283 : memref<640x16xf32, #tpu.memory_space<vmem>>[vector<16xi32>, vector<16xi32>], vector<16xf32>,
      %broadcast_in_dim3A_310 = arith.constant 11 : i32
      %broadcast_in_dim3A_311 = vector.broadcast %broadcast_in_dim3A_310 : i32 to vector<16xi32>
      tpu.vector_store_idx %arg24[%add3A_287, %broadcast_in_dim3A_311], %add3A_283 : memref<640x16xf32, #tpu.memory_space<vmem>>[vector<16xi32>, vector<16xi32>], vector<16xf32>,
      %broadcast_in_dim3A_312 = arith.constant 12 : i32
      %broadcast_in_dim3A_313 = vector.broadcast %broadcast_in_dim3A_312 : i32 to vector<16xi32>
      tpu.vector_store_idx %arg24[%add3A_287, %broadcast_in_dim3A_313], %add3A_283 : memref<640x16xf32, #tpu.memory_space<vmem>>[vector<16xi32>, vector<16xi32>], vector<16xf32>,
      %broadcast_in_dim3A_314 = arith.constant 13 : i32
      %broadcast_in_dim3A_315 = vector.broadcast %broadcast_in_dim3A_314 : i32 to vector<16xi32>
      tpu.vector_store_idx %arg24[%add3A_287, %broadcast_in_dim3A_315], %add3A_283 : memref<640x16xf32, #tpu.memory_space<vmem>>[vector<16xi32>, vector<16xi32>], vector<16xf32>,
      %broadcast_in_dim3A_316 = arith.constant 14 : i32
      %broadcast_in_dim3A_317 = vector.broadcast %broadcast_in_dim3A_316 : i32 to vector<16xi32>
      tpu.vector_store_idx %arg24[%add3A_287, %broadcast_in_dim3A_317], %add3A_283 : memref<640x16xf32, #tpu.memory_space<vmem>>[vector<16xi32>, vector<16xi32>], vector<16xf32>,
      %broadcast_in_dim3A_318 = arith.constant 15 : i32
      %broadcast_in_dim3A_319 = vector.broadcast %broadcast_in_dim3A_318 : i32 to vector<16xi32>
      tpu.vector_store_idx %arg24[%add3A_287, %broadcast_in_dim3A_319], %add3A_283 : memref<640x16xf32, #tpu.memory_space<vmem>>[vector<16xi32>, vector<16xi32>], vector<16xf32>,
      %scan3A_320 = arith.constant 0 : i32
      scf.yield %scan3A_320 : i32
    }
    %scan3A_169 = arith.constant 40 : i32
    %barrier3A_170 = arith.constant 0 : index
    tpu.barrier barrier_id(%barrier3A_170)
    %mul3A_171 = arith.constant 640 : i32
    %mul3A_172 = arith.muli %arg1, %mul3A_171 : i32
    "tpu.region"() ({
      %run_scoped3A_173 = tpu.sem_alloc : memref<!tpu.dma_semaphore, #tpu.memory_space<semaphore_mem>>
      %dma_start3A_174 = arith.constant 0 : i32
      %dma_start3A_175 = tpu.memref_slice %arg7[%arg0, %mul3A_172, %dma_start3A_174] : memref<2x10240x16xf32, #tpu.memory_space<hbm>> -> memref<1x640x16xf32, #tpu.memory_space<hbm>>
      %dma_start3A_176 = tpu.memref_squeeze %dma_start3A_175 : memref<1x640x16xf32, #tpu.memory_space<hbm>> -> memref<640x16xf32, #tpu.memory_space<hbm>>
      %dma_start3A_177 = arith.constant 0 : i32
      %dma_start3A_178 = tpu.memref_slice %arg7[%arg0, %mul3A_172, %dma_start3A_177] : memref<2x10240x16xf32, #tpu.memory_space<hbm>> -> memref<1x640x16xf32, #tpu.memory_space<hbm>>
      %dma_start3A_179 = tpu.memref_squeeze %dma_start3A_178 : memref<1x640x16xf32, #tpu.memory_space<hbm>> -> memref<640x16xf32, #tpu.memory_space<hbm>>
      tpu.enqueue_dma source(%arg24 : memref<640x16xf32, #tpu.memory_space<vmem>>) target(%dma_start3A_179 : memref<640x16xf32, #tpu.memory_space<hbm>>) target_semaphore(%run_scoped3A_173 : memref<!tpu.dma_semaphore, #tpu.memory_space<semaphore_mem>>)
      %dma_wait3A = arith.constant 0 : i32
      %dma_wait3A_180 = tpu.memref_slice %arg7[%arg0, %mul3A_172, %dma_wait3A] : memref<2x10240x16xf32, #tpu.memory_space<hbm>> -> memref<1x640x16xf32, #tpu.memory_space<hbm>>
      %dma_wait3A_181 = tpu.memref_squeeze %dma_wait3A_180 : memref<1x640x16xf32, #tpu.memory_space<hbm>> -> memref<640x16xf32, #tpu.memory_space<hbm>>
      %dma_wait3A_182 = arith.constant 0 : i32
      %dma_wait3A_183 = tpu.memref_slice %arg7[%arg0, %mul3A_172, %dma_wait3A_182] : memref<2x10240x16xf32, #tpu.memory_space<hbm>> -> memref<1x640x16xf32, #tpu.memory_space<hbm>>
      %dma_wait3A_184 = tpu.memref_squeeze %dma_wait3A_183 : memref<1x640x16xf32, #tpu.memory_space<hbm>> -> memref<640x16xf32, #tpu.memory_space<hbm>>
      tpu.wait_dma2 semaphore(%run_scoped3A_173 : memref<!tpu.dma_semaphore, #tpu.memory_space<semaphore_mem>>) src(%arg24 : memref<640x16xf32, #tpu.memory_space<vmem>>) dst(%dma_wait3A_184 : memref<640x16xf32, #tpu.memory_space<hbm>>)
      tpu.yield
    }) : () -> ()
    return
  }
}

#map = affine_map<(d0, d1) -> (0, 0)>
#map1 = affine_map<(d0, d1) -> (0, 0, 0)>
module attributes {stable_mosaic.version = 14 : i64} {
  func.func @k(%arg0: i32, %arg1: i32, %arg2: memref<10240x16xf32, #tpu.memory_space<hbm>>, %arg3: memref<2500x128xi32, #tpu.memory_space<hbm>>, %arg4: memref<2500x128xi32, #tpu.memory_space<hbm>>, %arg5: memref<10240x16xf32, #tpu.memory_space<hbm>>, %arg6: memref<2x10240x16xf32, #tpu.memory_space<hbm>>, %arg7: memref<80x128xi32, #tpu.memory_space<vmem>>, %arg8: memref<80x128xi32, #tpu.memory_space<vmem>>, %arg9: memref<1x128xi32, #tpu.memory_space<vmem>>, %arg10: memref<1x128xi32, #tpu.memory_space<vmem>>, %arg11: memref<128x16xf32, #tpu.memory_space<vmem>>, %arg12: memref<128x16xf32, #tpu.memory_space<vmem>>, %arg13: memref<128x16xf32, #tpu.memory_space<vmem>>, %arg14: memref<128x16xf32, #tpu.memory_space<vmem>>, %arg15: memref<10240x16xf32, #tpu.memory_space<vmem_shared>>, %arg16: memref<!tpu.dma_semaphore, #tpu.memory_space<semaphore_mem>>, %arg17: memref<!tpu.dma_semaphore, #tpu.memory_space<semaphore_mem>>, %arg18: memref<!tpu.dma_semaphore, #tpu.memory_space<semaphore_mem>>, %arg19: memref<!tpu.dma_semaphore, #tpu.memory_space<semaphore_mem>>) attributes {dimension_semantics = [#tpu.dimension_semantics<core_parallel>, #tpu.dimension_semantics<subcore_parallel>], iteration_bounds = array<i64: 2, 16>, scalar_prefetch = 0 : i64, scratch_operands = 13 : i64, tpu.core_type = #tpu.core_type<sc_vector_subcore>, window_params = [{transform_indices = #map}, {transform_indices = #map}, {transform_indices = #map}, {transform_indices = #map}, {transform_indices = #map1}]} {
    %eq3A = arith.constant 0 : i32
    %eq3A_0 = arith.cmpi eq, %arg0, %eq3A : i32
    %jit3A = arith.constant 80 : i32
    %jit3A_1 = arith.constant 76 : i32
    %select_n3A = arith.select %eq3A_0, %jit3A, %jit3A_1 : i32
    %eq3A_2 = arith.constant 0 : i32
    %eq3A_3 = arith.cmpi eq, %arg0, %eq3A_2 : i32
    %convert_element_type3A = arith.extui %eq3A_3 : i1 to i32
    %cond3A = arith.constant 0 : i32
    %cond3A_4 = arith.cmpi ne, %convert_element_type3A, %cond3A : i32
    scf.if %cond3A_4 {
      %mul3A_82 = arith.constant 80 : i32
      %mul3A_83 = arith.muli %arg1, %mul3A_82 : i32
      "tpu.region"() ({
        %run_scoped3A = tpu.sem_alloc : memref<!tpu.dma_semaphore, #tpu.memory_space<semaphore_mem>>
        %dma_start3A_86 = arith.constant 0 : i32
        %dma_start3A_87 = arith.constant 0 : i32
        %dma_start3A_88 = tpu.memref_slice %arg7[%dma_start3A_86, %dma_start3A_87] : memref<80x128xi32, #tpu.memory_space<vmem>> -> memref<80x128xi32, #tpu.memory_space<vmem>>
        %dma_start3A_89 = arith.constant 0 : i32
        %dma_start3A_90 = tpu.memref_slice %arg3[%mul3A_83, %dma_start3A_89] : memref<2500x128xi32, #tpu.memory_space<hbm>> -> memref<80x128xi32, #tpu.memory_space<hbm>>
        %dma_start3A_91 = arith.constant 0 : i32
        %dma_start3A_92 = arith.constant 0 : i32
        %dma_start3A_93 = tpu.memref_slice %arg7[%dma_start3A_91, %dma_start3A_92] : memref<80x128xi32, #tpu.memory_space<vmem>> -> memref<80x128xi32, #tpu.memory_space<vmem>>
        %dma_start3A_94 = arith.constant 0 : i32
        %dma_start3A_95 = tpu.memref_slice %arg3[%mul3A_83, %dma_start3A_94] : memref<2500x128xi32, #tpu.memory_space<hbm>> -> memref<80x128xi32, #tpu.memory_space<hbm>>
        tpu.enqueue_dma source(%dma_start3A_95 : memref<80x128xi32, #tpu.memory_space<hbm>>) target(%dma_start3A_93 : memref<80x128xi32, #tpu.memory_space<vmem>>) target_semaphore(%run_scoped3A : memref<!tpu.dma_semaphore, #tpu.memory_space<semaphore_mem>>)
        %dma_wait3A = arith.constant 0 : i32
        %dma_wait3A_96 = arith.constant 0 : i32
        %dma_wait3A_97 = tpu.memref_slice %arg7[%dma_wait3A, %dma_wait3A_96] : memref<80x128xi32, #tpu.memory_space<vmem>> -> memref<80x128xi32, #tpu.memory_space<vmem>>
        %dma_wait3A_98 = arith.constant 0 : i32
        %dma_wait3A_99 = tpu.memref_slice %arg3[%mul3A_83, %dma_wait3A_98] : memref<2500x128xi32, #tpu.memory_space<hbm>> -> memref<80x128xi32, #tpu.memory_space<hbm>>
        %dma_wait3A_100 = arith.constant 0 : i32
        %dma_wait3A_101 = arith.constant 0 : i32
        %dma_wait3A_102 = tpu.memref_slice %arg7[%dma_wait3A_100, %dma_wait3A_101] : memref<80x128xi32, #tpu.memory_space<vmem>> -> memref<80x128xi32, #tpu.memory_space<vmem>>
        %dma_wait3A_103 = arith.constant 0 : i32
        %dma_wait3A_104 = tpu.memref_slice %arg3[%mul3A_83, %dma_wait3A_103] : memref<2500x128xi32, #tpu.memory_space<hbm>> -> memref<80x128xi32, #tpu.memory_space<hbm>>
        tpu.wait_dma2 semaphore(%run_scoped3A : memref<!tpu.dma_semaphore, #tpu.memory_space<semaphore_mem>>) src(%dma_wait3A_104 : memref<80x128xi32, #tpu.memory_space<hbm>>) dst(%dma_wait3A_102 : memref<80x128xi32, #tpu.memory_space<vmem>>)
        tpu.yield
      }) : () -> ()
      %mul3A_84 = arith.constant 80 : i32
      %mul3A_85 = arith.muli %arg1, %mul3A_84 : i32
      "tpu.region"() ({
        %run_scoped3A = tpu.sem_alloc : memref<!tpu.dma_semaphore, #tpu.memory_space<semaphore_mem>>
        %dma_start3A_86 = arith.constant 0 : i32
        %dma_start3A_87 = arith.constant 0 : i32
        %dma_start3A_88 = tpu.memref_slice %arg8[%dma_start3A_86, %dma_start3A_87] : memref<80x128xi32, #tpu.memory_space<vmem>> -> memref<80x128xi32, #tpu.memory_space<vmem>>
        %dma_start3A_89 = arith.constant 0 : i32
        %dma_start3A_90 = tpu.memref_slice %arg4[%mul3A_85, %dma_start3A_89] : memref<2500x128xi32, #tpu.memory_space<hbm>> -> memref<80x128xi32, #tpu.memory_space<hbm>>
        %dma_start3A_91 = arith.constant 0 : i32
        %dma_start3A_92 = arith.constant 0 : i32
        %dma_start3A_93 = tpu.memref_slice %arg8[%dma_start3A_91, %dma_start3A_92] : memref<80x128xi32, #tpu.memory_space<vmem>> -> memref<80x128xi32, #tpu.memory_space<vmem>>
        %dma_start3A_94 = arith.constant 0 : i32
        %dma_start3A_95 = tpu.memref_slice %arg4[%mul3A_85, %dma_start3A_94] : memref<2500x128xi32, #tpu.memory_space<hbm>> -> memref<80x128xi32, #tpu.memory_space<hbm>>
        tpu.enqueue_dma source(%dma_start3A_95 : memref<80x128xi32, #tpu.memory_space<hbm>>) target(%dma_start3A_93 : memref<80x128xi32, #tpu.memory_space<vmem>>) target_semaphore(%run_scoped3A : memref<!tpu.dma_semaphore, #tpu.memory_space<semaphore_mem>>)
        %dma_wait3A = arith.constant 0 : i32
        %dma_wait3A_96 = arith.constant 0 : i32
        %dma_wait3A_97 = tpu.memref_slice %arg8[%dma_wait3A, %dma_wait3A_96] : memref<80x128xi32, #tpu.memory_space<vmem>> -> memref<80x128xi32, #tpu.memory_space<vmem>>
        %dma_wait3A_98 = arith.constant 0 : i32
        %dma_wait3A_99 = tpu.memref_slice %arg4[%mul3A_85, %dma_wait3A_98] : memref<2500x128xi32, #tpu.memory_space<hbm>> -> memref<80x128xi32, #tpu.memory_space<hbm>>
        %dma_wait3A_100 = arith.constant 0 : i32
        %dma_wait3A_101 = arith.constant 0 : i32
        %dma_wait3A_102 = tpu.memref_slice %arg8[%dma_wait3A_100, %dma_wait3A_101] : memref<80x128xi32, #tpu.memory_space<vmem>> -> memref<80x128xi32, #tpu.memory_space<vmem>>
        %dma_wait3A_103 = arith.constant 0 : i32
        %dma_wait3A_104 = tpu.memref_slice %arg4[%mul3A_85, %dma_wait3A_103] : memref<2500x128xi32, #tpu.memory_space<hbm>> -> memref<80x128xi32, #tpu.memory_space<hbm>>
        tpu.wait_dma2 semaphore(%run_scoped3A : memref<!tpu.dma_semaphore, #tpu.memory_space<semaphore_mem>>) src(%dma_wait3A_104 : memref<80x128xi32, #tpu.memory_space<hbm>>) dst(%dma_wait3A_102 : memref<80x128xi32, #tpu.memory_space<vmem>>)
        tpu.yield
      }) : () -> ()
    } else {
    }
    %eq3A_5 = arith.constant 1 : i32
    %eq3A_6 = arith.cmpi eq, %arg0, %eq3A_5 : i32
    %convert_element_type3A_7 = arith.extui %eq3A_6 : i1 to i32
    %cond3A_8 = arith.constant 0 : i32
    %cond3A_9 = arith.cmpi ne, %convert_element_type3A_7, %cond3A_8 : i32
    scf.if %cond3A_9 {
      %mul3A_82 = arith.constant 76 : i32
      %mul3A_83 = arith.muli %arg1, %mul3A_82 : i32
      %add3A = arith.constant 1280 : i32
      %add3A_84 = arith.addi %add3A, %mul3A_83 : i32
      "tpu.region"() ({
        %run_scoped3A = tpu.sem_alloc : memref<!tpu.dma_semaphore, #tpu.memory_space<semaphore_mem>>
        %dma_start3A_85 = arith.constant 0 : i32
        %dma_start3A_86 = arith.constant 0 : i32
        %dma_start3A_87 = tpu.memref_slice %arg7[%dma_start3A_85, %dma_start3A_86] : memref<80x128xi32, #tpu.memory_space<vmem>> -> memref<76x128xi32, #tpu.memory_space<vmem>>
        %dma_start3A_88 = arith.constant 0 : i32
        %dma_start3A_89 = tpu.memref_slice %arg3[%add3A_84, %dma_start3A_88] : memref<2500x128xi32, #tpu.memory_space<hbm>> -> memref<76x128xi32, #tpu.memory_space<hbm>>
        %dma_start3A_90 = arith.constant 0 : i32
        %dma_start3A_91 = arith.constant 0 : i32
        %dma_start3A_92 = tpu.memref_slice %arg7[%dma_start3A_90, %dma_start3A_91] : memref<80x128xi32, #tpu.memory_space<vmem>> -> memref<76x128xi32, #tpu.memory_space<vmem>>
        %dma_start3A_93 = arith.constant 0 : i32
        %dma_start3A_94 = tpu.memref_slice %arg3[%add3A_84, %dma_start3A_93] : memref<2500x128xi32, #tpu.memory_space<hbm>> -> memref<76x128xi32, #tpu.memory_space<hbm>>
        tpu.enqueue_dma source(%dma_start3A_94 : memref<76x128xi32, #tpu.memory_space<hbm>>) target(%dma_start3A_92 : memref<76x128xi32, #tpu.memory_space<vmem>>) target_semaphore(%run_scoped3A : memref<!tpu.dma_semaphore, #tpu.memory_space<semaphore_mem>>)
        %dma_wait3A = arith.constant 0 : i32
        %dma_wait3A_95 = arith.constant 0 : i32
        %dma_wait3A_96 = tpu.memref_slice %arg7[%dma_wait3A, %dma_wait3A_95] : memref<80x128xi32, #tpu.memory_space<vmem>> -> memref<76x128xi32, #tpu.memory_space<vmem>>
        %dma_wait3A_97 = arith.constant 0 : i32
        %dma_wait3A_98 = tpu.memref_slice %arg3[%add3A_84, %dma_wait3A_97] : memref<2500x128xi32, #tpu.memory_space<hbm>> -> memref<76x128xi32, #tpu.memory_space<hbm>>
        %dma_wait3A_99 = arith.constant 0 : i32
        %dma_wait3A_100 = arith.constant 0 : i32
        %dma_wait3A_101 = tpu.memref_slice %arg7[%dma_wait3A_99, %dma_wait3A_100] : memref<80x128xi32, #tpu.memory_space<vmem>> -> memref<76x128xi32, #tpu.memory_space<vmem>>
        %dma_wait3A_102 = arith.constant 0 : i32
        %dma_wait3A_103 = tpu.memref_slice %arg3[%add3A_84, %dma_wait3A_102] : memref<2500x128xi32, #tpu.memory_space<hbm>> -> memref<76x128xi32, #tpu.memory_space<hbm>>
        tpu.wait_dma2 semaphore(%run_scoped3A : memref<!tpu.dma_semaphore, #tpu.memory_space<semaphore_mem>>) src(%dma_wait3A_103 : memref<76x128xi32, #tpu.memory_space<hbm>>) dst(%dma_wait3A_101 : memref<76x128xi32, #tpu.memory_space<vmem>>)
        tpu.yield
      }) : () -> ()
      "tpu.region"() ({
        %run_scoped3A = tpu.sem_alloc : memref<!tpu.dma_semaphore, #tpu.memory_space<semaphore_mem>>
        %dma_start3A_85 = arith.constant 0 : i32
        %dma_start3A_86 = arith.constant 0 : i32
        %dma_start3A_87 = tpu.memref_slice %arg8[%dma_start3A_85, %dma_start3A_86] : memref<80x128xi32, #tpu.memory_space<vmem>> -> memref<76x128xi32, #tpu.memory_space<vmem>>
        %dma_start3A_88 = arith.constant 0 : i32
        %dma_start3A_89 = tpu.memref_slice %arg4[%add3A_84, %dma_start3A_88] : memref<2500x128xi32, #tpu.memory_space<hbm>> -> memref<76x128xi32, #tpu.memory_space<hbm>>
        %dma_start3A_90 = arith.constant 0 : i32
        %dma_start3A_91 = arith.constant 0 : i32
        %dma_start3A_92 = tpu.memref_slice %arg8[%dma_start3A_90, %dma_start3A_91] : memref<80x128xi32, #tpu.memory_space<vmem>> -> memref<76x128xi32, #tpu.memory_space<vmem>>
        %dma_start3A_93 = arith.constant 0 : i32
        %dma_start3A_94 = tpu.memref_slice %arg4[%add3A_84, %dma_start3A_93] : memref<2500x128xi32, #tpu.memory_space<hbm>> -> memref<76x128xi32, #tpu.memory_space<hbm>>
        tpu.enqueue_dma source(%dma_start3A_94 : memref<76x128xi32, #tpu.memory_space<hbm>>) target(%dma_start3A_92 : memref<76x128xi32, #tpu.memory_space<vmem>>) target_semaphore(%run_scoped3A : memref<!tpu.dma_semaphore, #tpu.memory_space<semaphore_mem>>)
        %dma_wait3A = arith.constant 0 : i32
        %dma_wait3A_95 = arith.constant 0 : i32
        %dma_wait3A_96 = tpu.memref_slice %arg8[%dma_wait3A, %dma_wait3A_95] : memref<80x128xi32, #tpu.memory_space<vmem>> -> memref<76x128xi32, #tpu.memory_space<vmem>>
        %dma_wait3A_97 = arith.constant 0 : i32
        %dma_wait3A_98 = tpu.memref_slice %arg4[%add3A_84, %dma_wait3A_97] : memref<2500x128xi32, #tpu.memory_space<hbm>> -> memref<76x128xi32, #tpu.memory_space<hbm>>
        %dma_wait3A_99 = arith.constant 0 : i32
        %dma_wait3A_100 = arith.constant 0 : i32
        %dma_wait3A_101 = tpu.memref_slice %arg8[%dma_wait3A_99, %dma_wait3A_100] : memref<80x128xi32, #tpu.memory_space<vmem>> -> memref<76x128xi32, #tpu.memory_space<vmem>>
        %dma_wait3A_102 = arith.constant 0 : i32
        %dma_wait3A_103 = tpu.memref_slice %arg4[%add3A_84, %dma_wait3A_102] : memref<2500x128xi32, #tpu.memory_space<hbm>> -> memref<76x128xi32, #tpu.memory_space<hbm>>
        tpu.wait_dma2 semaphore(%run_scoped3A : memref<!tpu.dma_semaphore, #tpu.memory_space<semaphore_mem>>) src(%dma_wait3A_103 : memref<76x128xi32, #tpu.memory_space<hbm>>) dst(%dma_wait3A_101 : memref<76x128xi32, #tpu.memory_space<vmem>>)
        tpu.yield
      }) : () -> ()
    } else {
    }
    %mul3A = arith.constant 640 : i32
    %mul3A_10 = arith.muli %arg1, %mul3A : i32
    %mul3A_11 = arith.constant 640 : i32
    %mul3A_12 = arith.muli %arg1, %mul3A_11 : i32
    "tpu.region"() ({
      %run_scoped3A = tpu.sem_alloc : memref<!tpu.dma_semaphore, #tpu.memory_space<semaphore_mem>>
      %dma_start3A_82 = arith.constant 0 : i32
      %dma_start3A_83 = tpu.memref_slice %arg15[%mul3A_12, %dma_start3A_82] : memref<10240x16xf32, #tpu.memory_space<vmem_shared>> -> memref<640x16xf32, #tpu.memory_space<vmem_shared>>
      %dma_start3A_84 = arith.constant 0 : i32
      %dma_start3A_85 = tpu.memref_slice %arg5[%mul3A_10, %dma_start3A_84] : memref<10240x16xf32, #tpu.memory_space<hbm>> -> memref<640x16xf32, #tpu.memory_space<hbm>>
      tpu.enqueue_dma source(%dma_start3A_85 : memref<640x16xf32, #tpu.memory_space<hbm>>) target(%dma_start3A_83 : memref<640x16xf32, #tpu.memory_space<vmem_shared>>) target_semaphore(%run_scoped3A : memref<!tpu.dma_semaphore, #tpu.memory_space<semaphore_mem>>)
      %dma_wait3A = arith.constant 0 : i32
      %dma_wait3A_86 = tpu.memref_slice %arg15[%mul3A_12, %dma_wait3A] : memref<10240x16xf32, #tpu.memory_space<vmem_shared>> -> memref<640x16xf32, #tpu.memory_space<vmem_shared>>
      %dma_wait3A_87 = arith.constant 0 : i32
      %dma_wait3A_88 = tpu.memref_slice %arg5[%mul3A_10, %dma_wait3A_87] : memref<10240x16xf32, #tpu.memory_space<hbm>> -> memref<640x16xf32, #tpu.memory_space<hbm>>
      tpu.wait_dma2 semaphore(%run_scoped3A : memref<!tpu.dma_semaphore, #tpu.memory_space<semaphore_mem>>) src(%dma_wait3A_88 : memref<640x16xf32, #tpu.memory_space<hbm>>) dst(%dma_wait3A_86 : memref<640x16xf32, #tpu.memory_space<vmem_shared>>)
      tpu.yield
    }) : () -> ()
    %barrier3A = arith.constant 0 : index
    tpu.barrier barrier_id(%barrier3A)
    %broadcast_in_dim3A = arith.constant 1.000000e+00 : f32
    %broadcast_in_dim3A_13 = vector.broadcast %broadcast_in_dim3A : f32 to vector<16xf32>
    %eq3A_14 = arith.constant 0 : i32
    %eq3A_15 = arith.cmpi eq, %arg0, %eq3A_14 : i32
    %lt3A = arith.constant 4 : i32
    %lt3A_16 = arith.cmpi slt, %arg1, %lt3A : i32
    %and3A = arith.andi %eq3A_15, %lt3A_16 : i1
    %convert_element_type3A_17 = arith.extui %and3A : i1 to i32
    %cond3A_18 = arith.constant 0 : i32
    %cond3A_19 = arith.cmpi ne, %convert_element_type3A_17, %cond3A_18 : i32
    scf.if %cond3A_19 {
      %add3A = arith.constant 2496 : i32
      %add3A_82 = arith.addi %add3A, %arg1 : i32
      "tpu.region"() ({
        %run_scoped3A_96 = tpu.sem_alloc : memref<!tpu.dma_semaphore, #tpu.memory_space<semaphore_mem>>
        %dma_start3A_97 = arith.constant 0 : i32
        %dma_start3A_98 = tpu.memref_slice %arg3[%add3A_82, %dma_start3A_97] : memref<2500x128xi32, #tpu.memory_space<hbm>> -> memref<1x128xi32, #tpu.memory_space<hbm>>
        %dma_start3A_99 = arith.constant 0 : i32
        %dma_start3A_100 = tpu.memref_slice %arg3[%add3A_82, %dma_start3A_99] : memref<2500x128xi32, #tpu.memory_space<hbm>> -> memref<1x128xi32, #tpu.memory_space<hbm>>
        tpu.enqueue_dma source(%dma_start3A_100 : memref<1x128xi32, #tpu.memory_space<hbm>>) target(%arg9 : memref<1x128xi32, #tpu.memory_space<vmem>>) target_semaphore(%run_scoped3A_96 : memref<!tpu.dma_semaphore, #tpu.memory_space<semaphore_mem>>)
        %dma_wait3A_101 = arith.constant 0 : i32
        %dma_wait3A_102 = tpu.memref_slice %arg3[%add3A_82, %dma_wait3A_101] : memref<2500x128xi32, #tpu.memory_space<hbm>> -> memref<1x128xi32, #tpu.memory_space<hbm>>
        %dma_wait3A_103 = arith.constant 0 : i32
        %dma_wait3A_104 = tpu.memref_slice %arg3[%add3A_82, %dma_wait3A_103] : memref<2500x128xi32, #tpu.memory_space<hbm>> -> memref<1x128xi32, #tpu.memory_space<hbm>>
        tpu.wait_dma2 semaphore(%run_scoped3A_96 : memref<!tpu.dma_semaphore, #tpu.memory_space<semaphore_mem>>) src(%dma_wait3A_104 : memref<1x128xi32, #tpu.memory_space<hbm>>) dst(%arg9 : memref<1x128xi32, #tpu.memory_space<vmem>>)
        tpu.yield
      }) : () -> ()
      "tpu.region"() ({
        %run_scoped3A_96 = tpu.sem_alloc : memref<!tpu.dma_semaphore, #tpu.memory_space<semaphore_mem>>
        %dma_start3A_97 = arith.constant 0 : i32
        %dma_start3A_98 = tpu.memref_slice %arg4[%add3A_82, %dma_start3A_97] : memref<2500x128xi32, #tpu.memory_space<hbm>> -> memref<1x128xi32, #tpu.memory_space<hbm>>
        %dma_start3A_99 = arith.constant 0 : i32
        %dma_start3A_100 = tpu.memref_slice %arg4[%add3A_82, %dma_start3A_99] : memref<2500x128xi32, #tpu.memory_space<hbm>> -> memref<1x128xi32, #tpu.memory_space<hbm>>
        tpu.enqueue_dma source(%dma_start3A_100 : memref<1x128xi32, #tpu.memory_space<hbm>>) target(%arg10 : memref<1x128xi32, #tpu.memory_space<vmem>>) target_semaphore(%run_scoped3A_96 : memref<!tpu.dma_semaphore, #tpu.memory_space<semaphore_mem>>)
        %dma_wait3A_101 = arith.constant 0 : i32
        %dma_wait3A_102 = tpu.memref_slice %arg4[%add3A_82, %dma_wait3A_101] : memref<2500x128xi32, #tpu.memory_space<hbm>> -> memref<1x128xi32, #tpu.memory_space<hbm>>
        %dma_wait3A_103 = arith.constant 0 : i32
        %dma_wait3A_104 = tpu.memref_slice %arg4[%add3A_82, %dma_wait3A_103] : memref<2500x128xi32, #tpu.memory_space<hbm>> -> memref<1x128xi32, #tpu.memory_space<hbm>>
        tpu.wait_dma2 semaphore(%run_scoped3A_96 : memref<!tpu.dma_semaphore, #tpu.memory_space<semaphore_mem>>) src(%dma_wait3A_104 : memref<1x128xi32, #tpu.memory_space<hbm>>) dst(%arg10 : memref<1x128xi32, #tpu.memory_space<vmem>>)
        tpu.yield
      }) : () -> ()
      %dma_start3A_83 = arith.constant 0 : i32
      %dma_start3A_84 = arith.constant 0 : i32
      %dma_start3A_85 = tpu.memref_slice %arg9[%dma_start3A_83, %dma_start3A_84] : memref<1x128xi32, #tpu.memory_space<vmem>> -> memref<1x128xi32, #tpu.memory_space<vmem>>
      %dma_start3A_86 = tpu.memref_squeeze %dma_start3A_85 : memref<1x128xi32, #tpu.memory_space<vmem>> -> memref<128xi32, #tpu.memory_space<vmem>>
      %dma_start3A_87 = arith.constant 0 : i32
      %dma_start3A_88 = arith.constant 0 : i32
      %dma_start3A_89 = tpu.memref_slice %arg2[%dma_start3A_87, %dma_start3A_88] : memref<10240x16xf32, #tpu.memory_space<hbm>> -> memref<10240x16xf32, #tpu.memory_space<hbm>>
      tpu.enqueue_indirect_dma source(%dma_start3A_89 : memref<10240x16xf32, #tpu.memory_space<hbm>>) target(%arg11 : memref<128x16xf32, #tpu.memory_space<vmem>>) offsets(%dma_start3A_86 : memref<128xi32, #tpu.memory_space<vmem>>) semaphore(%arg16 : memref<!tpu.dma_semaphore, #tpu.memory_space<semaphore_mem>>)
      %dma_wait3A = arith.constant 0 : i32
      %dma_wait3A_90 = arith.constant 0 : i32
      %dma_wait3A_91 = tpu.memref_slice %arg9[%dma_wait3A, %dma_wait3A_90] : memref<1x128xi32, #tpu.memory_space<vmem>> -> memref<1x128xi32, #tpu.memory_space<vmem>>
      %dma_wait3A_92 = tpu.memref_squeeze %dma_wait3A_91 : memref<1x128xi32, #tpu.memory_space<vmem>> -> memref<128xi32, #tpu.memory_space<vmem>>
      %dma_wait3A_93 = arith.constant 0 : i32
      %dma_wait3A_94 = arith.constant 0 : i32
      %dma_wait3A_95 = tpu.memref_slice %arg2[%dma_wait3A_93, %dma_wait3A_94] : memref<10240x16xf32, #tpu.memory_space<hbm>> -> memref<10240x16xf32, #tpu.memory_space<hbm>>
      tpu.wait_indirect_dma semaphore(%arg16 : memref<!tpu.dma_semaphore, #tpu.memory_space<semaphore_mem>>) src(%dma_wait3A_95 : memref<10240x16xf32, #tpu.memory_space<hbm>>) dst(%arg11 : memref<128x16xf32, #tpu.memory_space<vmem>>)
      %run_scoped3A = arith.constant 0 : i32
      "tpu.region"() ({
        %run_scoped3A_96 = tpu.sem_alloc : memref<!tpu.dma_semaphore, #tpu.memory_space<semaphore_mem>>
        %dma_start3A_97 = arith.constant 0 : i32
        %dma_start3A_98 = tpu.memref_slice %arg10[%run_scoped3A, %dma_start3A_97] : memref<1x128xi32, #tpu.memory_space<vmem>> -> memref<1x128xi32, #tpu.memory_space<vmem>>
        %dma_start3A_99 = tpu.memref_squeeze %dma_start3A_98 : memref<1x128xi32, #tpu.memory_space<vmem>> -> memref<128xi32, #tpu.memory_space<vmem>>
        %dma_start3A_100 = arith.constant 0 : i32
        %dma_start3A_101 = arith.constant 0 : i32
        %dma_start3A_102 = tpu.memref_slice %arg15[%dma_start3A_100, %dma_start3A_101] : memref<10240x16xf32, #tpu.memory_space<vmem_shared>> -> memref<10240x16xf32, #tpu.memory_space<vmem_shared>>
        tpu.enqueue_indirect_dma source(%arg11 : memref<128x16xf32, #tpu.memory_space<vmem>>) target(%dma_start3A_102 : memref<10240x16xf32, #tpu.memory_space<vmem_shared>>) offsets(%dma_start3A_99 : memref<128xi32, #tpu.memory_space<vmem>>) semaphore(%run_scoped3A_96 : memref<!tpu.dma_semaphore, #tpu.memory_space<semaphore_mem>>) {add = true}
        %dma_wait3A_103 = arith.constant 0 : i32
        %dma_wait3A_104 = tpu.memref_slice %arg10[%run_scoped3A, %dma_wait3A_103] : memref<1x128xi32, #tpu.memory_space<vmem>> -> memref<1x128xi32, #tpu.memory_space<vmem>>
        %dma_wait3A_105 = tpu.memref_squeeze %dma_wait3A_104 : memref<1x128xi32, #tpu.memory_space<vmem>> -> memref<128xi32, #tpu.memory_space<vmem>>
        %dma_wait3A_106 = arith.constant 0 : i32
        %dma_wait3A_107 = arith.constant 0 : i32
        %dma_wait3A_108 = tpu.memref_slice %arg15[%dma_wait3A_106, %dma_wait3A_107] : memref<10240x16xf32, #tpu.memory_space<vmem_shared>> -> memref<10240x16xf32, #tpu.memory_space<vmem_shared>>
        tpu.wait_indirect_dma semaphore(%run_scoped3A_96 : memref<!tpu.dma_semaphore, #tpu.memory_space<semaphore_mem>>) src(%arg11 : memref<128x16xf32, #tpu.memory_space<vmem>>) dst(%dma_wait3A_108 : memref<10240x16xf32, #tpu.memory_space<vmem_shared>>)
        tpu.yield
      }) : () -> ()
    } else {
    }
    %dma_start3A = arith.constant 0 : i32
    %dma_start3A_20 = arith.constant 0 : i32
    %dma_start3A_21 = tpu.memref_slice %arg7[%dma_start3A, %dma_start3A_20] : memref<80x128xi32, #tpu.memory_space<vmem>> -> memref<1x128xi32, #tpu.memory_space<vmem>>
    %dma_start3A_22 = tpu.memref_squeeze %dma_start3A_21 : memref<1x128xi32, #tpu.memory_space<vmem>> -> memref<128xi32, #tpu.memory_space<vmem>>
    %dma_start3A_23 = arith.constant 0 : i32
    %dma_start3A_24 = arith.constant 0 : i32
    %dma_start3A_25 = tpu.memref_slice %arg2[%dma_start3A_23, %dma_start3A_24] : memref<10240x16xf32, #tpu.memory_space<hbm>> -> memref<10240x16xf32, #tpu.memory_space<hbm>>
    tpu.enqueue_indirect_dma source(%dma_start3A_25 : memref<10240x16xf32, #tpu.memory_space<hbm>>) target(%arg11 : memref<128x16xf32, #tpu.memory_space<vmem>>) offsets(%dma_start3A_22 : memref<128xi32, #tpu.memory_space<vmem>>) semaphore(%arg16 : memref<!tpu.dma_semaphore, #tpu.memory_space<semaphore_mem>>)
    %dma_start3A_26 = arith.constant 1 : i32
    %dma_start3A_27 = arith.constant 0 : i32
    %dma_start3A_28 = tpu.memref_slice %arg7[%dma_start3A_26, %dma_start3A_27] : memref<80x128xi32, #tpu.memory_space<vmem>> -> memref<1x128xi32, #tpu.memory_space<vmem>>
    %dma_start3A_29 = tpu.memref_squeeze %dma_start3A_28 : memref<1x128xi32, #tpu.memory_space<vmem>> -> memref<128xi32, #tpu.memory_space<vmem>>
    %dma_start3A_30 = arith.constant 0 : i32
    %dma_start3A_31 = arith.constant 0 : i32
    %dma_start3A_32 = tpu.memref_slice %arg2[%dma_start3A_30, %dma_start3A_31] : memref<10240x16xf32, #tpu.memory_space<hbm>> -> memref<10240x16xf32, #tpu.memory_space<hbm>>
    tpu.enqueue_indirect_dma source(%dma_start3A_32 : memref<10240x16xf32, #tpu.memory_space<hbm>>) target(%arg12 : memref<128x16xf32, #tpu.memory_space<vmem>>) offsets(%dma_start3A_29 : memref<128xi32, #tpu.memory_space<vmem>>) semaphore(%arg17 : memref<!tpu.dma_semaphore, #tpu.memory_space<semaphore_mem>>)
    %dma_start3A_33 = arith.constant 2 : i32
    %dma_start3A_34 = arith.constant 0 : i32
    %dma_start3A_35 = tpu.memref_slice %arg7[%dma_start3A_33, %dma_start3A_34] : memref<80x128xi32, #tpu.memory_space<vmem>> -> memref<1x128xi32, #tpu.memory_space<vmem>>
    %dma_start3A_36 = tpu.memref_squeeze %dma_start3A_35 : memref<1x128xi32, #tpu.memory_space<vmem>> -> memref<128xi32, #tpu.memory_space<vmem>>
    %dma_start3A_37 = arith.constant 0 : i32
    %dma_start3A_38 = arith.constant 0 : i32
    %dma_start3A_39 = tpu.memref_slice %arg2[%dma_start3A_37, %dma_start3A_38] : memref<10240x16xf32, #tpu.memory_space<hbm>> -> memref<10240x16xf32, #tpu.memory_space<hbm>>
    tpu.enqueue_indirect_dma source(%dma_start3A_39 : memref<10240x16xf32, #tpu.memory_space<hbm>>) target(%arg13 : memref<128x16xf32, #tpu.memory_space<vmem>>) offsets(%dma_start3A_36 : memref<128xi32, #tpu.memory_space<vmem>>) semaphore(%arg18 : memref<!tpu.dma_semaphore, #tpu.memory_space<semaphore_mem>>)
    %dma_start3A_40 = arith.constant 3 : i32
    %dma_start3A_41 = arith.constant 0 : i32
    %dma_start3A_42 = tpu.memref_slice %arg7[%dma_start3A_40, %dma_start3A_41] : memref<80x128xi32, #tpu.memory_space<vmem>> -> memref<1x128xi32, #tpu.memory_space<vmem>>
    %dma_start3A_43 = tpu.memref_squeeze %dma_start3A_42 : memref<1x128xi32, #tpu.memory_space<vmem>> -> memref<128xi32, #tpu.memory_space<vmem>>
    %dma_start3A_44 = arith.constant 0 : i32
    %dma_start3A_45 = arith.constant 0 : i32
    %dma_start3A_46 = tpu.memref_slice %arg2[%dma_start3A_44, %dma_start3A_45] : memref<10240x16xf32, #tpu.memory_space<hbm>> -> memref<10240x16xf32, #tpu.memory_space<hbm>>
    tpu.enqueue_indirect_dma source(%dma_start3A_46 : memref<10240x16xf32, #tpu.memory_space<hbm>>) target(%arg14 : memref<128x16xf32, #tpu.memory_space<vmem>>) offsets(%dma_start3A_43 : memref<128xi32, #tpu.memory_space<vmem>>) semaphore(%arg19 : memref<!tpu.dma_semaphore, #tpu.memory_space<semaphore_mem>>)
    %jit3A_47 = arith.constant 4 : i32
    %div3A = arith.divsi %select_n3A, %jit3A_47 : i32
    %sign3A = arith.constant 0 : i32
    %sign3A_48 = arith.cmpi sgt, %select_n3A, %sign3A : i32
    %sign3A_49 = arith.extui %sign3A_48 : i1 to i32
    %sign3A_50 = arith.constant 0 : i32
    %sign3A_51 = arith.cmpi slt, %select_n3A, %sign3A_50 : i32
    %sign3A_52 = arith.extui %sign3A_51 : i1 to i32
    %sign3A_53 = arith.subi %sign3A_49, %sign3A_52 : i32
    %sign3A_54 = arith.constant 0 : i32
    %sign3A_55 = arith.cmpi sgt, %jit3A_47, %sign3A_54 : i32
    %sign3A_56 = arith.extui %sign3A_55 : i1 to i32
    %sign3A_57 = arith.constant 0 : i32
    %sign3A_58 = arith.cmpi slt, %jit3A_47, %sign3A_57 : i32
    %sign3A_59 = arith.extui %sign3A_58 : i1 to i32
    %sign3A_60 = arith.subi %sign3A_56, %sign3A_59 : i32
    %ne3A = arith.cmpi ne, %sign3A_53, %sign3A_60 : i32
    %rem3A = arith.remsi %select_n3A, %jit3A_47 : i32
    %ne3A_61 = arith.constant 0 : i32
    %ne3A_62 = arith.cmpi ne, %rem3A, %ne3A_61 : i32
    %and3A_63 = arith.andi %ne3A, %ne3A_62 : i1
    %sub3A = arith.constant 1 : i32
    %sub3A_64 = arith.subi %div3A, %sub3A : i32
    %select_n3A_65 = arith.select %and3A_63, %sub3A_64, %div3A : i32
    %while3A = arith.constant 0 : i32
    %while3A_66 = arith.constant 0 : i32
    %while3A_67 = arith.subi %select_n3A_65, %while3A : i32
    %while3A_68 = arith.addi %while3A, %while3A_67 : i32
    %while3A_69 = arith.constant 1 : i32
    %while3A_70 = arith.divsi %while3A_67, %while3A_69 : i32
    %while3A_71 = arith.muli %while3A_70, %while3A_69 : i32
    %while3A_72 = arith.addi %while3A, %while3A_71 : i32
    %while3A_73 = arith.constant 1 : i32
    %while3A_74 = scf.for %while3A_82 = %while3A to %while3A_72 step %while3A_73 iter_args(%while3A_83 = %while3A_66) -> (i32)  : i32 {
      %mul3A_84 = arith.constant 4 : i32
      %mul3A_85 = arith.muli %while3A_82, %mul3A_84 : i32
      %add3A = arith.constant 0 : i32
      %add3A_86 = arith.addi %mul3A_85, %add3A : i32
      %dma_wait3A = arith.constant 0 : i32
      %dma_wait3A_87 = tpu.memref_slice %arg7[%add3A_86, %dma_wait3A] : memref<80x128xi32, #tpu.memory_space<vmem>> -> memref<1x128xi32, #tpu.memory_space<vmem>>
      %dma_wait3A_88 = tpu.memref_squeeze %dma_wait3A_87 : memref<1x128xi32, #tpu.memory_space<vmem>> -> memref<128xi32, #tpu.memory_space<vmem>>
      %dma_wait3A_89 = arith.constant 0 : i32
      %dma_wait3A_90 = arith.constant 0 : i32
      %dma_wait3A_91 = tpu.memref_slice %arg2[%dma_wait3A_89, %dma_wait3A_90] : memref<10240x16xf32, #tpu.memory_space<hbm>> -> memref<10240x16xf32, #tpu.memory_space<hbm>>
      tpu.wait_indirect_dma semaphore(%arg16 : memref<!tpu.dma_semaphore, #tpu.memory_space<semaphore_mem>>) src(%dma_wait3A_91 : memref<10240x16xf32, #tpu.memory_space<hbm>>) dst(%arg11 : memref<128x16xf32, #tpu.memory_space<vmem>>)
      "tpu.region"() ({
        %run_scoped3A = tpu.sem_alloc : memref<!tpu.dma_semaphore, #tpu.memory_space<semaphore_mem>>
        %dma_start3A_147 = arith.constant 0 : i32
        %dma_start3A_148 = tpu.memref_slice %arg8[%add3A_86, %dma_start3A_147] : memref<80x128xi32, #tpu.memory_space<vmem>> -> memref<1x128xi32, #tpu.memory_space<vmem>>
        %dma_start3A_149 = tpu.memref_squeeze %dma_start3A_148 : memref<1x128xi32, #tpu.memory_space<vmem>> -> memref<128xi32, #tpu.memory_space<vmem>>
        %dma_start3A_150 = arith.constant 0 : i32
        %dma_start3A_151 = arith.constant 0 : i32
        %dma_start3A_152 = tpu.memref_slice %arg15[%dma_start3A_150, %dma_start3A_151] : memref<10240x16xf32, #tpu.memory_space<vmem_shared>> -> memref<10240x16xf32, #tpu.memory_space<vmem_shared>>
        tpu.enqueue_indirect_dma source(%arg11 : memref<128x16xf32, #tpu.memory_space<vmem>>) target(%dma_start3A_152 : memref<10240x16xf32, #tpu.memory_space<vmem_shared>>) offsets(%dma_start3A_149 : memref<128xi32, #tpu.memory_space<vmem>>) semaphore(%run_scoped3A : memref<!tpu.dma_semaphore, #tpu.memory_space<semaphore_mem>>) {add = true}
        %dma_wait3A_153 = arith.constant 0 : i32
        %dma_wait3A_154 = tpu.memref_slice %arg8[%add3A_86, %dma_wait3A_153] : memref<80x128xi32, #tpu.memory_space<vmem>> -> memref<1x128xi32, #tpu.memory_space<vmem>>
        %dma_wait3A_155 = tpu.memref_squeeze %dma_wait3A_154 : memref<1x128xi32, #tpu.memory_space<vmem>> -> memref<128xi32, #tpu.memory_space<vmem>>
        %dma_wait3A_156 = arith.constant 0 : i32
        %dma_wait3A_157 = arith.constant 0 : i32
        %dma_wait3A_158 = tpu.memref_slice %arg15[%dma_wait3A_156, %dma_wait3A_157] : memref<10240x16xf32, #tpu.memory_space<vmem_shared>> -> memref<10240x16xf32, #tpu.memory_space<vmem_shared>>
        tpu.wait_indirect_dma semaphore(%run_scoped3A : memref<!tpu.dma_semaphore, #tpu.memory_space<semaphore_mem>>) src(%arg11 : memref<128x16xf32, #tpu.memory_space<vmem>>) dst(%dma_wait3A_158 : memref<10240x16xf32, #tpu.memory_space<vmem_shared>>)
        tpu.yield
      }) : () -> ()
      %add3A_92 = arith.constant 4 : i32
      %add3A_93 = arith.addi %add3A_86, %add3A_92 : i32
      %lt3A_94 = arith.cmpi slt, %add3A_93, %select_n3A : i32
      %convert_element_type3A_95 = arith.extui %lt3A_94 : i1 to i32
      %cond3A_96 = arith.constant 0 : i32
      %cond3A_97 = arith.cmpi ne, %convert_element_type3A_95, %cond3A_96 : i32
      scf.if %cond3A_97 {
        %add3A_147 = arith.constant 4 : i32
        %add3A_148 = arith.addi %add3A_86, %add3A_147 : i32
        %dma_start3A_149 = arith.constant 0 : i32
        %dma_start3A_150 = tpu.memref_slice %arg7[%add3A_148, %dma_start3A_149] : memref<80x128xi32, #tpu.memory_space<vmem>> -> memref<1x128xi32, #tpu.memory_space<vmem>>
        %dma_start3A_151 = tpu.memref_squeeze %dma_start3A_150 : memref<1x128xi32, #tpu.memory_space<vmem>> -> memref<128xi32, #tpu.memory_space<vmem>>
        %dma_start3A_152 = arith.constant 0 : i32
        %dma_start3A_153 = arith.constant 0 : i32
        %dma_start3A_154 = tpu.memref_slice %arg2[%dma_start3A_152, %dma_start3A_153] : memref<10240x16xf32, #tpu.memory_space<hbm>> -> memref<10240x16xf32, #tpu.memory_space<hbm>>
        tpu.enqueue_indirect_dma source(%dma_start3A_154 : memref<10240x16xf32, #tpu.memory_space<hbm>>) target(%arg11 : memref<128x16xf32, #tpu.memory_space<vmem>>) offsets(%dma_start3A_151 : memref<128xi32, #tpu.memory_space<vmem>>) semaphore(%arg16 : memref<!tpu.dma_semaphore, #tpu.memory_space<semaphore_mem>>)
      } else {
      }
      %mul3A_98 = arith.constant 4 : i32
      %mul3A_99 = arith.muli %while3A_82, %mul3A_98 : i32
      %add3A_100 = arith.constant 1 : i32
      %add3A_101 = arith.addi %mul3A_99, %add3A_100 : i32
      %dma_wait3A_102 = arith.constant 0 : i32
      %dma_wait3A_103 = tpu.memref_slice %arg7[%add3A_101, %dma_wait3A_102] : memref<80x128xi32, #tpu.memory_space<vmem>> -> memref<1x128xi32, #tpu.memory_space<vmem>>
      %dma_wait3A_104 = tpu.memref_squeeze %dma_wait3A_103 : memref<1x128xi32, #tpu.memory_space<vmem>> -> memref<128xi32, #tpu.memory_space<vmem>>
      %dma_wait3A_105 = arith.constant 0 : i32
      %dma_wait3A_106 = arith.constant 0 : i32
      %dma_wait3A_107 = tpu.memref_slice %arg2[%dma_wait3A_105, %dma_wait3A_106] : memref<10240x16xf32, #tpu.memory_space<hbm>> -> memref<10240x16xf32, #tpu.memory_space<hbm>>
      tpu.wait_indirect_dma semaphore(%arg17 : memref<!tpu.dma_semaphore, #tpu.memory_space<semaphore_mem>>) src(%dma_wait3A_107 : memref<10240x16xf32, #tpu.memory_space<hbm>>) dst(%arg12 : memref<128x16xf32, #tpu.memory_space<vmem>>)
      "tpu.region"() ({
        %run_scoped3A = tpu.sem_alloc : memref<!tpu.dma_semaphore, #tpu.memory_space<semaphore_mem>>
        %dma_start3A_147 = arith.constant 0 : i32
        %dma_start3A_148 = tpu.memref_slice %arg8[%add3A_101, %dma_start3A_147] : memref<80x128xi32, #tpu.memory_space<vmem>> -> memref<1x128xi32, #tpu.memory_space<vmem>>
        %dma_start3A_149 = tpu.memref_squeeze %dma_start3A_148 : memref<1x128xi32, #tpu.memory_space<vmem>> -> memref<128xi32, #tpu.memory_space<vmem>>
        %dma_start3A_150 = arith.constant 0 : i32
        %dma_start3A_151 = arith.constant 0 : i32
        %dma_start3A_152 = tpu.memref_slice %arg15[%dma_start3A_150, %dma_start3A_151] : memref<10240x16xf32, #tpu.memory_space<vmem_shared>> -> memref<10240x16xf32, #tpu.memory_space<vmem_shared>>
        tpu.enqueue_indirect_dma source(%arg12 : memref<128x16xf32, #tpu.memory_space<vmem>>) target(%dma_start3A_152 : memref<10240x16xf32, #tpu.memory_space<vmem_shared>>) offsets(%dma_start3A_149 : memref<128xi32, #tpu.memory_space<vmem>>) semaphore(%run_scoped3A : memref<!tpu.dma_semaphore, #tpu.memory_space<semaphore_mem>>) {add = true}
        %dma_wait3A_153 = arith.constant 0 : i32
        %dma_wait3A_154 = tpu.memref_slice %arg8[%add3A_101, %dma_wait3A_153] : memref<80x128xi32, #tpu.memory_space<vmem>> -> memref<1x128xi32, #tpu.memory_space<vmem>>
        %dma_wait3A_155 = tpu.memref_squeeze %dma_wait3A_154 : memref<1x128xi32, #tpu.memory_space<vmem>> -> memref<128xi32, #tpu.memory_space<vmem>>
        %dma_wait3A_156 = arith.constant 0 : i32
        %dma_wait3A_157 = arith.constant 0 : i32
        %dma_wait3A_158 = tpu.memref_slice %arg15[%dma_wait3A_156, %dma_wait3A_157] : memref<10240x16xf32, #tpu.memory_space<vmem_shared>> -> memref<10240x16xf32, #tpu.memory_space<vmem_shared>>
        tpu.wait_indirect_dma semaphore(%run_scoped3A : memref<!tpu.dma_semaphore, #tpu.memory_space<semaphore_mem>>) src(%arg12 : memref<128x16xf32, #tpu.memory_space<vmem>>) dst(%dma_wait3A_158 : memref<10240x16xf32, #tpu.memory_space<vmem_shared>>)
        tpu.yield
      }) : () -> ()
      %add3A_108 = arith.constant 4 : i32
      %add3A_109 = arith.addi %add3A_101, %add3A_108 : i32
      %lt3A_110 = arith.cmpi slt, %add3A_109, %select_n3A : i32
      %convert_element_type3A_111 = arith.extui %lt3A_110 : i1 to i32
      %cond3A_112 = arith.constant 0 : i32
      %cond3A_113 = arith.cmpi ne, %convert_element_type3A_111, %cond3A_112 : i32
      scf.if %cond3A_113 {
        %add3A_147 = arith.constant 4 : i32
        %add3A_148 = arith.addi %add3A_101, %add3A_147 : i32
        %dma_start3A_149 = arith.constant 0 : i32
        %dma_start3A_150 = tpu.memref_slice %arg7[%add3A_148, %dma_start3A_149] : memref<80x128xi32, #tpu.memory_space<vmem>> -> memref<1x128xi32, #tpu.memory_space<vmem>>
        %dma_start3A_151 = tpu.memref_squeeze %dma_start3A_150 : memref<1x128xi32, #tpu.memory_space<vmem>> -> memref<128xi32, #tpu.memory_space<vmem>>
        %dma_start3A_152 = arith.constant 0 : i32
        %dma_start3A_153 = arith.constant 0 : i32
        %dma_start3A_154 = tpu.memref_slice %arg2[%dma_start3A_152, %dma_start3A_153] : memref<10240x16xf32, #tpu.memory_space<hbm>> -> memref<10240x16xf32, #tpu.memory_space<hbm>>
        tpu.enqueue_indirect_dma source(%dma_start3A_154 : memref<10240x16xf32, #tpu.memory_space<hbm>>) target(%arg12 : memref<128x16xf32, #tpu.memory_space<vmem>>) offsets(%dma_start3A_151 : memref<128xi32, #tpu.memory_space<vmem>>) semaphore(%arg17 : memref<!tpu.dma_semaphore, #tpu.memory_space<semaphore_mem>>)
      } else {
      }
      %mul3A_114 = arith.constant 4 : i32
      %mul3A_115 = arith.muli %while3A_82, %mul3A_114 : i32
      %add3A_116 = arith.constant 2 : i32
      %add3A_117 = arith.addi %mul3A_115, %add3A_116 : i32
      %dma_wait3A_118 = arith.constant 0 : i32
      %dma_wait3A_119 = tpu.memref_slice %arg7[%add3A_117, %dma_wait3A_118] : memref<80x128xi32, #tpu.memory_space<vmem>> -> memref<1x128xi32, #tpu.memory_space<vmem>>
      %dma_wait3A_120 = tpu.memref_squeeze %dma_wait3A_119 : memref<1x128xi32, #tpu.memory_space<vmem>> -> memref<128xi32, #tpu.memory_space<vmem>>
      %dma_wait3A_121 = arith.constant 0 : i32
      %dma_wait3A_122 = arith.constant 0 : i32
      %dma_wait3A_123 = tpu.memref_slice %arg2[%dma_wait3A_121, %dma_wait3A_122] : memref<10240x16xf32, #tpu.memory_space<hbm>> -> memref<10240x16xf32, #tpu.memory_space<hbm>>
      tpu.wait_indirect_dma semaphore(%arg18 : memref<!tpu.dma_semaphore, #tpu.memory_space<semaphore_mem>>) src(%dma_wait3A_123 : memref<10240x16xf32, #tpu.memory_space<hbm>>) dst(%arg13 : memref<128x16xf32, #tpu.memory_space<vmem>>)
      "tpu.region"() ({
        %run_scoped3A = tpu.sem_alloc : memref<!tpu.dma_semaphore, #tpu.memory_space<semaphore_mem>>
        %dma_start3A_147 = arith.constant 0 : i32
        %dma_start3A_148 = tpu.memref_slice %arg8[%add3A_117, %dma_start3A_147] : memref<80x128xi32, #tpu.memory_space<vmem>> -> memref<1x128xi32, #tpu.memory_space<vmem>>
        %dma_start3A_149 = tpu.memref_squeeze %dma_start3A_148 : memref<1x128xi32, #tpu.memory_space<vmem>> -> memref<128xi32, #tpu.memory_space<vmem>>
        %dma_start3A_150 = arith.constant 0 : i32
        %dma_start3A_151 = arith.constant 0 : i32
        %dma_start3A_152 = tpu.memref_slice %arg15[%dma_start3A_150, %dma_start3A_151] : memref<10240x16xf32, #tpu.memory_space<vmem_shared>> -> memref<10240x16xf32, #tpu.memory_space<vmem_shared>>
        tpu.enqueue_indirect_dma source(%arg13 : memref<128x16xf32, #tpu.memory_space<vmem>>) target(%dma_start3A_152 : memref<10240x16xf32, #tpu.memory_space<vmem_shared>>) offsets(%dma_start3A_149 : memref<128xi32, #tpu.memory_space<vmem>>) semaphore(%run_scoped3A : memref<!tpu.dma_semaphore, #tpu.memory_space<semaphore_mem>>) {add = true}
        %dma_wait3A_153 = arith.constant 0 : i32
        %dma_wait3A_154 = tpu.memref_slice %arg8[%add3A_117, %dma_wait3A_153] : memref<80x128xi32, #tpu.memory_space<vmem>> -> memref<1x128xi32, #tpu.memory_space<vmem>>
        %dma_wait3A_155 = tpu.memref_squeeze %dma_wait3A_154 : memref<1x128xi32, #tpu.memory_space<vmem>> -> memref<128xi32, #tpu.memory_space<vmem>>
        %dma_wait3A_156 = arith.constant 0 : i32
        %dma_wait3A_157 = arith.constant 0 : i32
        %dma_wait3A_158 = tpu.memref_slice %arg15[%dma_wait3A_156, %dma_wait3A_157] : memref<10240x16xf32, #tpu.memory_space<vmem_shared>> -> memref<10240x16xf32, #tpu.memory_space<vmem_shared>>
        tpu.wait_indirect_dma semaphore(%run_scoped3A : memref<!tpu.dma_semaphore, #tpu.memory_space<semaphore_mem>>) src(%arg13 : memref<128x16xf32, #tpu.memory_space<vmem>>) dst(%dma_wait3A_158 : memref<10240x16xf32, #tpu.memory_space<vmem_shared>>)
        tpu.yield
      }) : () -> ()
      %add3A_124 = arith.constant 4 : i32
      %add3A_125 = arith.addi %add3A_117, %add3A_124 : i32
      %lt3A_126 = arith.cmpi slt, %add3A_125, %select_n3A : i32
      %convert_element_type3A_127 = arith.extui %lt3A_126 : i1 to i32
      %cond3A_128 = arith.constant 0 : i32
      %cond3A_129 = arith.cmpi ne, %convert_element_type3A_127, %cond3A_128 : i32
      scf.if %cond3A_129 {
        %add3A_147 = arith.constant 4 : i32
        %add3A_148 = arith.addi %add3A_117, %add3A_147 : i32
        %dma_start3A_149 = arith.constant 0 : i32
        %dma_start3A_150 = tpu.memref_slice %arg7[%add3A_148, %dma_start3A_149] : memref<80x128xi32, #tpu.memory_space<vmem>> -> memref<1x128xi32, #tpu.memory_space<vmem>>
        %dma_start3A_151 = tpu.memref_squeeze %dma_start3A_150 : memref<1x128xi32, #tpu.memory_space<vmem>> -> memref<128xi32, #tpu.memory_space<vmem>>
        %dma_start3A_152 = arith.constant 0 : i32
        %dma_start3A_153 = arith.constant 0 : i32
        %dma_start3A_154 = tpu.memref_slice %arg2[%dma_start3A_152, %dma_start3A_153] : memref<10240x16xf32, #tpu.memory_space<hbm>> -> memref<10240x16xf32, #tpu.memory_space<hbm>>
        tpu.enqueue_indirect_dma source(%dma_start3A_154 : memref<10240x16xf32, #tpu.memory_space<hbm>>) target(%arg13 : memref<128x16xf32, #tpu.memory_space<vmem>>) offsets(%dma_start3A_151 : memref<128xi32, #tpu.memory_space<vmem>>) semaphore(%arg18 : memref<!tpu.dma_semaphore, #tpu.memory_space<semaphore_mem>>)
      } else {
      }
      %mul3A_130 = arith.constant 4 : i32
      %mul3A_131 = arith.muli %while3A_82, %mul3A_130 : i32
      %add3A_132 = arith.constant 3 : i32
      %add3A_133 = arith.addi %mul3A_131, %add3A_132 : i32
      %dma_wait3A_134 = arith.constant 0 : i32
      %dma_wait3A_135 = tpu.memref_slice %arg7[%add3A_133, %dma_wait3A_134] : memref<80x128xi32, #tpu.memory_space<vmem>> -> memref<1x128xi32, #tpu.memory_space<vmem>>
      %dma_wait3A_136 = tpu.memref_squeeze %dma_wait3A_135 : memref<1x128xi32, #tpu.memory_space<vmem>> -> memref<128xi32, #tpu.memory_space<vmem>>
      %dma_wait3A_137 = arith.constant 0 : i32
      %dma_wait3A_138 = arith.constant 0 : i32
      %dma_wait3A_139 = tpu.memref_slice %arg2[%dma_wait3A_137, %dma_wait3A_138] : memref<10240x16xf32, #tpu.memory_space<hbm>> -> memref<10240x16xf32, #tpu.memory_space<hbm>>
      tpu.wait_indirect_dma semaphore(%arg19 : memref<!tpu.dma_semaphore, #tpu.memory_space<semaphore_mem>>) src(%dma_wait3A_139 : memref<10240x16xf32, #tpu.memory_space<hbm>>) dst(%arg14 : memref<128x16xf32, #tpu.memory_space<vmem>>)
      "tpu.region"() ({
        %run_scoped3A = tpu.sem_alloc : memref<!tpu.dma_semaphore, #tpu.memory_space<semaphore_mem>>
        %dma_start3A_147 = arith.constant 0 : i32
        %dma_start3A_148 = tpu.memref_slice %arg8[%add3A_133, %dma_start3A_147] : memref<80x128xi32, #tpu.memory_space<vmem>> -> memref<1x128xi32, #tpu.memory_space<vmem>>
        %dma_start3A_149 = tpu.memref_squeeze %dma_start3A_148 : memref<1x128xi32, #tpu.memory_space<vmem>> -> memref<128xi32, #tpu.memory_space<vmem>>
        %dma_start3A_150 = arith.constant 0 : i32
        %dma_start3A_151 = arith.constant 0 : i32
        %dma_start3A_152 = tpu.memref_slice %arg15[%dma_start3A_150, %dma_start3A_151] : memref<10240x16xf32, #tpu.memory_space<vmem_shared>> -> memref<10240x16xf32, #tpu.memory_space<vmem_shared>>
        tpu.enqueue_indirect_dma source(%arg14 : memref<128x16xf32, #tpu.memory_space<vmem>>) target(%dma_start3A_152 : memref<10240x16xf32, #tpu.memory_space<vmem_shared>>) offsets(%dma_start3A_149 : memref<128xi32, #tpu.memory_space<vmem>>) semaphore(%run_scoped3A : memref<!tpu.dma_semaphore, #tpu.memory_space<semaphore_mem>>) {add = true}
        %dma_wait3A_153 = arith.constant 0 : i32
        %dma_wait3A_154 = tpu.memref_slice %arg8[%add3A_133, %dma_wait3A_153] : memref<80x128xi32, #tpu.memory_space<vmem>> -> memref<1x128xi32, #tpu.memory_space<vmem>>
        %dma_wait3A_155 = tpu.memref_squeeze %dma_wait3A_154 : memref<1x128xi32, #tpu.memory_space<vmem>> -> memref<128xi32, #tpu.memory_space<vmem>>
        %dma_wait3A_156 = arith.constant 0 : i32
        %dma_wait3A_157 = arith.constant 0 : i32
        %dma_wait3A_158 = tpu.memref_slice %arg15[%dma_wait3A_156, %dma_wait3A_157] : memref<10240x16xf32, #tpu.memory_space<vmem_shared>> -> memref<10240x16xf32, #tpu.memory_space<vmem_shared>>
        tpu.wait_indirect_dma semaphore(%run_scoped3A : memref<!tpu.dma_semaphore, #tpu.memory_space<semaphore_mem>>) src(%arg14 : memref<128x16xf32, #tpu.memory_space<vmem>>) dst(%dma_wait3A_158 : memref<10240x16xf32, #tpu.memory_space<vmem_shared>>)
        tpu.yield
      }) : () -> ()
      %add3A_140 = arith.constant 4 : i32
      %add3A_141 = arith.addi %add3A_133, %add3A_140 : i32
      %lt3A_142 = arith.cmpi slt, %add3A_141, %select_n3A : i32
      %convert_element_type3A_143 = arith.extui %lt3A_142 : i1 to i32
      %cond3A_144 = arith.constant 0 : i32
      %cond3A_145 = arith.cmpi ne, %convert_element_type3A_143, %cond3A_144 : i32
      scf.if %cond3A_145 {
        %add3A_147 = arith.constant 4 : i32
        %add3A_148 = arith.addi %add3A_133, %add3A_147 : i32
        %dma_start3A_149 = arith.constant 0 : i32
        %dma_start3A_150 = tpu.memref_slice %arg7[%add3A_148, %dma_start3A_149] : memref<80x128xi32, #tpu.memory_space<vmem>> -> memref<1x128xi32, #tpu.memory_space<vmem>>
        %dma_start3A_151 = tpu.memref_squeeze %dma_start3A_150 : memref<1x128xi32, #tpu.memory_space<vmem>> -> memref<128xi32, #tpu.memory_space<vmem>>
        %dma_start3A_152 = arith.constant 0 : i32
        %dma_start3A_153 = arith.constant 0 : i32
        %dma_start3A_154 = tpu.memref_slice %arg2[%dma_start3A_152, %dma_start3A_153] : memref<10240x16xf32, #tpu.memory_space<hbm>> -> memref<10240x16xf32, #tpu.memory_space<hbm>>
        tpu.enqueue_indirect_dma source(%dma_start3A_154 : memref<10240x16xf32, #tpu.memory_space<hbm>>) target(%arg14 : memref<128x16xf32, #tpu.memory_space<vmem>>) offsets(%dma_start3A_151 : memref<128xi32, #tpu.memory_space<vmem>>) semaphore(%arg19 : memref<!tpu.dma_semaphore, #tpu.memory_space<semaphore_mem>>)
      } else {
      }
      %while3A_146 = arith.constant 0 : i32
      scf.yield %while3A_146 : i32
    }
    %while3A_75 = arith.constant 1 : i32
    %while3A_76 = scf.for %while3A_82 = %while3A_72 to %while3A_68 step %while3A_75 iter_args(%while3A_83 = %while3A_74) -> (i32)  : i32 {
      %mul3A_84 = arith.constant 4 : i32
      %mul3A_85 = arith.muli %while3A_82, %mul3A_84 : i32
      %add3A = arith.constant 0 : i32
      %add3A_86 = arith.addi %mul3A_85, %add3A : i32
      %dma_wait3A = arith.constant 0 : i32
      %dma_wait3A_87 = tpu.memref_slice %arg7[%add3A_86, %dma_wait3A] : memref<80x128xi32, #tpu.memory_space<vmem>> -> memref<1x128xi32, #tpu.memory_space<vmem>>
      %dma_wait3A_88 = tpu.memref_squeeze %dma_wait3A_87 : memref<1x128xi32, #tpu.memory_space<vmem>> -> memref<128xi32, #tpu.memory_space<vmem>>
      %dma_wait3A_89 = arith.constant 0 : i32
      %dma_wait3A_90 = arith.constant 0 : i32
      %dma_wait3A_91 = tpu.memref_slice %arg2[%dma_wait3A_89, %dma_wait3A_90] : memref<10240x16xf32, #tpu.memory_space<hbm>> -> memref<10240x16xf32, #tpu.memory_space<hbm>>
      tpu.wait_indirect_dma semaphore(%arg16 : memref<!tpu.dma_semaphore, #tpu.memory_space<semaphore_mem>>) src(%dma_wait3A_91 : memref<10240x16xf32, #tpu.memory_space<hbm>>) dst(%arg11 : memref<128x16xf32, #tpu.memory_space<vmem>>)
      "tpu.region"() ({
        %run_scoped3A = tpu.sem_alloc : memref<!tpu.dma_semaphore, #tpu.memory_space<semaphore_mem>>
        %dma_start3A_147 = arith.constant 0 : i32
        %dma_start3A_148 = tpu.memref_slice %arg8[%add3A_86, %dma_start3A_147] : memref<80x128xi32, #tpu.memory_space<vmem>> -> memref<1x128xi32, #tpu.memory_space<vmem>>
        %dma_start3A_149 = tpu.memref_squeeze %dma_start3A_148 : memref<1x128xi32, #tpu.memory_space<vmem>> -> memref<128xi32, #tpu.memory_space<vmem>>
        %dma_start3A_150 = arith.constant 0 : i32
        %dma_start3A_151 = arith.constant 0 : i32
        %dma_start3A_152 = tpu.memref_slice %arg15[%dma_start3A_150, %dma_start3A_151] : memref<10240x16xf32, #tpu.memory_space<vmem_shared>> -> memref<10240x16xf32, #tpu.memory_space<vmem_shared>>
        tpu.enqueue_indirect_dma source(%arg11 : memref<128x16xf32, #tpu.memory_space<vmem>>) target(%dma_start3A_152 : memref<10240x16xf32, #tpu.memory_space<vmem_shared>>) offsets(%dma_start3A_149 : memref<128xi32, #tpu.memory_space<vmem>>) semaphore(%run_scoped3A : memref<!tpu.dma_semaphore, #tpu.memory_space<semaphore_mem>>) {add = true}
        %dma_wait3A_153 = arith.constant 0 : i32
        %dma_wait3A_154 = tpu.memref_slice %arg8[%add3A_86, %dma_wait3A_153] : memref<80x128xi32, #tpu.memory_space<vmem>> -> memref<1x128xi32, #tpu.memory_space<vmem>>
        %dma_wait3A_155 = tpu.memref_squeeze %dma_wait3A_154 : memref<1x128xi32, #tpu.memory_space<vmem>> -> memref<128xi32, #tpu.memory_space<vmem>>
        %dma_wait3A_156 = arith.constant 0 : i32
        %dma_wait3A_157 = arith.constant 0 : i32
        %dma_wait3A_158 = tpu.memref_slice %arg15[%dma_wait3A_156, %dma_wait3A_157] : memref<10240x16xf32, #tpu.memory_space<vmem_shared>> -> memref<10240x16xf32, #tpu.memory_space<vmem_shared>>
        tpu.wait_indirect_dma semaphore(%run_scoped3A : memref<!tpu.dma_semaphore, #tpu.memory_space<semaphore_mem>>) src(%arg11 : memref<128x16xf32, #tpu.memory_space<vmem>>) dst(%dma_wait3A_158 : memref<10240x16xf32, #tpu.memory_space<vmem_shared>>)
        tpu.yield
      }) : () -> ()
      %add3A_92 = arith.constant 4 : i32
      %add3A_93 = arith.addi %add3A_86, %add3A_92 : i32
      %lt3A_94 = arith.cmpi slt, %add3A_93, %select_n3A : i32
      %convert_element_type3A_95 = arith.extui %lt3A_94 : i1 to i32
      %cond3A_96 = arith.constant 0 : i32
      %cond3A_97 = arith.cmpi ne, %convert_element_type3A_95, %cond3A_96 : i32
      scf.if %cond3A_97 {
        %add3A_147 = arith.constant 4 : i32
        %add3A_148 = arith.addi %add3A_86, %add3A_147 : i32
        %dma_start3A_149 = arith.constant 0 : i32
        %dma_start3A_150 = tpu.memref_slice %arg7[%add3A_148, %dma_start3A_149] : memref<80x128xi32, #tpu.memory_space<vmem>> -> memref<1x128xi32, #tpu.memory_space<vmem>>
        %dma_start3A_151 = tpu.memref_squeeze %dma_start3A_150 : memref<1x128xi32, #tpu.memory_space<vmem>> -> memref<128xi32, #tpu.memory_space<vmem>>
        %dma_start3A_152 = arith.constant 0 : i32
        %dma_start3A_153 = arith.constant 0 : i32
        %dma_start3A_154 = tpu.memref_slice %arg2[%dma_start3A_152, %dma_start3A_153] : memref<10240x16xf32, #tpu.memory_space<hbm>> -> memref<10240x16xf32, #tpu.memory_space<hbm>>
        tpu.enqueue_indirect_dma source(%dma_start3A_154 : memref<10240x16xf32, #tpu.memory_space<hbm>>) target(%arg11 : memref<128x16xf32, #tpu.memory_space<vmem>>) offsets(%dma_start3A_151 : memref<128xi32, #tpu.memory_space<vmem>>) semaphore(%arg16 : memref<!tpu.dma_semaphore, #tpu.memory_space<semaphore_mem>>)
      } else {
      }
      %mul3A_98 = arith.constant 4 : i32
      %mul3A_99 = arith.muli %while3A_82, %mul3A_98 : i32
      %add3A_100 = arith.constant 1 : i32
      %add3A_101 = arith.addi %mul3A_99, %add3A_100 : i32
      %dma_wait3A_102 = arith.constant 0 : i32
      %dma_wait3A_103 = tpu.memref_slice %arg7[%add3A_101, %dma_wait3A_102] : memref<80x128xi32, #tpu.memory_space<vmem>> -> memref<1x128xi32, #tpu.memory_space<vmem>>
      %dma_wait3A_104 = tpu.memref_squeeze %dma_wait3A_103 : memref<1x128xi32, #tpu.memory_space<vmem>> -> memref<128xi32, #tpu.memory_space<vmem>>
      %dma_wait3A_105 = arith.constant 0 : i32
      %dma_wait3A_106 = arith.constant 0 : i32
      %dma_wait3A_107 = tpu.memref_slice %arg2[%dma_wait3A_105, %dma_wait3A_106] : memref<10240x16xf32, #tpu.memory_space<hbm>> -> memref<10240x16xf32, #tpu.memory_space<hbm>>
      tpu.wait_indirect_dma semaphore(%arg17 : memref<!tpu.dma_semaphore, #tpu.memory_space<semaphore_mem>>) src(%dma_wait3A_107 : memref<10240x16xf32, #tpu.memory_space<hbm>>) dst(%arg12 : memref<128x16xf32, #tpu.memory_space<vmem>>)
      "tpu.region"() ({
        %run_scoped3A = tpu.sem_alloc : memref<!tpu.dma_semaphore, #tpu.memory_space<semaphore_mem>>
        %dma_start3A_147 = arith.constant 0 : i32
        %dma_start3A_148 = tpu.memref_slice %arg8[%add3A_101, %dma_start3A_147] : memref<80x128xi32, #tpu.memory_space<vmem>> -> memref<1x128xi32, #tpu.memory_space<vmem>>
        %dma_start3A_149 = tpu.memref_squeeze %dma_start3A_148 : memref<1x128xi32, #tpu.memory_space<vmem>> -> memref<128xi32, #tpu.memory_space<vmem>>
        %dma_start3A_150 = arith.constant 0 : i32
        %dma_start3A_151 = arith.constant 0 : i32
        %dma_start3A_152 = tpu.memref_slice %arg15[%dma_start3A_150, %dma_start3A_151] : memref<10240x16xf32, #tpu.memory_space<vmem_shared>> -> memref<10240x16xf32, #tpu.memory_space<vmem_shared>>
        tpu.enqueue_indirect_dma source(%arg12 : memref<128x16xf32, #tpu.memory_space<vmem>>) target(%dma_start3A_152 : memref<10240x16xf32, #tpu.memory_space<vmem_shared>>) offsets(%dma_start3A_149 : memref<128xi32, #tpu.memory_space<vmem>>) semaphore(%run_scoped3A : memref<!tpu.dma_semaphore, #tpu.memory_space<semaphore_mem>>) {add = true}
        %dma_wait3A_153 = arith.constant 0 : i32
        %dma_wait3A_154 = tpu.memref_slice %arg8[%add3A_101, %dma_wait3A_153] : memref<80x128xi32, #tpu.memory_space<vmem>> -> memref<1x128xi32, #tpu.memory_space<vmem>>
        %dma_wait3A_155 = tpu.memref_squeeze %dma_wait3A_154 : memref<1x128xi32, #tpu.memory_space<vmem>> -> memref<128xi32, #tpu.memory_space<vmem>>
        %dma_wait3A_156 = arith.constant 0 : i32
        %dma_wait3A_157 = arith.constant 0 : i32
        %dma_wait3A_158 = tpu.memref_slice %arg15[%dma_wait3A_156, %dma_wait3A_157] : memref<10240x16xf32, #tpu.memory_space<vmem_shared>> -> memref<10240x16xf32, #tpu.memory_space<vmem_shared>>
        tpu.wait_indirect_dma semaphore(%run_scoped3A : memref<!tpu.dma_semaphore, #tpu.memory_space<semaphore_mem>>) src(%arg12 : memref<128x16xf32, #tpu.memory_space<vmem>>) dst(%dma_wait3A_158 : memref<10240x16xf32, #tpu.memory_space<vmem_shared>>)
        tpu.yield
      }) : () -> ()
      %add3A_108 = arith.constant 4 : i32
      %add3A_109 = arith.addi %add3A_101, %add3A_108 : i32
      %lt3A_110 = arith.cmpi slt, %add3A_109, %select_n3A : i32
      %convert_element_type3A_111 = arith.extui %lt3A_110 : i1 to i32
      %cond3A_112 = arith.constant 0 : i32
      %cond3A_113 = arith.cmpi ne, %convert_element_type3A_111, %cond3A_112 : i32
      scf.if %cond3A_113 {
        %add3A_147 = arith.constant 4 : i32
        %add3A_148 = arith.addi %add3A_101, %add3A_147 : i32
        %dma_start3A_149 = arith.constant 0 : i32
        %dma_start3A_150 = tpu.memref_slice %arg7[%add3A_148, %dma_start3A_149] : memref<80x128xi32, #tpu.memory_space<vmem>> -> memref<1x128xi32, #tpu.memory_space<vmem>>
        %dma_start3A_151 = tpu.memref_squeeze %dma_start3A_150 : memref<1x128xi32, #tpu.memory_space<vmem>> -> memref<128xi32, #tpu.memory_space<vmem>>
        %dma_start3A_152 = arith.constant 0 : i32
        %dma_start3A_153 = arith.constant 0 : i32
        %dma_start3A_154 = tpu.memref_slice %arg2[%dma_start3A_152, %dma_start3A_153] : memref<10240x16xf32, #tpu.memory_space<hbm>> -> memref<10240x16xf32, #tpu.memory_space<hbm>>
        tpu.enqueue_indirect_dma source(%dma_start3A_154 : memref<10240x16xf32, #tpu.memory_space<hbm>>) target(%arg12 : memref<128x16xf32, #tpu.memory_space<vmem>>) offsets(%dma_start3A_151 : memref<128xi32, #tpu.memory_space<vmem>>) semaphore(%arg17 : memref<!tpu.dma_semaphore, #tpu.memory_space<semaphore_mem>>)
      } else {
      }
      %mul3A_114 = arith.constant 4 : i32
      %mul3A_115 = arith.muli %while3A_82, %mul3A_114 : i32
      %add3A_116 = arith.constant 2 : i32
      %add3A_117 = arith.addi %mul3A_115, %add3A_116 : i32
      %dma_wait3A_118 = arith.constant 0 : i32
      %dma_wait3A_119 = tpu.memref_slice %arg7[%add3A_117, %dma_wait3A_118] : memref<80x128xi32, #tpu.memory_space<vmem>> -> memref<1x128xi32, #tpu.memory_space<vmem>>
      %dma_wait3A_120 = tpu.memref_squeeze %dma_wait3A_119 : memref<1x128xi32, #tpu.memory_space<vmem>> -> memref<128xi32, #tpu.memory_space<vmem>>
      %dma_wait3A_121 = arith.constant 0 : i32
      %dma_wait3A_122 = arith.constant 0 : i32
      %dma_wait3A_123 = tpu.memref_slice %arg2[%dma_wait3A_121, %dma_wait3A_122] : memref<10240x16xf32, #tpu.memory_space<hbm>> -> memref<10240x16xf32, #tpu.memory_space<hbm>>
      tpu.wait_indirect_dma semaphore(%arg18 : memref<!tpu.dma_semaphore, #tpu.memory_space<semaphore_mem>>) src(%dma_wait3A_123 : memref<10240x16xf32, #tpu.memory_space<hbm>>) dst(%arg13 : memref<128x16xf32, #tpu.memory_space<vmem>>)
      "tpu.region"() ({
        %run_scoped3A = tpu.sem_alloc : memref<!tpu.dma_semaphore, #tpu.memory_space<semaphore_mem>>
        %dma_start3A_147 = arith.constant 0 : i32
        %dma_start3A_148 = tpu.memref_slice %arg8[%add3A_117, %dma_start3A_147] : memref<80x128xi32, #tpu.memory_space<vmem>> -> memref<1x128xi32, #tpu.memory_space<vmem>>
        %dma_start3A_149 = tpu.memref_squeeze %dma_start3A_148 : memref<1x128xi32, #tpu.memory_space<vmem>> -> memref<128xi32, #tpu.memory_space<vmem>>
        %dma_start3A_150 = arith.constant 0 : i32
        %dma_start3A_151 = arith.constant 0 : i32
        %dma_start3A_152 = tpu.memref_slice %arg15[%dma_start3A_150, %dma_start3A_151] : memref<10240x16xf32, #tpu.memory_space<vmem_shared>> -> memref<10240x16xf32, #tpu.memory_space<vmem_shared>>
        tpu.enqueue_indirect_dma source(%arg13 : memref<128x16xf32, #tpu.memory_space<vmem>>) target(%dma_start3A_152 : memref<10240x16xf32, #tpu.memory_space<vmem_shared>>) offsets(%dma_start3A_149 : memref<128xi32, #tpu.memory_space<vmem>>) semaphore(%run_scoped3A : memref<!tpu.dma_semaphore, #tpu.memory_space<semaphore_mem>>) {add = true}
        %dma_wait3A_153 = arith.constant 0 : i32
        %dma_wait3A_154 = tpu.memref_slice %arg8[%add3A_117, %dma_wait3A_153] : memref<80x128xi32, #tpu.memory_space<vmem>> -> memref<1x128xi32, #tpu.memory_space<vmem>>
        %dma_wait3A_155 = tpu.memref_squeeze %dma_wait3A_154 : memref<1x128xi32, #tpu.memory_space<vmem>> -> memref<128xi32, #tpu.memory_space<vmem>>
        %dma_wait3A_156 = arith.constant 0 : i32
        %dma_wait3A_157 = arith.constant 0 : i32
        %dma_wait3A_158 = tpu.memref_slice %arg15[%dma_wait3A_156, %dma_wait3A_157] : memref<10240x16xf32, #tpu.memory_space<vmem_shared>> -> memref<10240x16xf32, #tpu.memory_space<vmem_shared>>
        tpu.wait_indirect_dma semaphore(%run_scoped3A : memref<!tpu.dma_semaphore, #tpu.memory_space<semaphore_mem>>) src(%arg13 : memref<128x16xf32, #tpu.memory_space<vmem>>) dst(%dma_wait3A_158 : memref<10240x16xf32, #tpu.memory_space<vmem_shared>>)
        tpu.yield
      }) : () -> ()
      %add3A_124 = arith.constant 4 : i32
      %add3A_125 = arith.addi %add3A_117, %add3A_124 : i32
      %lt3A_126 = arith.cmpi slt, %add3A_125, %select_n3A : i32
      %convert_element_type3A_127 = arith.extui %lt3A_126 : i1 to i32
      %cond3A_128 = arith.constant 0 : i32
      %cond3A_129 = arith.cmpi ne, %convert_element_type3A_127, %cond3A_128 : i32
      scf.if %cond3A_129 {
        %add3A_147 = arith.constant 4 : i32
        %add3A_148 = arith.addi %add3A_117, %add3A_147 : i32
        %dma_start3A_149 = arith.constant 0 : i32
        %dma_start3A_150 = tpu.memref_slice %arg7[%add3A_148, %dma_start3A_149] : memref<80x128xi32, #tpu.memory_space<vmem>> -> memref<1x128xi32, #tpu.memory_space<vmem>>
        %dma_start3A_151 = tpu.memref_squeeze %dma_start3A_150 : memref<1x128xi32, #tpu.memory_space<vmem>> -> memref<128xi32, #tpu.memory_space<vmem>>
        %dma_start3A_152 = arith.constant 0 : i32
        %dma_start3A_153 = arith.constant 0 : i32
        %dma_start3A_154 = tpu.memref_slice %arg2[%dma_start3A_152, %dma_start3A_153] : memref<10240x16xf32, #tpu.memory_space<hbm>> -> memref<10240x16xf32, #tpu.memory_space<hbm>>
        tpu.enqueue_indirect_dma source(%dma_start3A_154 : memref<10240x16xf32, #tpu.memory_space<hbm>>) target(%arg13 : memref<128x16xf32, #tpu.memory_space<vmem>>) offsets(%dma_start3A_151 : memref<128xi32, #tpu.memory_space<vmem>>) semaphore(%arg18 : memref<!tpu.dma_semaphore, #tpu.memory_space<semaphore_mem>>)
      } else {
      }
      %mul3A_130 = arith.constant 4 : i32
      %mul3A_131 = arith.muli %while3A_82, %mul3A_130 : i32
      %add3A_132 = arith.constant 3 : i32
      %add3A_133 = arith.addi %mul3A_131, %add3A_132 : i32
      %dma_wait3A_134 = arith.constant 0 : i32
      %dma_wait3A_135 = tpu.memref_slice %arg7[%add3A_133, %dma_wait3A_134] : memref<80x128xi32, #tpu.memory_space<vmem>> -> memref<1x128xi32, #tpu.memory_space<vmem>>
      %dma_wait3A_136 = tpu.memref_squeeze %dma_wait3A_135 : memref<1x128xi32, #tpu.memory_space<vmem>> -> memref<128xi32, #tpu.memory_space<vmem>>
      %dma_wait3A_137 = arith.constant 0 : i32
      %dma_wait3A_138 = arith.constant 0 : i32
      %dma_wait3A_139 = tpu.memref_slice %arg2[%dma_wait3A_137, %dma_wait3A_138] : memref<10240x16xf32, #tpu.memory_space<hbm>> -> memref<10240x16xf32, #tpu.memory_space<hbm>>
      tpu.wait_indirect_dma semaphore(%arg19 : memref<!tpu.dma_semaphore, #tpu.memory_space<semaphore_mem>>) src(%dma_wait3A_139 : memref<10240x16xf32, #tpu.memory_space<hbm>>) dst(%arg14 : memref<128x16xf32, #tpu.memory_space<vmem>>)
      "tpu.region"() ({
        %run_scoped3A = tpu.sem_alloc : memref<!tpu.dma_semaphore, #tpu.memory_space<semaphore_mem>>
        %dma_start3A_147 = arith.constant 0 : i32
        %dma_start3A_148 = tpu.memref_slice %arg8[%add3A_133, %dma_start3A_147] : memref<80x128xi32, #tpu.memory_space<vmem>> -> memref<1x128xi32, #tpu.memory_space<vmem>>
        %dma_start3A_149 = tpu.memref_squeeze %dma_start3A_148 : memref<1x128xi32, #tpu.memory_space<vmem>> -> memref<128xi32, #tpu.memory_space<vmem>>
        %dma_start3A_150 = arith.constant 0 : i32
        %dma_start3A_151 = arith.constant 0 : i32
        %dma_start3A_152 = tpu.memref_slice %arg15[%dma_start3A_150, %dma_start3A_151] : memref<10240x16xf32, #tpu.memory_space<vmem_shared>> -> memref<10240x16xf32, #tpu.memory_space<vmem_shared>>
        tpu.enqueue_indirect_dma source(%arg14 : memref<128x16xf32, #tpu.memory_space<vmem>>) target(%dma_start3A_152 : memref<10240x16xf32, #tpu.memory_space<vmem_shared>>) offsets(%dma_start3A_149 : memref<128xi32, #tpu.memory_space<vmem>>) semaphore(%run_scoped3A : memref<!tpu.dma_semaphore, #tpu.memory_space<semaphore_mem>>) {add = true}
        %dma_wait3A_153 = arith.constant 0 : i32
        %dma_wait3A_154 = tpu.memref_slice %arg8[%add3A_133, %dma_wait3A_153] : memref<80x128xi32, #tpu.memory_space<vmem>> -> memref<1x128xi32, #tpu.memory_space<vmem>>
        %dma_wait3A_155 = tpu.memref_squeeze %dma_wait3A_154 : memref<1x128xi32, #tpu.memory_space<vmem>> -> memref<128xi32, #tpu.memory_space<vmem>>
        %dma_wait3A_156 = arith.constant 0 : i32
        %dma_wait3A_157 = arith.constant 0 : i32
        %dma_wait3A_158 = tpu.memref_slice %arg15[%dma_wait3A_156, %dma_wait3A_157] : memref<10240x16xf32, #tpu.memory_space<vmem_shared>> -> memref<10240x16xf32, #tpu.memory_space<vmem_shared>>
        tpu.wait_indirect_dma semaphore(%run_scoped3A : memref<!tpu.dma_semaphore, #tpu.memory_space<semaphore_mem>>) src(%arg14 : memref<128x16xf32, #tpu.memory_space<vmem>>) dst(%dma_wait3A_158 : memref<10240x16xf32, #tpu.memory_space<vmem_shared>>)
        tpu.yield
      }) : () -> ()
      %add3A_140 = arith.constant 4 : i32
      %add3A_141 = arith.addi %add3A_133, %add3A_140 : i32
      %lt3A_142 = arith.cmpi slt, %add3A_141, %select_n3A : i32
      %convert_element_type3A_143 = arith.extui %lt3A_142 : i1 to i32
      %cond3A_144 = arith.constant 0 : i32
      %cond3A_145 = arith.cmpi ne, %convert_element_type3A_143, %cond3A_144 : i32
      scf.if %cond3A_145 {
        %add3A_147 = arith.constant 4 : i32
        %add3A_148 = arith.addi %add3A_133, %add3A_147 : i32
        %dma_start3A_149 = arith.constant 0 : i32
        %dma_start3A_150 = tpu.memref_slice %arg7[%add3A_148, %dma_start3A_149] : memref<80x128xi32, #tpu.memory_space<vmem>> -> memref<1x128xi32, #tpu.memory_space<vmem>>
        %dma_start3A_151 = tpu.memref_squeeze %dma_start3A_150 : memref<1x128xi32, #tpu.memory_space<vmem>> -> memref<128xi32, #tpu.memory_space<vmem>>
        %dma_start3A_152 = arith.constant 0 : i32
        %dma_start3A_153 = arith.constant 0 : i32
        %dma_start3A_154 = tpu.memref_slice %arg2[%dma_start3A_152, %dma_start3A_153] : memref<10240x16xf32, #tpu.memory_space<hbm>> -> memref<10240x16xf32, #tpu.memory_space<hbm>>
        tpu.enqueue_indirect_dma source(%dma_start3A_154 : memref<10240x16xf32, #tpu.memory_space<hbm>>) target(%arg14 : memref<128x16xf32, #tpu.memory_space<vmem>>) offsets(%dma_start3A_151 : memref<128xi32, #tpu.memory_space<vmem>>) semaphore(%arg19 : memref<!tpu.dma_semaphore, #tpu.memory_space<semaphore_mem>>)
      } else {
      }
      %while3A_146 = arith.constant 0 : i32
      scf.yield %while3A_146 : i32
    }
    %barrier3A_77 = arith.constant 0 : index
    tpu.barrier barrier_id(%barrier3A_77)
    %mul3A_78 = arith.constant 640 : i32
    %mul3A_79 = arith.muli %arg1, %mul3A_78 : i32
    %mul3A_80 = arith.constant 640 : i32
    %mul3A_81 = arith.muli %arg1, %mul3A_80 : i32
    "tpu.region"() ({
      %run_scoped3A = tpu.sem_alloc : memref<!tpu.dma_semaphore, #tpu.memory_space<semaphore_mem>>
      %dma_start3A_82 = arith.constant 0 : i32
      %dma_start3A_83 = tpu.memref_slice %arg6[%arg0, %mul3A_81, %dma_start3A_82] : memref<2x10240x16xf32, #tpu.memory_space<hbm>> -> memref<1x640x16xf32, #tpu.memory_space<hbm>>
      %dma_start3A_84 = tpu.memref_squeeze %dma_start3A_83 : memref<1x640x16xf32, #tpu.memory_space<hbm>> -> memref<640x16xf32, #tpu.memory_space<hbm>>
      %dma_start3A_85 = arith.constant 0 : i32
      %dma_start3A_86 = tpu.memref_slice %arg15[%mul3A_79, %dma_start3A_85] : memref<10240x16xf32, #tpu.memory_space<vmem_shared>> -> memref<640x16xf32, #tpu.memory_space<vmem_shared>>
      tpu.enqueue_dma source(%dma_start3A_86 : memref<640x16xf32, #tpu.memory_space<vmem_shared>>) target(%dma_start3A_84 : memref<640x16xf32, #tpu.memory_space<hbm>>) target_semaphore(%run_scoped3A : memref<!tpu.dma_semaphore, #tpu.memory_space<semaphore_mem>>)
      %dma_wait3A = arith.constant 0 : i32
      %dma_wait3A_87 = tpu.memref_slice %arg6[%arg0, %mul3A_81, %dma_wait3A] : memref<2x10240x16xf32, #tpu.memory_space<hbm>> -> memref<1x640x16xf32, #tpu.memory_space<hbm>>
      %dma_wait3A_88 = tpu.memref_squeeze %dma_wait3A_87 : memref<1x640x16xf32, #tpu.memory_space<hbm>> -> memref<640x16xf32, #tpu.memory_space<hbm>>
      %dma_wait3A_89 = arith.constant 0 : i32
      %dma_wait3A_90 = tpu.memref_slice %arg15[%mul3A_79, %dma_wait3A_89] : memref<10240x16xf32, #tpu.memory_space<vmem_shared>> -> memref<640x16xf32, #tpu.memory_space<vmem_shared>>
      tpu.wait_dma2 semaphore(%run_scoped3A : memref<!tpu.dma_semaphore, #tpu.memory_space<semaphore_mem>>) src(%dma_wait3A_90 : memref<640x16xf32, #tpu.memory_space<vmem_shared>>) dst(%dma_wait3A_88 : memref<640x16xf32, #tpu.memory_space<hbm>>)
      tpu.yield
    }) : () -> ()
    return
  }
}

module attributes {stable_mosaic.version = 14 : i64} {
  func.func @body(%arg0: memref<1250x1024xf32, #tpu.memory_space<vmem>>, %arg1: memref<128x16xf32, #tpu.memory_space<vmem>>, %arg2: memref<128x16xf32, #tpu.memory_space<vmem>>, %arg3: memref<1280x128xf32, #tpu.memory_space<vmem>>, %arg4: memref<1280x128xf32, #tpu.memory_space<vmem>>) attributes {dimension_semantics = [], scalar_prefetch = 0 : i64, scratch_operands = 0 : i64, tpu.core_type = #tpu.core_type<tc>} {
    %get3A = arith.constant 0 : index
    %get3A_0 = arith.constant 0 : index
    %get3A_1 = vector.load %arg1[%get3A, %get3A_0] : memref<128x16xf32, #tpu.memory_space<vmem>>, vector<128x16xf32>
    %get3A_2 = arith.constant 0 : index
    %get3A_3 = arith.constant 0 : index
    %get3A_4 = vector.load %arg2[%get3A_2, %get3A_3] : memref<128x16xf32, #tpu.memory_space<vmem>>, vector<128x16xf32>
    %get3A_5 = arith.constant 0 : index
    %get3A_6 = arith.constant 0 : index
    %get3A_7 = vector.load %arg0[%get3A_5, %get3A_6] : memref<1250x1024xf32, #tpu.memory_space<vmem>>, vector<1250x128xf32>
    %dot_general3A = arith.constant dense<0.000000e+00> : vector<1250x16xf32>
    %dot_general3A_8 = tpu.matmul %get3A_7, %get3A_1, %dot_general3A {dimension_numbers = #tpu.dot_dimension_numbers<[1], [0], [0], [1], [0, 0, 1, 1], [], []>, transpose_lhs_hint = false} : vector<1250x128xf32>, vector<128x16xf32>, vector<1250x16xf32> -> vector<1250x16xf32>
    %swap3A = arith.constant 0 : index
    %swap3A_9 = arith.constant 0 : index
    %swap3A_10 = vector.load %arg3[%swap3A, %swap3A_9] : memref<1280x128xf32, #tpu.memory_space<vmem>>, vector<1250x16xf32>
    tpu.vector_store %arg3[%swap3A, %swap3A_9], %dot_general3A_8 {strides = array<i32>} : memref<1280x128xf32, #tpu.memory_space<vmem>>, vector<1250x16xf32>,
    %dot_general3A_11 = arith.constant dense<0.000000e+00> : vector<1250x16xf32>
    %dot_general3A_12 = tpu.matmul %get3A_7, %get3A_4, %dot_general3A_11 {dimension_numbers = #tpu.dot_dimension_numbers<[1], [0], [0], [1], [0, 0, 1, 1], [], []>, transpose_lhs_hint = false} : vector<1250x128xf32>, vector<128x16xf32>, vector<1250x16xf32> -> vector<1250x16xf32>
    %swap3A_13 = arith.constant 0 : index
    %swap3A_14 = arith.constant 0 : index
    %swap3A_15 = vector.load %arg4[%swap3A_13, %swap3A_14] : memref<1280x128xf32, #tpu.memory_space<vmem>>, vector<1250x16xf32>
    tpu.vector_store %arg4[%swap3A_13, %swap3A_14], %dot_general3A_12 {strides = array<i32>} : memref<1280x128xf32, #tpu.memory_space<vmem>>, vector<1250x16xf32>,
    %get3A_16 = arith.constant 0 : index
    %get3A_17 = arith.constant 128 : index
    %get3A_18 = vector.load %arg0[%get3A_16, %get3A_17] : memref<1250x1024xf32, #tpu.memory_space<vmem>>, vector<1250x128xf32>
    %dot_general3A_19 = arith.constant dense<0.000000e+00> : vector<1250x16xf32>
    %dot_general3A_20 = tpu.matmul %get3A_18, %get3A_1, %dot_general3A_19 {dimension_numbers = #tpu.dot_dimension_numbers<[1], [0], [0], [1], [0, 0, 1, 1], [], []>, transpose_lhs_hint = false} : vector<1250x128xf32>, vector<128x16xf32>, vector<1250x16xf32> -> vector<1250x16xf32>
    %swap3A_21 = arith.constant 0 : index
    %swap3A_22 = arith.constant 16 : index
    %swap3A_23 = vector.load %arg3[%swap3A_21, %swap3A_22] : memref<1280x128xf32, #tpu.memory_space<vmem>>, vector<1250x16xf32>
    tpu.vector_store %arg3[%swap3A_21, %swap3A_22], %dot_general3A_20 {strides = array<i32>} : memref<1280x128xf32, #tpu.memory_space<vmem>>, vector<1250x16xf32>,
    %dot_general3A_24 = arith.constant dense<0.000000e+00> : vector<1250x16xf32>
    %dot_general3A_25 = tpu.matmul %get3A_18, %get3A_4, %dot_general3A_24 {dimension_numbers = #tpu.dot_dimension_numbers<[1], [0], [0], [1], [0, 0, 1, 1], [], []>, transpose_lhs_hint = false} : vector<1250x128xf32>, vector<128x16xf32>, vector<1250x16xf32> -> vector<1250x16xf32>
    %swap3A_26 = arith.constant 0 : index
    %swap3A_27 = arith.constant 16 : index
    %swap3A_28 = vector.load %arg4[%swap3A_26, %swap3A_27] : memref<1280x128xf32, #tpu.memory_space<vmem>>, vector<1250x16xf32>
    tpu.vector_store %arg4[%swap3A_26, %swap3A_27], %dot_general3A_25 {strides = array<i32>} : memref<1280x128xf32, #tpu.memory_space<vmem>>, vector<1250x16xf32>,
    %get3A_29 = arith.constant 0 : index
    %get3A_30 = arith.constant 256 : index
    %get3A_31 = vector.load %arg0[%get3A_29, %get3A_30] : memref<1250x1024xf32, #tpu.memory_space<vmem>>, vector<1250x128xf32>
    %dot_general3A_32 = arith.constant dense<0.000000e+00> : vector<1250x16xf32>
    %dot_general3A_33 = tpu.matmul %get3A_31, %get3A_1, %dot_general3A_32 {dimension_numbers = #tpu.dot_dimension_numbers<[1], [0], [0], [1], [0, 0, 1, 1], [], []>, transpose_lhs_hint = false} : vector<1250x128xf32>, vector<128x16xf32>, vector<1250x16xf32> -> vector<1250x16xf32>
    %swap3A_34 = arith.constant 0 : index
    %swap3A_35 = arith.constant 32 : index
    %swap3A_36 = vector.load %arg3[%swap3A_34, %swap3A_35] : memref<1280x128xf32, #tpu.memory_space<vmem>>, vector<1250x16xf32>
    tpu.vector_store %arg3[%swap3A_34, %swap3A_35], %dot_general3A_33 {strides = array<i32>} : memref<1280x128xf32, #tpu.memory_space<vmem>>, vector<1250x16xf32>,
    %dot_general3A_37 = arith.constant dense<0.000000e+00> : vector<1250x16xf32>
    %dot_general3A_38 = tpu.matmul %get3A_31, %get3A_4, %dot_general3A_37 {dimension_numbers = #tpu.dot_dimension_numbers<[1], [0], [0], [1], [0, 0, 1, 1], [], []>, transpose_lhs_hint = false} : vector<1250x128xf32>, vector<128x16xf32>, vector<1250x16xf32> -> vector<1250x16xf32>
    %swap3A_39 = arith.constant 0 : index
    %swap3A_40 = arith.constant 32 : index
    %swap3A_41 = vector.load %arg4[%swap3A_39, %swap3A_40] : memref<1280x128xf32, #tpu.memory_space<vmem>>, vector<1250x16xf32>
    tpu.vector_store %arg4[%swap3A_39, %swap3A_40], %dot_general3A_38 {strides = array<i32>} : memref<1280x128xf32, #tpu.memory_space<vmem>>, vector<1250x16xf32>,
    %get3A_42 = arith.constant 0 : index
    %get3A_43 = arith.constant 384 : index
    %get3A_44 = vector.load %arg0[%get3A_42, %get3A_43] : memref<1250x1024xf32, #tpu.memory_space<vmem>>, vector<1250x128xf32>
    %dot_general3A_45 = arith.constant dense<0.000000e+00> : vector<1250x16xf32>
    %dot_general3A_46 = tpu.matmul %get3A_44, %get3A_1, %dot_general3A_45 {dimension_numbers = #tpu.dot_dimension_numbers<[1], [0], [0], [1], [0, 0, 1, 1], [], []>, transpose_lhs_hint = false} : vector<1250x128xf32>, vector<128x16xf32>, vector<1250x16xf32> -> vector<1250x16xf32>
    %swap3A_47 = arith.constant 0 : index
    %swap3A_48 = arith.constant 48 : index
    %swap3A_49 = vector.load %arg3[%swap3A_47, %swap3A_48] : memref<1280x128xf32, #tpu.memory_space<vmem>>, vector<1250x16xf32>
    tpu.vector_store %arg3[%swap3A_47, %swap3A_48], %dot_general3A_46 {strides = array<i32>} : memref<1280x128xf32, #tpu.memory_space<vmem>>, vector<1250x16xf32>,
    %dot_general3A_50 = arith.constant dense<0.000000e+00> : vector<1250x16xf32>
    %dot_general3A_51 = tpu.matmul %get3A_44, %get3A_4, %dot_general3A_50 {dimension_numbers = #tpu.dot_dimension_numbers<[1], [0], [0], [1], [0, 0, 1, 1], [], []>, transpose_lhs_hint = false} : vector<1250x128xf32>, vector<128x16xf32>, vector<1250x16xf32> -> vector<1250x16xf32>
    %swap3A_52 = arith.constant 0 : index
    %swap3A_53 = arith.constant 48 : index
    %swap3A_54 = vector.load %arg4[%swap3A_52, %swap3A_53] : memref<1280x128xf32, #tpu.memory_space<vmem>>, vector<1250x16xf32>
    tpu.vector_store %arg4[%swap3A_52, %swap3A_53], %dot_general3A_51 {strides = array<i32>} : memref<1280x128xf32, #tpu.memory_space<vmem>>, vector<1250x16xf32>,
    %get3A_55 = arith.constant 0 : index
    %get3A_56 = arith.constant 512 : index
    %get3A_57 = vector.load %arg0[%get3A_55, %get3A_56] : memref<1250x1024xf32, #tpu.memory_space<vmem>>, vector<1250x128xf32>
    %dot_general3A_58 = arith.constant dense<0.000000e+00> : vector<1250x16xf32>
    %dot_general3A_59 = tpu.matmul %get3A_57, %get3A_1, %dot_general3A_58 {dimension_numbers = #tpu.dot_dimension_numbers<[1], [0], [0], [1], [0, 0, 1, 1], [], []>, transpose_lhs_hint = false} : vector<1250x128xf32>, vector<128x16xf32>, vector<1250x16xf32> -> vector<1250x16xf32>
    %swap3A_60 = arith.constant 0 : index
    %swap3A_61 = arith.constant 64 : index
    %swap3A_62 = vector.load %arg3[%swap3A_60, %swap3A_61] : memref<1280x128xf32, #tpu.memory_space<vmem>>, vector<1250x16xf32>
    tpu.vector_store %arg3[%swap3A_60, %swap3A_61], %dot_general3A_59 {strides = array<i32>} : memref<1280x128xf32, #tpu.memory_space<vmem>>, vector<1250x16xf32>,
    %dot_general3A_63 = arith.constant dense<0.000000e+00> : vector<1250x16xf32>
    %dot_general3A_64 = tpu.matmul %get3A_57, %get3A_4, %dot_general3A_63 {dimension_numbers = #tpu.dot_dimension_numbers<[1], [0], [0], [1], [0, 0, 1, 1], [], []>, transpose_lhs_hint = false} : vector<1250x128xf32>, vector<128x16xf32>, vector<1250x16xf32> -> vector<1250x16xf32>
    %swap3A_65 = arith.constant 0 : index
    %swap3A_66 = arith.constant 64 : index
    %swap3A_67 = vector.load %arg4[%swap3A_65, %swap3A_66] : memref<1280x128xf32, #tpu.memory_space<vmem>>, vector<1250x16xf32>
    tpu.vector_store %arg4[%swap3A_65, %swap3A_66], %dot_general3A_64 {strides = array<i32>} : memref<1280x128xf32, #tpu.memory_space<vmem>>, vector<1250x16xf32>,
    %get3A_68 = arith.constant 0 : index
    %get3A_69 = arith.constant 640 : index
    %get3A_70 = vector.load %arg0[%get3A_68, %get3A_69] : memref<1250x1024xf32, #tpu.memory_space<vmem>>, vector<1250x128xf32>
    %dot_general3A_71 = arith.constant dense<0.000000e+00> : vector<1250x16xf32>
    %dot_general3A_72 = tpu.matmul %get3A_70, %get3A_1, %dot_general3A_71 {dimension_numbers = #tpu.dot_dimension_numbers<[1], [0], [0], [1], [0, 0, 1, 1], [], []>, transpose_lhs_hint = false} : vector<1250x128xf32>, vector<128x16xf32>, vector<1250x16xf32> -> vector<1250x16xf32>
    %swap3A_73 = arith.constant 0 : index
    %swap3A_74 = arith.constant 80 : index
    %swap3A_75 = vector.load %arg3[%swap3A_73, %swap3A_74] : memref<1280x128xf32, #tpu.memory_space<vmem>>, vector<1250x16xf32>
    tpu.vector_store %arg3[%swap3A_73, %swap3A_74], %dot_general3A_72 {strides = array<i32>} : memref<1280x128xf32, #tpu.memory_space<vmem>>, vector<1250x16xf32>,
    %dot_general3A_76 = arith.constant dense<0.000000e+00> : vector<1250x16xf32>
    %dot_general3A_77 = tpu.matmul %get3A_70, %get3A_4, %dot_general3A_76 {dimension_numbers = #tpu.dot_dimension_numbers<[1], [0], [0], [1], [0, 0, 1, 1], [], []>, transpose_lhs_hint = false} : vector<1250x128xf32>, vector<128x16xf32>, vector<1250x16xf32> -> vector<1250x16xf32>
    %swap3A_78 = arith.constant 0 : index
    %swap3A_79 = arith.constant 80 : index
    %swap3A_80 = vector.load %arg4[%swap3A_78, %swap3A_79] : memref<1280x128xf32, #tpu.memory_space<vmem>>, vector<1250x16xf32>
    tpu.vector_store %arg4[%swap3A_78, %swap3A_79], %dot_general3A_77 {strides = array<i32>} : memref<1280x128xf32, #tpu.memory_space<vmem>>, vector<1250x16xf32>,
    %get3A_81 = arith.constant 0 : index
    %get3A_82 = arith.constant 768 : index
    %get3A_83 = vector.load %arg0[%get3A_81, %get3A_82] : memref<1250x1024xf32, #tpu.memory_space<vmem>>, vector<1250x128xf32>
    %dot_general3A_84 = arith.constant dense<0.000000e+00> : vector<1250x16xf32>
    %dot_general3A_85 = tpu.matmul %get3A_83, %get3A_1, %dot_general3A_84 {dimension_numbers = #tpu.dot_dimension_numbers<[1], [0], [0], [1], [0, 0, 1, 1], [], []>, transpose_lhs_hint = false} : vector<1250x128xf32>, vector<128x16xf32>, vector<1250x16xf32> -> vector<1250x16xf32>
    %swap3A_86 = arith.constant 0 : index
    %swap3A_87 = arith.constant 96 : index
    %swap3A_88 = vector.load %arg3[%swap3A_86, %swap3A_87] : memref<1280x128xf32, #tpu.memory_space<vmem>>, vector<1250x16xf32>
    tpu.vector_store %arg3[%swap3A_86, %swap3A_87], %dot_general3A_85 {strides = array<i32>} : memref<1280x128xf32, #tpu.memory_space<vmem>>, vector<1250x16xf32>,
    %dot_general3A_89 = arith.constant dense<0.000000e+00> : vector<1250x16xf32>
    %dot_general3A_90 = tpu.matmul %get3A_83, %get3A_4, %dot_general3A_89 {dimension_numbers = #tpu.dot_dimension_numbers<[1], [0], [0], [1], [0, 0, 1, 1], [], []>, transpose_lhs_hint = false} : vector<1250x128xf32>, vector<128x16xf32>, vector<1250x16xf32> -> vector<1250x16xf32>
    %swap3A_91 = arith.constant 0 : index
    %swap3A_92 = arith.constant 96 : index
    %swap3A_93 = vector.load %arg4[%swap3A_91, %swap3A_92] : memref<1280x128xf32, #tpu.memory_space<vmem>>, vector<1250x16xf32>
    tpu.vector_store %arg4[%swap3A_91, %swap3A_92], %dot_general3A_90 {strides = array<i32>} : memref<1280x128xf32, #tpu.memory_space<vmem>>, vector<1250x16xf32>,
    %get3A_94 = arith.constant 0 : index
    %get3A_95 = arith.constant 896 : index
    %get3A_96 = vector.load %arg0[%get3A_94, %get3A_95] : memref<1250x1024xf32, #tpu.memory_space<vmem>>, vector<1250x128xf32>
    %dot_general3A_97 = arith.constant dense<0.000000e+00> : vector<1250x16xf32>
    %dot_general3A_98 = tpu.matmul %get3A_96, %get3A_1, %dot_general3A_97 {dimension_numbers = #tpu.dot_dimension_numbers<[1], [0], [0], [1], [0, 0, 1, 1], [], []>, transpose_lhs_hint = false} : vector<1250x128xf32>, vector<128x16xf32>, vector<1250x16xf32> -> vector<1250x16xf32>
    %swap3A_99 = arith.constant 0 : index
    %swap3A_100 = arith.constant 112 : index
    %swap3A_101 = vector.load %arg3[%swap3A_99, %swap3A_100] : memref<1280x128xf32, #tpu.memory_space<vmem>>, vector<1250x16xf32>
    tpu.vector_store %arg3[%swap3A_99, %swap3A_100], %dot_general3A_98 {strides = array<i32>} : memref<1280x128xf32, #tpu.memory_space<vmem>>, vector<1250x16xf32>,
    %dot_general3A_102 = arith.constant dense<0.000000e+00> : vector<1250x16xf32>
    %dot_general3A_103 = tpu.matmul %get3A_96, %get3A_4, %dot_general3A_102 {dimension_numbers = #tpu.dot_dimension_numbers<[1], [0], [0], [1], [0, 0, 1, 1], [], []>, transpose_lhs_hint = false} : vector<1250x128xf32>, vector<128x16xf32>, vector<1250x16xf32> -> vector<1250x16xf32>
    %swap3A_104 = arith.constant 0 : index
    %swap3A_105 = arith.constant 112 : index
    %swap3A_106 = vector.load %arg4[%swap3A_104, %swap3A_105] : memref<1280x128xf32, #tpu.memory_space<vmem>>, vector<1250x16xf32>
    tpu.vector_store %arg4[%swap3A_104, %swap3A_105], %dot_general3A_103 {strides = array<i32>} : memref<1280x128xf32, #tpu.memory_space<vmem>>, vector<1250x16xf32>,
    return
  }
}

module attributes {stable_mosaic.version = 14 : i64} {
  func.func @body(%arg0: memref<2x1280x128xf32, #tpu.memory_space<vmem>>, %arg1: memref<2x1280x128xf32, #tpu.memory_space<vmem>>, %arg2: memref<1280x128xf32, #tpu.memory_space<vmem>>, %arg3: memref<1x128xf32, #tpu.memory_space<vmem>>, %arg4: memref<128x128xf32, #tpu.memory_space<vmem>>, %arg5: memref<128x128xf32, #tpu.memory_space<vmem>>, %arg6: memref<1x128xf32, #tpu.memory_space<vmem>>, %arg7: memref<1280x128xf32, #tpu.memory_space<vmem>>, %arg8: memref<1280x128xf32, #tpu.memory_space<vmem>>) attributes {dimension_semantics = [], scalar_prefetch = 0 : i64, scratch_operands = 0 : i64, tpu.core_type = #tpu.core_type<tc>} {
    %get3A = arith.constant 0 : index
    %get3A_0 = arith.constant 0 : index
    %get3A_1 = arith.constant 0 : index
    %get3A_2 = vector.load %arg0[%get3A, %get3A_0, %get3A_1] : memref<2x1280x128xf32, #tpu.memory_space<vmem>>, vector<1x1280x128xf32>
    %get3A_3 = vector.shape_cast %get3A_2 : vector<1x1280x128xf32> to vector<1280x128xf32>
    %get3A_4 = arith.constant 1 : index
    %get3A_5 = arith.constant 0 : index
    %get3A_6 = arith.constant 0 : index
    %get3A_7 = vector.load %arg0[%get3A_4, %get3A_5, %get3A_6] : memref<2x1280x128xf32, #tpu.memory_space<vmem>>, vector<1x1280x128xf32>
    %get3A_8 = vector.shape_cast %get3A_7 : vector<1x1280x128xf32> to vector<1280x128xf32>
    %add3A = arith.addf %get3A_3, %get3A_8 : vector<1280x128xf32>
    %get3A_9 = arith.constant 0 : index
    %get3A_10 = arith.constant 0 : index
    %get3A_11 = arith.constant 0 : index
    %get3A_12 = vector.load %arg1[%get3A_9, %get3A_10, %get3A_11] : memref<2x1280x128xf32, #tpu.memory_space<vmem>>, vector<1x1280x128xf32>
    %get3A_13 = vector.shape_cast %get3A_12 : vector<1x1280x128xf32> to vector<1280x128xf32>
    %get3A_14 = arith.constant 1 : index
    %get3A_15 = arith.constant 0 : index
    %get3A_16 = arith.constant 0 : index
    %get3A_17 = vector.load %arg1[%get3A_14, %get3A_15, %get3A_16] : memref<2x1280x128xf32, #tpu.memory_space<vmem>>, vector<1x1280x128xf32>
    %get3A_18 = vector.shape_cast %get3A_17 : vector<1x1280x128xf32> to vector<1280x128xf32>
    %add3A_19 = arith.addf %get3A_13, %get3A_18 : vector<1280x128xf32>
    %max3A = arith.constant 1.000000e+00 : f32
    %max3A_20 = vector.broadcast %max3A : f32 to vector<1280x128xf32>
    %max3A_21 = arith.maximumf %add3A_19, %max3A_20 : vector<1280x128xf32>
    %div3A = arith.constant 1.000000e+00 : f32
    %div3A_22 = vector.broadcast %div3A : f32 to vector<1280x128xf32>
    %div3A_23 = arith.divf %div3A_22, %max3A_21 : vector<1280x128xf32>
    %mul3A = arith.mulf %add3A, %div3A_23 : vector<1280x128xf32>
    %get3A_24 = arith.constant 0 : index
    %get3A_25 = arith.constant 0 : index
    %get3A_26 = vector.load %arg3[%get3A_24, %get3A_25] : memref<1x128xf32, #tpu.memory_space<vmem>>, vector<1x128xf32>
    %add3A_27 = vector.broadcast %get3A_26 : vector<1x128xf32> to vector<1280x128xf32>
    %add3A_28 = arith.addf %mul3A, %add3A_27 : vector<1280x128xf32>
    %get3A_29 = arith.constant 0 : index
    %get3A_30 = arith.constant 0 : index
    %get3A_31 = vector.load %arg2[%get3A_29, %get3A_30] : memref<1280x128xf32, #tpu.memory_space<vmem>>, vector<1280x128xf32>
    %add3A_32 = arith.addf %add3A_28, %get3A_31 : vector<1280x128xf32>
    %max3A_33 = arith.constant 0.000000e+00 : f32
    %max3A_34 = vector.broadcast %max3A_33 : f32 to vector<1280x128xf32>
    %max3A_35 = arith.maximumf %add3A_32, %max3A_34 : vector<1280x128xf32>
    %iota3A = tpu.iota {dimensions = array<i32: 1>} : vector<1x128xi32>
    %get3A_36 = arith.constant 0 : index
    %get3A_37 = arith.constant 0 : index
    %get3A_38 = vector.load %arg4[%get3A_36, %get3A_37] : memref<128x128xf32, #tpu.memory_space<vmem>>, vector<128x128xf32>
    %dot_general3A = arith.constant dense<0.000000e+00> : vector<1280x128xf32>
    %dot_general3A_39 = tpu.matmul %max3A_35, %get3A_38, %dot_general3A {dimension_numbers = #tpu.dot_dimension_numbers<[1], [0], [0], [1], [0, 0, 1, 1], [], []>, transpose_lhs_hint = false} : vector<1280x128xf32>, vector<128x128xf32>, vector<1280x128xf32> -> vector<1280x128xf32>
    %jit3A = arith.constant 16 : i32
    %eq3A = arith.constant 0 : i32
    %eq3A_40 = arith.cmpi eq, %jit3A, %eq3A : i32
    %jit3A_41 = arith.constant 1 : i32
    %select_n3A = arith.select %eq3A_40, %jit3A_41, %jit3A : i32
    %rem3A = vector.broadcast %select_n3A : i32 to vector<1x128xi32>
    %rem3A_42 = arith.remsi %iota3A, %rem3A : vector<1x128xi32>
    %ne3A = arith.constant 0 : i32
    %ne3A_43 = vector.broadcast %ne3A : i32 to vector<1x128xi32>
    %ne3A_44 = arith.cmpi ne, %rem3A_42, %ne3A_43 : vector<1x128xi32>
    %lt3A = arith.constant 0 : i32
    %lt3A_45 = vector.broadcast %lt3A : i32 to vector<1x128xi32>
    %lt3A_46 = arith.cmpi slt, %rem3A_42, %lt3A_45 : vector<1x128xi32>
    %lt3A_47 = arith.constant 0 : i32
    %lt3A_48 = arith.cmpi slt, %select_n3A, %lt3A_47 : i32
    %ne3A_49 = vector.broadcast %lt3A_48 : i1 to vector<1x128xi1>
    %ne3A_50 = vector.broadcast %ne3A_49 : vector<1x128xi1> to vector<1x128xi1>
    %ne3A_51 = arith.xori %lt3A_46, %ne3A_50 : vector<1x128xi1>
    %and3A = arith.andi %ne3A_51, %ne3A_44 : vector<1x128xi1>
    %add3A_52 = vector.broadcast %select_n3A : i32 to vector<1x128xi32>
    %add3A_53 = arith.addi %rem3A_42, %add3A_52 : vector<1x128xi32>
    %select_n3A_54 = arith.select %and3A, %add3A_53, %rem3A_42 : vector<1x128xi1>, vector<1x128xi32>
    %eq3A_55 = arith.constant 14 : i32
    %eq3A_56 = vector.broadcast %eq3A_55 : i32 to vector<1x128xi32>
    %eq3A_57 = arith.cmpi eq, %select_n3A_54, %eq3A_56 : vector<1x128xi32>
    %jit3A_58 = arith.constant 1.000000e+00 : f32
    %jit3A_59 = arith.constant 0.000000e+00 : f32
    %broadcast_in_dim3A = vector.broadcast %jit3A_58 : f32 to vector<1x128xf32>
    %broadcast_in_dim3A_60 = vector.broadcast %jit3A_59 : f32 to vector<1x128xf32>
    %select_n3A_61 = arith.select %eq3A_57, %broadcast_in_dim3A, %broadcast_in_dim3A_60 : vector<1x128xi1>, vector<1x128xf32>
    %add3A_62 = vector.broadcast %select_n3A_61 : vector<1x128xf32> to vector<1280x128xf32>
    %add3A_63 = arith.addf %dot_general3A_39, %add3A_62 : vector<1280x128xf32>
    %swap3A = arith.constant 0 : index
    %swap3A_64 = arith.constant 0 : index
    %swap3A_65 = vector.load %arg7[%swap3A, %swap3A_64] : memref<1280x128xf32, #tpu.memory_space<vmem>>, vector<1280x128xf32>
    tpu.vector_store %arg7[%swap3A, %swap3A_64], %add3A_63 {strides = array<i32>} : memref<1280x128xf32, #tpu.memory_space<vmem>>, vector<1280x128xf32>,
    %get3A_66 = arith.constant 0 : index
    %get3A_67 = arith.constant 0 : index
    %get3A_68 = vector.load %arg5[%get3A_66, %get3A_67] : memref<128x128xf32, #tpu.memory_space<vmem>>, vector<128x128xf32>
    %dot_general3A_69 = arith.constant dense<0.000000e+00> : vector<1280x128xf32>
    %dot_general3A_70 = tpu.matmul %max3A_35, %get3A_68, %dot_general3A_69 {dimension_numbers = #tpu.dot_dimension_numbers<[1], [0], [0], [1], [0, 0, 1, 1], [], []>, transpose_lhs_hint = false} : vector<1280x128xf32>, vector<128x128xf32>, vector<1280x128xf32> -> vector<1280x128xf32>
    %get3A_71 = arith.constant 0 : index
    %get3A_72 = arith.constant 0 : index
    %get3A_73 = vector.load %arg6[%get3A_71, %get3A_72] : memref<1x128xf32, #tpu.memory_space<vmem>>, vector<1x128xf32>
    %add3A_74 = vector.broadcast %get3A_73 : vector<1x128xf32> to vector<1280x128xf32>
    %add3A_75 = arith.addf %dot_general3A_70, %add3A_74 : vector<1280x128xf32>
    %swap3A_76 = arith.constant 0 : index
    %swap3A_77 = arith.constant 0 : index
    %swap3A_78 = vector.load %arg8[%swap3A_76, %swap3A_77] : memref<1280x128xf32, #tpu.memory_space<vmem>>, vector<1280x128xf32>
    tpu.vector_store %arg8[%swap3A_76, %swap3A_77], %add3A_75 {strides = array<i32>} : memref<1280x128xf32, #tpu.memory_space<vmem>>, vector<1280x128xf32>,
    return
  }
}

module attributes {stable_mosaic.version = 14 : i64} {
  func.func @body(%arg0: memref<2x1280x128xf32, #tpu.memory_space<vmem>>, %arg1: memref<1280x128xf32, #tpu.memory_space<vmem>>, %arg2: memref<128x128xf32, #tpu.memory_space<vmem>>, %arg3: memref<128x128xf32, #tpu.memory_space<vmem>>, %arg4: memref<1280x128xf32, #tpu.memory_space<vmem>>) attributes {dimension_semantics = [], scalar_prefetch = 0 : i64, scratch_operands = 0 : i64, tpu.core_type = #tpu.core_type<tc>} {
    %get3A = arith.constant 0 : index
    %get3A_0 = arith.constant 0 : index
    %get3A_1 = arith.constant 0 : index
    %get3A_2 = vector.load %arg0[%get3A, %get3A_0, %get3A_1] : memref<2x1280x128xf32, #tpu.memory_space<vmem>>, vector<1x1280x128xf32>
    %get3A_3 = vector.shape_cast %get3A_2 : vector<1x1280x128xf32> to vector<1280x128xf32>
    %get3A_4 = arith.constant 1 : index
    %get3A_5 = arith.constant 0 : index
    %get3A_6 = arith.constant 0 : index
    %get3A_7 = vector.load %arg0[%get3A_4, %get3A_5, %get3A_6] : memref<2x1280x128xf32, #tpu.memory_space<vmem>>, vector<1x1280x128xf32>
    %get3A_8 = vector.shape_cast %get3A_7 : vector<1x1280x128xf32> to vector<1280x128xf32>
    %add3A = arith.addf %get3A_3, %get3A_8 : vector<1280x128xf32>
    %get3A_9 = arith.constant 0 : index
    %get3A_10 = arith.constant 0 : index
    %get3A_11 = vector.load %arg3[%get3A_9, %get3A_10] : memref<128x128xf32, #tpu.memory_space<vmem>>, vector<128x128xf32>
    %dot_general3A = arith.constant dense<0.000000e+00> : vector<1280x128xf32>
    %dot_general3A_12 = tpu.matmul %add3A, %get3A_11, %dot_general3A {dimension_numbers = #tpu.dot_dimension_numbers<[1], [0], [0], [1], [0, 0, 1, 1], [], []>, transpose_lhs_hint = false} : vector<1280x128xf32>, vector<128x128xf32>, vector<1280x128xf32> -> vector<1280x128xf32>
    %max3A = arith.constant 1.000000e+00 : f32
    %max3A_13 = vector.broadcast %max3A : f32 to vector<1280x128xf32>
    %max3A_14 = arith.maximumf %dot_general3A_12, %max3A_13 : vector<1280x128xf32>
    %div3A = arith.constant 1.000000e+00 : f32
    %div3A_15 = vector.broadcast %div3A : f32 to vector<1280x128xf32>
    %div3A_16 = arith.divf %div3A_15, %max3A_14 : vector<1280x128xf32>
    %mul3A = arith.mulf %add3A, %div3A_16 : vector<1280x128xf32>
    %get3A_17 = arith.constant 0 : index
    %get3A_18 = arith.constant 0 : index
    %get3A_19 = vector.load %arg1[%get3A_17, %get3A_18] : memref<1280x128xf32, #tpu.memory_space<vmem>>, vector<1280x128xf32>
    %add3A_20 = arith.addf %mul3A, %get3A_19 : vector<1280x128xf32>
    %iota3A = tpu.iota {dimensions = array<i32: 1>} : vector<1x128xi32>
    %jit3A = arith.constant 16 : i32
    %eq3A = arith.constant 0 : i32
    %eq3A_21 = arith.cmpi eq, %jit3A, %eq3A : i32
    %jit3A_22 = arith.constant 1 : i32
    %select_n3A = arith.select %eq3A_21, %jit3A_22, %jit3A : i32
    %rem3A = vector.broadcast %select_n3A : i32 to vector<1x128xi32>
    %rem3A_23 = arith.remsi %iota3A, %rem3A : vector<1x128xi32>
    %ne3A = arith.constant 0 : i32
    %ne3A_24 = vector.broadcast %ne3A : i32 to vector<1x128xi32>
    %ne3A_25 = arith.cmpi ne, %rem3A_23, %ne3A_24 : vector<1x128xi32>
    %lt3A = arith.constant 0 : i32
    %lt3A_26 = vector.broadcast %lt3A : i32 to vector<1x128xi32>
    %lt3A_27 = arith.cmpi slt, %rem3A_23, %lt3A_26 : vector<1x128xi32>
    %lt3A_28 = arith.constant 0 : i32
    %lt3A_29 = arith.cmpi slt, %select_n3A, %lt3A_28 : i32
    %ne3A_30 = vector.broadcast %lt3A_29 : i1 to vector<1x128xi1>
    %ne3A_31 = vector.broadcast %ne3A_30 : vector<1x128xi1> to vector<1x128xi1>
    %ne3A_32 = arith.xori %lt3A_27, %ne3A_31 : vector<1x128xi1>
    %and3A = arith.andi %ne3A_32, %ne3A_25 : vector<1x128xi1>
    %add3A_33 = vector.broadcast %select_n3A : i32 to vector<1x128xi32>
    %add3A_34 = arith.addi %rem3A_23, %add3A_33 : vector<1x128xi32>
    %select_n3A_35 = arith.select %and3A, %add3A_34, %rem3A_23 : vector<1x128xi1>, vector<1x128xi32>
    %lt3A_36 = arith.constant 14 : i32
    %lt3A_37 = vector.broadcast %lt3A_36 : i32 to vector<1x128xi32>
    %lt3A_38 = arith.cmpi slt, %select_n3A_35, %lt3A_37 : vector<1x128xi32>
    %exp3A = math.exp %add3A_20 : vector<1280x128xf32>
    %jit3A_39 = arith.constant 0.000000e+00 : f32
    %broadcast_in_dim3A = vector.shape_cast %lt3A_38 : vector<1x128xi1> to vector<1x128xi1>
    %broadcast_in_dim3A_40 = vector.broadcast %broadcast_in_dim3A : vector<1x128xi1> to vector<1280x128xi1>
    %broadcast_in_dim3A_41 = vector.broadcast %jit3A_39 : f32 to vector<1280x128xf32>
    %select_n3A_42 = arith.select %broadcast_in_dim3A_40, %exp3A, %broadcast_in_dim3A_41 : vector<1280x128xi1>, vector<1280x128xf32>
    %get3A_43 = arith.constant 0 : index
    %get3A_44 = arith.constant 0 : index
    %get3A_45 = vector.load %arg2[%get3A_43, %get3A_44] : memref<128x128xf32, #tpu.memory_space<vmem>>, vector<128x128xf32>
    %dot_general3A_46 = arith.constant dense<0.000000e+00> : vector<1280x128xf32>
    %dot_general3A_47 = tpu.matmul %select_n3A_42, %get3A_45, %dot_general3A_46 {dimension_numbers = #tpu.dot_dimension_numbers<[1], [0], [0], [1], [0, 0, 1, 1], [], []>, transpose_lhs_hint = false} : vector<1280x128xf32>, vector<128x128xf32>, vector<1280x128xf32> -> vector<1280x128xf32>
    %log3A = math.log %dot_general3A_47 : vector<1280x128xf32>
    %sub3A = arith.subf %add3A_20, %log3A : vector<1280x128xf32>
    %swap3A = arith.constant 0 : index
    %swap3A_48 = arith.constant 0 : index
    %swap3A_49 = vector.load %arg4[%swap3A, %swap3A_48] : memref<1280x128xf32, #tpu.memory_space<vmem>>, vector<1280x128xf32>
    tpu.vector_store %arg4[%swap3A, %swap3A_48], %sub3A {strides = array<i32>} : memref<1280x128xf32, #tpu.memory_space<vmem>>, vector<1280x128xf32>,
    return
  }
}

</mosaic_0001>

<sc_bundles>
// kernel: kernel.10.cloned.1.call-start
scs
__scs_entry_jumppad:
0x0: {  	(pc) =	sbr.rel $0x88, $3  }
0x1: {  	(tag) =	ssettag $0x0;
	lr =	simm.s32 $0x1  }
0x2: {  	[smem:$0x3F98] =	sst lr;
	_ =	strace $0xD0000000  }
0x3: {  	_ = 	snop  }
0x4: {  	_ = 	snop  }
0x5: {  	_ = 	snop  }
0x6: {  	_ = 	snop  }
0x7: {  	_ = 	snop  }
__scs_overlays_trampoline_lowered:
0x8: {  	[smem:$0x3FA7] =	sst s0  }
0x9: {  	[smem:$0x3FA8] =	sst s1  }
0xa: {  	[smem:$0x3FA9] =	sst s2  }
0xb: {  	[smem:$0x3FAA] =	sst s3  }
0xc: {  	[smem:$0x3FAB] =	sst s4  }
0xd: {  	[smem:$0x3FAC] =	sst s5  }
0xe: {  	[smem:$0x3FAD] =	sst s6  }
0xf: {  	[smem:$0x3FAE] =	sst s7  }
0x10: {  	[smem:$0x3FAF] =	sst s8  }
0x11: {  	[smem:$0x3FB0] =	sst s9;
	s0 =	simm.s32 @!p0 $0x0  }
0x12: {  	s1 =	sld [smem:$0x3F96];
	s0 =	simm.s32 @p0 $0x1  }
0x13: {  	[smem:$0x3FB1] =	sst s0;
	s0 =	simm.s32 @!p1 $0x0  }
0x14: {  	s2 =	sld [smem:$0x3F95];
	s0 =	simm.s32 @p1 $0x1  }
0x15: {  	[smem:$0x3FB2] =	sst s0;
	s0 =	simm.s32 @!p2 $0x0  }
0x16: {  	s3 =	sld [smem:$0x3FDB];
	s0 =	simm.s32 @p2 $0x1  }
0x17: {  	s4 =	simm.s32 $0x1BF5;
	[smem:$0x3FB4] =	sst s0  }
0x18: {  	s0 =	sld [smem:$0x3F97];
	_ =	swait.ge [sflag:s4], $0x0  }
0x19: {  	s7 =	sld [smem:$0x3F98]  }
0x1a: {  	s8 =	sadd.s32 $0xFFFFE003, lr  }
0x1b: {  	s9 =	sadd.s32 $0xFFFFFEF7, lr;
	s5 =	simm.s32 $0xFFFFFFFF;
	p2 =	slt.u32 s8, $0xFFFFF086  }
0x1c: {  	p1 =	slt.u32 s9, $0xF7A;
	s5 =	simm.s32 @!p2 $0x0  }
0x1d: {  	s5 =	simm.s32 @p1 $0x1;
	p0 =	seq.s32 s7, s2  }
0x1e: {  	s7 =	smul.u32 @!p0 $0xF7A, s2;
	p2 =	seq.s32 @!p0 s5, $0x0  }
0x1f: {  	s9 =	smul.u32 $0xF7A, s1;
	s8 =	simm.s32 @!p0 $0x1BF5;
	p2 =	por !p2, p0  }
0x20: {  	[sflag:s8] =	ssyncset.s32 @!p0 $0xFFFFF086;
	s6 =	sadd.s32 @!p0 s3, s7;
	s7 =	simm.s32 @!p0 $0x108  }
0x21: {  	s3 =	sadd.s32 s3, s9;
	s6 =	sadd.s32 @!p0 $0x88, s6;
	s7 =	simm.s32 @p2 $0x1082  }
0x22: {  	[simem:s7], [sflag:s8] =	dma.local @!p0 [hbm:s6], $0xF7A  }
0x23: {  	s9 =	sor.u32 $0xD0000000, s2;
	s6 =	simm.s32 $0x108;
	_ =	swait.ge @!p0 [sflag:s8], $0x0  }
0x24: {  	s3 =	sadd.s32 $0x88, s3;
	s6 =	simm.s32 @!p1 $0x1082;
	[sflag:s4] =	ssyncset.s32 $0xFFFFF086  }
0x25: {  	[simem:s6], [sflag:s4] =	dma.local [hbm:s3], $0xF7A  }
0x26: {  	[smem:$0x3F98] =	sst s1;
	(tag) =	ssettag s2;
	_ =	strace s9  }
0x27: {  	s1 =	sld [smem:$0x3FA8]  }
0x28: {  	s2 =	sld [smem:$0x3FA9]  }
0x29: {  	s4 =	sld [smem:$0x3FAB]  }
0x2a: {  	p0 =	seq.s32 s5, $0x0;
	s5 =	sld [smem:$0x3FAC]  }
0x2b: {  	s6 =	sld [smem:$0x3FAD]  }
0x2c: {  	s7 =	sld [smem:$0x3FAE]  }
0x2d: {  	s3 =	simm.s32 $0x108;
	s8 =	sld [smem:$0x3FAF]  }
0x2e: {  	s3 =	simm.s32 @!p0 $0x1082;
	s9 =	sld [smem:$0x3FB0]  }
0x2f: {  	lr =	sadd.s32 s0, s3;
	s0 =	sld [smem:$0x3FA7]  }
0x30: {  	s3 =	sld [smem:$0x3FAA]  }
0x31: {  	[smem:$0x3FB3] =	sst s10  }
0x32: {  	s10 =	sld [smem:$0x3FB1];
	_ =	sdelay $0x3  }
0x33: {  	p0 =	seq.s32 s10, $0x1;
	s10 =	sld [smem:$0x3FB3];
	_ =	sdelay $0x3  }
0x34: {  	[smem:$0x3FB3] =	sst s10  }
0x35: {  	s10 =	sld [smem:$0x3FB2];
	_ =	sdelay $0x3  }
0x36: {  	p1 =	seq.s32 s10, $0x1;
	s10 =	sld [smem:$0x3FB3];
	_ =	sdelay $0x3  }
0x37: {  	[smem:$0x3FB3] =	sst s10  }
0x38: {  	s10 =	sld [smem:$0x3FB4]  }
0x39: {  	_ = 	snop;
	(pc) =	sbr.ind lr, $3  }
0x3a: {  	_ = 	snop  }
0x3b: {  	_ = 	snop  }
0x3c: {  	p2 =	seq.s32 s10, $0x1;
	s10 =	sld [smem:$0x3FB3]  }
0x3d: {  	_ =	shalt  }
0x3e: {  	_ =	shalt  }
0x3f: {  	_ =	shalt  }
0x40: {  	_ =	shalt  }
0x41: {  	_ =	shalt  }
0x42: {  	_ =	shalt  }
0x43: {  	_ =	shalt  }
0x44: {  	_ =	shalt  }
0x45: {  	_ =	shalt  }
0x46: {  	_ =	shalt  }
0x47: {  	_ =	shalt  }
0x48: {  	_ =	shalt  }
0x49: {  	_ =	shalt  }
0x4a: {  	_ =	shalt  }
0x4b: {  	_ =	shalt  }
0x4c: {  	_ =	shalt  }
0x4d: {  	_ =	shalt  }
0x4e: {  	_ =	shalt  }
0x4f: {  	_ =	shalt  }
0x50: {  	_ =	shalt  }
0x51: {  	_ =	shalt  }
0x52: {  	_ =	shalt  }
0x53: {  	_ =	shalt  }
0x54: {  	_ =	shalt  }
0x55: {  	_ =	shalt  }
0x56: {  	_ =	shalt  }
0x57: {  	_ =	shalt  }
0x58: {  	_ =	shalt  }
0x59: {  	_ =	shalt  }
0x5a: {  	_ =	shalt  }
0x5b: {  	_ =	shalt  }
0x5c: {  	_ =	shalt  }
0x5d: {  	_ =	shalt  }
0x5e: {  	_ =	shalt  }
0x5f: {  	_ =	shalt  }
0x60: {  	_ =	shalt  }
0x61: {  	_ =	shalt  }
0x62: {  	_ =	shalt  }
0x63: {  	_ =	shalt  }
0x64: {  	_ =	shalt  }
0x65: {  	_ =	shalt  }
0x66: {  	_ =	shalt  }
0x67: {  	_ =	shalt  }
0x68: {  	_ =	shalt  }
0x69: {  	_ =	shalt  }
0x6a: {  	_ =	shalt  }
0x6b: {  	_ =	shalt  }
0x6c: {  	_ =	shalt  }
0x6d: {  	_ =	shalt  }
0x6e: {  	_ =	shalt  }
0x6f: {  	_ =	shalt  }
0x70: {  	_ =	shalt  }
0x71: {  	_ =	shalt  }
0x72: {  	_ =	shalt  }
0x73: {  	_ =	shalt  }
0x74: {  	_ =	shalt  }
0x75: {  	_ =	shalt  }
0x76: {  	_ =	shalt  }
0x77: {  	_ =	shalt  }
0x78: {  	_ =	shalt  }
0x79: {  	_ =	shalt  }
0x7a: {  	_ =	shalt  }
0x7b: {  	_ =	shalt  }
0x7c: {  	_ =	shalt  }
0x7d: {  	_ =	shalt  }
0x7e: {  	_ =	shalt  }
0x7f: {  	_ =	shalt  }
0x80: {  	_ =	shalt  }
0x81: {  	_ =	shalt  }
0x82: {  	_ =	shalt  }
0x83: {  	_ =	shalt  }
0x84: {  	_ =	shalt  }
0x85: {  	_ =	shalt  }
0x86: {  	_ =	shalt  }
0x87: {  	_ =	shalt  }
.Lfunc_end0:
.L_simem_size_0:
called_computation.1_lowered:
.L_overlay_start_0:
0x88: {  	s2 =	sld [smem:$0x3FD9]  }
0x89: {  	s3 =	sld [smem:$0x3FFE];
	_ =	sdelay $0x1  }
0x8a: {  	s1 =	srdreg.scid  }
0x8b: {  	s0 =	sand.u32 $0x1, s1  }
0x8c: {  	s16 =	sshll.u32 s0, $0xA;
	s2 =	sadd.s32 s3, s2  }
0x8d: {  	s2 =	sadd.s32 s2, s16  }
0x8e: {  	[smem:$0x3FBF] =	sst s2  }
0x8f: {  	_ = 	snop  }
0x90: {  	(tm) =	ssettm $0x1  }
0x91: {  	s17 =	sld [smem:$0x3FFB];
	_ =	sdelay $0x3  }
0x92: {  	_ =	strace s17  }
0x93: {  	s2 =	sld [smem:$0x3FFC];
	_ =	sdelay $0x3  }
0x94: {  	_ =	strace s2  }
0x95: {  	s2 =	sld [smem:$0x3FFD];
	_ =	sdelay $0x3  }
0x96: {  	_ =	strace s2  }
0x97: {  	_ =	strace $0x8FFFFFFF  }
0x98: {  	s18 =	sld [smem:$0x3FDB];
	_ =	sdelay $0x1  }
0x99: {  	s19 =	simm.s32 $_scs_section_size  }
0x9a: {  	s4 =	simm.s32 $_size__tile_overlayer_lowered;
	s5 =	simm.s32 $_tile_overlayer_lowered  }
0x9b: {  	s22 =	simm.s32 $0x1BFF;
	s21 =	sshll.u32 s5, $0x1;
	s2 =	sadd.s32 s19, s18  }
0x9c: {  	s6 =	simm.s32 $0x0;
	s20 =	sshll.u32 s4, $0x1;
	s4 =	sadd.s32 s21, s2  }
0x9d: {  	[timem:s6], [sflag:s22] =	dma.local [hbm:s4], s20  }
0x9e: {  	_ =	swait.ge [sflag:s22], s20  }
0x9f: {  	s3 =	ssub.s32 $0x0, s20;
	[sflag:s22] =	ssyncset.done $0x0  }
0xa0: {  	[sflag:s22] =	ssyncadd.s32 s3;
	_ =	sdelay $0x1  }
0xa1: {  	s23 =	simm.s32 $0x1B8B  }
0xa2: {  	_ =	swait.ge [sflag:s23], $0x1  }
0xa3: {  	[sflag:s23] =	ssyncset.done $0x0  }
0xa4: {  	s25 =	simm.s32 $0x1B8E;
	s24 =	sld [smem:$0x3FFE];
	[sflag:s23] =	ssyncadd.s32 $0xFFFFFFFF  }
0xa5: {  	s26 =	simm.s32 $execute0_lowered;
	[smem:$0x3FD2] =	sst s25  }
0xa6: {  	s4 =	sshll.u32 s26, $0x1;
	_ =	strace $0x80000049;
	[dreg:$0x1] =	wrdreg $0xFFFFFFFF  }
0xa7: {  	s28 =	simm.s32 $_size_execute0_lowered;
	s2 =	sadd.s32 s2, s4;
	[dreg:$0x0] =	wrdreg $0x0  }
0xa8: {  	s4 =	sshll.u32 s28, $0x1;
	[dreg:$0x2] =	wrdreg s2  }
0xa9: {  	[dreg:$0x3] =	wrdreg s4  }
0xaa: {  	[dreg:$0x4] =	wrdreg $0xC0  }
0xab: {  	_ =	task [dreg:s6], $0x5FFFF  }
0xac: {  	[dreg:$0x1] =	wrdreg $0xFFFFFFFF  }
0xad: {  	[dreg:$0x0] =	wrdreg $0x60  }
0xae: {  	[dreg:$0x2] =	wrdreg s24  }
0xaf: {  	[dreg:$0x3] =	wrdreg $0x71000  }
0xb0: {  	[dreg:$0x4] =	wrdreg $0x9  }
0xb1: {  	_ =	task.clear_ibuf [dreg:s6], $0x5FFFF;
	_ =	strace $0x90000049  }
0xb2: {  	s29 =	simm.s32 $0x9;
	_ =	strace $0x8000004B  }
0xb3: {  	_ =	swait.ge [sflag:s29], $0x1  }
0xb4: {  	[sflag:s29] =	ssyncadd.s32 $0xFFFFFFFF  }
0xb5: {  	_ =	strace $0x9000004B  }
0xb6: {  	_ =	sfence  }
0xb7: {  	s30 =	sld [smem:$0x0];
	_ =	sdelay $0x2  }
0xb8: {  	s31 =	sshll.u32 s1, $0xD;
	s1 =	sshrl.u32 s1, $0x2  }
0xb9: {  	s3 =	sand.u32 $0x4000, s31;
	s1 =	sadd.s32 s1, s30  }
0xba: {  	s0 =	sor.u32 s3, s0;
	s1 =	sshll.u32 s1, $0x11  }
0xbb: {  	s0 =	sor.u32 s1, s0  }
0xbc: {  	s0 =	sadd.s32 $0x8F2B, s0  }
0xbd: {  	[sflag:s0] =	ssyncadd.remote.s32 $0x1  }
0xbe: {  	_ =	sfence.sel $0xFFFF  }
0xbf: {  	[dreg:$0x0] =	wrdreg $0xFFFFFFFF;
	(pc) =	sbr.abs _section_cstart, $3  }
0xc0: {  	[dreg:$0x1] =	wrdreg $0xFFFFFFFF  }
0xc1: {  	_ =	task.clear_ibuf [dreg:s6], $0x2FFFF;
	_ =	strace $0x9FFFFFFF  }
0xc2: {  	(tm) =	ssettm $0x7FFFFFFF  }
0xc3: {  	_ =	shalt  }
tec
execute0_lowered:
.L_overlay_start_1:
0x0: {  	(tag) =	ssettag $0x1  }
0x1: {  	s0 =	rddreg [dreg:$0x0]  }
0x2: {  	s2 =	rddreg [dreg:$0x1];
	s4 =	simm.s32 $0x0;
	s3 =	stileid.u32  }
0x3: {  	s1 =	srdreg.scid;
	s18 =	simm.s32 $0x5;
	s19 =	simm.s32 $0x80  }
0x4: {  	s20 =	simm.s32 $0x5100;
	s21 =	simm.s32 $0x5900;
	s28 =	simm.s32 $0x2  }
0x5: {  	s29 =	simm.s32 $0x3;
	s30 =	simm.s32 $0x4;
	s31 =	simm.s32 $0x0  }
0x6: {  	[smem:$0x7FF] =	sst s4;
	s10 =	smul.u32 $0x2800, s3;
	s1 =	sand.u32 $0x1, s1  }
0x7: {  	s4 =	sadd.s32 $0x1F800, s0;
	s11 =	sadd.s32 $0x3D600, s0;
	s7 =	smul.u32 $0x2600, s3  }
0x8: {  	s12 =	sadd.s32 $0x33800, s0;
	s9 =	smul.u32 $0x500, s3;
	p1 =	slt.u32 s3, $0x4  }
0x9: {  	s15 =	sshll.u32 s3, $0x4;
	s26 =	sshll.u32 s3, $0x6;
	_ =	strace $0x8000004A  }
0xa: {  	s5 =	smul.u32 $0x28000, s1;
	s22 =	ssub.s32 $0x2, s1;
	p0 =	seq.s32 s1, $0x0  }
0xb: {  	s15 =	sor.u32 $0x9C00, s15;
	s16 =	sor.u32 $0x1C05, s26;
	s26 =	simm.s32 $0x1  }
0xc: {  	s6 =	sshrl.u32 s10, $0x3;
	s8 =	sshrl.u32 s22, $0x1;
	s7 =	sshrl.u32 s7, $0x3  }
0xd: {  	s17 =	sadd.s32 s10, s2;
	s13 =	sadd.s32 s6, s0;
	s5 =	sadd.s32 s10, s5  }
0xe: {  	s14 =	ssub.s32 s22, s8;
	s7 =	sadd.s32 $0x5000, s7;
	s8 =	sadd.s32 s11, s9  }
0xf: {  	s9 =	sadd.s32 s12, s9;
	s17 =	sshrl.u32 s17, $0x3;
	s5 =	sshrl.u32 s5, $0x3  }
0x10: {  	s23 =	sadd.s32 s11, s7;
	s24 =	sadd.s32 s12, s7;
	s10 =	sadd.s32 $0x1A800, s13  }
0x11: {  	s11 =	sadd.s32 s11, s15;
	s12 =	sadd.s32 s12, s15;
	s14 =	smax.u32 s14, $0x1  }
0x12: {  	s0 =	sadd.s32 s5, s0;
	s5 =	simm.s32 $0x50;
	[dreg:$0x4] =	wrdreg s23  }
0x13: {  	[dreg:$0x5] =	wrdreg s24;
	s23 =	simm.s32 $0x6100;
	s5 =	simm.s32 @!p0 $0x4C  }
0x14: {  	p0 =	por !p0, !p1;
	s13 =	sadd.s32 $0x24800, s0;
	s25 =	sshll.u32 s5, $0x9  }
0x15: {  	p1 =	sne.s32 s1, $0x0;
	p0 =	por !p0, !p0;
	s0 =	sadd.s32 $0xFFFFF800, s25  }
0x16: {  	s15 =	sadd.s32 $0xFFFFFFF9, s5;
	s25 =	simm.s32 $0x6900;
	[dreg:$0x3] =	wrdreg s0  }
.LBB2_1:
0x17: {  	s0 =	simm.s32 @p1 $0x0;
	s1 =	rddreg [dreg:$0x4]  }
0x18: {  	[tilespmem:s0], [sflag:$0x5] =	stream.linear.gather @p1 [hbm4b:s1+s0], $0x2600, $0x38;
	[tilespmem:$0x9900] =	vst v63  }
0x19: {  	s1 =	simm.s32 @p1 $0x5  }
0x1a: {  	_ =	swait.ge @p1 [sflag:s1], $0x2600  }
0x1b: {  	[sflag:s1] =	ssyncset.done @p1 $0x0  }
0x1c: {  	s3 =	simm.s32 @p1 $0x2800;
	s6 =	rddreg [dreg:$0x5];
	[sflag:s1] =	ssyncadd.s32 @p1 $0xFFFFDA00  }
0x1d: {  	[tilespmem:s3], [sflag:$0x5] =	stream.linear.gather @p1 [hbm4b:s6+s0], $0x2600, $0x38;
	[tilespmem:$0x9900] =	vst v63  }
0x1e: {  	_ =	swait.ge @p1 [sflag:s1], $0x2600  }
0x1f: {  	[sflag:s1] =	ssyncset.done @p1 $0x0  }
0x20: {  	s0 =	simm.s32 @!p1 $0x0;
	[sflag:s1] =	ssyncadd.s32 @p1 $0xFFFFDA00;
	s1 =	simm.s32 @!p1 $0x5  }
0x21: {  	[tilespmem:s0], [sflag:$0x5] =	stream.linear.gather @!p1 [hbm4b:s8+s0], $0x2800, $0x38;
	[tilespmem:$0x9900] =	vst v63  }
0x22: {  	_ =	swait.ge @!p1 [sflag:s1], $0x2800  }
0x23: {  	[sflag:s1] =	ssyncset.done @!p1 $0x0  }
0x24: {  	s3 =	simm.s32 @!p1 $0x2800;
	[sflag:s1] =	ssyncadd.s32 @!p1 $0xFFFFD800  }
0x25: {  	[tilespmem:s3], [sflag:$0x5] =	stream.linear.gather @!p1 [hbm4b:s9+s0], $0x2800, $0x38;
	[tilespmem:$0x9900] =	vst v63  }
0x26: {  	_ =	swait.ge @!p1 [sflag:s1], $0x2800  }
0x27: {  	[sflag:s1] =	ssyncset.done @!p1 $0x0  }
0x28: {  	[sflag:s1] =	ssyncadd.s32 @!p1 $0xFFFFD800  }
0x29: {  	[spmem:s17], [sflag:s16] =	dma.local [hbm:s10], $0x500  }
0x2a: {  	_ =	swait.ge [sflag:s18], $0x500  }
0x2b: {  	[sflag:s18] =	ssyncset.done $0x0  }
0x2c: {  	s0 =	simm.s32 @p0 $0x0;
	[sflag:s18] =	ssyncadd.s32 $0xFFFFFB00  }
0x2d: {  	s3 =	simm.s32 @p0 $0x5;
	s1 =	simm.s32 @p0 $0x5000;
	[bflag:$0x0] =	sbarrier.arrive $0xFFFF  }
0x2e: {  	[tilespmem:s1], [sflag:$0x5] =	stream.linear.gather @p0 [hbm4b:s11+s0], $0x80, $0x38;
	[tilespmem:$0x9900] =	vst v63  }
0x2f: {  	_ =	swait.ge @p0 [sflag:s3], $0x80  }
0x30: {  	[sflag:s3] =	ssyncset.done @p0 $0x0  }
0x31: {  	s22 =	simm.s32 @p0 $0x5080;
	[sflag:s3] =	ssyncadd.s32 @p0 $0xFFFFFF80  }
0x32: {  	[tilespmem:s22], [sflag:$0x5] =	stream.linear.gather @p0 [hbm4b:s12+s0], $0x80, $0x38;
	[tilespmem:$0x9900] =	vst v63  }
0x33: {  	_ =	swait.ge @p0 [sflag:s3], $0x80  }
0x34: {  	[sflag:s3] =	ssyncset.done @p0 $0x0  }
0x35: {  	s24 =	simm.s32 @p0 $0x5100;
	s0 =	simm.s32 @p0 $0x80;
	[sflag:s3] =	ssyncadd.s32 @p0 $0xFFFFFF80  }
0x36: {  	[tilespmem:s24], [sflag:$0x1] =	stream.indirect.gather @p0 [hbm4b:s4+s0], $0x10, s1, s0, $0xb8;
	[tilespmem:$0x9900] =	vst v63  }
0x37: {  	s1 =	simm.s32 @p0 $0x1  }
0x38: {  	_ =	swait.ge @p0 [sflag:s1], $0x800  }
0x39: {  	[sflag:s1] =	ssyncset.done @p0 $0x0  }
0x3a: {  	[sflag:s1] =	ssyncadd.s32 @p0 $0xFFFFF800  }
0x3b: {  	[spmem:s2] =	stream.indirect.scatter.add.f32 @p0 [tilespmem:s24], [sflag:$0x5], $0x10, s22, s0, $0xb8;
	[tilespmem:$0x9900] =	vst v63  }
0x3c: {  	_ =	swait.ge @p0 [sflag:s3], $0x800  }
0x3d: {  	[sflag:s3] =	ssyncset.done @p0 $0x0  }
0x3e: {  	s7 =	simm.s32 $0x0;
	[sflag:s3] =	ssyncadd.s32 @p0 $0xFFFFF800  }
0x3f: {  	[tilespmem:s20], [sflag:$0x1] =	stream.indirect.gather [hbm4b:s4+s19], $0x10, s7, s19, $0xb8;
	[tilespmem:$0x9900] =	vst v63  }
0x40: {  	_ = 	snop  }
0x41: {  	[tilespmem:s21], [sflag:$0x2] =	stream.indirect.gather [hbm4b:s4+s19], $0x10, s19, s19, $0xb8;
	[tilespmem:$0x9900] =	vst v63  }
0x42: {  	s22 =	simm.s32 $0x100  }
0x43: {  	[tilespmem:s23], [sflag:$0x3] =	stream.indirect.gather [hbm4b:s4+s19], $0x10, s22, s19, $0xb8;
	[tilespmem:$0x9900] =	vst v63  }
0x44: {  	s1 =	simm.s32 $0x0;
	s24 =	simm.s32 $0x180;
	s0 =	simm.s32 $0x0  }
0x45: {  	[tilespmem:s25], [sflag:$0x4] =	stream.indirect.gather [hbm4b:s4+s19], $0x10, s24, s19, $0xb8;
	[tilespmem:$0x9900] =	vst v63  }
.LBB2_2:
0x46: {  	_ =	swait.ge [sflag:s26], $0x800  }
0x47: {  	s3 =	sshra.s32 s1, $0x2;
	s24 =	smov.u32 s0;
	[sflag:s26] =	ssyncset.done $0x0  }
0x48: {  	s0 =	sadd.s32 $0x4, s0;
	s22 =	sadd.s32 $0x2800, s3;
	[sflag:s26] =	ssyncadd.s32 $0xFFFFF800  }
0x49: {  	[spmem:s2] =	stream.indirect.scatter.add.f32 [tilespmem:s20], [sflag:$0x5], $0x10, s22, s19, $0xb8;
	[tilespmem:$0x9900] =	vst v63  }
0x4a: {  	p2 =	sge.u32 s0, s5;
	_ =	swait.ge [sflag:s18], $0x800  }
0x4b: {  	s6 =	simm.s32 @!p2 $0x80;
	s22 =	sshra.s32 @!p2 s1, $0x2;
	[sflag:s18] =	ssyncset.done $0x0  }
0x4c: {  	s7 =	simm.s32 @!p2 $0x5100;
	s22 =	sadd.s32 @!p2 $0x200, s22;
	[sflag:s18] =	ssyncadd.s32 $0xFFFFF800  }
0x4d: {  	[tilespmem:s7], [sflag:$0x1] =	stream.indirect.gather @!p2 [hbm4b:s4+s6], $0x10, s22, s6, $0xb8;
	[tilespmem:$0x9900] =	vst v63  }
0x4e: {  	_ =	swait.ge [sflag:s28], $0x800  }
0x4f: {  	[sflag:s28] =	ssyncset.done $0x0  }
0x50: {  	s22 =	sadd.s32 $0x2880, s3;
	s7 =	sadd.s32 $0x5, s24;
	[sflag:s28] =	ssyncadd.s32 $0xFFFFF800  }
0x51: {  	[spmem:s2] =	stream.indirect.scatter.add.f32 [tilespmem:s21], [sflag:$0x5], $0x10, s22, s19, $0xb8;
	[tilespmem:$0x9900] =	vst v63  }
0x52: {  	p2 =	sge.u32 s7, s5;
	_ =	swait.ge [sflag:s18], $0x800  }
0x53: {  	s6 =	sshra.s32 @!p2 s1, $0x2;
	s7 =	simm.s32 @!p2 $0x80;
	[sflag:s18] =	ssyncset.done $0x0  }
0x54: {  	s6 =	sadd.s32 @!p2 $0x280, s6;
	s22 =	simm.s32 @!p2 $0x5900;
	[sflag:s18] =	ssyncadd.s32 $0xFFFFF800  }
0x55: {  	[tilespmem:s22], [sflag:$0x2] =	stream.indirect.gather @!p2 [hbm4b:s4+s7], $0x10, s6, s7, $0xb8;
	[tilespmem:$0x9900] =	vst v63  }
0x56: {  	_ =	swait.ge [sflag:s29], $0x800  }
0x57: {  	[sflag:s29] =	ssyncset.done $0x0  }
0x58: {  	s22 =	sadd.s32 $0x2900, s3;
	s7 =	sadd.s32 $0x6, s24;
	[sflag:s29] =	ssyncadd.s32 $0xFFFFF800  }
0x59: {  	[spmem:s2] =	stream.indirect.scatter.add.f32 [tilespmem:s23], [sflag:$0x5], $0x10, s22, s19, $0xb8;
	[tilespmem:$0x9900] =	vst v63  }
0x5a: {  	p2 =	sge.u32 s7, s5;
	_ =	swait.ge [sflag:s18], $0x800  }
0x5b: {  	s6 =	sshra.s32 @!p2 s1, $0x2;
	s7 =	simm.s32 @!p2 $0x80;
	[sflag:s18] =	ssyncset.done $0x0  }
0x5c: {  	s6 =	sadd.s32 @!p2 $0x300, s6;
	s22 =	simm.s32 @!p2 $0x6100;
	[sflag:s18] =	ssyncadd.s32 $0xFFFFF800  }
0x5d: {  	[tilespmem:s22], [sflag:$0x3] =	stream.indirect.gather @!p2 [hbm4b:s4+s7], $0x10, s6, s7, $0xb8;
	[tilespmem:$0x9900] =	vst v63  }
0x5e: {  	_ =	swait.ge [sflag:s30], $0x800  }
0x5f: {  	s22 =	sadd.s32 $0x7, s24;
	[sflag:s30] =	ssyncset.done $0x0  }
0x60: {  	s3 =	sadd.s32 $0x2980, s3;
	p2 =	sge.u32 s22, s5;
	[sflag:s30] =	ssyncadd.s32 $0xFFFFF800  }
0x61: {  	[spmem:s2] =	stream.indirect.scatter.add.f32 [tilespmem:s25], [sflag:$0x5], $0x10, s3, s19, $0xb8;
	[tilespmem:$0x9900] =	vst v63  }
0x62: {  	s6 =	simm.s32 @!p2 $0x80;
	s7 =	simm.s32 @!p2 $0x6900;
	_ =	swait.ge [sflag:s18], $0x800  }
0x63: {  	s3 =	sshra.s32 @!p2 s1, $0x2;
	s1 =	sadd.s32 $0x800, s1;
	[sflag:s18] =	ssyncset.done $0x0  }
0x64: {  	s3 =	sadd.s32 @!p2 $0x380, s3;
	s24 =	rddreg [dreg:$0x3];
	[sflag:s18] =	ssyncadd.s32 $0xFFFFF800  }
0x65: {  	[tilespmem:s7], [sflag:$0x4] =	stream.indirect.gather @!p2 [hbm4b:s4+s6], $0x10, s3, s6, $0xb8;
	[tilespmem:$0x9900] =	vst v63  }
0x66: {  	p2 =	sne.s32 s24, s1  }
.Ltmp0:
0x67: {  	_ = 	snop;
	(pc) =	sbr.rel @p2 .LBB2_2-.Ltmp0, $1  }
0x68: {  	_ =	sdelay $0x3  }
0x69: {  	_ =	swait.ge [sflag:s26], $0x800  }
0x6a: {  	s3 =	sshra.s32 s1, $0x2;
	[sflag:s26] =	ssyncset.done $0x0  }
0x6b: {  	s7 =	sadd.s32 $0x4, s0;
	s6 =	sadd.s32 $0x2800, s3;
	[sflag:s26] =	ssyncadd.s32 $0xFFFFF800  }
0x6c: {  	[spmem:s2] =	stream.indirect.scatter.add.f32 [tilespmem:s20], [sflag:$0x5], $0x10, s6, s19, $0xb8;
	[tilespmem:$0x9900] =	vst v63  }
0x6d: {  	p2 =	sge.u32 s7, s5;
	_ =	swait.ge [sflag:s18], $0x800  }
0x6e: {  	s7 =	simm.s32 @!p2 $0x80;
	s6 =	sshra.s32 @!p2 s1, $0x2;
	[sflag:s18] =	ssyncset.done $0x0  }
0x6f: {  	s22 =	simm.s32 @!p2 $0x5100;
	s6 =	sadd.s32 @!p2 $0x200, s6;
	[sflag:s18] =	ssyncadd.s32 $0xFFFFF800  }
0x70: {  	[tilespmem:s22], [sflag:$0x1] =	stream.indirect.gather @!p2 [hbm4b:s4+s7], $0x10, s6, s7, $0xb8;
	[tilespmem:$0x9900] =	vst v63  }
0x71: {  	_ =	swait.ge [sflag:s28], $0x800  }
0x72: {  	[sflag:s28] =	ssyncset.done $0x0  }
0x73: {  	s24 =	sadd.s32 $0x5, s0;
	s22 =	sadd.s32 $0x2880, s3;
	[sflag:s28] =	ssyncadd.s32 $0xFFFFF800  }
0x74: {  	[spmem:s2] =	stream.indirect.scatter.add.f32 [tilespmem:s21], [sflag:$0x5], $0x10, s22, s19, $0xb8;
	[tilespmem:$0x9900] =	vst v63  }
0x75: {  	p2 =	sge.u32 s24, s5;
	_ =	swait.ge [sflag:s18], $0x800  }
0x76: {  	s6 =	sshra.s32 @!p2 s1, $0x2;
	s7 =	simm.s32 @!p2 $0x80;
	[sflag:s18] =	ssyncset.done $0x0  }
0x77: {  	s6 =	sadd.s32 @!p2 $0x280, s6;
	s22 =	simm.s32 @!p2 $0x5900;
	[sflag:s18] =	ssyncadd.s32 $0xFFFFF800  }
0x78: {  	[tilespmem:s22], [sflag:$0x2] =	stream.indirect.gather @!p2 [hbm4b:s4+s7], $0x10, s6, s7, $0xb8;
	[tilespmem:$0x9900] =	vst v63  }
0x79: {  	_ =	swait.ge [sflag:s29], $0x800  }
0x7a: {  	[sflag:s29] =	ssyncset.done $0x0  }
0x7b: {  	s7 =	sadd.s32 $0x2900, s3;
	s22 =	sadd.s32 $0x6, s0;
	[sflag:s29] =	ssyncadd.s32 $0xFFFFF800  }
0x7c: {  	[spmem:s2] =	stream.indirect.scatter.add.f32 [tilespmem:s23], [sflag:$0x5], $0x10, s7, s19, $0xb8;
	[tilespmem:$0x9900] =	vst v63  }
0x7d: {  	p2 =	sge.u32 s22, s5;
	_ =	swait.ge [sflag:s18], $0x800  }
0x7e: {  	s1 =	sshra.s32 @!p2 s1, $0x2;
	s6 =	simm.s32 @!p2 $0x80;
	[sflag:s18] =	ssyncset.done $0x0  }
0x7f: {  	s1 =	sadd.s32 @!p2 $0x300, s1;
	s7 =	simm.s32 @!p2 $0x6100;
	[sflag:s18] =	ssyncadd.s32 $0xFFFFF800  }
0x80: {  	[tilespmem:s7], [sflag:$0x3] =	stream.indirect.gather @!p2 [hbm4b:s4+s6], $0x10, s1, s6, $0xb8;
	[tilespmem:$0x9900] =	vst v63  }
0x81: {  	_ =	swait.ge [sflag:s30], $0x800  }
0x82: {  	[sflag:s30] =	ssyncset.done $0x0  }
0x83: {  	s24 =	sadd.s32 $0x2980, s3;
	[sflag:s30] =	ssyncadd.s32 $0xFFFFF800  }
0x84: {  	[spmem:s2] =	stream.indirect.scatter.add.f32 [tilespmem:s25], [sflag:$0x5], $0x10, s24, s19, $0xb8;
	[tilespmem:$0x9900] =	vst v63  }
0x85: {  	p2 =	sge.u32 s0, s15;
	_ =	swait.ge [sflag:s18], $0x800  }
0x86: {  	s31 =	sadd.s32 $0x1, s31;
	s0 =	simm.s32 @!p2 $0x80;
	[sflag:s18] =	ssyncset.done $0x0  }
0x87: {  	s1 =	simm.s32 @!p2 $0x2780;
	s3 =	simm.s32 @!p2 $0x6900;
	[sflag:s18] =	ssyncadd.s32 $0xFFFFF800  }
0x88: {  	[tilespmem:s3], [sflag:$0x4] =	stream.indirect.gather @!p2 [hbm4b:s4+s0], $0x10, s1, s0, $0xb8;
	[tilespmem:$0x9900] =	vst v63  }
0x89: {  	p2 =	sne.s32 s31, s14  }
.Ltmp1:
0x8a: {  	[bflag:$0x0] =	sbarrier.arrive $0xFFFF;
	(pc) =	sbr.rel @p2 .LBB2_1-.Ltmp1, $4  }
0x8b: {  	[hbm:s13], [sflag:s16] =	dma.local [spmem:s17], $0x500  }
0x8c: {  	_ =	swait.ge [sflag:s18], $0x500  }
0x8d: {  	[sflag:s18] =	ssyncset.done $0x0  }
0x8e: {  	[sflag:s18] =	ssyncadd.s32 $0xFFFFFB00  }
0x8f: {  	_ =	sfence.sel $0x180000  }
0x90: {  	[bflag:$0x0] =	sbarrier.arrive $0xFFFF  }
0x91: {  	_ =	strace $0x9000004A  }
0x92: {  	s0 =	stileid.u32;
	[bflag:$0x2] =	sbarrier.arrive $0xFFFF  }
0x93: {  	p0 =	sne.s32 s0, $0x0;
	s0 =	rddreg [dreg:$0x2]  }
0x94: {  	s0 =	sadd.s32 @!p0 $0x100000, s0  }
0x95: {  	[sflag:s0] =	ssyncadd.tile.s32 @!p0 $0x1;
	_ =	shalt  }
.Lfunc_end2:
_tile_overlayer_lowered:
.L_overlay_start_2:
0x96: {  	(tag) =	ssettag $0x2  }
0x97: {  	s0 =	rddreg [dreg:$0x0];
	s2 =	stileid.u32  }
0x98: {  	s1 =	rddreg [dreg:$0x1];
	p0 =	sne.s32 s2, $0x0  }
0x99: {  	s3 =	rddreg [dreg:$0x2];
	[bflag:$0x3] =	sbarrier.arrive $0xFFFF;
	s2 =	simm.s32 @!p0 $0x1C05  }
0x9a: {  	[timem:s3], [sflag:s2] =	dma.local @!p0 [hbm:s0], s1  }
0x9b: {  	s0 =	simm.s32 @!p0 $0x5  }
0x9c: {  	_ =	swait.ge @!p0 [sflag:s0], s1  }
0x9d: {  	s1 =	ssub.s32 @!p0 $0x0, s1;
	[sflag:s0] =	ssyncset.done @!p0 $0x0  }
0x9e: {  	[sflag:s0] =	ssyncadd.s32 @!p0 s1  }
0x9f: {  	[bflag:$0x3] =	sbarrier.arrive $0xFFFF  }
0xa0: {  	_ =	shalt  }

// kernel: kernel.7.cloned.1.call-start
scs
__scs_entry_jumppad:
0x0: {  	(pc) =	sbr.rel $0x88, $3  }
0x1: {  	(tag) =	ssettag $0x0;
	lr =	simm.s32 $0x1  }
0x2: {  	[smem:$0x3F98] =	sst lr;
	_ =	strace $0xD0000000  }
0x3: {  	_ = 	snop  }
0x4: {  	_ = 	snop  }
0x5: {  	_ = 	snop  }
0x6: {  	_ = 	snop  }
0x7: {  	_ = 	snop  }
__scs_overlays_trampoline_lowered:
0x8: {  	[smem:$0x3FA7] =	sst s0  }
0x9: {  	[smem:$0x3FA8] =	sst s1  }
0xa: {  	[smem:$0x3FA9] =	sst s2  }
0xb: {  	[smem:$0x3FAA] =	sst s3  }
0xc: {  	[smem:$0x3FAB] =	sst s4  }
0xd: {  	[smem:$0x3FAC] =	sst s5  }
0xe: {  	[smem:$0x3FAD] =	sst s6  }
0xf: {  	[smem:$0x3FAE] =	sst s7  }
0x10: {  	[smem:$0x3FAF] =	sst s8  }
0x11: {  	[smem:$0x3FB0] =	sst s9;
	s0 =	simm.s32 @!p0 $0x0  }
0x12: {  	s1 =	sld [smem:$0x3F96];
	s0 =	simm.s32 @p0 $0x1  }
0x13: {  	[smem:$0x3FB1] =	sst s0;
	s0 =	simm.s32 @!p1 $0x0  }
0x14: {  	s2 =	sld [smem:$0x3F95];
	s0 =	simm.s32 @p1 $0x1  }
0x15: {  	[smem:$0x3FB2] =	sst s0;
	s0 =	simm.s32 @!p2 $0x0  }
0x16: {  	s3 =	sld [smem:$0x3FDB];
	s0 =	simm.s32 @p2 $0x1  }
0x17: {  	s4 =	simm.s32 $0x1BF5;
	[smem:$0x3FB4] =	sst s0  }
0x18: {  	s0 =	sld [smem:$0x3F97];
	_ =	swait.ge [sflag:s4], $0x0  }
0x19: {  	s7 =	sld [smem:$0x3F98]  }
0x1a: {  	s8 =	sadd.s32 $0xFFFFE003, lr  }
0x1b: {  	s9 =	sadd.s32 $0xFFFFFEF7, lr;
	s5 =	simm.s32 $0xFFFFFFFF;
	p2 =	slt.u32 s8, $0xFFFFF086  }
0x1c: {  	p1 =	slt.u32 s9, $0xF7A;
	s5 =	simm.s32 @!p2 $0x0  }
0x1d: {  	s5 =	simm.s32 @p1 $0x1;
	p0 =	seq.s32 s7, s2  }
0x1e: {  	s7 =	smul.u32 @!p0 $0xF7A, s2;
	p2 =	seq.s32 @!p0 s5, $0x0  }
0x1f: {  	s9 =	smul.u32 $0xF7A, s1;
	s8 =	simm.s32 @!p0 $0x1BF5;
	p2 =	por !p2, p0  }
0x20: {  	[sflag:s8] =	ssyncset.s32 @!p0 $0xFFFFF086;
	s6 =	sadd.s32 @!p0 s3, s7;
	s7 =	simm.s32 @!p0 $0x108  }
0x21: {  	s3 =	sadd.s32 s3, s9;
	s6 =	sadd.s32 @!p0 $0x88, s6;
	s7 =	simm.s32 @p2 $0x1082  }
0x22: {  	[simem:s7], [sflag:s8] =	dma.local @!p0 [hbm:s6], $0xF7A  }
0x23: {  	s9 =	sor.u32 $0xD0000000, s2;
	s6 =	simm.s32 $0x108;
	_ =	swait.ge @!p0 [sflag:s8], $0x0  }
0x24: {  	s3 =	sadd.s32 $0x88, s3;
	s6 =	simm.s32 @!p1 $0x1082;
	[sflag:s4] =	ssyncset.s32 $0xFFFFF086  }
0x25: {  	[simem:s6], [sflag:s4] =	dma.local [hbm:s3], $0xF7A  }
0x26: {  	[smem:$0x3F98] =	sst s1;
	(tag) =	ssettag s2;
	_ =	strace s9  }
0x27: {  	s1 =	sld [smem:$0x3FA8]  }
0x28: {  	s2 =	sld [smem:$0x3FA9]  }
0x29: {  	s4 =	sld [smem:$0x3FAB]  }
0x2a: {  	p0 =	seq.s32 s5, $0x0;
	s5 =	sld [smem:$0x3FAC]  }
0x2b: {  	s6 =	sld [smem:$0x3FAD]  }
0x2c: {  	s7 =	sld [smem:$0x3FAE]  }
0x2d: {  	s3 =	simm.s32 $0x108;
	s8 =	sld [smem:$0x3FAF]  }
0x2e: {  	s3 =	simm.s32 @!p0 $0x1082;
	s9 =	sld [smem:$0x3FB0]  }
0x2f: {  	lr =	sadd.s32 s0, s3;
	s0 =	sld [smem:$0x3FA7]  }
0x30: {  	s3 =	sld [smem:$0x3FAA]  }
0x31: {  	[smem:$0x3FB3] =	sst s10  }
0x32: {  	s10 =	sld [smem:$0x3FB1];
	_ =	sdelay $0x3  }
0x33: {  	p0 =	seq.s32 s10, $0x1;
	s10 =	sld [smem:$0x3FB3];
	_ =	sdelay $0x3  }
0x34: {  	[smem:$0x3FB3] =	sst s10  }
0x35: {  	s10 =	sld [smem:$0x3FB2];
	_ =	sdelay $0x3  }
0x36: {  	p1 =	seq.s32 s10, $0x1;
	s10 =	sld [smem:$0x3FB3];
	_ =	sdelay $0x3  }
0x37: {  	[smem:$0x3FB3] =	sst s10  }
0x38: {  	s10 =	sld [smem:$0x3FB4]  }
0x39: {  	_ = 	snop;
	(pc) =	sbr.ind lr, $3  }
0x3a: {  	_ = 	snop  }
0x3b: {  	_ = 	snop  }
0x3c: {  	p2 =	seq.s32 s10, $0x1;
	s10 =	sld [smem:$0x3FB3]  }
0x3d: {  	_ =	shalt  }
0x3e: {  	_ =	shalt  }
0x3f: {  	_ =	shalt  }
0x40: {  	_ =	shalt  }
0x41: {  	_ =	shalt  }
0x42: {  	_ =	shalt  }
0x43: {  	_ =	shalt  }
0x44: {  	_ =	shalt  }
0x45: {  	_ =	shalt  }
0x46: {  	_ =	shalt  }
0x47: {  	_ =	shalt  }
0x48: {  	_ =	shalt  }
0x49: {  	_ =	shalt  }
0x4a: {  	_ =	shalt  }
0x4b: {  	_ =	shalt  }
0x4c: {  	_ =	shalt  }
0x4d: {  	_ =	shalt  }
0x4e: {  	_ =	shalt  }
0x4f: {  	_ =	shalt  }
0x50: {  	_ =	shalt  }
0x51: {  	_ =	shalt  }
0x52: {  	_ =	shalt  }
0x53: {  	_ =	shalt  }
0x54: {  	_ =	shalt  }
0x55: {  	_ =	shalt  }
0x56: {  	_ =	shalt  }
0x57: {  	_ =	shalt  }
0x58: {  	_ =	shalt  }
0x59: {  	_ =	shalt  }
0x5a: {  	_ =	shalt  }
0x5b: {  	_ =	shalt  }
0x5c: {  	_ =	shalt  }
0x5d: {  	_ =	shalt  }
0x5e: {  	_ =	shalt  }
0x5f: {  	_ =	shalt  }
0x60: {  	_ =	shalt  }
0x61: {  	_ =	shalt  }
0x62: {  	_ =	shalt  }
0x63: {  	_ =	shalt  }
0x64: {  	_ =	shalt  }
0x65: {  	_ =	shalt  }
0x66: {  	_ =	shalt  }
0x67: {  	_ =	shalt  }
0x68: {  	_ =	shalt  }
0x69: {  	_ =	shalt  }
0x6a: {  	_ =	shalt  }
0x6b: {  	_ =	shalt  }
0x6c: {  	_ =	shalt  }
0x6d: {  	_ =	shalt  }
0x6e: {  	_ =	shalt  }
0x6f: {  	_ =	shalt  }
0x70: {  	_ =	shalt  }
0x71: {  	_ =	shalt  }
0x72: {  	_ =	shalt  }
0x73: {  	_ =	shalt  }
0x74: {  	_ =	shalt  }
0x75: {  	_ =	shalt  }
0x76: {  	_ =	shalt  }
0x77: {  	_ =	shalt  }
0x78: {  	_ =	shalt  }
0x79: {  	_ =	shalt  }
0x7a: {  	_ =	shalt  }
0x7b: {  	_ =	shalt  }
0x7c: {  	_ =	shalt  }
0x7d: {  	_ =	shalt  }
0x7e: {  	_ =	shalt  }
0x7f: {  	_ =	shalt  }
0x80: {  	_ =	shalt  }
0x81: {  	_ =	shalt  }
0x82: {  	_ =	shalt  }
0x83: {  	_ =	shalt  }
0x84: {  	_ =	shalt  }
0x85: {  	_ =	shalt  }
0x86: {  	_ =	shalt  }
0x87: {  	_ =	shalt  }
.Lfunc_end0:
.L_simem_size_0:
called_computation_lowered:
.L_overlay_start_0:
0x88: {  	s2 =	sld [smem:$0x3FD9]  }
0x89: {  	s3 =	sld [smem:$0x3FFE];
	_ =	sdelay $0x1  }
0x8a: {  	s1 =	srdreg.scid  }
0x8b: {  	s0 =	sand.u32 $0x1, s1  }
0x8c: {  	s16 =	sshll.u32 s0, $0xA;
	s2 =	sadd.s32 s3, s2  }
0x8d: {  	s2 =	sadd.s32 s2, s16  }
0x8e: {  	[smem:$0x3FBF] =	sst s2  }
0x8f: {  	_ = 	snop  }
0x90: {  	(tm) =	ssettm $0x1  }
0x91: {  	s17 =	sld [smem:$0x3FFB];
	_ =	sdelay $0x3  }
0x92: {  	_ =	strace s17  }
0x93: {  	s2 =	sld [smem:$0x3FFC];
	_ =	sdelay $0x3  }
0x94: {  	_ =	strace s2  }
0x95: {  	s2 =	sld [smem:$0x3FFD];
	_ =	sdelay $0x3  }
0x96: {  	_ =	strace s2  }
0x97: {  	_ =	strace $0x8FFFFFFF  }
0x98: {  	s18 =	sld [smem:$0x3FDB];
	_ =	sdelay $0x1  }
0x99: {  	s19 =	simm.s32 $_scs_section_size  }
0x9a: {  	s4 =	simm.s32 $_size__tile_overlayer_lowered;
	s5 =	simm.s32 $_tile_overlayer_lowered  }
0x9b: {  	s22 =	simm.s32 $0x1BFF;
	s21 =	sshll.u32 s5, $0x1;
	s2 =	sadd.s32 s19, s18  }
0x9c: {  	s6 =	simm.s32 $0x0;
	s20 =	sshll.u32 s4, $0x1;
	s4 =	sadd.s32 s21, s2  }
0x9d: {  	[timem:s6], [sflag:s22] =	dma.local [hbm:s4], s20  }
0x9e: {  	_ =	swait.ge [sflag:s22], s20  }
0x9f: {  	s3 =	ssub.s32 $0x0, s20;
	[sflag:s22] =	ssyncset.done $0x0  }
0xa0: {  	[sflag:s22] =	ssyncadd.s32 s3;
	_ =	sdelay $0x1  }
0xa1: {  	s23 =	simm.s32 $0x1B8B  }
0xa2: {  	_ =	swait.ge [sflag:s23], $0x1  }
0xa3: {  	[sflag:s23] =	ssyncset.done $0x0  }
0xa4: {  	s25 =	simm.s32 $0x1B8E;
	s24 =	sld [smem:$0x3FFE];
	[sflag:s23] =	ssyncadd.s32 $0xFFFFFFFF  }
0xa5: {  	s26 =	simm.s32 $execute0_lowered;
	[smem:$0x3FD2] =	sst s25  }
0xa6: {  	s4 =	sshll.u32 s26, $0x1;
	_ =	strace $0x80000046;
	[dreg:$0x1] =	wrdreg $0xFFFFFFFF  }
0xa7: {  	s28 =	simm.s32 $_size_execute0_lowered;
	s2 =	sadd.s32 s2, s4;
	[dreg:$0x0] =	wrdreg $0x0  }
0xa8: {  	s4 =	sshll.u32 s28, $0x1;
	[dreg:$0x2] =	wrdreg s2  }
0xa9: {  	[dreg:$0x3] =	wrdreg s4  }
0xaa: {  	[dreg:$0x4] =	wrdreg $0xC0  }
0xab: {  	_ =	task [dreg:s6], $0x5FFFF  }
0xac: {  	[dreg:$0x1] =	wrdreg $0xFFFFFFFF  }
0xad: {  	[dreg:$0x0] =	wrdreg $0x60  }
0xae: {  	[dreg:$0x2] =	wrdreg s24  }
0xaf: {  	[dreg:$0x3] =	wrdreg $0x71000  }
0xb0: {  	[dreg:$0x4] =	wrdreg $0xC1000  }
0xb1: {  	[dreg:$0x5] =	wrdreg $0x9  }
0xb2: {  	_ =	task.clear_ibuf [dreg:s6], $0x6FFFF;
	_ =	strace $0x90000046  }
0xb3: {  	s29 =	simm.s32 $0x9;
	_ =	strace $0x80000048  }
0xb4: {  	_ =	swait.ge [sflag:s29], $0x1  }
0xb5: {  	[sflag:s29] =	ssyncadd.s32 $0xFFFFFFFF  }
0xb6: {  	_ =	strace $0x90000048  }
0xb7: {  	_ =	sfence  }
0xb8: {  	s30 =	sld [smem:$0x0];
	_ =	sdelay $0x2  }
0xb9: {  	s31 =	sshll.u32 s1, $0xD;
	s1 =	sshrl.u32 s1, $0x2  }
0xba: {  	s3 =	sand.u32 $0x4000, s31;
	s1 =	sadd.s32 s1, s30  }
0xbb: {  	s0 =	sor.u32 s3, s0;
	s1 =	sshll.u32 s1, $0x11  }
0xbc: {  	s0 =	sor.u32 s1, s0  }
0xbd: {  	s0 =	sadd.s32 $0x8F2B, s0  }
0xbe: {  	[sflag:s0] =	ssyncadd.remote.s32 $0x1  }
0xbf: {  	_ =	sfence.sel $0xFFFF  }
0xc0: {  	[dreg:$0x0] =	wrdreg $0xFFFFFFFF;
	(pc) =	sbr.abs _section_cstart, $3  }
0xc1: {  	[dreg:$0x1] =	wrdreg $0xFFFFFFFF  }
0xc2: {  	_ =	task.clear_ibuf [dreg:s6], $0x2FFFF;
	_ =	strace $0x9FFFFFFF  }
0xc3: {  	(tm) =	ssettm $0x7FFFFFFF  }
tec
execute0_lowered:
.L_overlay_start_1:
0x0: {  	(tag) =	ssettag $0x1  }
0x1: {  	s0 =	rddreg [dreg:$0x0]  }
0x2: {  	s2 =	rddreg [dreg:$0x1]  }
0x3: {  	s1 =	rddreg [dreg:$0x2]  }
0x4: {  	s4 =	simm.s32 $0x0;
	s14 =	stileid.u32;
	s3 =	srdreg.scid  }
0x5: {  	[smem:$0x7FF] =	sst s4;
	s6 =	smul.u32 $0x2800, s14  }
0x6: {  	s3 =	sand.u32 $0x1, s3;
	s4 =	sadd.s32 $0x15800, s0;
	s11 =	smul.u32 $0x2600, s14  }
0x7: {  	s7 =	sadd.s32 $0xBA00, s0;
	s9 =	sadd.s32 $0x1C00, s0;
	s13 =	smul.u32 $0x500, s14  }
0x8: {  	p1 =	slt.u32 s14, $0x4;
	_ =	strace $0x80000047;
	s5 =	smul.u32 $0x28000, s3  }
0x9: {  	s10 =	ssub.s32 $0x2, s3;
	p0 =	seq.s32 s3, $0x0;
	s8 =	sshrl.u32 s6, $0x3  }
0xa: {  	s12 =	sshrl.u32 s10, $0x1;
	s11 =	sshrl.u32 s11, $0x3;
	s29 =	sadd.s32 s7, s13  }
0xb: {  	s30 =	sadd.s32 s9, s13;
	s13 =	smul.u32 $0xA000, s14;
	s8 =	sadd.s32 s8, s0  }
0xc: {  	s5 =	sadd.s32 s6, s5;
	s10 =	ssub.s32 s10, s12;
	[dreg:$0x7] =	wrdreg s29  }
0xd: {  	s11 =	sadd.s32 $0x5000, s11;
	[dreg:$0x8] =	wrdreg s30;
	s6 =	sadd.s32 s6, s2  }
0xe: {  	s12 =	smul.u32 $0xA00, s14;
	s5 =	sshrl.u32 s5, $0x3;
	s28 =	sadd.s32 s7, s11  }
0xf: {  	s11 =	sadd.s32 s9, s11;
	[dreg:$0x9] =	wrdreg s6;
	s8 =	sadd.s32 $0x1A800, s8  }
0x10: {  	s15 =	sshrl.u32 s13, $0x2;
	s25 =	smax.u32 s10, $0x1;
	[dreg:$0x5] =	wrdreg s28  }
0x11: {  	s10 =	simm.s32 $0x5100;
	s13 =	simm.s32 $0x6900;
	[dreg:$0x6] =	wrdreg s11  }
0x12: {  	s0 =	sadd.s32 s5, s0;
	s5 =	simm.s32 $0x50;
	[dreg:$0xa] =	wrdreg s8  }
0x13: {  	s11 =	sshll.u32 s14, $0x4;
	s14 =	sshrl.u32 s12, $0x2;
	[dreg:$0x17] =	wrdreg s25  }
0x14: {  	s8 =	simm.s32 $0x9900;
	s14 =	sadd.s32 s14, s1;
	s1 =	sadd.s32 s15, s1  }
0x15: {  	s12 =	simm.s32 $0x6100;
	s16 =	sadd.s32 $0x1F800, s0;
	[dreg:$0xd] =	wrdreg s1  }
0x16: {  	s6 =	sor.u32 $0x9C00, s11;
	s0 =	sadd.s32 $0x29800, s0;
	[dreg:$0xe] =	wrdreg s16  }
0x17: {  	s5 =	simm.s32 @!p0 $0x4C;
	s7 =	sadd.s32 s7, s6;
	[dreg:$0x16] =	wrdreg s0  }
0x18: {  	p0 =	por !p0, !p1;
	s6 =	sadd.s32 s9, s6;
	[dreg:$0xb] =	wrdreg s7  }
0x19: {  	p1 =	sne.s32 s3, $0x0;
	s17 =	sadd.s32 $0x2800, s14;
	[dreg:$0xc] =	wrdreg s6  }
0x1a: {  	s11 =	simm.s32 $0x5900;
	s18 =	sadd.s32 $0x5000, s14;
	[dreg:$0xf] =	wrdreg s17  }
0x1b: {  	s15 =	simm.s32 $0x1;
	s19 =	sadd.s32 $0x7800, s14;
	[dreg:$0x10] =	wrdreg s18  }
0x1c: {  	p0 =	por !p0, !p0;
	s21 =	sadd.s32 $0xA000, s14;
	[dreg:$0x11] =	wrdreg s19  }
0x1d: {  	s20 =	sshll.u32 s5, $0x9;
	s22 =	sadd.s32 $0xC800, s14;
	[dreg:$0x12] =	wrdreg s21  }
0x1e: {  	s23 =	sadd.s32 $0xF000, s14;
	s24 =	sadd.s32 $0x11800, s14;
	[dreg:$0x13] =	wrdreg s22  }
0x1f: {  	s26 =	sadd.s32 $0x14000, s14;
	s28 =	sadd.s32 $0x16800, s14;
	[dreg:$0x14] =	wrdreg s23  }
0x20: {  	s29 =	sadd.s32 $0x19000, s14;
	s30 =	sadd.s32 $0x1B800, s14;
	[dreg:$0x15] =	wrdreg s24  }
0x21: {  	s31 =	sadd.s32 $0x1E000, s14;
	s0 =	sadd.s32 $0x20800, s14;
	[dreg:$0x18] =	wrdreg s26  }
0x22: {  	s3 =	sadd.s32 $0x23000, s14;
	s9 =	simm.s32 $0x80;
	[dreg:$0x19] =	wrdreg s28  }
0x23: {  	s16 =	simm.s32 $0x2;
	s1 =	sadd.s32 $0xFFFFF800, s20;
	[dreg:$0x1a] =	wrdreg s29  }
0x24: {  	[dreg:$0x1b] =	wrdreg s30;
	s6 =	sadd.s32 $0xFFFFFFF9, s5;
	s7 =	simm.s32 $0x5  }
0x25: {  	v2 =	vlaneseq.u32;
	s17 =	simm.s32 $0x3;
	s18 =	simm.s32 $0x4;
	s19 =	simm.s32 $0x11100  }
0x26: {  	v0 =	vimm.f32 $0.0e+00;
	v1 =	vimm.f32 $1.000000000e+00;
	v2 =	vmul.u32 $0x10, v2;
	s20 =	simm.s32 $0x0;
	[dreg:$0x4] =	wrdreg s1;
	s1 =	sadd.s32 $0x25800, s14  }
.LBB2_1:
0x27: {  	s21 =	simm.s32 $0x0;
	s22 =	simm.s32 $0x200  }
.LBB2_2:
0x28: {  	p2 =	sne.s32 s22, $0x9E00;
	[tilespmem:s21+$0x9970] =	vst v0  }
0x29: {  	[tilespmem:s21+$0x9900] =	vst v0  }
0x2a: {  	[tilespmem:s21+$0x9910] =	vst v0  }
.Ltmp0:
0x2b: {  	[tilespmem:s21+$0x9920] =	vst v0;
	(pc) =	sbr.rel @p2 .LBB2_2-.Ltmp0, $4  }
0x2c: {  	[tilespmem:s21+$0x9930] =	vst v0  }
0x2d: {  	[tilespmem:s21+$0x9940] =	vst v0  }
0x2e: {  	[tilespmem:s21+$0x9950] =	vst v0  }
0x2f: {  	[tilespmem:s21+$0x9960] =	vst v0;
	s21 =	sshra.s32 s22, $0x2;
	s22 =	sadd.s32 $0x200, s22  }
0x30: {  	[tilespmem:s21+$0x9970] =	vst v0  }
0x31: {  	[tilespmem:s21+$0x9900] =	vst v0  }
0x32: {  	[tilespmem:s21+$0x9910] =	vst v0  }
0x33: {  	[tilespmem:s21+$0x9920] =	vst v0  }
0x34: {  	[tilespmem:s21+$0x9930] =	vst v0  }
0x35: {  	[tilespmem:s21+$0x9940] =	vst v0  }
0x36: {  	[tilespmem:s21+$0x9950] =	vst v0  }
0x37: {  	[tilespmem:s21+$0x9960] =	vst v0;
	s21 =	simm.s32 @p1 $0x0;
	s22 =	rddreg [dreg:$0x5]  }
0x38: {  	[tilespmem:s21], [sflag:$0x5] =	stream.linear.gather @p1 [hbm4b:s22+s21], $0x2600, $0x38;
	[tilespmem:$0x13900] =	vst v63  }
0x39: {  	s22 =	simm.s32 @p1 $0x5  }
0x3a: {  	_ =	swait.ge @p1 [sflag:s22], $0x2600  }
0x3b: {  	[sflag:s22] =	ssyncset.done @p1 $0x0  }
0x3c: {  	s23 =	simm.s32 @p1 $0x2800;
	s24 =	rddreg [dreg:$0x6];
	[sflag:s22] =	ssyncadd.s32 @p1 $0xFFFFDA00  }
0x3d: {  	[tilespmem:s23], [sflag:$0x5] =	stream.linear.gather @p1 [hbm4b:s24+s21], $0x2600, $0x38;
	[tilespmem:$0x13900] =	vst v63  }
0x3e: {  	_ =	swait.ge @p1 [sflag:s22], $0x2600  }
0x3f: {  	[sflag:s22] =	ssyncset.done @p1 $0x0  }
0x40: {  	s21 =	simm.s32 @!p1 $0x0;
	[sflag:s22] =	ssyncadd.s32 @p1 $0xFFFFDA00;
	s22 =	rddreg [dreg:$0x7]  }
0x41: {  	[tilespmem:s21], [sflag:$0x5] =	stream.linear.gather @!p1 [hbm4b:s22+s21], $0x2800, $0x38;
	[tilespmem:$0x13900] =	vst v63  }
0x42: {  	s22 =	simm.s32 @!p1 $0x5  }
0x43: {  	_ =	swait.ge @!p1 [sflag:s22], $0x2800  }
0x44: {  	s28 =	stileid.u32;
	[sflag:s22] =	ssyncset.done @!p1 $0x0  }
0x45: {  	s23 =	simm.s32 @!p1 $0x2800;
	s24 =	rddreg [dreg:$0x8];
	[sflag:s22] =	ssyncadd.s32 @!p1 $0xFFFFD800  }
0x46: {  	[tilespmem:s23], [sflag:$0x5] =	stream.linear.gather @!p1 [hbm4b:s24+s21], $0x2800, $0x38;
	[tilespmem:$0x13900] =	vst v63  }
0x47: {  	s21 =	sshll.u32 s28, $0x6;
	_ =	swait.ge @!p1 [sflag:s22], $0x2800  }
0x48: {  	s21 =	sor.u32 $0x1C05, s21;
	[sflag:s22] =	ssyncset.done @!p1 $0x0;
	s29 =	rddreg [dreg:$0x9]  }
0x49: {  	s30 =	rddreg [dreg:$0xa];
	[sflag:s22] =	ssyncadd.s32 @!p1 $0xFFFFD800;
	s22 =	sshrl.u32 s29, $0x3  }
0x4a: {  	[spmem:s22], [sflag:s21] =	dma.local [hbm:s30], $0x500  }
0x4b: {  	_ =	swait.ge [sflag:s7], $0x500  }
0x4c: {  	[sflag:s7] =	ssyncset.done $0x0  }
0x4d: {  	s23 =	simm.s32 $0x2840;
	s24 =	smov.u32 s5;
	[sflag:s7] =	ssyncadd.s32 $0xFFFFFB00  }
.LBB2_4:
0x4e: {  	v3 =	vld [tilespmem:s23+$0xFFFFFFC0];
	_ =	sdelay $0x7  }
0x4f: {  	[tilespmem:v3+s8+$0x0] =	vst.idx.add.f32.msk $0xffff, v1  }
0x50: {  	v3 =	vld [tilespmem:s23+$0xFFFFFFD0];
	_ =	sdelay $0x7  }
0x51: {  	[tilespmem:v3+s8+$0x0] =	vst.idx.add.f32.msk $0xffff, v1  }
0x52: {  	v3 =	vld [tilespmem:s23+$0xFFFFFFE0];
	_ =	sdelay $0x7  }
0x53: {  	[tilespmem:v3+s8+$0x0] =	vst.idx.add.f32.msk $0xffff, v1  }
0x54: {  	v3 =	vld [tilespmem:s23+$0xFFFFFFF0];
	_ =	sdelay $0x7  }
0x55: {  	[tilespmem:v3+s8+$0x0] =	vst.idx.add.f32.msk $0xffff, v1  }
0x56: {  	v3 =	vld [tilespmem:s23+$0x0];
	_ =	sdelay $0x7  }
0x57: {  	[tilespmem:v3+s8+$0x0] =	vst.idx.add.f32.msk $0xffff, v1  }
0x58: {  	v3 =	vld [tilespmem:s23+$0x10];
	_ =	sdelay $0x7  }
0x59: {  	[tilespmem:v3+s8+$0x0] =	vst.idx.add.f32.msk $0xffff, v1  }
0x5a: {  	v3 =	vld [tilespmem:s23+$0x20];
	_ =	sdelay $0x7  }
0x5b: {  	[tilespmem:v3+s8+$0x0] =	vst.idx.add.f32.msk $0xffff, v1  }
0x5c: {  	v3 =	vld [tilespmem:s23+$0x30];
	_ =	sdelay $0x2  }
0x5d: {  	p2 =	sne.s32 s24, $0x1  }
.Ltmp1:
0x5e: {  	_ = 	snop;
	(pc) =	sbr.rel @p2 .LBB2_4-.Ltmp1, $2  }
0x5f: {  	_ =	sdelay $0x2  }
0x60: {  	s24 =	sadd.s32 $0xFFFFFFFF, s24;
	s23 =	sadd.s32 $0x80, s23;
	[tilespmem:v3+s8+$0x0] =	vst.idx.add.f32.msk $0xffff, v1  }
0x61: {  	[bflag:$0x0] =	sbarrier.arrive $0xFFFF  }
0x62: {  	s23 =	simm.s32 @p0 $0x0;
	s24 =	simm.s32 @p0 $0x5000;
	s25 =	rddreg [dreg:$0xb]  }
0x63: {  	[tilespmem:s24], [sflag:$0x5] =	stream.linear.gather @p0 [hbm4b:s25+s23], $0x80, $0x38;
	[tilespmem:$0x13900] =	vst v63  }
0x64: {  	s25 =	simm.s32 @p0 $0x5  }
0x65: {  	_ =	swait.ge @p0 [sflag:s25], $0x80  }
0x66: {  	[sflag:s25] =	ssyncset.done @p0 $0x0  }
0x67: {  	s26 =	simm.s32 @p0 $0x5080;
	s28 =	rddreg [dreg:$0xc];
	[sflag:s25] =	ssyncadd.s32 @p0 $0xFFFFFF80  }
0x68: {  	[tilespmem:s26], [sflag:$0x5] =	stream.linear.gather @p0 [hbm4b:s28+s23], $0x80, $0x38;
	[tilespmem:$0x13900] =	vst v63  }
0x69: {  	_ =	swait.ge @p0 [sflag:s25], $0x80  }
0x6a: {  	[sflag:s25] =	ssyncset.done @p0 $0x0  }
0x6b: {  	s23 =	simm.s32 @p0 $0x80;
	s28 =	simm.s32 @p0 $0x5100;
	[sflag:s25] =	ssyncadd.s32 @p0 $0xFFFFFF80  }
0x6c: {  	[tilespmem:s28], [sflag:$0x1] =	stream.indirect.gather @p0 [hbm4b:s4+s23], $0x10, s24, s23, $0xb8;
	[tilespmem:$0x13900] =	vst v63  }
0x6d: {  	s24 =	simm.s32 @p0 $0x1  }
0x6e: {  	_ =	swait.ge @p0 [sflag:s24], $0x800  }
0x6f: {  	[sflag:s24] =	ssyncset.done @p0 $0x0  }
0x70: {  	[sflag:s24] =	ssyncadd.s32 @p0 $0xFFFFF800  }
0x71: {  	[spmem:s2] =	stream.indirect.scatter.add.f32 @p0 [tilespmem:s28], [sflag:$0x5], $0x10, s26, s23, $0xb8;
	[tilespmem:$0x13900] =	vst v63  }
0x72: {  	_ =	swait.ge @p0 [sflag:s25], $0x800  }
0x73: {  	[sflag:s25] =	ssyncset.done @p0 $0x0  }
0x74: {  	[sflag:s25] =	ssyncadd.s32 @p0 $0xFFFFF800  }
0x75: {  	v3 =	vld @p0 [tilespmem:$0x5080];
	_ =	sdelay $0x6  }
0x76: {  	v4 =	vimm.f32 @p0 $1.000000000e+00;
	s23 =	simm.s32 @p0 $0x9900  }
0x77: {  	[tilespmem:v3+s23+$0x0] =	vst.idx.add.f32.msk @p0 $0xffff, v4  }
0x78: {  	v3 =	vld @p0 [tilespmem:$0x5090];
	_ =	sdelay $0x7  }
0x79: {  	[tilespmem:v3+s23+$0x0] =	vst.idx.add.f32.msk @p0 $0xffff, v4  }
0x7a: {  	v3 =	vld @p0 [tilespmem:$0x50A0];
	_ =	sdelay $0x7  }
0x7b: {  	[tilespmem:v3+s23+$0x0] =	vst.idx.add.f32.msk @p0 $0xffff, v4  }
0x7c: {  	v3 =	vld @p0 [tilespmem:$0x50B0];
	_ =	sdelay $0x7  }
0x7d: {  	[tilespmem:v3+s23+$0x0] =	vst.idx.add.f32.msk @p0 $0xffff, v4  }
0x7e: {  	v3 =	vld @p0 [tilespmem:$0x50C0];
	_ =	sdelay $0x7  }
0x7f: {  	[tilespmem:v3+s23+$0x0] =	vst.idx.add.f32.msk @p0 $0xffff, v4  }
0x80: {  	v3 =	vld @p0 [tilespmem:$0x50D0];
	_ =	sdelay $0x7  }
0x81: {  	[tilespmem:v3+s23+$0x0] =	vst.idx.add.f32.msk @p0 $0xffff, v4  }
0x82: {  	v3 =	vld @p0 [tilespmem:$0x50E0];
	_ =	sdelay $0x7  }
0x83: {  	[tilespmem:v3+s23+$0x0] =	vst.idx.add.f32.msk @p0 $0xffff, v4  }
0x84: {  	v3 =	vld @p0 [tilespmem:$0x50F0];
	_ =	sdelay $0x7  }
0x85: {  	[tilespmem:v3+s23+$0x0] =	vst.idx.add.f32.msk @p0 $0xffff, v4;
	s23 =	simm.s32 $0x0  }
0x86: {  	[tilespmem:s10], [sflag:$0x1] =	stream.indirect.gather [hbm4b:s4+s9], $0x10, s23, s9, $0xb8;
	[tilespmem:$0x13900] =	vst v63  }
0x87: {  	_ = 	snop  }
0x88: {  	[tilespmem:s11], [sflag:$0x2] =	stream.indirect.gather [hbm4b:s4+s9], $0x10, s9, s9, $0xb8;
	[tilespmem:$0x13900] =	vst v63  }
0x89: {  	s29 =	simm.s32 $0x100  }
0x8a: {  	[tilespmem:s12], [sflag:$0x3] =	stream.indirect.gather [hbm4b:s4+s9], $0x10, s29, s9, $0xb8;
	[tilespmem:$0x13900] =	vst v63  }
0x8b: {  	s30 =	simm.s32 $0x180;
	s24 =	simm.s32 $0x0  }
0x8c: {  	[tilespmem:s13], [sflag:$0x4] =	stream.indirect.gather [hbm4b:s4+s9], $0x10, s30, s9, $0xb8;
	[tilespmem:$0x13900] =	vst v63  }
.LBB2_6:
0x8d: {  	_ =	swait.ge [sflag:s15], $0x800  }
0x8e: {  	s25 =	sshra.s32 s24, $0x2;
	s28 =	smov.u32 s23;
	[sflag:s15] =	ssyncset.done $0x0  }
0x8f: {  	s23 =	sadd.s32 $0x4, s23;
	s26 =	sadd.s32 $0x2800, s25;
	[sflag:s15] =	ssyncadd.s32 $0xFFFFF800  }
0x90: {  	[spmem:s2] =	stream.indirect.scatter.add.f32 [tilespmem:s10], [sflag:$0x5], $0x10, s26, s9, $0xb8;
	[tilespmem:$0x13900] =	vst v63  }
0x91: {  	p2 =	sge.u32 s23, s5;
	_ =	swait.ge [sflag:s7], $0x800  }
0x92: {  	s29 =	simm.s32 @!p2 $0x80;
	s26 =	sshra.s32 @!p2 s24, $0x2;
	[sflag:s7] =	ssyncset.done $0x0  }
0x93: {  	s30 =	simm.s32 @!p2 $0x5100;
	s26 =	sadd.s32 @!p2 $0x200, s26;
	[sflag:s7] =	ssyncadd.s32 $0xFFFFF800  }
0x94: {  	[tilespmem:s30], [sflag:$0x1] =	stream.indirect.gather @!p2 [hbm4b:s4+s29], $0x10, s26, s29, $0xb8;
	[tilespmem:$0x13900] =	vst v63  }
0x95: {  	_ =	swait.ge [sflag:s16], $0x800  }
0x96: {  	[sflag:s16] =	ssyncset.done $0x0  }
0x97: {  	s29 =	sadd.s32 $0x2880, s25;
	s30 =	sadd.s32 $0x5, s28;
	[sflag:s16] =	ssyncadd.s32 $0xFFFFF800  }
0x98: {  	[spmem:s2] =	stream.indirect.scatter.add.f32 [tilespmem:s11], [sflag:$0x5], $0x10, s29, s9, $0xb8;
	[tilespmem:$0x13900] =	vst v63  }
0x99: {  	p2 =	sge.u32 s30, s5;
	_ =	swait.ge [sflag:s7], $0x800  }
0x9a: {  	s26 =	sshra.s32 @!p2 s24, $0x2;
	s30 =	simm.s32 @!p2 $0x5900;
	[sflag:s7] =	ssyncset.done $0x0  }
0x9b: {  	s26 =	sadd.s32 @!p2 $0x280, s26;
	s29 =	simm.s32 @!p2 $0x80;
	[sflag:s7] =	ssyncadd.s32 $0xFFFFF800  }
0x9c: {  	[tilespmem:s30], [sflag:$0x2] =	stream.indirect.gather @!p2 [hbm4b:s4+s29], $0x10, s26, s29, $0xb8;
	[tilespmem:$0x13900] =	vst v63  }
0x9d: {  	_ =	swait.ge [sflag:s17], $0x800  }
0x9e: {  	[sflag:s17] =	ssyncset.done $0x0  }
0x9f: {  	s29 =	sadd.s32 $0x2900, s25;
	s30 =	sadd.s32 $0x6, s28;
	[sflag:s17] =	ssyncadd.s32 $0xFFFFF800  }
0xa0: {  	[spmem:s2] =	stream.indirect.scatter.add.f32 [tilespmem:s12], [sflag:$0x5], $0x10, s29, s9, $0xb8;
	[tilespmem:$0x13900] =	vst v63  }
0xa1: {  	p2 =	sge.u32 s30, s5;
	_ =	swait.ge [sflag:s7], $0x800  }
0xa2: {  	s26 =	sshra.s32 @!p2 s24, $0x2;
	s30 =	simm.s32 @!p2 $0x6100;
	[sflag:s7] =	ssyncset.done $0x0  }
0xa3: {  	s26 =	sadd.s32 @!p2 $0x300, s26;
	s29 =	simm.s32 @!p2 $0x80;
	[sflag:s7] =	ssyncadd.s32 $0xFFFFF800  }
0xa4: {  	[tilespmem:s30], [sflag:$0x3] =	stream.indirect.gather @!p2 [hbm4b:s4+s29], $0x10, s26, s29, $0xb8;
	[tilespmem:$0x13900] =	vst v63  }
0xa5: {  	_ =	swait.ge [sflag:s18], $0x800  }
0xa6: {  	s29 =	sadd.s32 $0x7, s28;
	[sflag:s18] =	ssyncset.done $0x0  }
0xa7: {  	s25 =	sadd.s32 $0x2980, s25;
	p2 =	sge.u32 s29, s5;
	[sflag:s18] =	ssyncadd.s32 $0xFFFFF800  }
0xa8: {  	[spmem:s2] =	stream.indirect.scatter.add.f32 [tilespmem:s13], [sflag:$0x5], $0x10, s25, s9, $0xb8;
	[tilespmem:$0x13900] =	vst v63  }
0xa9: {  	s26 =	simm.s32 @!p2 $0x80;
	s28 =	simm.s32 @!p2 $0x6900;
	_ =	swait.ge [sflag:s7], $0x800  }
0xaa: {  	s25 =	sshra.s32 @!p2 s24, $0x2;
	s24 =	sadd.s32 $0x800, s24;
	[sflag:s7] =	ssyncset.done $0x0  }
0xab: {  	s25 =	sadd.s32 @!p2 $0x380, s25;
	s30 =	rddreg [dreg:$0x4];
	[sflag:s7] =	ssyncadd.s32 $0xFFFFF800  }
0xac: {  	[tilespmem:s28], [sflag:$0x4] =	stream.indirect.gather @!p2 [hbm4b:s4+s26], $0x10, s25, s26, $0xb8;
	[tilespmem:$0x13900] =	vst v63  }
0xad: {  	p2 =	sne.s32 s30, s24  }
.Ltmp2:
0xae: {  	_ = 	snop;
	(pc) =	sbr.rel @p2 .LBB2_6-.Ltmp2, $1  }
0xaf: {  	_ =	sdelay $0x3  }
0xb0: {  	_ =	swait.ge [sflag:s15], $0x800  }
0xb1: {  	s25 =	sshra.s32 s24, $0x2;
	[sflag:s15] =	ssyncset.done $0x0  }
0xb2: {  	s30 =	sadd.s32 $0x4, s23;
	s26 =	sadd.s32 $0x2800, s25;
	[sflag:s15] =	ssyncadd.s32 $0xFFFFF800  }
0xb3: {  	[spmem:s2] =	stream.indirect.scatter.add.f32 [tilespmem:s10], [sflag:$0x5], $0x10, s26, s9, $0xb8;
	[tilespmem:$0x13900] =	vst v63  }
0xb4: {  	p2 =	sge.u32 s30, s5;
	_ =	swait.ge [sflag:s7], $0x800  }
0xb5: {  	s28 =	simm.s32 @!p2 $0x80;
	s26 =	sshra.s32 @!p2 s24, $0x2;
	[sflag:s7] =	ssyncset.done $0x0  }
0xb6: {  	s29 =	simm.s32 @!p2 $0x5100;
	s26 =	sadd.s32 @!p2 $0x200, s26;
	[sflag:s7] =	ssyncadd.s32 $0xFFFFF800  }
0xb7: {  	[tilespmem:s29], [sflag:$0x1] =	stream.indirect.gather @!p2 [hbm4b:s4+s28], $0x10, s26, s28, $0xb8;
	[tilespmem:$0x13900] =	vst v63  }
0xb8: {  	_ =	swait.ge [sflag:s16], $0x800  }
0xb9: {  	[sflag:s16] =	ssyncset.done $0x0  }
0xba: {  	s28 =	sadd.s32 $0x2880, s25;
	s29 =	sadd.s32 $0x5, s23;
	[sflag:s16] =	ssyncadd.s32 $0xFFFFF800  }
0xbb: {  	[spmem:s2] =	stream.indirect.scatter.add.f32 [tilespmem:s11], [sflag:$0x5], $0x10, s28, s9, $0xb8;
	[tilespmem:$0x13900] =	vst v63  }
0xbc: {  	p2 =	sge.u32 s29, s5;
	_ =	swait.ge [sflag:s7], $0x800  }
0xbd: {  	s26 =	sshra.s32 @!p2 s24, $0x2;
	s29 =	simm.s32 @!p2 $0x5900;
	[sflag:s7] =	ssyncset.done $0x0  }
0xbe: {  	s26 =	sadd.s32 @!p2 $0x280, s26;
	s28 =	simm.s32 @!p2 $0x80;
	[sflag:s7] =	ssyncadd.s32 $0xFFFFF800  }
0xbf: {  	[tilespmem:s29], [sflag:$0x2] =	stream.indirect.gather @!p2 [hbm4b:s4+s28], $0x10, s26, s28, $0xb8;
	[tilespmem:$0x13900] =	vst v63  }
0xc0: {  	_ =	swait.ge [sflag:s17], $0x800  }
0xc1: {  	[sflag:s17] =	ssyncset.done $0x0  }
0xc2: {  	s30 =	sadd.s32 $0x2900, s25;
	s28 =	sadd.s32 $0x6, s23;
	[sflag:s17] =	ssyncadd.s32 $0xFFFFF800  }
0xc3: {  	[spmem:s2] =	stream.indirect.scatter.add.f32 [tilespmem:s12], [sflag:$0x5], $0x10, s30, s9, $0xb8;
	[tilespmem:$0x13900] =	vst v63  }
0xc4: {  	p2 =	sge.u32 s28, s5;
	_ =	swait.ge [sflag:s7], $0x800  }
0xc5: {  	s24 =	sshra.s32 @!p2 s24, $0x2;
	s26 =	simm.s32 @!p2 $0x80;
	[sflag:s7] =	ssyncset.done $0x0  }
0xc6: {  	s28 =	simm.s32 @!p2 $0x6100;
	s24 =	sadd.s32 @!p2 $0x300, s24;
	[sflag:s7] =	ssyncadd.s32 $0xFFFFF800  }
0xc7: {  	[tilespmem:s28], [sflag:$0x3] =	stream.indirect.gather @!p2 [hbm4b:s4+s26], $0x10, s24, s26, $0xb8;
	[tilespmem:$0x13900] =	vst v63  }
0xc8: {  	_ =	swait.ge [sflag:s18], $0x800  }
0xc9: {  	[sflag:s18] =	ssyncset.done $0x0  }
0xca: {  	s29 =	sadd.s32 $0x2980, s25;
	[sflag:s18] =	ssyncadd.s32 $0xFFFFF800  }
0xcb: {  	[spmem:s2] =	stream.indirect.scatter.add.f32 [tilespmem:s13], [sflag:$0x5], $0x10, s29, s9, $0xb8;
	[tilespmem:$0x13900] =	vst v63  }
0xcc: {  	p2 =	sge.u32 s23, s6;
	_ =	swait.ge [sflag:s7], $0x800  }
0xcd: {  	s23 =	simm.s32 @!p2 $0x80;
	[sflag:s7] =	ssyncset.done $0x0  }
0xce: {  	s24 =	simm.s32 @!p2 $0x2780;
	s25 =	simm.s32 @!p2 $0x6900;
	[sflag:s7] =	ssyncadd.s32 $0xFFFFF800  }
0xcf: {  	[tilespmem:s25], [sflag:$0x4] =	stream.indirect.gather @!p2 [hbm4b:s4+s23], $0x10, s24, s23, $0xb8;
	[tilespmem:$0x13900] =	vst v63  }
0xd0: {  	s30 =	rddreg [dreg:$0xd]  }
0xd1: {  	[spmem:s30] =	stream.linear.scatter [tilespmem:s8], [sflag:$0x5], $0x2800, $0x38;
	[tilespmem:$0x13900] =	vst v63  }
0xd2: {  	_ =	swait.ge [sflag:s7], $0x2800  }
0xd3: {  	[sflag:s7] =	ssyncset.done $0x0  }
0xd4: {  	[sflag:s7] =	ssyncadd.s32 $0xFFFFD800  }
0xd5: {  	[bflag:$0x0] =	sbarrier.arrive $0xFFFF  }
0xd6: {  	s24 =	rddreg [dreg:$0xe]  }
0xd7: {  	[hbm:s24], [sflag:s21] =	dma.local [spmem:s22], $0x500  }
0xd8: {  	_ =	swait.ge [sflag:s7], $0x500  }
0xd9: {  	[sflag:s7] =	ssyncset.done $0x0  }
0xda: {  	s25 =	simm.s32 $0xE900;
	[sflag:s7] =	ssyncadd.s32 $0xFFFFFB00  }
0xdb: {  	[tilespmem:s25], [sflag:$0x5] =	stream.linear.gather [spmem:s14], $0x280, $0x38;
	[tilespmem:$0x13900] =	vst v63  }
0xdc: {  	_ =	swait.ge [sflag:s7], $0x280  }
0xdd: {  	[sflag:s7] =	ssyncset.done $0x0  }
0xde: {  	s28 =	simm.s32 $0xEB80;
	s26 =	rddreg [dreg:$0xf];
	[sflag:s7] =	ssyncadd.s32 $0xFFFFFD80  }
0xdf: {  	[tilespmem:s28], [sflag:$0x5] =	stream.linear.gather [spmem:s26], $0x280, $0x38;
	[tilespmem:$0x13900] =	vst v63  }
0xe0: {  	_ =	swait.ge [sflag:s7], $0x280  }
0xe1: {  	[sflag:s7] =	ssyncset.done $0x0  }
0xe2: {  	s30 =	simm.s32 $0xEE00;
	s29 =	rddreg [dreg:$0x10];
	[sflag:s7] =	ssyncadd.s32 $0xFFFFFD80  }
0xe3: {  	[tilespmem:s30], [sflag:$0x5] =	stream.linear.gather [spmem:s29], $0x280, $0x38;
	[tilespmem:$0x13900] =	vst v63  }
0xe4: {  	_ =	swait.ge [sflag:s7], $0x280  }
0xe5: {  	[sflag:s7] =	ssyncset.done $0x0  }
0xe6: {  	s23 =	simm.s32 $0xF080;
	s22 =	rddreg [dreg:$0x11];
	[sflag:s7] =	ssyncadd.s32 $0xFFFFFD80  }
0xe7: {  	[tilespmem:s23], [sflag:$0x5] =	stream.linear.gather [spmem:s22], $0x280, $0x38;
	[tilespmem:$0x13900] =	vst v63  }
0xe8: {  	_ =	swait.ge [sflag:s7], $0x280  }
0xe9: {  	[sflag:s7] =	ssyncset.done $0x0  }
0xea: {  	s25 =	simm.s32 $0xF300;
	s24 =	rddreg [dreg:$0x12];
	[sflag:s7] =	ssyncadd.s32 $0xFFFFFD80  }
0xeb: {  	[tilespmem:s25], [sflag:$0x5] =	stream.linear.gather [spmem:s24], $0x280, $0x38;
	[tilespmem:$0x13900] =	vst v63  }
0xec: {  	_ =	swait.ge [sflag:s7], $0x280  }
0xed: {  	[sflag:s7] =	ssyncset.done $0x0  }
0xee: {  	s28 =	simm.s32 $0xF580;
	s26 =	rddreg [dreg:$0x13];
	[sflag:s7] =	ssyncadd.s32 $0xFFFFFD80  }
0xef: {  	[tilespmem:s28], [sflag:$0x5] =	stream.linear.gather [spmem:s26], $0x280, $0x38;
	[tilespmem:$0x13900] =	vst v63  }
0xf0: {  	_ =	swait.ge [sflag:s7], $0x280  }
0xf1: {  	[sflag:s7] =	ssyncset.done $0x0  }
0xf2: {  	s30 =	simm.s32 $0xF800;
	s29 =	rddreg [dreg:$0x14];
	[sflag:s7] =	ssyncadd.s32 $0xFFFFFD80  }
0xf3: {  	[tilespmem:s30], [sflag:$0x5] =	stream.linear.gather [spmem:s29], $0x280, $0x38;
	[tilespmem:$0x13900] =	vst v63  }
0xf4: {  	_ =	swait.ge [sflag:s7], $0x280  }
0xf5: {  	[sflag:s7] =	ssyncset.done $0x0  }
0xf6: {  	s24 =	simm.s32 $0xFA80;
	s23 =	rddreg [dreg:$0x15];
	[sflag:s7] =	ssyncadd.s32 $0xFFFFFD80  }
0xf7: {  	[tilespmem:s24], [sflag:$0x5] =	stream.linear.gather [spmem:s23], $0x280, $0x38;
	[tilespmem:$0x13900] =	vst v63  }
0xf8: {  	_ =	swait.ge [sflag:s7], $0x280  }
0xf9: {  	[sflag:s7] =	ssyncset.done $0x0  }
0xfa: {  	s21 =	simm.s32 $0xFD00;
	s25 =	rddreg [dreg:$0x18];
	[sflag:s7] =	ssyncadd.s32 $0xFFFFFD80  }
0xfb: {  	[tilespmem:s21], [sflag:$0x5] =	stream.linear.gather [spmem:s25], $0x280, $0x38;
	[tilespmem:$0x13900] =	vst v63  }
0xfc: {  	_ =	swait.ge [sflag:s7], $0x280  }
0xfd: {  	[sflag:s7] =	ssyncset.done $0x0  }
0xfe: {  	s28 =	simm.s32 $0xFF80;
	s26 =	rddreg [dreg:$0x19];
	[sflag:s7] =	ssyncadd.s32 $0xFFFFFD80  }
0xff: {  	[tilespmem:s28], [sflag:$0x5] =	stream.linear.gather [spmem:s26], $0x280, $0x38;
	[tilespmem:$0x13900] =	vst v63  }
0x100: {  	_ =	swait.ge [sflag:s7], $0x280  }
0x101: {  	[sflag:s7] =	ssyncset.done $0x0  }
0x102: {  	s30 =	simm.s32 $0x10200;
	s29 =	rddreg [dreg:$0x1a];
	[sflag:s7] =	ssyncadd.s32 $0xFFFFFD80  }
0x103: {  	[tilespmem:s30], [sflag:$0x5] =	stream.linear.gather [spmem:s29], $0x280, $0x38;
	[tilespmem:$0x13900] =	vst v63  }
0x104: {  	_ =	swait.ge [sflag:s7], $0x280  }
0x105: {  	[sflag:s7] =	ssyncset.done $0x0  }
0x106: {  	s24 =	simm.s32 $0x10480;
	s23 =	rddreg [dreg:$0x1b];
	[sflag:s7] =	ssyncadd.s32 $0xFFFFFD80  }
0x107: {  	[tilespmem:s24], [sflag:$0x5] =	stream.linear.gather [spmem:s23], $0x280, $0x38;
	[tilespmem:$0x13900] =	vst v63  }
0x108: {  	_ =	swait.ge [sflag:s7], $0x280  }
0x109: {  	[sflag:s7] =	ssyncset.done $0x0  }
0x10a: {  	s25 =	simm.s32 $0x10700;
	[sflag:s7] =	ssyncadd.s32 $0xFFFFFD80  }
0x10b: {  	[tilespmem:s25], [sflag:$0x5] =	stream.linear.gather [spmem:s31], $0x280, $0x38;
	[tilespmem:$0x13900] =	vst v63  }
0x10c: {  	_ =	swait.ge [sflag:s7], $0x280  }
0x10d: {  	[sflag:s7] =	ssyncset.done $0x0  }
0x10e: {  	s26 =	simm.s32 $0x10980;
	[sflag:s7] =	ssyncadd.s32 $0xFFFFFD80  }
0x10f: {  	[tilespmem:s26], [sflag:$0x5] =	stream.linear.gather [spmem:s0], $0x280, $0x38;
	[tilespmem:$0x13900] =	vst v63  }
0x110: {  	_ =	swait.ge [sflag:s7], $0x280  }
0x111: {  	[sflag:s7] =	ssyncset.done $0x0  }
0x112: {  	s28 =	simm.s32 $0x10C00;
	[sflag:s7] =	ssyncadd.s32 $0xFFFFFD80  }
0x113: {  	[tilespmem:s28], [sflag:$0x5] =	stream.linear.gather [spmem:s3], $0x280, $0x38;
	[tilespmem:$0x13900] =	vst v63  }
0x114: {  	_ =	swait.ge [sflag:s7], $0x280  }
0x115: {  	[sflag:s7] =	ssyncset.done $0x0  }
0x116: {  	s29 =	simm.s32 $0x10E80;
	[sflag:s7] =	ssyncadd.s32 $0xFFFFFD80  }
0x117: {  	[tilespmem:s29], [sflag:$0x5] =	stream.linear.gather [spmem:s1], $0x280, $0x38;
	[tilespmem:$0x13900] =	vst v63  }
0x118: {  	_ =	swait.ge [sflag:s7], $0x280  }
0x119: {  	[sflag:s7] =	ssyncset.done $0x0  }
0x11a: {  	[sflag:s7] =	ssyncadd.s32 $0xFFFFFD80  }
0x11b: {  	v3 =	vld [tilespmem:s21+$0xFFFFEC00]  }
0x11c: {  	v4 =	vld [tilespmem:s21+$0xFFFFEE80];
	_ =	sdelay $0x1  }
0x11d: {  	v5 =	vld [tilespmem:s21+$0xFFFFF100];
	_ =	sdelay $0x1  }
0x11e: {  	v6 =	vld [tilespmem:s21+$0xFFFFF380]  }
0x11f: {  	v3 =	vadd.f32 v4, v3  }
0x120: {  	v4 =	vld [tilespmem:s21+$0xFFFFF600]  }
0x121: {  	v3 =	vadd.f32 v5, v3  }
0x122: {  	v5 =	vld [tilespmem:s21+$0xFFFFF880]  }
0x123: {  	v3 =	vadd.f32 v6, v3  }
0x124: {  	v6 =	vld [tilespmem:s21+$0xFFFFFB00]  }
0x125: {  	v3 =	vadd.f32 v4, v3  }
0x126: {  	v4 =	vld [tilespmem:s21+$0xFFFFFD80]  }
0x127: {  	v3 =	vadd.f32 v5, v3  }
0x128: {  	v5 =	vld [tilespmem:s21+$0x0]  }
0x129: {  	v3 =	vadd.f32 v6, v3  }
0x12a: {  	v6 =	vld [tilespmem:s21+$0x280]  }
0x12b: {  	v3 =	vadd.f32 v4, v3  }
0x12c: {  	v4 =	vld [tilespmem:s21+$0x500]  }
0x12d: {  	v3 =	vadd.f32 v5, v3  }
0x12e: {  	v5 =	vld [tilespmem:s21+$0x780]  }
0x12f: {  	v3 =	vadd.f32 v6, v3  }
0x130: {  	v6 =	vld [tilespmem:s21+$0xA00]  }
0x131: {  	v3 =	vadd.f32 v4, v3  }
0x132: {  	v4 =	vld [tilespmem:s21+$0xC80]  }
0x133: {  	v3 =	vadd.f32 v5, v3  }
0x134: {  	v5 =	vld [tilespmem:s21+$0xF00]  }
0x135: {  	s30 =	simm.s32 $0x0;
	v3 =	vadd.f32 v6, v3  }
0x136: {  	v7 =	vmov s30;
	v6 =	vld [tilespmem:s21+$0x1180]  }
0x137: {  	v3 =	vadd.f32 v4, v3;
	v4 =	vshll.u32 v7, $0x4  }
0x138: {  	v4 =	vor.u32 v2, v4  }
0x139: {  	v3 =	vadd.f32 v5, v3;
	v5 =	vor.u32 $0x1, v4  }
0x13a: {  	v7 =	vor.u32 $0x2, v4  }
0x13b: {  	v3 =	vadd.f32 v6, v3;
	v6 =	vor.u32 $0x3, v4  }
0x13c: {  	v8 =	vor.u32 $0x4, v4  }
0x13d: {  	v9 =	vor.u32 $0x5, v4;
	[tilespmem:v4+s19+$0x0] =	vst.idx.msk $0xffff, v3  }
0x13e: {  	[tilespmem:v5+s19+$0x0] =	vst.idx.msk $0xffff, v3;
	v5 =	vor.u32 $0x6, v4  }
0x13f: {  	[tilespmem:v7+s19+$0x0] =	vst.idx.msk $0xffff, v3;
	v7 =	vor.u32 $0x7, v4  }
0x140: {  	[tilespmem:v6+s19+$0x0] =	vst.idx.msk $0xffff, v3;
	v6 =	vor.u32 $0x8, v4  }
0x141: {  	v61 =	vor.u32 $0x9, v4;
	[tilespmem:v8+s19+$0x0] =	vst.idx.msk $0xffff, v3  }
0x142: {  	v62 =	vor.u32 $0xA, v4;
	[tilespmem:v9+s19+$0x0] =	vst.idx.msk $0xffff, v3  }
0x143: {  	[tilespmem:v5+s19+$0x0] =	vst.idx.msk $0xffff, v3;
	v5 =	vor.u32 $0xB, v4  }
0x144: {  	[tilespmem:v7+s19+$0x0] =	vst.idx.msk $0xffff, v3;
	v7 =	vor.u32 $0xC, v4  }
0x145: {  	[tilespmem:v6+s19+$0x0] =	vst.idx.msk $0xffff, v3;
	v6 =	vor.u32 $0xD, v4  }
0x146: {  	v63 =	vor.u32 $0xE, v4;
	[tilespmem:v61+s19+$0x0] =	vst.idx.msk $0xffff, v3  }
0x147: {  	[tilespmem:v62+s19+$0x0] =	vst.idx.msk $0xffff, v3  }
0x148: {  	v4 =	vor.u32 $0xF, v4;
	[tilespmem:v5+s19+$0x0] =	vst.idx.msk $0xffff, v3  }
0x149: {  	[tilespmem:v7+s19+$0x0] =	vst.idx.msk $0xffff, v3  }
0x14a: {  	[tilespmem:v6+s19+$0x0] =	vst.idx.msk $0xffff, v3  }
0x14b: {  	s22 =	simm.s32 $0x10;
	[tilespmem:v63+s19+$0x0] =	vst.idx.msk $0xffff, v3  }
.LBB2_8:
0x14c: {  	p2 =	sne.s32 s22, $0x270  }
0x14d: {  	[tilespmem:v4+s19+$0x0] =	vst.idx.msk $0xffff, v3;
	s21 =	sadd.s32 $0x10, s21;
	s23 =	smov.u32 s22;
	s22 =	sadd.s32 $0x10, s22  }
0x14e: {  	v3 =	vld [tilespmem:s21+$0xFFFFEC00]  }
0x14f: {  	v4 =	vld [tilespmem:s21+$0xFFFFEE80];
	_ =	sdelay $0x1  }
0x150: {  	v5 =	vld [tilespmem:s21+$0xFFFFF100];
	_ =	sdelay $0x1  }
0x151: {  	v6 =	vld [tilespmem:s21+$0xFFFFF380]  }
0x152: {  	v3 =	vadd.f32 v4, v3  }
0x153: {  	v4 =	vld [tilespmem:s21+$0xFFFFF600]  }
0x154: {  	v3 =	vadd.f32 v5, v3  }
0x155: {  	v5 =	vld [tilespmem:s21+$0xFFFFF880]  }
0x156: {  	v3 =	vadd.f32 v6, v3  }
0x157: {  	v6 =	vld [tilespmem:s21+$0xFFFFFB00]  }
0x158: {  	v3 =	vadd.f32 v4, v3  }
0x159: {  	v4 =	vld [tilespmem:s21+$0xFFFFFD80]  }
0x15a: {  	v3 =	vadd.f32 v5, v3  }
0x15b: {  	v5 =	vld [tilespmem:s21+$0x0]  }
0x15c: {  	v3 =	vadd.f32 v6, v3  }
0x15d: {  	v6 =	vld [tilespmem:s21+$0x280]  }
0x15e: {  	v3 =	vadd.f32 v4, v3  }
0x15f: {  	v4 =	vld [tilespmem:s21+$0x500]  }
0x160: {  	v3 =	vadd.f32 v5, v3  }
0x161: {  	v5 =	vld [tilespmem:s21+$0x780]  }
0x162: {  	v3 =	vadd.f32 v6, v3  }
0x163: {  	v6 =	vld [tilespmem:s21+$0xA00]  }
0x164: {  	v3 =	vadd.f32 v4, v3  }
0x165: {  	v4 =	vld [tilespmem:s21+$0xC80]  }
0x166: {  	v3 =	vadd.f32 v5, v3  }
0x167: {  	v5 =	vld [tilespmem:s21+$0xF00]  }
0x168: {  	v3 =	vadd.f32 v6, v3  }
0x169: {  	v7 =	vmov s23;
	v6 =	vld [tilespmem:s21+$0x1180]  }
0x16a: {  	v3 =	vadd.f32 v4, v3;
	v4 =	vshll.u32 v7, $0x4  }
0x16b: {  	v4 =	vor.u32 v2, v4  }
0x16c: {  	v3 =	vadd.f32 v5, v3;
	v5 =	vor.u32 $0x1, v4  }
0x16d: {  	v7 =	vor.u32 $0x2, v4  }
0x16e: {  	v3 =	vadd.f32 v6, v3;
	v6 =	vor.u32 $0x3, v4  }
0x16f: {  	v8 =	vor.u32 $0x4, v4  }
0x170: {  	v9 =	vor.u32 $0x5, v4;
	[tilespmem:v4+s19+$0x0] =	vst.idx.msk $0xffff, v3  }
0x171: {  	[tilespmem:v5+s19+$0x0] =	vst.idx.msk $0xffff, v3;
	v5 =	vor.u32 $0x6, v4  }
0x172: {  	[tilespmem:v7+s19+$0x0] =	vst.idx.msk $0xffff, v3;
	v7 =	vor.u32 $0x7, v4  }
0x173: {  	[tilespmem:v6+s19+$0x0] =	vst.idx.msk $0xffff, v3;
	v6 =	vor.u32 $0x8, v4  }
0x174: {  	[tilespmem:v8+s19+$0x0] =	vst.idx.msk $0xffff, v3;
	v8 =	vor.u32 $0x9, v4  }
0x175: {  	[tilespmem:v9+s19+$0x0] =	vst.idx.msk $0xffff, v3;
	v9 =	vor.u32 $0xA, v4  }
0x176: {  	[tilespmem:v5+s19+$0x0] =	vst.idx.msk $0xffff, v3;
	v5 =	vor.u32 $0xB, v4  }
0x177: {  	[tilespmem:v7+s19+$0x0] =	vst.idx.msk $0xffff, v3;
	v7 =	vor.u32 $0xC, v4  }
0x178: {  	[tilespmem:v6+s19+$0x0] =	vst.idx.msk $0xffff, v3;
	v6 =	vor.u32 $0xD, v4  }
0x179: {  	[tilespmem:v8+s19+$0x0] =	vst.idx.msk $0xffff, v3;
	v8 =	vor.u32 $0xE, v4  }
.Ltmp3:
0x17a: {  	v4 =	vor.u32 $0xF, v4;
	[tilespmem:v9+s19+$0x0] =	vst.idx.msk $0xffff, v3;
	(pc) =	sbr.rel @p2 .LBB2_8-.Ltmp3, $4  }
0x17b: {  	[tilespmem:v5+s19+$0x0] =	vst.idx.msk $0xffff, v3  }
0x17c: {  	[tilespmem:v7+s19+$0x0] =	vst.idx.msk $0xffff, v3  }
0x17d: {  	[tilespmem:v6+s19+$0x0] =	vst.idx.msk $0xffff, v3  }
0x17e: {  	[tilespmem:v8+s19+$0x0] =	vst.idx.msk $0xffff, v3  }
0x17f: {  	_ =	sdelay $0x3  }
0x180: {  	[tilespmem:v4+s19+$0x0] =	vst.idx.msk $0xffff, v3  }
0x181: {  	[bflag:$0x0] =	sbarrier.arrive $0xFFFF  }
0x182: {  	s21 =	simm.s32 $0x0;
	s22 =	rddreg [dreg:$0x16]  }
0x183: {  	[hbm4b:s22+s21] =	stream.linear.scatter [tilespmem:s19], [sflag:$0x5], $0x2800, $0x38;
	[tilespmem:$0x13900] =	vst v63  }
0x184: {  	_ =	swait.ge [sflag:s7], $0x2800  }
0x185: {  	s20 =	sadd.s32 $0x1, s20;
	s30 =	rddreg [dreg:$0x17]  }
0x186: {  	p2 =	sne.s32 s20, s30  }
.Ltmp4:
0x187: {  	_ = 	snop;
	(pc) =	sbr.rel @p2 .LBB2_1-.Ltmp4, $3  }
0x188: {  	_ =	sdelay $0x1  }
0x189: {  	[sflag:s7] =	ssyncset.done $0x0  }
0x18a: {  	[sflag:s7] =	ssyncadd.s32 $0xFFFFD800  }
0x18b: {  	_ =	sfence.sel $0x180000  }
0x18c: {  	[bflag:$0x0] =	sbarrier.arrive $0xFFFF  }
0x18d: {  	_ =	strace $0x90000047  }
0x18e: {  	s0 =	stileid.u32;
	[bflag:$0x2] =	sbarrier.arrive $0xFFFF  }
0x18f: {  	p0 =	sne.s32 s0, $0x0;
	s0 =	rddreg [dreg:$0x3]  }
0x190: {  	s0 =	sadd.s32 @!p0 $0x100000, s0  }
0x191: {  	[sflag:s0] =	ssyncadd.tile.s32 @!p0 $0x1;
	_ =	shalt  }
.Lfunc_end2:
_tile_overlayer_lowered:
.L_overlay_start_2:
0x192: {  	(tag) =	ssettag $0x2  }
0x193: {  	s0 =	rddreg [dreg:$0x0];
	s2 =	stileid.u32  }
0x194: {  	s1 =	rddreg [dreg:$0x1];
	p0 =	sne.s32 s2, $0x0  }
0x195: {  	s3 =	rddreg [dreg:$0x2];
	[bflag:$0x3] =	sbarrier.arrive $0xFFFF;
	s2 =	simm.s32 @!p0 $0x1C05  }
0x196: {  	[timem:s3], [sflag:s2] =	dma.local @!p0 [hbm:s0], s1  }
0x197: {  	s0 =	simm.s32 @!p0 $0x5  }
0x198: {  	_ =	swait.ge @!p0 [sflag:s0], s1  }
0x199: {  	s1 =	ssub.s32 @!p0 $0x0, s1;
	[sflag:s0] =	ssyncset.done @!p0 $0x0  }
0x19a: {  	[sflag:s0] =	ssyncadd.s32 @!p0 s1  }
0x19b: {  	[bflag:$0x3] =	sbarrier.arrive $0xFFFF  }
0x19c: {  	_ =	shalt  }

</sc_bundles>
